<compile_context>
chip_gen: v7x
topology: tpu7x:2x2x1
jax: 0.10.2.dev20260603
libtpu: 0.0.44.dev20260713+nightly
codegen_flags: <defaults>
</compile_context>

<pallas_src>
import functools

import jax
import jax.numpy as jnp
from jax import lax
from jax.experimental import pallas as pl
from jax.experimental.pallas import tpu as pltpu
from jax.experimental.pallas import tpu_sc as plsc

_PADDING_IDX = 1
_NC = 2
_NS = 16
_NW = _NC * _NS
_LANES = 16
_NBUF = 7


def _bcast(x, n=_LANES):
    return lax.broadcast_in_dim(jnp.int32(x), (n,), ())


@functools.cache
def _build(seq_len: int, bsz: int, vocab: int, dim: int):
    B = seq_len * bsz
    ppw = seq_len // _NW
    rpw = B // _NW
    pc = _LANES // bsz
    n_chunks = ppw // pc
    cr = pc * bsz
    assert ppw * _NW == seq_len and n_chunks * pc == ppw
    assert pc * bsz == _LANES and n_chunks >= _NBUF
    mesh = plsc.VectorSubcoreMesh(core_axis_name="c", subcore_axis_name="s",
                                  num_cores=_NC, num_subcores=_NS)

    @functools.partial(
        pl.kernel,
        out_type=jax.ShapeDtypeStruct((seq_len, bsz, dim), jnp.float32),
        mesh=mesh,
        compiler_params=pltpu.CompilerParams(needs_layout_passes=False),
        scratch_types=[
            pltpu.VMEM((rpw,), jnp.int32),
            pltpu.VMEM((_NBUF, pc, bsz, dim), jnp.float32),
            pltpu.SemaphoreType.DMA,
            pltpu.SemaphoreType.DMA,
        ],
    )
    def k(tok_hbm, w_hbm, out_hbm, tok_v, wbuf, gsem, wsem):
        wid = lax.axis_index("s") * _NC + lax.axis_index("c")
        p0 = wid * ppw
        r0 = p0 * bsz
        iota = lax.iota(jnp.int32, _LANES)

        pltpu.sync_copy(tok_hbm.at[pl.ds(r0, rpw)], tok_v)

        def gather(c, slot):
            t = tok_v[pl.ds(c * cr, cr)]
            g = _bcast(r0 + c * cr) + iota
            gpos = (g >> bsz.bit_length() - 1 if bsz & (bsz - 1) == 0
                    else g // bsz) + (_PADDING_IDX + 1)
            idx = jnp.where(t != _PADDING_IDX, gpos, t)
            return pltpu.async_copy(
                w_hbm.at[idx], wbuf.at[slot].reshape(cr, dim), gsem)

        cp_g = [None] * _NBUF
        cp_w = [None] * _NBUF
        _LOOK = _NBUF - 1
        for c in range(_LOOK):
            cp_g[c] = gather(c, c)
        for c in range(n_chunks):
            slot = c % _NBUF
            cp_g[slot].wait()
            cp_w[slot] = pltpu.async_copy(
                wbuf.at[slot], out_hbm.at[pl.ds(p0 + c * pc, pc)], wsem)
            if c + _LOOK < n_chunks:
                s2 = (c + _LOOK) % _NBUF
                if cp_w[s2] is not None:
                    cp_w[s2].wait()
                cp_g[s2] = gather(c + _LOOK, s2)
        for cp in cp_w:
            if cp is not None:
                cp.wait()

    return k


def kernel(input, weights):
    seq_len, bsz = input.shape
    vocab, dim = weights.shape
    k = _build(seq_len, bsz, vocab, dim)
    return k(input.reshape(-1), weights)

# --- scband reference (transcript-rebuilt; emitter-appended) ---
"""Pipeline reference for scband-sinusoidal-positional-embedding-78202764525912 (READ-ONLY COPY).

The authoritative reference and input builder live on the scoring server;
editing this copy changes nothing except your own understanding.
"""

import jax, jax.numpy as jnp
import numpy as np
import math

EMBEDDING_DIM = 1024
PADDING_IDX = 1
LEFT_PAD = False
INIT_SIZE = 8192
SEQ_LEN = 4096
BSZ = 4


def get_embedding(num_embeddings, embedding_dim, padding_idx=None):
    half_dim = embedding_dim // 2
    emb = math.log(10000) / (half_dim - 1)
    emb = jnp.exp(jnp.arange(half_dim, dtype=jnp.float32) * -emb)
    emb = jnp.arange(num_embeddings, dtype=jnp.float32)[:, None] * emb[None, :]
    emb = jnp.concatenate([jnp.sin(emb), jnp.cos(emb)], axis=1).reshape(num_embeddings, -1)
    if embedding_dim % 2 == 1:
        emb = jnp.concatenate([emb, jnp.zeros((num_embeddings, 1), dtype=jnp.float32)], axis=1)
    if padding_idx is not None:
        emb = emb.at[padding_idx, :].set(0.0)
    return emb


def setup_inputs(seed: int = 0) -> dict:
    key = jax.random.key(seed)
    tokens = jax.random.randint(key, (SEQ_LEN, BSZ), 0, 1000, dtype=jnp.int32)
    weights = get_embedding(INIT_SIZE, EMBEDDING_DIM, PADDING_IDX)
    return {"input": tokens, "weights": weights}


def reference(input, weights):
    # make_positions (left_pad=False): positions count from padding_idx+1;
    # non-padding symbols get their position, padding symbols keep padding_idx.
    seq_len, bsz = input.shape
    positions = jnp.arange(PADDING_IDX + 1, PADDING_IDX + 1 + seq_len, dtype=input.dtype)[:, None]
    positions = jnp.broadcast_to(positions, (seq_len, bsz))
    mask = input != PADDING_IDX
    pos = jnp.where(mask, positions, input)
    # gather rows from the sinusoidal table
    out = jnp.take(weights, pos.reshape(-1), axis=0).reshape(seq_len, bsz, -1)
    return out

if __name__ == "__main__":
    import jax
    _d = setup_inputs()
    print(jax.jit(kernel)(*tuple(_d.values())))

</pallas_src>

<mosaic_0001>
#map = affine_map<(d0, d1) -> (0)>
#map1 = affine_map<(d0, d1) -> (0, 0)>
#map2 = affine_map<(d0, d1) -> (0, 0, 0)>
module attributes {stable_mosaic.version = 14 : i64} {
  func.func @k(%arg0: i32, %arg1: i32, %arg2: memref<16384xi32, #tpu.memory_space<hbm>>, %arg3: memref<8192x1024xf32, #tpu.memory_space<hbm>>, %arg4: memref<4096x4x1024xf32, #tpu.memory_space<hbm>>, %arg5: memref<512xi32, #tpu.memory_space<vmem>>, %arg6: memref<7x4x4x1024xf32, #tpu.memory_space<vmem>>, %arg7: memref<!tpu.dma_semaphore, #tpu.memory_space<semaphore_mem>>, %arg8: memref<!tpu.dma_semaphore, #tpu.memory_space<semaphore_mem>>) attributes {dimension_semantics = [#tpu.dimension_semantics<core_parallel>, #tpu.dimension_semantics<subcore_parallel>], iteration_bounds = array<i64: 2, 16>, scalar_prefetch = 0 : i64, scratch_operands = 4 : i64, tpu.core_type = #tpu.core_type<sc_vector_subcore>, window_params = [{transform_indices = #map}, {transform_indices = #map1}, {transform_indices = #map2}]} {
    %mul3A = arith.constant 2 : i32
    %mul3A_0 = arith.muli %arg1, %mul3A : i32
    %add3A = arith.addi %mul3A_0, %arg0 : i32
    %mul3A_1 = arith.constant 128 : i32
    %mul3A_2 = arith.muli %add3A, %mul3A_1 : i32
    %mul3A_3 = arith.constant 4 : i32
    %mul3A_4 = arith.muli %mul3A_2, %mul3A_3 : i32
    %iota3A = tpu.iota {dimensions = array<i32: 0>} : vector<16xi32>
    "tpu.region"() ({
      %run_scoped3A = tpu.sem_alloc : memref<!tpu.dma_semaphore, #tpu.memory_space<semaphore_mem>>
      %dma_start3A_2302 = tpu.memref_slice %arg2[%mul3A_4] : memref<16384xi32, #tpu.memory_space<hbm>> -> memref<512xi32, #tpu.memory_space<hbm>>
      %dma_start3A_2303 = tpu.memref_slice %arg2[%mul3A_4] : memref<16384xi32, #tpu.memory_space<hbm>> -> memref<512xi32, #tpu.memory_space<hbm>>
      tpu.enqueue_dma source(%dma_start3A_2303 : memref<512xi32, #tpu.memory_space<hbm>>) target(%arg5 : memref<512xi32, #tpu.memory_space<vmem>>) target_semaphore(%run_scoped3A : memref<!tpu.dma_semaphore, #tpu.memory_space<semaphore_mem>>)
      %dma_wait3A_2304 = tpu.memref_slice %arg2[%mul3A_4] : memref<16384xi32, #tpu.memory_space<hbm>> -> memref<512xi32, #tpu.memory_space<hbm>>
      %dma_wait3A_2305 = tpu.memref_slice %arg2[%mul3A_4] : memref<16384xi32, #tpu.memory_space<hbm>> -> memref<512xi32, #tpu.memory_space<hbm>>
      tpu.wait_dma2 semaphore(%run_scoped3A : memref<!tpu.dma_semaphore, #tpu.memory_space<semaphore_mem>>) src(%dma_wait3A_2305 : memref<512xi32, #tpu.memory_space<hbm>>) dst(%arg5 : memref<512xi32, #tpu.memory_space<vmem>>)
      tpu.yield
    }) : () -> ()
    %get3A = arith.constant 0 : index
    %get3A_5 = tpu.vector_load %arg5[%get3A] {strides = array<i32>} : memref<512xi32, #tpu.memory_space<vmem>>, vector<16xi32>,
    %add3A_6 = arith.constant 0 : i32
    %add3A_7 = arith.addi %mul3A_4, %add3A_6 : i32
    %broadcast_in_dim3A = vector.broadcast %add3A_7 : i32 to vector<16xi32>
    %add3A_8 = arith.addi %broadcast_in_dim3A, %iota3A : vector<16xi32>
    %shift_right_arithmetic3A = arith.constant 2 : i32
    %shift_right_arithmetic3A_9 = vector.broadcast %shift_right_arithmetic3A : i32 to vector<16xi32>
    %shift_right_arithmetic3A_10 = arith.shrsi %add3A_8, %shift_right_arithmetic3A_9 : vector<16xi32>
    %add3A_11 = arith.constant 2 : i32
    %add3A_12 = vector.broadcast %add3A_11 : i32 to vector<16xi32>
    %add3A_13 = arith.addi %shift_right_arithmetic3A_10, %add3A_12 : vector<16xi32>
    %ne3A = arith.constant 1 : i32
    %ne3A_14 = vector.broadcast %ne3A : i32 to vector<16xi32>
    %ne3A_15 = arith.cmpi ne, %get3A_5, %ne3A_14 : vector<16xi32>
    %select_n3A = arith.select %ne3A_15, %add3A_13, %get3A_5 : vector<16xi1>, vector<16xi32>
    %dma_start3A = arith.constant 0 : i32
    %dma_start3A_16 = arith.constant 0 : i32
    %dma_start3A_17 = arith.constant 0 : i32
    %dma_start3A_18 = arith.constant 0 : i32
    %dma_start3A_19 = tpu.memref_slice %arg6[%dma_start3A, %dma_start3A_16, %dma_start3A_17, %dma_start3A_18] : memref<7x4x4x1024xf32, #tpu.memory_space<vmem>> -> memref<1x4x4x1024xf32, #tpu.memory_space<vmem>>
    %dma_start3A_20 = tpu.memref_squeeze %dma_start3A_19 : memref<1x4x4x1024xf32, #tpu.memory_space<vmem>> -> memref<4x4x1024xf32, #tpu.memory_space<vmem>>
    %dma_start3A_21 = tpu.memref_reshape %dma_start3A_20 : memref<4x4x1024xf32, #tpu.memory_space<vmem>> -> memref<16x1024xf32, #tpu.memory_space<vmem>>
    %dma_start3A_22 = arith.constant 0 : i32
    %dma_start3A_23 = arith.constant 0 : i32
    %dma_start3A_24 = tpu.memref_slice %arg3[%dma_start3A_22, %dma_start3A_23] : memref<8192x1024xf32, #tpu.memory_space<hbm>> -> memref<8192x1024xf32, #tpu.memory_space<hbm>>
    tpu.enqueue_indirect_dma source(%dma_start3A_24 : memref<8192x1024xf32, #tpu.memory_space<hbm>>) target(%dma_start3A_21 : memref<16x1024xf32, #tpu.memory_space<vmem>>) offsets(%select_n3A : vector<16xi32>) semaphore(%arg7 : memref<!tpu.dma_semaphore, #tpu.memory_space<semaphore_mem>>)
    %get3A_25 = arith.constant 16 : index
    %get3A_26 = tpu.vector_load %arg5[%get3A_25] {strides = array<i32>} : memref<512xi32, #tpu.memory_space<vmem>>, vector<16xi32>,
    %add3A_27 = arith.constant 16 : i32
    %add3A_28 = arith.addi %mul3A_4, %add3A_27 : i32
    %broadcast_in_dim3A_29 = vector.broadcast %add3A_28 : i32 to vector<16xi32>
    %add3A_30 = arith.addi %broadcast_in_dim3A_29, %iota3A : vector<16xi32>
    %shift_right_arithmetic3A_31 = arith.constant 2 : i32
    %shift_right_arithmetic3A_32 = vector.broadcast %shift_right_arithmetic3A_31 : i32 to vector<16xi32>
    %shift_right_arithmetic3A_33 = arith.shrsi %add3A_30, %shift_right_arithmetic3A_32 : vector<16xi32>
    %add3A_34 = arith.constant 2 : i32
    %add3A_35 = vector.broadcast %add3A_34 : i32 to vector<16xi32>
    %add3A_36 = arith.addi %shift_right_arithmetic3A_33, %add3A_35 : vector<16xi32>
    %ne3A_37 = arith.constant 1 : i32
    %ne3A_38 = vector.broadcast %ne3A_37 : i32 to vector<16xi32>
    %ne3A_39 = arith.cmpi ne, %get3A_26, %ne3A_38 : vector<16xi32>
    %select_n3A_40 = arith.select %ne3A_39, %add3A_36, %get3A_26 : vector<16xi1>, vector<16xi32>
    %dma_start3A_41 = arith.constant 1 : i32
    %dma_start3A_42 = arith.constant 0 : i32
    %dma_start3A_43 = arith.constant 0 : i32
    %dma_start3A_44 = arith.constant 0 : i32
    %dma_start3A_45 = tpu.memref_slice %arg6[%dma_start3A_41, %dma_start3A_42, %dma_start3A_43, %dma_start3A_44] : memref<7x4x4x1024xf32, #tpu.memory_space<vmem>> -> memref<1x4x4x1024xf32, #tpu.memory_space<vmem>>
    %dma_start3A_46 = tpu.memref_squeeze %dma_start3A_45 : memref<1x4x4x1024xf32, #tpu.memory_space<vmem>> -> memref<4x4x1024xf32, #tpu.memory_space<vmem>>
    %dma_start3A_47 = tpu.memref_reshape %dma_start3A_46 : memref<4x4x1024xf32, #tpu.memory_space<vmem>> -> memref<16x1024xf32, #tpu.memory_space<vmem>>
    %dma_start3A_48 = arith.constant 0 : i32
    %dma_start3A_49 = arith.constant 0 : i32
    %dma_start3A_50 = tpu.memref_slice %arg3[%dma_start3A_48, %dma_start3A_49] : memref<8192x1024xf32, #tpu.memory_space<hbm>> -> memref<8192x1024xf32, #tpu.memory_space<hbm>>
    tpu.enqueue_indirect_dma source(%dma_start3A_50 : memref<8192x1024xf32, #tpu.memory_space<hbm>>) target(%dma_start3A_47 : memref<16x1024xf32, #tpu.memory_space<vmem>>) offsets(%select_n3A_40 : vector<16xi32>) semaphore(%arg7 : memref<!tpu.dma_semaphore, #tpu.memory_space<semaphore_mem>>)
    %get3A_51 = arith.constant 32 : index
    %get3A_52 = tpu.vector_load %arg5[%get3A_51] {strides = array<i32>} : memref<512xi32, #tpu.memory_space<vmem>>, vector<16xi32>,
    %add3A_53 = arith.constant 32 : i32
    %add3A_54 = arith.addi %mul3A_4, %add3A_53 : i32
    %broadcast_in_dim3A_55 = vector.broadcast %add3A_54 : i32 to vector<16xi32>
    %add3A_56 = arith.addi %broadcast_in_dim3A_55, %iota3A : vector<16xi32>
    %shift_right_arithmetic3A_57 = arith.constant 2 : i32
    %shift_right_arithmetic3A_58 = vector.broadcast %shift_right_arithmetic3A_57 : i32 to vector<16xi32>
    %shift_right_arithmetic3A_59 = arith.shrsi %add3A_56, %shift_right_arithmetic3A_58 : vector<16xi32>
    %add3A_60 = arith.constant 2 : i32
    %add3A_61 = vector.broadcast %add3A_60 : i32 to vector<16xi32>
    %add3A_62 = arith.addi %shift_right_arithmetic3A_59, %add3A_61 : vector<16xi32>
    %ne3A_63 = arith.constant 1 : i32
    %ne3A_64 = vector.broadcast %ne3A_63 : i32 to vector<16xi32>
    %ne3A_65 = arith.cmpi ne, %get3A_52, %ne3A_64 : vector<16xi32>
    %select_n3A_66 = arith.select %ne3A_65, %add3A_62, %get3A_52 : vector<16xi1>, vector<16xi32>
    %dma_start3A_67 = arith.constant 2 : i32
    %dma_start3A_68 = arith.constant 0 : i32
    %dma_start3A_69 = arith.constant 0 : i32
    %dma_start3A_70 = arith.constant 0 : i32
    %dma_start3A_71 = tpu.memref_slice %arg6[%dma_start3A_67, %dma_start3A_68, %dma_start3A_69, %dma_start3A_70] : memref<7x4x4x1024xf32, #tpu.memory_space<vmem>> -> memref<1x4x4x1024xf32, #tpu.memory_space<vmem>>
    %dma_start3A_72 = tpu.memref_squeeze %dma_start3A_71 : memref<1x4x4x1024xf32, #tpu.memory_space<vmem>> -> memref<4x4x1024xf32, #tpu.memory_space<vmem>>
    %dma_start3A_73 = tpu.memref_reshape %dma_start3A_72 : memref<4x4x1024xf32, #tpu.memory_space<vmem>> -> memref<16x1024xf32, #tpu.memory_space<vmem>>
    %dma_start3A_74 = arith.constant 0 : i32
    %dma_start3A_75 = arith.constant 0 : i32
    %dma_start3A_76 = tpu.memref_slice %arg3[%dma_start3A_74, %dma_start3A_75] : memref<8192x1024xf32, #tpu.memory_space<hbm>> -> memref<8192x1024xf32, #tpu.memory_space<hbm>>
    tpu.enqueue_indirect_dma source(%dma_start3A_76 : memref<8192x1024xf32, #tpu.memory_space<hbm>>) target(%dma_start3A_73 : memref<16x1024xf32, #tpu.memory_space<vmem>>) offsets(%select_n3A_66 : vector<16xi32>) semaphore(%arg7 : memref<!tpu.dma_semaphore, #tpu.memory_space<semaphore_mem>>)
    %get3A_77 = arith.constant 48 : index
    %get3A_78 = tpu.vector_load %arg5[%get3A_77] {strides = array<i32>} : memref<512xi32, #tpu.memory_space<vmem>>, vector<16xi32>,
    %add3A_79 = arith.constant 48 : i32
    %add3A_80 = arith.addi %mul3A_4, %add3A_79 : i32
    %broadcast_in_dim3A_81 = vector.broadcast %add3A_80 : i32 to vector<16xi32>
    %add3A_82 = arith.addi %broadcast_in_dim3A_81, %iota3A : vector<16xi32>
    %shift_right_arithmetic3A_83 = arith.constant 2 : i32
    %shift_right_arithmetic3A_84 = vector.broadcast %shift_right_arithmetic3A_83 : i32 to vector<16xi32>
    %shift_right_arithmetic3A_85 = arith.shrsi %add3A_82, %shift_right_arithmetic3A_84 : vector<16xi32>
    %add3A_86 = arith.constant 2 : i32
    %add3A_87 = vector.broadcast %add3A_86 : i32 to vector<16xi32>
    %add3A_88 = arith.addi %shift_right_arithmetic3A_85, %add3A_87 : vector<16xi32>
    %ne3A_89 = arith.constant 1 : i32
    %ne3A_90 = vector.broadcast %ne3A_89 : i32 to vector<16xi32>
    %ne3A_91 = arith.cmpi ne, %get3A_78, %ne3A_90 : vector<16xi32>
    %select_n3A_92 = arith.select %ne3A_91, %add3A_88, %get3A_78 : vector<16xi1>, vector<16xi32>
    %dma_start3A_93 = arith.constant 3 : i32
    %dma_start3A_94 = arith.constant 0 : i32
    %dma_start3A_95 = arith.constant 0 : i32
    %dma_start3A_96 = arith.constant 0 : i32
    %dma_start3A_97 = tpu.memref_slice %arg6[%dma_start3A_93, %dma_start3A_94, %dma_start3A_95, %dma_start3A_96] : memref<7x4x4x1024xf32, #tpu.memory_space<vmem>> -> memref<1x4x4x1024xf32, #tpu.memory_space<vmem>>
    %dma_start3A_98 = tpu.memref_squeeze %dma_start3A_97 : memref<1x4x4x1024xf32, #tpu.memory_space<vmem>> -> memref<4x4x1024xf32, #tpu.memory_space<vmem>>
    %dma_start3A_99 = tpu.memref_reshape %dma_start3A_98 : memref<4x4x1024xf32, #tpu.memory_space<vmem>> -> memref<16x1024xf32, #tpu.memory_space<vmem>>
    %dma_start3A_100 = arith.constant 0 : i32
    %dma_start3A_101 = arith.constant 0 : i32
    %dma_start3A_102 = tpu.memref_slice %arg3[%dma_start3A_100, %dma_start3A_101] : memref<8192x1024xf32, #tpu.memory_space<hbm>> -> memref<8192x1024xf32, #tpu.memory_space<hbm>>
    tpu.enqueue_indirect_dma source(%dma_start3A_102 : memref<8192x1024xf32, #tpu.memory_space<hbm>>) target(%dma_start3A_99 : memref<16x1024xf32, #tpu.memory_space<vmem>>) offsets(%select_n3A_92 : vector<16xi32>) semaphore(%arg7 : memref<!tpu.dma_semaphore, #tpu.memory_space<semaphore_mem>>)
    %get3A_103 = arith.constant 64 : index
    %get3A_104 = tpu.vector_load %arg5[%get3A_103] {strides = array<i32>} : memref<512xi32, #tpu.memory_space<vmem>>, vector<16xi32>,
    %add3A_105 = arith.constant 64 : i32
    %add3A_106 = arith.addi %mul3A_4, %add3A_105 : i32
    %broadcast_in_dim3A_107 = vector.broadcast %add3A_106 : i32 to vector<16xi32>
    %add3A_108 = arith.addi %broadcast_in_dim3A_107, %iota3A : vector<16xi32>
    %shift_right_arithmetic3A_109 = arith.constant 2 : i32
    %shift_right_arithmetic3A_110 = vector.broadcast %shift_right_arithmetic3A_109 : i32 to vector<16xi32>
    %shift_right_arithmetic3A_111 = arith.shrsi %add3A_108, %shift_right_arithmetic3A_110 : vector<16xi32>
    %add3A_112 = arith.constant 2 : i32
    %add3A_113 = vector.broadcast %add3A_112 : i32 to vector<16xi32>
    %add3A_114 = arith.addi %shift_right_arithmetic3A_111, %add3A_113 : vector<16xi32>
    %ne3A_115 = arith.constant 1 : i32
    %ne3A_116 = vector.broadcast %ne3A_115 : i32 to vector<16xi32>
    %ne3A_117 = arith.cmpi ne, %get3A_104, %ne3A_116 : vector<16xi32>
    %select_n3A_118 = arith.select %ne3A_117, %add3A_114, %get3A_104 : vector<16xi1>, vector<16xi32>
    %dma_start3A_119 = arith.constant 4 : i32
    %dma_start3A_120 = arith.constant 0 : i32
    %dma_start3A_121 = arith.constant 0 : i32
    %dma_start3A_122 = arith.constant 0 : i32
    %dma_start3A_123 = tpu.memref_slice %arg6[%dma_start3A_119, %dma_start3A_120, %dma_start3A_121, %dma_start3A_122] : memref<7x4x4x1024xf32, #tpu.memory_space<vmem>> -> memref<1x4x4x1024xf32, #tpu.memory_space<vmem>>
    %dma_start3A_124 = tpu.memref_squeeze %dma_start3A_123 : memref<1x4x4x1024xf32, #tpu.memory_space<vmem>> -> memref<4x4x1024xf32, #tpu.memory_space<vmem>>
    %dma_start3A_125 = tpu.memref_reshape %dma_start3A_124 : memref<4x4x1024xf32, #tpu.memory_space<vmem>> -> memref<16x1024xf32, #tpu.memory_space<vmem>>
    %dma_start3A_126 = arith.constant 0 : i32
    %dma_start3A_127 = arith.constant 0 : i32
    %dma_start3A_128 = tpu.memref_slice %arg3[%dma_start3A_126, %dma_start3A_127] : memref<8192x1024xf32, #tpu.memory_space<hbm>> -> memref<8192x1024xf32, #tpu.memory_space<hbm>>
    tpu.enqueue_indirect_dma source(%dma_start3A_128 : memref<8192x1024xf32, #tpu.memory_space<hbm>>) target(%dma_start3A_125 : memref<16x1024xf32, #tpu.memory_space<vmem>>) offsets(%select_n3A_118 : vector<16xi32>) semaphore(%arg7 : memref<!tpu.dma_semaphore, #tpu.memory_space<semaphore_mem>>)
    %get3A_129 = arith.constant 80 : index
    %get3A_130 = tpu.vector_load %arg5[%get3A_129] {strides = array<i32>} : memref<512xi32, #tpu.memory_space<vmem>>, vector<16xi32>,
    %add3A_131 = arith.constant 80 : i32
    %add3A_132 = arith.addi %mul3A_4, %add3A_131 : i32
    %broadcast_in_dim3A_133 = vector.broadcast %add3A_132 : i32 to vector<16xi32>
    %add3A_134 = arith.addi %broadcast_in_dim3A_133, %iota3A : vector<16xi32>
    %shift_right_arithmetic3A_135 = arith.constant 2 : i32
    %shift_right_arithmetic3A_136 = vector.broadcast %shift_right_arithmetic3A_135 : i32 to vector<16xi32>
    %shift_right_arithmetic3A_137 = arith.shrsi %add3A_134, %shift_right_arithmetic3A_136 : vector<16xi32>
    %add3A_138 = arith.constant 2 : i32
    %add3A_139 = vector.broadcast %add3A_138 : i32 to vector<16xi32>
    %add3A_140 = arith.addi %shift_right_arithmetic3A_137, %add3A_139 : vector<16xi32>
    %ne3A_141 = arith.constant 1 : i32
    %ne3A_142 = vector.broadcast %ne3A_141 : i32 to vector<16xi32>
    %ne3A_143 = arith.cmpi ne, %get3A_130, %ne3A_142 : vector<16xi32>
    %select_n3A_144 = arith.select %ne3A_143, %add3A_140, %get3A_130 : vector<16xi1>, vector<16xi32>
    %dma_start3A_145 = arith.constant 5 : i32
    %dma_start3A_146 = arith.constant 0 : i32
    %dma_start3A_147 = arith.constant 0 : i32
    %dma_start3A_148 = arith.constant 0 : i32
    %dma_start3A_149 = tpu.memref_slice %arg6[%dma_start3A_145, %dma_start3A_146, %dma_start3A_147, %dma_start3A_148] : memref<7x4x4x1024xf32, #tpu.memory_space<vmem>> -> memref<1x4x4x1024xf32, #tpu.memory_space<vmem>>
    %dma_start3A_150 = tpu.memref_squeeze %dma_start3A_149 : memref<1x4x4x1024xf32, #tpu.memory_space<vmem>> -> memref<4x4x1024xf32, #tpu.memory_space<vmem>>
    %dma_start3A_151 = tpu.memref_reshape %dma_start3A_150 : memref<4x4x1024xf32, #tpu.memory_space<vmem>> -> memref<16x1024xf32, #tpu.memory_space<vmem>>
    %dma_start3A_152 = arith.constant 0 : i32
    %dma_start3A_153 = arith.constant 0 : i32
    %dma_start3A_154 = tpu.memref_slice %arg3[%dma_start3A_152, %dma_start3A_153] : memref<8192x1024xf32, #tpu.memory_space<hbm>> -> memref<8192x1024xf32, #tpu.memory_space<hbm>>
    tpu.enqueue_indirect_dma source(%dma_start3A_154 : memref<8192x1024xf32, #tpu.memory_space<hbm>>) target(%dma_start3A_151 : memref<16x1024xf32, #tpu.memory_space<vmem>>) offsets(%select_n3A_144 : vector<16xi32>) semaphore(%arg7 : memref<!tpu.dma_semaphore, #tpu.memory_space<semaphore_mem>>)
    %dma_wait3A = arith.constant 0 : i32
    %dma_wait3A_155 = arith.constant 0 : i32
    %dma_wait3A_156 = arith.constant 0 : i32
    %dma_wait3A_157 = arith.constant 0 : i32
    %dma_wait3A_158 = tpu.memref_slice %arg6[%dma_wait3A, %dma_wait3A_155, %dma_wait3A_156, %dma_wait3A_157] : memref<7x4x4x1024xf32, #tpu.memory_space<vmem>> -> memref<1x4x4x1024xf32, #tpu.memory_space<vmem>>
    %dma_wait3A_159 = tpu.memref_squeeze %dma_wait3A_158 : memref<1x4x4x1024xf32, #tpu.memory_space<vmem>> -> memref<4x4x1024xf32, #tpu.memory_space<vmem>>
    %dma_wait3A_160 = tpu.memref_reshape %dma_wait3A_159 : memref<4x4x1024xf32, #tpu.memory_space<vmem>> -> memref<16x1024xf32, #tpu.memory_space<vmem>>
    %dma_wait3A_161 = arith.constant 0 : i32
    %dma_wait3A_162 = arith.constant 0 : i32
    %dma_wait3A_163 = tpu.memref_slice %arg3[%dma_wait3A_161, %dma_wait3A_162] : memref<8192x1024xf32, #tpu.memory_space<hbm>> -> memref<8192x1024xf32, #tpu.memory_space<hbm>>
    tpu.wait_indirect_dma semaphore(%arg7 : memref<!tpu.dma_semaphore, #tpu.memory_space<semaphore_mem>>) src(%dma_wait3A_163 : memref<8192x1024xf32, #tpu.memory_space<hbm>>) dst(%dma_wait3A_160 : memref<16x1024xf32, #tpu.memory_space<vmem>>)
    %add3A_164 = arith.constant 0 : i32
    %add3A_165 = arith.addi %mul3A_2, %add3A_164 : i32
    %dma_start3A_166 = arith.constant 0 : i32
    %dma_start3A_167 = arith.constant 0 : i32
    %dma_start3A_168 = arith.constant 0 : i32
    %dma_start3A_169 = arith.constant 0 : i32
    %dma_start3A_170 = tpu.memref_slice %arg6[%dma_start3A_166, %dma_start3A_167, %dma_start3A_168, %dma_start3A_169] : memref<7x4x4x1024xf32, #tpu.memory_space<vmem>> -> memref<1x4x4x1024xf32, #tpu.memory_space<vmem>>
    %dma_start3A_171 = tpu.memref_squeeze %dma_start3A_170 : memref<1x4x4x1024xf32, #tpu.memory_space<vmem>> -> memref<4x4x1024xf32, #tpu.memory_space<vmem>>
    %dma_start3A_172 = arith.constant 0 : i32
    %dma_start3A_173 = arith.constant 0 : i32
    %dma_start3A_174 = tpu.memref_slice %arg4[%add3A_165, %dma_start3A_172, %dma_start3A_173] : memref<4096x4x1024xf32, #tpu.memory_space<hbm>> -> memref<4x4x1024xf32, #tpu.memory_space<hbm>>
    %dma_start3A_175 = arith.constant 0 : i32
    %dma_start3A_176 = arith.constant 0 : i32
    %dma_start3A_177 = tpu.memref_slice %arg4[%add3A_165, %dma_start3A_175, %dma_start3A_176] : memref<4096x4x1024xf32, #tpu.memory_space<hbm>> -> memref<4x4x1024xf32, #tpu.memory_space<hbm>>
    %dma_start3A_178 = arith.constant 0 : i32
    %dma_start3A_179 = arith.constant 0 : i32
    %dma_start3A_180 = arith.constant 0 : i32
    %dma_start3A_181 = tpu.memref_slice %arg6[%dma_start3A_166, %dma_start3A_178, %dma_start3A_179, %dma_start3A_180] : memref<7x4x4x1024xf32, #tpu.memory_space<vmem>> -> memref<1x4x4x1024xf32, #tpu.memory_space<vmem>>
    %dma_start3A_182 = tpu.memref_squeeze %dma_start3A_181 : memref<1x4x4x1024xf32, #tpu.memory_space<vmem>> -> memref<4x4x1024xf32, #tpu.memory_space<vmem>>
    tpu.enqueue_dma source(%dma_start3A_182 : memref<4x4x1024xf32, #tpu.memory_space<vmem>>) target(%dma_start3A_177 : memref<4x4x1024xf32, #tpu.memory_space<hbm>>) target_semaphore(%arg8 : memref<!tpu.dma_semaphore, #tpu.memory_space<semaphore_mem>>)
    %get3A_183 = arith.constant 96 : index
    %get3A_184 = tpu.vector_load %arg5[%get3A_183] {strides = array<i32>} : memref<512xi32, #tpu.memory_space<vmem>>, vector<16xi32>,
    %add3A_185 = arith.constant 96 : i32
    %add3A_186 = arith.addi %mul3A_4, %add3A_185 : i32
    %broadcast_in_dim3A_187 = vector.broadcast %add3A_186 : i32 to vector<16xi32>
    %add3A_188 = arith.addi %broadcast_in_dim3A_187, %iota3A : vector<16xi32>
    %shift_right_arithmetic3A_189 = arith.constant 2 : i32
    %shift_right_arithmetic3A_190 = vector.broadcast %shift_right_arithmetic3A_189 : i32 to vector<16xi32>
    %shift_right_arithmetic3A_191 = arith.shrsi %add3A_188, %shift_right_arithmetic3A_190 : vector<16xi32>
    %add3A_192 = arith.constant 2 : i32
    %add3A_193 = vector.broadcast %add3A_192 : i32 to vector<16xi32>
    %add3A_194 = arith.addi %shift_right_arithmetic3A_191, %add3A_193 : vector<16xi32>
    %ne3A_195 = arith.constant 1 : i32
    %ne3A_196 = vector.broadcast %ne3A_195 : i32 to vector<16xi32>
    %ne3A_197 = arith.cmpi ne, %get3A_184, %ne3A_196 : vector<16xi32>
    %select_n3A_198 = arith.select %ne3A_197, %add3A_194, %get3A_184 : vector<16xi1>, vector<16xi32>
    %dma_start3A_199 = arith.constant 6 : i32
    %dma_start3A_200 = arith.constant 0 : i32
    %dma_start3A_201 = arith.constant 0 : i32
    %dma_start3A_202 = arith.constant 0 : i32
    %dma_start3A_203 = tpu.memref_slice %arg6[%dma_start3A_199, %dma_start3A_200, %dma_start3A_201, %dma_start3A_202] : memref<7x4x4x1024xf32, #tpu.memory_space<vmem>> -> memref<1x4x4x1024xf32, #tpu.memory_space<vmem>>
    %dma_start3A_204 = tpu.memref_squeeze %dma_start3A_203 : memref<1x4x4x1024xf32, #tpu.memory_space<vmem>> -> memref<4x4x1024xf32, #tpu.memory_space<vmem>>
    %dma_start3A_205 = tpu.memref_reshape %dma_start3A_204 : memref<4x4x1024xf32, #tpu.memory_space<vmem>> -> memref<16x1024xf32, #tpu.memory_space<vmem>>
    %dma_start3A_206 = arith.constant 0 : i32
    %dma_start3A_207 = arith.constant 0 : i32
    %dma_start3A_208 = tpu.memref_slice %arg3[%dma_start3A_206, %dma_start3A_207] : memref<8192x1024xf32, #tpu.memory_space<hbm>> -> memref<8192x1024xf32, #tpu.memory_space<hbm>>
    tpu.enqueue_indirect_dma source(%dma_start3A_208 : memref<8192x1024xf32, #tpu.memory_space<hbm>>) target(%dma_start3A_205 : memref<16x1024xf32, #tpu.memory_space<vmem>>) offsets(%select_n3A_198 : vector<16xi32>) semaphore(%arg7 : memref<!tpu.dma_semaphore, #tpu.memory_space<semaphore_mem>>)
    %dma_wait3A_209 = arith.constant 1 : i32
    %dma_wait3A_210 = arith.constant 0 : i32
    %dma_wait3A_211 = arith.constant 0 : i32
    %dma_wait3A_212 = arith.constant 0 : i32
    %dma_wait3A_213 = tpu.memref_slice %arg6[%dma_wait3A_209, %dma_wait3A_210, %dma_wait3A_211, %dma_wait3A_212] : memref<7x4x4x1024xf32, #tpu.memory_space<vmem>> -> memref<1x4x4x1024xf32, #tpu.memory_space<vmem>>
    %dma_wait3A_214 = tpu.memref_squeeze %dma_wait3A_213 : memref<1x4x4x1024xf32, #tpu.memory_space<vmem>> -> memref<4x4x1024xf32, #tpu.memory_space<vmem>>
    %dma_wait3A_215 = tpu.memref_reshape %dma_wait3A_214 : memref<4x4x1024xf32, #tpu.memory_space<vmem>> -> memref<16x1024xf32, #tpu.memory_space<vmem>>
    %dma_wait3A_216 = arith.constant 0 : i32
    %dma_wait3A_217 = arith.constant 0 : i32
    %dma_wait3A_218 = tpu.memref_slice %arg3[%dma_wait3A_216, %dma_wait3A_217] : memref<8192x1024xf32, #tpu.memory_space<hbm>> -> memref<8192x1024xf32, #tpu.memory_space<hbm>>
    tpu.wait_indirect_dma semaphore(%arg7 : memref<!tpu.dma_semaphore, #tpu.memory_space<semaphore_mem>>) src(%dma_wait3A_218 : memref<8192x1024xf32, #tpu.memory_space<hbm>>) dst(%dma_wait3A_215 : memref<16x1024xf32, #tpu.memory_space<vmem>>)
    %add3A_219 = arith.constant 4 : i32
    %add3A_220 = arith.addi %mul3A_2, %add3A_219 : i32
    %dma_start3A_221 = arith.constant 1 : i32
    %dma_start3A_222 = arith.constant 0 : i32
    %dma_start3A_223 = arith.constant 0 : i32
    %dma_start3A_224 = arith.constant 0 : i32
    %dma_start3A_225 = tpu.memref_slice %arg6[%dma_start3A_221, %dma_start3A_222, %dma_start3A_223, %dma_start3A_224] : memref<7x4x4x1024xf32, #tpu.memory_space<vmem>> -> memref<1x4x4x1024xf32, #tpu.memory_space<vmem>>
    %dma_start3A_226 = tpu.memref_squeeze %dma_start3A_225 : memref<1x4x4x1024xf32, #tpu.memory_space<vmem>> -> memref<4x4x1024xf32, #tpu.memory_space<vmem>>
    %dma_start3A_227 = arith.constant 0 : i32
    %dma_start3A_228 = arith.constant 0 : i32
    %dma_start3A_229 = tpu.memref_slice %arg4[%add3A_220, %dma_start3A_227, %dma_start3A_228] : memref<4096x4x1024xf32, #tpu.memory_space<hbm>> -> memref<4x4x1024xf32, #tpu.memory_space<hbm>>
    %dma_start3A_230 = arith.constant 0 : i32
    %dma_start3A_231 = arith.constant 0 : i32
    %dma_start3A_232 = tpu.memref_slice %arg4[%add3A_220, %dma_start3A_230, %dma_start3A_231] : memref<4096x4x1024xf32, #tpu.memory_space<hbm>> -> memref<4x4x1024xf32, #tpu.memory_space<hbm>>
    %dma_start3A_233 = arith.constant 0 : i32
    %dma_start3A_234 = arith.constant 0 : i32
    %dma_start3A_235 = arith.constant 0 : i32
    %dma_start3A_236 = tpu.memref_slice %arg6[%dma_start3A_221, %dma_start3A_233, %dma_start3A_234, %dma_start3A_235] : memref<7x4x4x1024xf32, #tpu.memory_space<vmem>> -> memref<1x4x4x1024xf32, #tpu.memory_space<vmem>>
    %dma_start3A_237 = tpu.memref_squeeze %dma_start3A_236 : memref<1x4x4x1024xf32, #tpu.memory_space<vmem>> -> memref<4x4x1024xf32, #tpu.memory_space<vmem>>
    tpu.enqueue_dma source(%dma_start3A_237 : memref<4x4x1024xf32, #tpu.memory_space<vmem>>) target(%dma_start3A_232 : memref<4x4x1024xf32, #tpu.memory_space<hbm>>) target_semaphore(%arg8 : memref<!tpu.dma_semaphore, #tpu.memory_space<semaphore_mem>>)
    %dma_wait3A_238 = arith.constant 0 : i32
    %dma_wait3A_239 = arith.constant 0 : i32
    %dma_wait3A_240 = arith.constant 0 : i32
    %dma_wait3A_241 = arith.constant 0 : i32
    %dma_wait3A_242 = tpu.memref_slice %arg6[%dma_wait3A_238, %dma_wait3A_239, %dma_wait3A_240, %dma_wait3A_241] : memref<7x4x4x1024xf32, #tpu.memory_space<vmem>> -> memref<1x4x4x1024xf32, #tpu.memory_space<vmem>>
    %dma_wait3A_243 = tpu.memref_squeeze %dma_wait3A_242 : memref<1x4x4x1024xf32, #tpu.memory_space<vmem>> -> memref<4x4x1024xf32, #tpu.memory_space<vmem>>
    %dma_wait3A_244 = arith.constant 0 : i32
    %dma_wait3A_245 = arith.constant 0 : i32
    %dma_wait3A_246 = tpu.memref_slice %arg4[%add3A_165, %dma_wait3A_244, %dma_wait3A_245] : memref<4096x4x1024xf32, #tpu.memory_space<hbm>> -> memref<4x4x1024xf32, #tpu.memory_space<hbm>>
    %dma_wait3A_247 = arith.constant 0 : i32
    %dma_wait3A_248 = arith.constant 0 : i32
    %dma_wait3A_249 = tpu.memref_slice %arg4[%add3A_165, %dma_wait3A_247, %dma_wait3A_248] : memref<4096x4x1024xf32, #tpu.memory_space<hbm>> -> memref<4x4x1024xf32, #tpu.memory_space<hbm>>
    %dma_wait3A_250 = arith.constant 0 : i32
    %dma_wait3A_251 = arith.constant 0 : i32
    %dma_wait3A_252 = arith.constant 0 : i32
    %dma_wait3A_253 = tpu.memref_slice %arg6[%dma_wait3A_238, %dma_wait3A_250, %dma_wait3A_251, %dma_wait3A_252] : memref<7x4x4x1024xf32, #tpu.memory_space<vmem>> -> memref<1x4x4x1024xf32, #tpu.memory_space<vmem>>
    %dma_wait3A_254 = tpu.memref_squeeze %dma_wait3A_253 : memref<1x4x4x1024xf32, #tpu.memory_space<vmem>> -> memref<4x4x1024xf32, #tpu.memory_space<vmem>>
    tpu.wait_dma2 semaphore(%arg8 : memref<!tpu.dma_semaphore, #tpu.memory_space<semaphore_mem>>) src(%dma_wait3A_254 : memref<4x4x1024xf32, #tpu.memory_space<vmem>>) dst(%dma_wait3A_249 : memref<4x4x1024xf32, #tpu.memory_space<hbm>>)
    %get3A_255 = arith.constant 112 : index
    %get3A_256 = tpu.vector_load %arg5[%get3A_255] {strides = array<i32>} : memref<512xi32, #tpu.memory_space<vmem>>, vector<16xi32>,
    %add3A_257 = arith.constant 112 : i32
    %add3A_258 = arith.addi %mul3A_4, %add3A_257 : i32
    %broadcast_in_dim3A_259 = vector.broadcast %add3A_258 : i32 to vector<16xi32>
    %add3A_260 = arith.addi %broadcast_in_dim3A_259, %iota3A : vector<16xi32>
    %shift_right_arithmetic3A_261 = arith.constant 2 : i32
    %shift_right_arithmetic3A_262 = vector.broadcast %shift_right_arithmetic3A_261 : i32 to vector<16xi32>
    %shift_right_arithmetic3A_263 = arith.shrsi %add3A_260, %shift_right_arithmetic3A_262 : vector<16xi32>
    %add3A_264 = arith.constant 2 : i32
    %add3A_265 = vector.broadcast %add3A_264 : i32 to vector<16xi32>
    %add3A_266 = arith.addi %shift_right_arithmetic3A_263, %add3A_265 : vector<16xi32>
    %ne3A_267 = arith.constant 1 : i32
    %ne3A_268 = vector.broadcast %ne3A_267 : i32 to vector<16xi32>
    %ne3A_269 = arith.cmpi ne, %get3A_256, %ne3A_268 : vector<16xi32>
    %select_n3A_270 = arith.select %ne3A_269, %add3A_266, %get3A_256 : vector<16xi1>, vector<16xi32>
    %dma_start3A_271 = arith.constant 0 : i32
    %dma_start3A_272 = arith.constant 0 : i32
    %dma_start3A_273 = arith.constant 0 : i32
    %dma_start3A_274 = arith.constant 0 : i32
    %dma_start3A_275 = tpu.memref_slice %arg6[%dma_start3A_271, %dma_start3A_272, %dma_start3A_273, %dma_start3A_274] : memref<7x4x4x1024xf32, #tpu.memory_space<vmem>> -> memref<1x4x4x1024xf32, #tpu.memory_space<vmem>>
    %dma_start3A_276 = tpu.memref_squeeze %dma_start3A_275 : memref<1x4x4x1024xf32, #tpu.memory_space<vmem>> -> memref<4x4x1024xf32, #tpu.memory_space<vmem>>
    %dma_start3A_277 = tpu.memref_reshape %dma_start3A_276 : memref<4x4x1024xf32, #tpu.memory_space<vmem>> -> memref<16x1024xf32, #tpu.memory_space<vmem>>
    %dma_start3A_278 = arith.constant 0 : i32
    %dma_start3A_279 = arith.constant 0 : i32
    %dma_start3A_280 = tpu.memref_slice %arg3[%dma_start3A_278, %dma_start3A_279] : memref<8192x1024xf32, #tpu.memory_space<hbm>> -> memref<8192x1024xf32, #tpu.memory_space<hbm>>
    tpu.enqueue_indirect_dma source(%dma_start3A_280 : memref<8192x1024xf32, #tpu.memory_space<hbm>>) target(%dma_start3A_277 : memref<16x1024xf32, #tpu.memory_space<vmem>>) offsets(%select_n3A_270 : vector<16xi32>) semaphore(%arg7 : memref<!tpu.dma_semaphore, #tpu.memory_space<semaphore_mem>>)
    %dma_wait3A_281 = arith.constant 2 : i32
    %dma_wait3A_282 = arith.constant 0 : i32
    %dma_wait3A_283 = arith.constant 0 : i32
    %dma_wait3A_284 = arith.constant 0 : i32
    %dma_wait3A_285 = tpu.memref_slice %arg6[%dma_wait3A_281, %dma_wait3A_282, %dma_wait3A_283, %dma_wait3A_284] : memref<7x4x4x1024xf32, #tpu.memory_space<vmem>> -> memref<1x4x4x1024xf32, #tpu.memory_space<vmem>>
    %dma_wait3A_286 = tpu.memref_squeeze %dma_wait3A_285 : memref<1x4x4x1024xf32, #tpu.memory_space<vmem>> -> memref<4x4x1024xf32, #tpu.memory_space<vmem>>
    %dma_wait3A_287 = tpu.memref_reshape %dma_wait3A_286 : memref<4x4x1024xf32, #tpu.memory_space<vmem>> -> memref<16x1024xf32, #tpu.memory_space<vmem>>
    %dma_wait3A_288 = arith.constant 0 : i32
    %dma_wait3A_289 = arith.constant 0 : i32
    %dma_wait3A_290 = tpu.memref_slice %arg3[%dma_wait3A_288, %dma_wait3A_289] : memref<8192x1024xf32, #tpu.memory_space<hbm>> -> memref<8192x1024xf32, #tpu.memory_space<hbm>>
    tpu.wait_indirect_dma semaphore(%arg7 : memref<!tpu.dma_semaphore, #tpu.memory_space<semaphore_mem>>) src(%dma_wait3A_290 : memref<8192x1024xf32, #tpu.memory_space<hbm>>) dst(%dma_wait3A_287 : memref<16x1024xf32, #tpu.memory_space<vmem>>)
    %add3A_291 = arith.constant 8 : i32
    %add3A_292 = arith.addi %mul3A_2, %add3A_291 : i32
    %dma_start3A_293 = arith.constant 2 : i32
    %dma_start3A_294 = arith.constant 0 : i32
    %dma_start3A_295 = arith.constant 0 : i32
    %dma_start3A_296 = arith.constant 0 : i32
    %dma_start3A_297 = tpu.memref_slice %arg6[%dma_start3A_293, %dma_start3A_294, %dma_start3A_295, %dma_start3A_296] : memref<7x4x4x1024xf32, #tpu.memory_space<vmem>> -> memref<1x4x4x1024xf32, #tpu.memory_space<vmem>>
    %dma_start3A_298 = tpu.memref_squeeze %dma_start3A_297 : memref<1x4x4x1024xf32, #tpu.memory_space<vmem>> -> memref<4x4x1024xf32, #tpu.memory_space<vmem>>
    %dma_start3A_299 = arith.constant 0 : i32
    %dma_start3A_300 = arith.constant 0 : i32
    %dma_start3A_301 = tpu.memref_slice %arg4[%add3A_292, %dma_start3A_299, %dma_start3A_300] : memref<4096x4x1024xf32, #tpu.memory_space<hbm>> -> memref<4x4x1024xf32, #tpu.memory_space<hbm>>
    %dma_start3A_302 = arith.constant 0 : i32
    %dma_start3A_303 = arith.constant 0 : i32
    %dma_start3A_304 = tpu.memref_slice %arg4[%add3A_292, %dma_start3A_302, %dma_start3A_303] : memref<4096x4x1024xf32, #tpu.memory_space<hbm>> -> memref<4x4x1024xf32, #tpu.memory_space<hbm>>
    %dma_start3A_305 = arith.constant 0 : i32
    %dma_start3A_306 = arith.constant 0 : i32
    %dma_start3A_307 = arith.constant 0 : i32
    %dma_start3A_308 = tpu.memref_slice %arg6[%dma_start3A_293, %dma_start3A_305, %dma_start3A_306, %dma_start3A_307] : memref<7x4x4x1024xf32, #tpu.memory_space<vmem>> -> memref<1x4x4x1024xf32, #tpu.memory_space<vmem>>
    %dma_start3A_309 = tpu.memref_squeeze %dma_start3A_308 : memref<1x4x4x1024xf32, #tpu.memory_space<vmem>> -> memref<4x4x1024xf32, #tpu.memory_space<vmem>>
    tpu.enqueue_dma source(%dma_start3A_309 : memref<4x4x1024xf32, #tpu.memory_space<vmem>>) target(%dma_start3A_304 : memref<4x4x1024xf32, #tpu.memory_space<hbm>>) target_semaphore(%arg8 : memref<!tpu.dma_semaphore, #tpu.memory_space<semaphore_mem>>)
    %dma_wait3A_310 = arith.constant 1 : i32
    %dma_wait3A_311 = arith.constant 0 : i32
    %dma_wait3A_312 = arith.constant 0 : i32
    %dma_wait3A_313 = arith.constant 0 : i32
    %dma_wait3A_314 = tpu.memref_slice %arg6[%dma_wait3A_310, %dma_wait3A_311, %dma_wait3A_312, %dma_wait3A_313] : memref<7x4x4x1024xf32, #tpu.memory_space<vmem>> -> memref<1x4x4x1024xf32, #tpu.memory_space<vmem>>
    %dma_wait3A_315 = tpu.memref_squeeze %dma_wait3A_314 : memref<1x4x4x1024xf32, #tpu.memory_space<vmem>> -> memref<4x4x1024xf32, #tpu.memory_space<vmem>>
    %dma_wait3A_316 = arith.constant 0 : i32
    %dma_wait3A_317 = arith.constant 0 : i32
    %dma_wait3A_318 = tpu.memref_slice %arg4[%add3A_220, %dma_wait3A_316, %dma_wait3A_317] : memref<4096x4x1024xf32, #tpu.memory_space<hbm>> -> memref<4x4x1024xf32, #tpu.memory_space<hbm>>
    %dma_wait3A_319 = arith.constant 0 : i32
    %dma_wait3A_320 = arith.constant 0 : i32
    %dma_wait3A_321 = tpu.memref_slice %arg4[%add3A_220, %dma_wait3A_319, %dma_wait3A_320] : memref<4096x4x1024xf32, #tpu.memory_space<hbm>> -> memref<4x4x1024xf32, #tpu.memory_space<hbm>>
    %dma_wait3A_322 = arith.constant 0 : i32
    %dma_wait3A_323 = arith.constant 0 : i32
    %dma_wait3A_324 = arith.constant 0 : i32
    %dma_wait3A_325 = tpu.memref_slice %arg6[%dma_wait3A_310, %dma_wait3A_322, %dma_wait3A_323, %dma_wait3A_324] : memref<7x4x4x1024xf32, #tpu.memory_space<vmem>> -> memref<1x4x4x1024xf32, #tpu.memory_space<vmem>>
    %dma_wait3A_326 = tpu.memref_squeeze %dma_wait3A_325 : memref<1x4x4x1024xf32, #tpu.memory_space<vmem>> -> memref<4x4x1024xf32, #tpu.memory_space<vmem>>
    tpu.wait_dma2 semaphore(%arg8 : memref<!tpu.dma_semaphore, #tpu.memory_space<semaphore_mem>>) src(%dma_wait3A_326 : memref<4x4x1024xf32, #tpu.memory_space<vmem>>) dst(%dma_wait3A_321 : memref<4x4x1024xf32, #tpu.memory_space<hbm>>)
    %get3A_327 = arith.constant 128 : index
    %get3A_328 = tpu.vector_load %arg5[%get3A_327] {strides = array<i32>} : memref<512xi32, #tpu.memory_space<vmem>>, vector<16xi32>,
    %add3A_329 = arith.constant 128 : i32
    %add3A_330 = arith.addi %mul3A_4, %add3A_329 : i32
    %broadcast_in_dim3A_331 = vector.broadcast %add3A_330 : i32 to vector<16xi32>
    %add3A_332 = arith.addi %broadcast_in_dim3A_331, %iota3A : vector<16xi32>
    %shift_right_arithmetic3A_333 = arith.constant 2 : i32
    %shift_right_arithmetic3A_334 = vector.broadcast %shift_right_arithmetic3A_333 : i32 to vector<16xi32>
    %shift_right_arithmetic3A_335 = arith.shrsi %add3A_332, %shift_right_arithmetic3A_334 : vector<16xi32>
    %add3A_336 = arith.constant 2 : i32
    %add3A_337 = vector.broadcast %add3A_336 : i32 to vector<16xi32>
    %add3A_338 = arith.addi %shift_right_arithmetic3A_335, %add3A_337 : vector<16xi32>
    %ne3A_339 = arith.constant 1 : i32
    %ne3A_340 = vector.broadcast %ne3A_339 : i32 to vector<16xi32>
    %ne3A_341 = arith.cmpi ne, %get3A_328, %ne3A_340 : vector<16xi32>
    %select_n3A_342 = arith.select %ne3A_341, %add3A_338, %get3A_328 : vector<16xi1>, vector<16xi32>
    %dma_start3A_343 = arith.constant 1 : i32
    %dma_start3A_344 = arith.constant 0 : i32
    %dma_start3A_345 = arith.constant 0 : i32
    %dma_start3A_346 = arith.constant 0 : i32
    %dma_start3A_347 = tpu.memref_slice %arg6[%dma_start3A_343, %dma_start3A_344, %dma_start3A_345, %dma_start3A_346] : memref<7x4x4x1024xf32, #tpu.memory_space<vmem>> -> memref<1x4x4x1024xf32, #tpu.memory_space<vmem>>
    %dma_start3A_348 = tpu.memref_squeeze %dma_start3A_347 : memref<1x4x4x1024xf32, #tpu.memory_space<vmem>> -> memref<4x4x1024xf32, #tpu.memory_space<vmem>>
    %dma_start3A_349 = tpu.memref_reshape %dma_start3A_348 : memref<4x4x1024xf32, #tpu.memory_space<vmem>> -> memref<16x1024xf32, #tpu.memory_space<vmem>>
    %dma_start3A_350 = arith.constant 0 : i32
    %dma_start3A_351 = arith.constant 0 : i32
    %dma_start3A_352 = tpu.memref_slice %arg3[%dma_start3A_350, %dma_start3A_351] : memref<8192x1024xf32, #tpu.memory_space<hbm>> -> memref<8192x1024xf32, #tpu.memory_space<hbm>>
    tpu.enqueue_indirect_dma source(%dma_start3A_352 : memref<8192x1024xf32, #tpu.memory_space<hbm>>) target(%dma_start3A_349 : memref<16x1024xf32, #tpu.memory_space<vmem>>) offsets(%select_n3A_342 : vector<16xi32>) semaphore(%arg7 : memref<!tpu.dma_semaphore, #tpu.memory_space<semaphore_mem>>)
    %dma_wait3A_353 = arith.constant 3 : i32
    %dma_wait3A_354 = arith.constant 0 : i32
    %dma_wait3A_355 = arith.constant 0 : i32
    %dma_wait3A_356 = arith.constant 0 : i32
    %dma_wait3A_357 = tpu.memref_slice %arg6[%dma_wait3A_353, %dma_wait3A_354, %dma_wait3A_355, %dma_wait3A_356] : memref<7x4x4x1024xf32, #tpu.memory_space<vmem>> -> memref<1x4x4x1024xf32, #tpu.memory_space<vmem>>
    %dma_wait3A_358 = tpu.memref_squeeze %dma_wait3A_357 : memref<1x4x4x1024xf32, #tpu.memory_space<vmem>> -> memref<4x4x1024xf32, #tpu.memory_space<vmem>>
    %dma_wait3A_359 = tpu.memref_reshape %dma_wait3A_358 : memref<4x4x1024xf32, #tpu.memory_space<vmem>> -> memref<16x1024xf32, #tpu.memory_space<vmem>>
    %dma_wait3A_360 = arith.constant 0 : i32
    %dma_wait3A_361 = arith.constant 0 : i32
    %dma_wait3A_362 = tpu.memref_slice %arg3[%dma_wait3A_360, %dma_wait3A_361] : memref<8192x1024xf32, #tpu.memory_space<hbm>> -> memref<8192x1024xf32, #tpu.memory_space<hbm>>
    tpu.wait_indirect_dma semaphore(%arg7 : memref<!tpu.dma_semaphore, #tpu.memory_space<semaphore_mem>>) src(%dma_wait3A_362 : memref<8192x1024xf32, #tpu.memory_space<hbm>>) dst(%dma_wait3A_359 : memref<16x1024xf32, #tpu.memory_space<vmem>>)
    %add3A_363 = arith.constant 12 : i32
    %add3A_364 = arith.addi %mul3A_2, %add3A_363 : i32
    %dma_start3A_365 = arith.constant 3 : i32
    %dma_start3A_366 = arith.constant 0 : i32
    %dma_start3A_367 = arith.constant 0 : i32
    %dma_start3A_368 = arith.constant 0 : i32
    %dma_start3A_369 = tpu.memref_slice %arg6[%dma_start3A_365, %dma_start3A_366, %dma_start3A_367, %dma_start3A_368] : memref<7x4x4x1024xf32, #tpu.memory_space<vmem>> -> memref<1x4x4x1024xf32, #tpu.memory_space<vmem>>
    %dma_start3A_370 = tpu.memref_squeeze %dma_start3A_369 : memref<1x4x4x1024xf32, #tpu.memory_space<vmem>> -> memref<4x4x1024xf32, #tpu.memory_space<vmem>>
    %dma_start3A_371 = arith.constant 0 : i32
    %dma_start3A_372 = arith.constant 0 : i32
    %dma_start3A_373 = tpu.memref_slice %arg4[%add3A_364, %dma_start3A_371, %dma_start3A_372] : memref<4096x4x1024xf32, #tpu.memory_space<hbm>> -> memref<4x4x1024xf32, #tpu.memory_space<hbm>>
    %dma_start3A_374 = arith.constant 0 : i32
    %dma_start3A_375 = arith.constant 0 : i32
    %dma_start3A_376 = tpu.memref_slice %arg4[%add3A_364, %dma_start3A_374, %dma_start3A_375] : memref<4096x4x1024xf32, #tpu.memory_space<hbm>> -> memref<4x4x1024xf32, #tpu.memory_space<hbm>>
    %dma_start3A_377 = arith.constant 0 : i32
    %dma_start3A_378 = arith.constant 0 : i32
    %dma_start3A_379 = arith.constant 0 : i32
    %dma_start3A_380 = tpu.memref_slice %arg6[%dma_start3A_365, %dma_start3A_377, %dma_start3A_378, %dma_start3A_379] : memref<7x4x4x1024xf32, #tpu.memory_space<vmem>> -> memref<1x4x4x1024xf32, #tpu.memory_space<vmem>>
    %dma_start3A_381 = tpu.memref_squeeze %dma_start3A_380 : memref<1x4x4x1024xf32, #tpu.memory_space<vmem>> -> memref<4x4x1024xf32, #tpu.memory_space<vmem>>
    tpu.enqueue_dma source(%dma_start3A_381 : memref<4x4x1024xf32, #tpu.memory_space<vmem>>) target(%dma_start3A_376 : memref<4x4x1024xf32, #tpu.memory_space<hbm>>) target_semaphore(%arg8 : memref<!tpu.dma_semaphore, #tpu.memory_space<semaphore_mem>>)
    %dma_wait3A_382 = arith.constant 2 : i32
    %dma_wait3A_383 = arith.constant 0 : i32
    %dma_wait3A_384 = arith.constant 0 : i32
    %dma_wait3A_385 = arith.constant 0 : i32
    %dma_wait3A_386 = tpu.memref_slice %arg6[%dma_wait3A_382, %dma_wait3A_383, %dma_wait3A_384, %dma_wait3A_385] : memref<7x4x4x1024xf32, #tpu.memory_space<vmem>> -> memref<1x4x4x1024xf32, #tpu.memory_space<vmem>>
    %dma_wait3A_387 = tpu.memref_squeeze %dma_wait3A_386 : memref<1x4x4x1024xf32, #tpu.memory_space<vmem>> -> memref<4x4x1024xf32, #tpu.memory_space<vmem>>
    %dma_wait3A_388 = arith.constant 0 : i32
    %dma_wait3A_389 = arith.constant 0 : i32
    %dma_wait3A_390 = tpu.memref_slice %arg4[%add3A_292, %dma_wait3A_388, %dma_wait3A_389] : memref<4096x4x1024xf32, #tpu.memory_space<hbm>> -> memref<4x4x1024xf32, #tpu.memory_space<hbm>>
    %dma_wait3A_391 = arith.constant 0 : i32
    %dma_wait3A_392 = arith.constant 0 : i32
    %dma_wait3A_393 = tpu.memref_slice %arg4[%add3A_292, %dma_wait3A_391, %dma_wait3A_392] : memref<4096x4x1024xf32, #tpu.memory_space<hbm>> -> memref<4x4x1024xf32, #tpu.memory_space<hbm>>
    %dma_wait3A_394 = arith.constant 0 : i32
    %dma_wait3A_395 = arith.constant 0 : i32
    %dma_wait3A_396 = arith.constant 0 : i32
    %dma_wait3A_397 = tpu.memref_slice %arg6[%dma_wait3A_382, %dma_wait3A_394, %dma_wait3A_395, %dma_wait3A_396] : memref<7x4x4x1024xf32, #tpu.memory_space<vmem>> -> memref<1x4x4x1024xf32, #tpu.memory_space<vmem>>
    %dma_wait3A_398 = tpu.memref_squeeze %dma_wait3A_397 : memref<1x4x4x1024xf32, #tpu.memory_space<vmem>> -> memref<4x4x1024xf32, #tpu.memory_space<vmem>>
    tpu.wait_dma2 semaphore(%arg8 : memref<!tpu.dma_semaphore, #tpu.memory_space<semaphore_mem>>) src(%dma_wait3A_398 : memref<4x4x1024xf32, #tpu.memory_space<vmem>>) dst(%dma_wait3A_393 : memref<4x4x1024xf32, #tpu.memory_space<hbm>>)
    %get3A_399 = arith.constant 144 : index
    %get3A_400 = tpu.vector_load %arg5[%get3A_399] {strides = array<i32>} : memref<512xi32, #tpu.memory_space<vmem>>, vector<16xi32>,
    %add3A_401 = arith.constant 144 : i32
    %add3A_402 = arith.addi %mul3A_4, %add3A_401 : i32
    %broadcast_in_dim3A_403 = vector.broadcast %add3A_402 : i32 to vector<16xi32>
    %add3A_404 = arith.addi %broadcast_in_dim3A_403, %iota3A : vector<16xi32>
    %shift_right_arithmetic3A_405 = arith.constant 2 : i32
    %shift_right_arithmetic3A_406 = vector.broadcast %shift_right_arithmetic3A_405 : i32 to vector<16xi32>
    %shift_right_arithmetic3A_407 = arith.shrsi %add3A_404, %shift_right_arithmetic3A_406 : vector<16xi32>
    %add3A_408 = arith.constant 2 : i32
    %add3A_409 = vector.broadcast %add3A_408 : i32 to vector<16xi32>
    %add3A_410 = arith.addi %shift_right_arithmetic3A_407, %add3A_409 : vector<16xi32>
    %ne3A_411 = arith.constant 1 : i32
    %ne3A_412 = vector.broadcast %ne3A_411 : i32 to vector<16xi32>
    %ne3A_413 = arith.cmpi ne, %get3A_400, %ne3A_412 : vector<16xi32>
    %select_n3A_414 = arith.select %ne3A_413, %add3A_410, %get3A_400 : vector<16xi1>, vector<16xi32>
    %dma_start3A_415 = arith.constant 2 : i32
    %dma_start3A_416 = arith.constant 0 : i32
    %dma_start3A_417 = arith.constant 0 : i32
    %dma_start3A_418 = arith.constant 0 : i32
    %dma_start3A_419 = tpu.memref_slice %arg6[%dma_start3A_415, %dma_start3A_416, %dma_start3A_417, %dma_start3A_418] : memref<7x4x4x1024xf32, #tpu.memory_space<vmem>> -> memref<1x4x4x1024xf32, #tpu.memory_space<vmem>>
    %dma_start3A_420 = tpu.memref_squeeze %dma_start3A_419 : memref<1x4x4x1024xf32, #tpu.memory_space<vmem>> -> memref<4x4x1024xf32, #tpu.memory_space<vmem>>
    %dma_start3A_421 = tpu.memref_reshape %dma_start3A_420 : memref<4x4x1024xf32, #tpu.memory_space<vmem>> -> memref<16x1024xf32, #tpu.memory_space<vmem>>
    %dma_start3A_422 = arith.constant 0 : i32
    %dma_start3A_423 = arith.constant 0 : i32
    %dma_start3A_424 = tpu.memref_slice %arg3[%dma_start3A_422, %dma_start3A_423] : memref<8192x1024xf32, #tpu.memory_space<hbm>> -> memref<8192x1024xf32, #tpu.memory_space<hbm>>
    tpu.enqueue_indirect_dma source(%dma_start3A_424 : memref<8192x1024xf32, #tpu.memory_space<hbm>>) target(%dma_start3A_421 : memref<16x1024xf32, #tpu.memory_space<vmem>>) offsets(%select_n3A_414 : vector<16xi32>) semaphore(%arg7 : memref<!tpu.dma_semaphore, #tpu.memory_space<semaphore_mem>>)
    %dma_wait3A_425 = arith.constant 4 : i32
    %dma_wait3A_426 = arith.constant 0 : i32
    %dma_wait3A_427 = arith.constant 0 : i32
    %dma_wait3A_428 = arith.constant 0 : i32
    %dma_wait3A_429 = tpu.memref_slice %arg6[%dma_wait3A_425, %dma_wait3A_426, %dma_wait3A_427, %dma_wait3A_428] : memref<7x4x4x1024xf32, #tpu.memory_space<vmem>> -> memref<1x4x4x1024xf32, #tpu.memory_space<vmem>>
    %dma_wait3A_430 = tpu.memref_squeeze %dma_wait3A_429 : memref<1x4x4x1024xf32, #tpu.memory_space<vmem>> -> memref<4x4x1024xf32, #tpu.memory_space<vmem>>
    %dma_wait3A_431 = tpu.memref_reshape %dma_wait3A_430 : memref<4x4x1024xf32, #tpu.memory_space<vmem>> -> memref<16x1024xf32, #tpu.memory_space<vmem>>
    %dma_wait3A_432 = arith.constant 0 : i32
    %dma_wait3A_433 = arith.constant 0 : i32
    %dma_wait3A_434 = tpu.memref_slice %arg3[%dma_wait3A_432, %dma_wait3A_433] : memref<8192x1024xf32, #tpu.memory_space<hbm>> -> memref<8192x1024xf32, #tpu.memory_space<hbm>>
    tpu.wait_indirect_dma semaphore(%arg7 : memref<!tpu.dma_semaphore, #tpu.memory_space<semaphore_mem>>) src(%dma_wait3A_434 : memref<8192x1024xf32, #tpu.memory_space<hbm>>) dst(%dma_wait3A_431 : memref<16x1024xf32, #tpu.memory_space<vmem>>)
    %add3A_435 = arith.constant 16 : i32
    %add3A_436 = arith.addi %mul3A_2, %add3A_435 : i32
    %dma_start3A_437 = arith.constant 4 : i32
    %dma_start3A_438 = arith.constant 0 : i32
    %dma_start3A_439 = arith.constant 0 : i32
    %dma_start3A_440 = arith.constant 0 : i32
    %dma_start3A_441 = tpu.memref_slice %arg6[%dma_start3A_437, %dma_start3A_438, %dma_start3A_439, %dma_start3A_440] : memref<7x4x4x1024xf32, #tpu.memory_space<vmem>> -> memref<1x4x4x1024xf32, #tpu.memory_space<vmem>>
    %dma_start3A_442 = tpu.memref_squeeze %dma_start3A_441 : memref<1x4x4x1024xf32, #tpu.memory_space<vmem>> -> memref<4x4x1024xf32, #tpu.memory_space<vmem>>
    %dma_start3A_443 = arith.constant 0 : i32
    %dma_start3A_444 = arith.constant 0 : i32
    %dma_start3A_445 = tpu.memref_slice %arg4[%add3A_436, %dma_start3A_443, %dma_start3A_444] : memref<4096x4x1024xf32, #tpu.memory_space<hbm>> -> memref<4x4x1024xf32, #tpu.memory_space<hbm>>
    %dma_start3A_446 = arith.constant 0 : i32
    %dma_start3A_447 = arith.constant 0 : i32
    %dma_start3A_448 = tpu.memref_slice %arg4[%add3A_436, %dma_start3A_446, %dma_start3A_447] : memref<4096x4x1024xf32, #tpu.memory_space<hbm>> -> memref<4x4x1024xf32, #tpu.memory_space<hbm>>
    %dma_start3A_449 = arith.constant 0 : i32
    %dma_start3A_450 = arith.constant 0 : i32
    %dma_start3A_451 = arith.constant 0 : i32
    %dma_start3A_452 = tpu.memref_slice %arg6[%dma_start3A_437, %dma_start3A_449, %dma_start3A_450, %dma_start3A_451] : memref<7x4x4x1024xf32, #tpu.memory_space<vmem>> -> memref<1x4x4x1024xf32, #tpu.memory_space<vmem>>
    %dma_start3A_453 = tpu.memref_squeeze %dma_start3A_452 : memref<1x4x4x1024xf32, #tpu.memory_space<vmem>> -> memref<4x4x1024xf32, #tpu.memory_space<vmem>>
    tpu.enqueue_dma source(%dma_start3A_453 : memref<4x4x1024xf32, #tpu.memory_space<vmem>>) target(%dma_start3A_448 : memref<4x4x1024xf32, #tpu.memory_space<hbm>>) target_semaphore(%arg8 : memref<!tpu.dma_semaphore, #tpu.memory_space<semaphore_mem>>)
    %dma_wait3A_454 = arith.constant 3 : i32
    %dma_wait3A_455 = arith.constant 0 : i32
    %dma_wait3A_456 = arith.constant 0 : i32
    %dma_wait3A_457 = arith.constant 0 : i32
    %dma_wait3A_458 = tpu.memref_slice %arg6[%dma_wait3A_454, %dma_wait3A_455, %dma_wait3A_456, %dma_wait3A_457] : memref<7x4x4x1024xf32, #tpu.memory_space<vmem>> -> memref<1x4x4x1024xf32, #tpu.memory_space<vmem>>
    %dma_wait3A_459 = tpu.memref_squeeze %dma_wait3A_458 : memref<1x4x4x1024xf32, #tpu.memory_space<vmem>> -> memref<4x4x1024xf32, #tpu.memory_space<vmem>>
    %dma_wait3A_460 = arith.constant 0 : i32
    %dma_wait3A_461 = arith.constant 0 : i32
    %dma_wait3A_462 = tpu.memref_slice %arg4[%add3A_364, %dma_wait3A_460, %dma_wait3A_461] : memref<4096x4x1024xf32, #tpu.memory_space<hbm>> -> memref<4x4x1024xf32, #tpu.memory_space<hbm>>
    %dma_wait3A_463 = arith.constant 0 : i32
    %dma_wait3A_464 = arith.constant 0 : i32
    %dma_wait3A_465 = tpu.memref_slice %arg4[%add3A_364, %dma_wait3A_463, %dma_wait3A_464] : memref<4096x4x1024xf32, #tpu.memory_space<hbm>> -> memref<4x4x1024xf32, #tpu.memory_space<hbm>>
    %dma_wait3A_466 = arith.constant 0 : i32
    %dma_wait3A_467 = arith.constant 0 : i32
    %dma_wait3A_468 = arith.constant 0 : i32
    %dma_wait3A_469 = tpu.memref_slice %arg6[%dma_wait3A_454, %dma_wait3A_466, %dma_wait3A_467, %dma_wait3A_468] : memref<7x4x4x1024xf32, #tpu.memory_space<vmem>> -> memref<1x4x4x1024xf32, #tpu.memory_space<vmem>>
    %dma_wait3A_470 = tpu.memref_squeeze %dma_wait3A_469 : memref<1x4x4x1024xf32, #tpu.memory_space<vmem>> -> memref<4x4x1024xf32, #tpu.memory_space<vmem>>
    tpu.wait_dma2 semaphore(%arg8 : memref<!tpu.dma_semaphore, #tpu.memory_space<semaphore_mem>>) src(%dma_wait3A_470 : memref<4x4x1024xf32, #tpu.memory_space<vmem>>) dst(%dma_wait3A_465 : memref<4x4x1024xf32, #tpu.memory_space<hbm>>)
    %get3A_471 = arith.constant 160 : index
    %get3A_472 = tpu.vector_load %arg5[%get3A_471] {strides = array<i32>} : memref<512xi32, #tpu.memory_space<vmem>>, vector<16xi32>,
    %add3A_473 = arith.constant 160 : i32
    %add3A_474 = arith.addi %mul3A_4, %add3A_473 : i32
    %broadcast_in_dim3A_475 = vector.broadcast %add3A_474 : i32 to vector<16xi32>
    %add3A_476 = arith.addi %broadcast_in_dim3A_475, %iota3A : vector<16xi32>
    %shift_right_arithmetic3A_477 = arith.constant 2 : i32
    %shift_right_arithmetic3A_478 = vector.broadcast %shift_right_arithmetic3A_477 : i32 to vector<16xi32>
    %shift_right_arithmetic3A_479 = arith.shrsi %add3A_476, %shift_right_arithmetic3A_478 : vector<16xi32>
    %add3A_480 = arith.constant 2 : i32
    %add3A_481 = vector.broadcast %add3A_480 : i32 to vector<16xi32>
    %add3A_482 = arith.addi %shift_right_arithmetic3A_479, %add3A_481 : vector<16xi32>
    %ne3A_483 = arith.constant 1 : i32
    %ne3A_484 = vector.broadcast %ne3A_483 : i32 to vector<16xi32>
    %ne3A_485 = arith.cmpi ne, %get3A_472, %ne3A_484 : vector<16xi32>
    %select_n3A_486 = arith.select %ne3A_485, %add3A_482, %get3A_472 : vector<16xi1>, vector<16xi32>
    %dma_start3A_487 = arith.constant 3 : i32
    %dma_start3A_488 = arith.constant 0 : i32
    %dma_start3A_489 = arith.constant 0 : i32
    %dma_start3A_490 = arith.constant 0 : i32
    %dma_start3A_491 = tpu.memref_slice %arg6[%dma_start3A_487, %dma_start3A_488, %dma_start3A_489, %dma_start3A_490] : memref<7x4x4x1024xf32, #tpu.memory_space<vmem>> -> memref<1x4x4x1024xf32, #tpu.memory_space<vmem>>
    %dma_start3A_492 = tpu.memref_squeeze %dma_start3A_491 : memref<1x4x4x1024xf32, #tpu.memory_space<vmem>> -> memref<4x4x1024xf32, #tpu.memory_space<vmem>>
    %dma_start3A_493 = tpu.memref_reshape %dma_start3A_492 : memref<4x4x1024xf32, #tpu.memory_space<vmem>> -> memref<16x1024xf32, #tpu.memory_space<vmem>>
    %dma_start3A_494 = arith.constant 0 : i32
    %dma_start3A_495 = arith.constant 0 : i32
    %dma_start3A_496 = tpu.memref_slice %arg3[%dma_start3A_494, %dma_start3A_495] : memref<8192x1024xf32, #tpu.memory_space<hbm>> -> memref<8192x1024xf32, #tpu.memory_space<hbm>>
    tpu.enqueue_indirect_dma source(%dma_start3A_496 : memref<8192x1024xf32, #tpu.memory_space<hbm>>) target(%dma_start3A_493 : memref<16x1024xf32, #tpu.memory_space<vmem>>) offsets(%select_n3A_486 : vector<16xi32>) semaphore(%arg7 : memref<!tpu.dma_semaphore, #tpu.memory_space<semaphore_mem>>)
    %dma_wait3A_497 = arith.constant 5 : i32
    %dma_wait3A_498 = arith.constant 0 : i32
    %dma_wait3A_499 = arith.constant 0 : i32
    %dma_wait3A_500 = arith.constant 0 : i32
    %dma_wait3A_501 = tpu.memref_slice %arg6[%dma_wait3A_497, %dma_wait3A_498, %dma_wait3A_499, %dma_wait3A_500] : memref<7x4x4x1024xf32, #tpu.memory_space<vmem>> -> memref<1x4x4x1024xf32, #tpu.memory_space<vmem>>
    %dma_wait3A_502 = tpu.memref_squeeze %dma_wait3A_501 : memref<1x4x4x1024xf32, #tpu.memory_space<vmem>> -> memref<4x4x1024xf32, #tpu.memory_space<vmem>>
    %dma_wait3A_503 = tpu.memref_reshape %dma_wait3A_502 : memref<4x4x1024xf32, #tpu.memory_space<vmem>> -> memref<16x1024xf32, #tpu.memory_space<vmem>>
    %dma_wait3A_504 = arith.constant 0 : i32
    %dma_wait3A_505 = arith.constant 0 : i32
    %dma_wait3A_506 = tpu.memref_slice %arg3[%dma_wait3A_504, %dma_wait3A_505] : memref<8192x1024xf32, #tpu.memory_space<hbm>> -> memref<8192x1024xf32, #tpu.memory_space<hbm>>
    tpu.wait_indirect_dma semaphore(%arg7 : memref<!tpu.dma_semaphore, #tpu.memory_space<semaphore_mem>>) src(%dma_wait3A_506 : memref<8192x1024xf32, #tpu.memory_space<hbm>>) dst(%dma_wait3A_503 : memref<16x1024xf32, #tpu.memory_space<vmem>>)
    %add3A_507 = arith.constant 20 : i32
    %add3A_508 = arith.addi %mul3A_2, %add3A_507 : i32
    %dma_start3A_509 = arith.constant 5 : i32
    %dma_start3A_510 = arith.constant 0 : i32
    %dma_start3A_511 = arith.constant 0 : i32
    %dma_start3A_512 = arith.constant 0 : i32
    %dma_start3A_513 = tpu.memref_slice %arg6[%dma_start3A_509, %dma_start3A_510, %dma_start3A_511, %dma_start3A_512] : memref<7x4x4x1024xf32, #tpu.memory_space<vmem>> -> memref<1x4x4x1024xf32, #tpu.memory_space<vmem>>
    %dma_start3A_514 = tpu.memref_squeeze %dma_start3A_513 : memref<1x4x4x1024xf32, #tpu.memory_space<vmem>> -> memref<4x4x1024xf32, #tpu.memory_space<vmem>>
    %dma_start3A_515 = arith.constant 0 : i32
    %dma_start3A_516 = arith.constant 0 : i32
    %dma_start3A_517 = tpu.memref_slice %arg4[%add3A_508, %dma_start3A_515, %dma_start3A_516] : memref<4096x4x1024xf32, #tpu.memory_space<hbm>> -> memref<4x4x1024xf32, #tpu.memory_space<hbm>>
    %dma_start3A_518 = arith.constant 0 : i32
    %dma_start3A_519 = arith.constant 0 : i32
    %dma_start3A_520 = tpu.memref_slice %arg4[%add3A_508, %dma_start3A_518, %dma_start3A_519] : memref<4096x4x1024xf32, #tpu.memory_space<hbm>> -> memref<4x4x1024xf32, #tpu.memory_space<hbm>>
    %dma_start3A_521 = arith.constant 0 : i32
    %dma_start3A_522 = arith.constant 0 : i32
    %dma_start3A_523 = arith.constant 0 : i32
    %dma_start3A_524 = tpu.memref_slice %arg6[%dma_start3A_509, %dma_start3A_521, %dma_start3A_522, %dma_start3A_523] : memref<7x4x4x1024xf32, #tpu.memory_space<vmem>> -> memref<1x4x4x1024xf32, #tpu.memory_space<vmem>>
    %dma_start3A_525 = tpu.memref_squeeze %dma_start3A_524 : memref<1x4x4x1024xf32, #tpu.memory_space<vmem>> -> memref<4x4x1024xf32, #tpu.memory_space<vmem>>
    tpu.enqueue_dma source(%dma_start3A_525 : memref<4x4x1024xf32, #tpu.memory_space<vmem>>) target(%dma_start3A_520 : memref<4x4x1024xf32, #tpu.memory_space<hbm>>) target_semaphore(%arg8 : memref<!tpu.dma_semaphore, #tpu.memory_space<semaphore_mem>>)
    %dma_wait3A_526 = arith.constant 4 : i32
    %dma_wait3A_527 = arith.constant 0 : i32
    %dma_wait3A_528 = arith.constant 0 : i32
    %dma_wait3A_529 = arith.constant 0 : i32
    %dma_wait3A_530 = tpu.memref_slice %arg6[%dma_wait3A_526, %dma_wait3A_527, %dma_wait3A_528, %dma_wait3A_529] : memref<7x4x4x1024xf32, #tpu.memory_space<vmem>> -> memref<1x4x4x1024xf32, #tpu.memory_space<vmem>>
    %dma_wait3A_531 = tpu.memref_squeeze %dma_wait3A_530 : memref<1x4x4x1024xf32, #tpu.memory_space<vmem>> -> memref<4x4x1024xf32, #tpu.memory_space<vmem>>
    %dma_wait3A_532 = arith.constant 0 : i32
    %dma_wait3A_533 = arith.constant 0 : i32
    %dma_wait3A_534 = tpu.memref_slice %arg4[%add3A_436, %dma_wait3A_532, %dma_wait3A_533] : memref<4096x4x1024xf32, #tpu.memory_space<hbm>> -> memref<4x4x1024xf32, #tpu.memory_space<hbm>>
    %dma_wait3A_535 = arith.constant 0 : i32
    %dma_wait3A_536 = arith.constant 0 : i32
    %dma_wait3A_537 = tpu.memref_slice %arg4[%add3A_436, %dma_wait3A_535, %dma_wait3A_536] : memref<4096x4x1024xf32, #tpu.memory_space<hbm>> -> memref<4x4x1024xf32, #tpu.memory_space<hbm>>
    %dma_wait3A_538 = arith.constant 0 : i32
    %dma_wait3A_539 = arith.constant 0 : i32
    %dma_wait3A_540 = arith.constant 0 : i32
    %dma_wait3A_541 = tpu.memref_slice %arg6[%dma_wait3A_526, %dma_wait3A_538, %dma_wait3A_539, %dma_wait3A_540] : memref<7x4x4x1024xf32, #tpu.memory_space<vmem>> -> memref<1x4x4x1024xf32, #tpu.memory_space<vmem>>
    %dma_wait3A_542 = tpu.memref_squeeze %dma_wait3A_541 : memref<1x4x4x1024xf32, #tpu.memory_space<vmem>> -> memref<4x4x1024xf32, #tpu.memory_space<vmem>>
    tpu.wait_dma2 semaphore(%arg8 : memref<!tpu.dma_semaphore, #tpu.memory_space<semaphore_mem>>) src(%dma_wait3A_542 : memref<4x4x1024xf32, #tpu.memory_space<vmem>>) dst(%dma_wait3A_537 : memref<4x4x1024xf32, #tpu.memory_space<hbm>>)
    %get3A_543 = arith.constant 176 : index
    %get3A_544 = tpu.vector_load %arg5[%get3A_543] {strides = array<i32>} : memref<512xi32, #tpu.memory_space<vmem>>, vector<16xi32>,
    %add3A_545 = arith.constant 176 : i32
    %add3A_546 = arith.addi %mul3A_4, %add3A_545 : i32
    %broadcast_in_dim3A_547 = vector.broadcast %add3A_546 : i32 to vector<16xi32>
    %add3A_548 = arith.addi %broadcast_in_dim3A_547, %iota3A : vector<16xi32>
    %shift_right_arithmetic3A_549 = arith.constant 2 : i32
    %shift_right_arithmetic3A_550 = vector.broadcast %shift_right_arithmetic3A_549 : i32 to vector<16xi32>
    %shift_right_arithmetic3A_551 = arith.shrsi %add3A_548, %shift_right_arithmetic3A_550 : vector<16xi32>
    %add3A_552 = arith.constant 2 : i32
    %add3A_553 = vector.broadcast %add3A_552 : i32 to vector<16xi32>
    %add3A_554 = arith.addi %shift_right_arithmetic3A_551, %add3A_553 : vector<16xi32>
    %ne3A_555 = arith.constant 1 : i32
    %ne3A_556 = vector.broadcast %ne3A_555 : i32 to vector<16xi32>
    %ne3A_557 = arith.cmpi ne, %get3A_544, %ne3A_556 : vector<16xi32>
    %select_n3A_558 = arith.select %ne3A_557, %add3A_554, %get3A_544 : vector<16xi1>, vector<16xi32>
    %dma_start3A_559 = arith.constant 4 : i32
    %dma_start3A_560 = arith.constant 0 : i32
    %dma_start3A_561 = arith.constant 0 : i32
    %dma_start3A_562 = arith.constant 0 : i32
    %dma_start3A_563 = tpu.memref_slice %arg6[%dma_start3A_559, %dma_start3A_560, %dma_start3A_561, %dma_start3A_562] : memref<7x4x4x1024xf32, #tpu.memory_space<vmem>> -> memref<1x4x4x1024xf32, #tpu.memory_space<vmem>>
    %dma_start3A_564 = tpu.memref_squeeze %dma_start3A_563 : memref<1x4x4x1024xf32, #tpu.memory_space<vmem>> -> memref<4x4x1024xf32, #tpu.memory_space<vmem>>
    %dma_start3A_565 = tpu.memref_reshape %dma_start3A_564 : memref<4x4x1024xf32, #tpu.memory_space<vmem>> -> memref<16x1024xf32, #tpu.memory_space<vmem>>
    %dma_start3A_566 = arith.constant 0 : i32
    %dma_start3A_567 = arith.constant 0 : i32
    %dma_start3A_568 = tpu.memref_slice %arg3[%dma_start3A_566, %dma_start3A_567] : memref<8192x1024xf32, #tpu.memory_space<hbm>> -> memref<8192x1024xf32, #tpu.memory_space<hbm>>
    tpu.enqueue_indirect_dma source(%dma_start3A_568 : memref<8192x1024xf32, #tpu.memory_space<hbm>>) target(%dma_start3A_565 : memref<16x1024xf32, #tpu.memory_space<vmem>>) offsets(%select_n3A_558 : vector<16xi32>) semaphore(%arg7 : memref<!tpu.dma_semaphore, #tpu.memory_space<semaphore_mem>>)
    %dma_wait3A_569 = arith.constant 6 : i32
    %dma_wait3A_570 = arith.constant 0 : i32
    %dma_wait3A_571 = arith.constant 0 : i32
    %dma_wait3A_572 = arith.constant 0 : i32
    %dma_wait3A_573 = tpu.memref_slice %arg6[%dma_wait3A_569, %dma_wait3A_570, %dma_wait3A_571, %dma_wait3A_572] : memref<7x4x4x1024xf32, #tpu.memory_space<vmem>> -> memref<1x4x4x1024xf32, #tpu.memory_space<vmem>>
    %dma_wait3A_574 = tpu.memref_squeeze %dma_wait3A_573 : memref<1x4x4x1024xf32, #tpu.memory_space<vmem>> -> memref<4x4x1024xf32, #tpu.memory_space<vmem>>
    %dma_wait3A_575 = tpu.memref_reshape %dma_wait3A_574 : memref<4x4x1024xf32, #tpu.memory_space<vmem>> -> memref<16x1024xf32, #tpu.memory_space<vmem>>
    %dma_wait3A_576 = arith.constant 0 : i32
    %dma_wait3A_577 = arith.constant 0 : i32
    %dma_wait3A_578 = tpu.memref_slice %arg3[%dma_wait3A_576, %dma_wait3A_577] : memref<8192x1024xf32, #tpu.memory_space<hbm>> -> memref<8192x1024xf32, #tpu.memory_space<hbm>>
    tpu.wait_indirect_dma semaphore(%arg7 : memref<!tpu.dma_semaphore, #tpu.memory_space<semaphore_mem>>) src(%dma_wait3A_578 : memref<8192x1024xf32, #tpu.memory_space<hbm>>) dst(%dma_wait3A_575 : memref<16x1024xf32, #tpu.memory_space<vmem>>)
    %add3A_579 = arith.constant 24 : i32
    %add3A_580 = arith.addi %mul3A_2, %add3A_579 : i32
    %dma_start3A_581 = arith.constant 6 : i32
    %dma_start3A_582 = arith.constant 0 : i32
    %dma_start3A_583 = arith.constant 0 : i32
    %dma_start3A_584 = arith.constant 0 : i32
    %dma_start3A_585 = tpu.memref_slice %arg6[%dma_start3A_581, %dma_start3A_582, %dma_start3A_583, %dma_start3A_584] : memref<7x4x4x1024xf32, #tpu.memory_space<vmem>> -> memref<1x4x4x1024xf32, #tpu.memory_space<vmem>>
    %dma_start3A_586 = tpu.memref_squeeze %dma_start3A_585 : memref<1x4x4x1024xf32, #tpu.memory_space<vmem>> -> memref<4x4x1024xf32, #tpu.memory_space<vmem>>
    %dma_start3A_587 = arith.constant 0 : i32
    %dma_start3A_588 = arith.constant 0 : i32
    %dma_start3A_589 = tpu.memref_slice %arg4[%add3A_580, %dma_start3A_587, %dma_start3A_588] : memref<4096x4x1024xf32, #tpu.memory_space<hbm>> -> memref<4x4x1024xf32, #tpu.memory_space<hbm>>
    %dma_start3A_590 = arith.constant 0 : i32
    %dma_start3A_591 = arith.constant 0 : i32
    %dma_start3A_592 = tpu.memref_slice %arg4[%add3A_580, %dma_start3A_590, %dma_start3A_591] : memref<4096x4x1024xf32, #tpu.memory_space<hbm>> -> memref<4x4x1024xf32, #tpu.memory_space<hbm>>
    %dma_start3A_593 = arith.constant 0 : i32
    %dma_start3A_594 = arith.constant 0 : i32
    %dma_start3A_595 = arith.constant 0 : i32
    %dma_start3A_596 = tpu.memref_slice %arg6[%dma_start3A_581, %dma_start3A_593, %dma_start3A_594, %dma_start3A_595] : memref<7x4x4x1024xf32, #tpu.memory_space<vmem>> -> memref<1x4x4x1024xf32, #tpu.memory_space<vmem>>
    %dma_start3A_597 = tpu.memref_squeeze %dma_start3A_596 : memref<1x4x4x1024xf32, #tpu.memory_space<vmem>> -> memref<4x4x1024xf32, #tpu.memory_space<vmem>>
    tpu.enqueue_dma source(%dma_start3A_597 : memref<4x4x1024xf32, #tpu.memory_space<vmem>>) target(%dma_start3A_592 : memref<4x4x1024xf32, #tpu.memory_space<hbm>>) target_semaphore(%arg8 : memref<!tpu.dma_semaphore, #tpu.memory_space<semaphore_mem>>)
    %dma_wait3A_598 = arith.constant 5 : i32
    %dma_wait3A_599 = arith.constant 0 : i32
    %dma_wait3A_600 = arith.constant 0 : i32
    %dma_wait3A_601 = arith.constant 0 : i32
    %dma_wait3A_602 = tpu.memref_slice %arg6[%dma_wait3A_598, %dma_wait3A_599, %dma_wait3A_600, %dma_wait3A_601] : memref<7x4x4x1024xf32, #tpu.memory_space<vmem>> -> memref<1x4x4x1024xf32, #tpu.memory_space<vmem>>
    %dma_wait3A_603 = tpu.memref_squeeze %dma_wait3A_602 : memref<1x4x4x1024xf32, #tpu.memory_space<vmem>> -> memref<4x4x1024xf32, #tpu.memory_space<vmem>>
    %dma_wait3A_604 = arith.constant 0 : i32
    %dma_wait3A_605 = arith.constant 0 : i32
    %dma_wait3A_606 = tpu.memref_slice %arg4[%add3A_508, %dma_wait3A_604, %dma_wait3A_605] : memref<4096x4x1024xf32, #tpu.memory_space<hbm>> -> memref<4x4x1024xf32, #tpu.memory_space<hbm>>
    %dma_wait3A_607 = arith.constant 0 : i32
    %dma_wait3A_608 = arith.constant 0 : i32
    %dma_wait3A_609 = tpu.memref_slice %arg4[%add3A_508, %dma_wait3A_607, %dma_wait3A_608] : memref<4096x4x1024xf32, #tpu.memory_space<hbm>> -> memref<4x4x1024xf32, #tpu.memory_space<hbm>>
    %dma_wait3A_610 = arith.constant 0 : i32
    %dma_wait3A_611 = arith.constant 0 : i32
    %dma_wait3A_612 = arith.constant 0 : i32
    %dma_wait3A_613 = tpu.memref_slice %arg6[%dma_wait3A_598, %dma_wait3A_610, %dma_wait3A_611, %dma_wait3A_612] : memref<7x4x4x1024xf32, #tpu.memory_space<vmem>> -> memref<1x4x4x1024xf32, #tpu.memory_space<vmem>>
    %dma_wait3A_614 = tpu.memref_squeeze %dma_wait3A_613 : memref<1x4x4x1024xf32, #tpu.memory_space<vmem>> -> memref<4x4x1024xf32, #tpu.memory_space<vmem>>
    tpu.wait_dma2 semaphore(%arg8 : memref<!tpu.dma_semaphore, #tpu.memory_space<semaphore_mem>>) src(%dma_wait3A_614 : memref<4x4x1024xf32, #tpu.memory_space<vmem>>) dst(%dma_wait3A_609 : memref<4x4x1024xf32, #tpu.memory_space<hbm>>)
    %get3A_615 = arith.constant 192 : index
    %get3A_616 = tpu.vector_load %arg5[%get3A_615] {strides = array<i32>} : memref<512xi32, #tpu.memory_space<vmem>>, vector<16xi32>,
    %add3A_617 = arith.constant 192 : i32
    %add3A_618 = arith.addi %mul3A_4, %add3A_617 : i32
    %broadcast_in_dim3A_619 = vector.broadcast %add3A_618 : i32 to vector<16xi32>
    %add3A_620 = arith.addi %broadcast_in_dim3A_619, %iota3A : vector<16xi32>
    %shift_right_arithmetic3A_621 = arith.constant 2 : i32
    %shift_right_arithmetic3A_622 = vector.broadcast %shift_right_arithmetic3A_621 : i32 to vector<16xi32>
    %shift_right_arithmetic3A_623 = arith.shrsi %add3A_620, %shift_right_arithmetic3A_622 : vector<16xi32>
    %add3A_624 = arith.constant 2 : i32
    %add3A_625 = vector.broadcast %add3A_624 : i32 to vector<16xi32>
    %add3A_626 = arith.addi %shift_right_arithmetic3A_623, %add3A_625 : vector<16xi32>
    %ne3A_627 = arith.constant 1 : i32
    %ne3A_628 = vector.broadcast %ne3A_627 : i32 to vector<16xi32>
    %ne3A_629 = arith.cmpi ne, %get3A_616, %ne3A_628 : vector<16xi32>
    %select_n3A_630 = arith.select %ne3A_629, %add3A_626, %get3A_616 : vector<16xi1>, vector<16xi32>
    %dma_start3A_631 = arith.constant 5 : i32
    %dma_start3A_632 = arith.constant 0 : i32
    %dma_start3A_633 = arith.constant 0 : i32
    %dma_start3A_634 = arith.constant 0 : i32
    %dma_start3A_635 = tpu.memref_slice %arg6[%dma_start3A_631, %dma_start3A_632, %dma_start3A_633, %dma_start3A_634] : memref<7x4x4x1024xf32, #tpu.memory_space<vmem>> -> memref<1x4x4x1024xf32, #tpu.memory_space<vmem>>
    %dma_start3A_636 = tpu.memref_squeeze %dma_start3A_635 : memref<1x4x4x1024xf32, #tpu.memory_space<vmem>> -> memref<4x4x1024xf32, #tpu.memory_space<vmem>>
    %dma_start3A_637 = tpu.memref_reshape %dma_start3A_636 : memref<4x4x1024xf32, #tpu.memory_space<vmem>> -> memref<16x1024xf32, #tpu.memory_space<vmem>>
    %dma_start3A_638 = arith.constant 0 : i32
    %dma_start3A_639 = arith.constant 0 : i32
    %dma_start3A_640 = tpu.memref_slice %arg3[%dma_start3A_638, %dma_start3A_639] : memref<8192x1024xf32, #tpu.memory_space<hbm>> -> memref<8192x1024xf32, #tpu.memory_space<hbm>>
    tpu.enqueue_indirect_dma source(%dma_start3A_640 : memref<8192x1024xf32, #tpu.memory_space<hbm>>) target(%dma_start3A_637 : memref<16x1024xf32, #tpu.memory_space<vmem>>) offsets(%select_n3A_630 : vector<16xi32>) semaphore(%arg7 : memref<!tpu.dma_semaphore, #tpu.memory_space<semaphore_mem>>)
    %dma_wait3A_641 = arith.constant 0 : i32
    %dma_wait3A_642 = arith.constant 0 : i32
    %dma_wait3A_643 = arith.constant 0 : i32
    %dma_wait3A_644 = arith.constant 0 : i32
    %dma_wait3A_645 = tpu.memref_slice %arg6[%dma_wait3A_641, %dma_wait3A_642, %dma_wait3A_643, %dma_wait3A_644] : memref<7x4x4x1024xf32, #tpu.memory_space<vmem>> -> memref<1x4x4x1024xf32, #tpu.memory_space<vmem>>
    %dma_wait3A_646 = tpu.memref_squeeze %dma_wait3A_645 : memref<1x4x4x1024xf32, #tpu.memory_space<vmem>> -> memref<4x4x1024xf32, #tpu.memory_space<vmem>>
    %dma_wait3A_647 = tpu.memref_reshape %dma_wait3A_646 : memref<4x4x1024xf32, #tpu.memory_space<vmem>> -> memref<16x1024xf32, #tpu.memory_space<vmem>>
    %dma_wait3A_648 = arith.constant 0 : i32
    %dma_wait3A_649 = arith.constant 0 : i32
    %dma_wait3A_650 = tpu.memref_slice %arg3[%dma_wait3A_648, %dma_wait3A_649] : memref<8192x1024xf32, #tpu.memory_space<hbm>> -> memref<8192x1024xf32, #tpu.memory_space<hbm>>
    tpu.wait_indirect_dma semaphore(%arg7 : memref<!tpu.dma_semaphore, #tpu.memory_space<semaphore_mem>>) src(%dma_wait3A_650 : memref<8192x1024xf32, #tpu.memory_space<hbm>>) dst(%dma_wait3A_647 : memref<16x1024xf32, #tpu.memory_space<vmem>>)
    %add3A_651 = arith.constant 28 : i32
    %add3A_652 = arith.addi %mul3A_2, %add3A_651 : i32
    %dma_start3A_653 = arith.constant 0 : i32
    %dma_start3A_654 = arith.constant 0 : i32
    %dma_start3A_655 = arith.constant 0 : i32
    %dma_start3A_656 = arith.constant 0 : i32
    %dma_start3A_657 = tpu.memref_slice %arg6[%dma_start3A_653, %dma_start3A_654, %dma_start3A_655, %dma_start3A_656] : memref<7x4x4x1024xf32, #tpu.memory_space<vmem>> -> memref<1x4x4x1024xf32, #tpu.memory_space<vmem>>
    %dma_start3A_658 = tpu.memref_squeeze %dma_start3A_657 : memref<1x4x4x1024xf32, #tpu.memory_space<vmem>> -> memref<4x4x1024xf32, #tpu.memory_space<vmem>>
    %dma_start3A_659 = arith.constant 0 : i32
    %dma_start3A_660 = arith.constant 0 : i32
    %dma_start3A_661 = tpu.memref_slice %arg4[%add3A_652, %dma_start3A_659, %dma_start3A_660] : memref<4096x4x1024xf32, #tpu.memory_space<hbm>> -> memref<4x4x1024xf32, #tpu.memory_space<hbm>>
    %dma_start3A_662 = arith.constant 0 : i32
    %dma_start3A_663 = arith.constant 0 : i32
    %dma_start3A_664 = tpu.memref_slice %arg4[%add3A_652, %dma_start3A_662, %dma_start3A_663] : memref<4096x4x1024xf32, #tpu.memory_space<hbm>> -> memref<4x4x1024xf32, #tpu.memory_space<hbm>>
    %dma_start3A_665 = arith.constant 0 : i32
    %dma_start3A_666 = arith.constant 0 : i32
    %dma_start3A_667 = arith.constant 0 : i32
    %dma_start3A_668 = tpu.memref_slice %arg6[%dma_start3A_653, %dma_start3A_665, %dma_start3A_666, %dma_start3A_667] : memref<7x4x4x1024xf32, #tpu.memory_space<vmem>> -> memref<1x4x4x1024xf32, #tpu.memory_space<vmem>>
    %dma_start3A_669 = tpu.memref_squeeze %dma_start3A_668 : memref<1x4x4x1024xf32, #tpu.memory_space<vmem>> -> memref<4x4x1024xf32, #tpu.memory_space<vmem>>
    tpu.enqueue_dma source(%dma_start3A_669 : memref<4x4x1024xf32, #tpu.memory_space<vmem>>) target(%dma_start3A_664 : memref<4x4x1024xf32, #tpu.memory_space<hbm>>) target_semaphore(%arg8 : memref<!tpu.dma_semaphore, #tpu.memory_space<semaphore_mem>>)
    %dma_wait3A_670 = arith.constant 6 : i32
    %dma_wait3A_671 = arith.constant 0 : i32
    %dma_wait3A_672 = arith.constant 0 : i32
    %dma_wait3A_673 = arith.constant 0 : i32
    %dma_wait3A_674 = tpu.memref_slice %arg6[%dma_wait3A_670, %dma_wait3A_671, %dma_wait3A_672, %dma_wait3A_673] : memref<7x4x4x1024xf32, #tpu.memory_space<vmem>> -> memref<1x4x4x1024xf32, #tpu.memory_space<vmem>>
    %dma_wait3A_675 = tpu.memref_squeeze %dma_wait3A_674 : memref<1x4x4x1024xf32, #tpu.memory_space<vmem>> -> memref<4x4x1024xf32, #tpu.memory_space<vmem>>
    %dma_wait3A_676 = arith.constant 0 : i32
    %dma_wait3A_677 = arith.constant 0 : i32
    %dma_wait3A_678 = tpu.memref_slice %arg4[%add3A_580, %dma_wait3A_676, %dma_wait3A_677] : memref<4096x4x1024xf32, #tpu.memory_space<hbm>> -> memref<4x4x1024xf32, #tpu.memory_space<hbm>>
    %dma_wait3A_679 = arith.constant 0 : i32
    %dma_wait3A_680 = arith.constant 0 : i32
    %dma_wait3A_681 = tpu.memref_slice %arg4[%add3A_580, %dma_wait3A_679, %dma_wait3A_680] : memref<4096x4x1024xf32, #tpu.memory_space<hbm>> -> memref<4x4x1024xf32, #tpu.memory_space<hbm>>
    %dma_wait3A_682 = arith.constant 0 : i32
    %dma_wait3A_683 = arith.constant 0 : i32
    %dma_wait3A_684 = arith.constant 0 : i32
    %dma_wait3A_685 = tpu.memref_slice %arg6[%dma_wait3A_670, %dma_wait3A_682, %dma_wait3A_683, %dma_wait3A_684] : memref<7x4x4x1024xf32, #tpu.memory_space<vmem>> -> memref<1x4x4x1024xf32, #tpu.memory_space<vmem>>
    %dma_wait3A_686 = tpu.memref_squeeze %dma_wait3A_685 : memref<1x4x4x1024xf32, #tpu.memory_space<vmem>> -> memref<4x4x1024xf32, #tpu.memory_space<vmem>>
    tpu.wait_dma2 semaphore(%arg8 : memref<!tpu.dma_semaphore, #tpu.memory_space<semaphore_mem>>) src(%dma_wait3A_686 : memref<4x4x1024xf32, #tpu.memory_space<vmem>>) dst(%dma_wait3A_681 : memref<4x4x1024xf32, #tpu.memory_space<hbm>>)
    %get3A_687 = arith.constant 208 : index
    %get3A_688 = tpu.vector_load %arg5[%get3A_687] {strides = array<i32>} : memref<512xi32, #tpu.memory_space<vmem>>, vector<16xi32>,
    %add3A_689 = arith.constant 208 : i32
    %add3A_690 = arith.addi %mul3A_4, %add3A_689 : i32
    %broadcast_in_dim3A_691 = vector.broadcast %add3A_690 : i32 to vector<16xi32>
    %add3A_692 = arith.addi %broadcast_in_dim3A_691, %iota3A : vector<16xi32>
    %shift_right_arithmetic3A_693 = arith.constant 2 : i32
    %shift_right_arithmetic3A_694 = vector.broadcast %shift_right_arithmetic3A_693 : i32 to vector<16xi32>
    %shift_right_arithmetic3A_695 = arith.shrsi %add3A_692, %shift_right_arithmetic3A_694 : vector<16xi32>
    %add3A_696 = arith.constant 2 : i32
    %add3A_697 = vector.broadcast %add3A_696 : i32 to vector<16xi32>
    %add3A_698 = arith.addi %shift_right_arithmetic3A_695, %add3A_697 : vector<16xi32>
    %ne3A_699 = arith.constant 1 : i32
    %ne3A_700 = vector.broadcast %ne3A_699 : i32 to vector<16xi32>
    %ne3A_701 = arith.cmpi ne, %get3A_688, %ne3A_700 : vector<16xi32>
    %select_n3A_702 = arith.select %ne3A_701, %add3A_698, %get3A_688 : vector<16xi1>, vector<16xi32>
    %dma_start3A_703 = arith.constant 6 : i32
    %dma_start3A_704 = arith.constant 0 : i32
    %dma_start3A_705 = arith.constant 0 : i32
    %dma_start3A_706 = arith.constant 0 : i32
    %dma_start3A_707 = tpu.memref_slice %arg6[%dma_start3A_703, %dma_start3A_704, %dma_start3A_705, %dma_start3A_706] : memref<7x4x4x1024xf32, #tpu.memory_space<vmem>> -> memref<1x4x4x1024xf32, #tpu.memory_space<vmem>>
    %dma_start3A_708 = tpu.memref_squeeze %dma_start3A_707 : memref<1x4x4x1024xf32, #tpu.memory_space<vmem>> -> memref<4x4x1024xf32, #tpu.memory_space<vmem>>
    %dma_start3A_709 = tpu.memref_reshape %dma_start3A_708 : memref<4x4x1024xf32, #tpu.memory_space<vmem>> -> memref<16x1024xf32, #tpu.memory_space<vmem>>
    %dma_start3A_710 = arith.constant 0 : i32
    %dma_start3A_711 = arith.constant 0 : i32
    %dma_start3A_712 = tpu.memref_slice %arg3[%dma_start3A_710, %dma_start3A_711] : memref<8192x1024xf32, #tpu.memory_space<hbm>> -> memref<8192x1024xf32, #tpu.memory_space<hbm>>
    tpu.enqueue_indirect_dma source(%dma_start3A_712 : memref<8192x1024xf32, #tpu.memory_space<hbm>>) target(%dma_start3A_709 : memref<16x1024xf32, #tpu.memory_space<vmem>>) offsets(%select_n3A_702 : vector<16xi32>) semaphore(%arg7 : memref<!tpu.dma_semaphore, #tpu.memory_space<semaphore_mem>>)
    %dma_wait3A_713 = arith.constant 1 : i32
    %dma_wait3A_714 = arith.constant 0 : i32
    %dma_wait3A_715 = arith.constant 0 : i32
    %dma_wait3A_716 = arith.constant 0 : i32
    %dma_wait3A_717 = tpu.memref_slice %arg6[%dma_wait3A_713, %dma_wait3A_714, %dma_wait3A_715, %dma_wait3A_716] : memref<7x4x4x1024xf32, #tpu.memory_space<vmem>> -> memref<1x4x4x1024xf32, #tpu.memory_space<vmem>>
    %dma_wait3A_718 = tpu.memref_squeeze %dma_wait3A_717 : memref<1x4x4x1024xf32, #tpu.memory_space<vmem>> -> memref<4x4x1024xf32, #tpu.memory_space<vmem>>
    %dma_wait3A_719 = tpu.memref_reshape %dma_wait3A_718 : memref<4x4x1024xf32, #tpu.memory_space<vmem>> -> memref<16x1024xf32, #tpu.memory_space<vmem>>
    %dma_wait3A_720 = arith.constant 0 : i32
    %dma_wait3A_721 = arith.constant 0 : i32
    %dma_wait3A_722 = tpu.memref_slice %arg3[%dma_wait3A_720, %dma_wait3A_721] : memref<8192x1024xf32, #tpu.memory_space<hbm>> -> memref<8192x1024xf32, #tpu.memory_space<hbm>>
    tpu.wait_indirect_dma semaphore(%arg7 : memref<!tpu.dma_semaphore, #tpu.memory_space<semaphore_mem>>) src(%dma_wait3A_722 : memref<8192x1024xf32, #tpu.memory_space<hbm>>) dst(%dma_wait3A_719 : memref<16x1024xf32, #tpu.memory_space<vmem>>)
    %add3A_723 = arith.constant 32 : i32
    %add3A_724 = arith.addi %mul3A_2, %add3A_723 : i32
    %dma_start3A_725 = arith.constant 1 : i32
    %dma_start3A_726 = arith.constant 0 : i32
    %dma_start3A_727 = arith.constant 0 : i32
    %dma_start3A_728 = arith.constant 0 : i32
    %dma_start3A_729 = tpu.memref_slice %arg6[%dma_start3A_725, %dma_start3A_726, %dma_start3A_727, %dma_start3A_728] : memref<7x4x4x1024xf32, #tpu.memory_space<vmem>> -> memref<1x4x4x1024xf32, #tpu.memory_space<vmem>>
    %dma_start3A_730 = tpu.memref_squeeze %dma_start3A_729 : memref<1x4x4x1024xf32, #tpu.memory_space<vmem>> -> memref<4x4x1024xf32, #tpu.memory_space<vmem>>
    %dma_start3A_731 = arith.constant 0 : i32
    %dma_start3A_732 = arith.constant 0 : i32
    %dma_start3A_733 = tpu.memref_slice %arg4[%add3A_724, %dma_start3A_731, %dma_start3A_732] : memref<4096x4x1024xf32, #tpu.memory_space<hbm>> -> memref<4x4x1024xf32, #tpu.memory_space<hbm>>
    %dma_start3A_734 = arith.constant 0 : i32
    %dma_start3A_735 = arith.constant 0 : i32
    %dma_start3A_736 = tpu.memref_slice %arg4[%add3A_724, %dma_start3A_734, %dma_start3A_735] : memref<4096x4x1024xf32, #tpu.memory_space<hbm>> -> memref<4x4x1024xf32, #tpu.memory_space<hbm>>
    %dma_start3A_737 = arith.constant 0 : i32
    %dma_start3A_738 = arith.constant 0 : i32
    %dma_start3A_739 = arith.constant 0 : i32
    %dma_start3A_740 = tpu.memref_slice %arg6[%dma_start3A_725, %dma_start3A_737, %dma_start3A_738, %dma_start3A_739] : memref<7x4x4x1024xf32, #tpu.memory_space<vmem>> -> memref<1x4x4x1024xf32, #tpu.memory_space<vmem>>
    %dma_start3A_741 = tpu.memref_squeeze %dma_start3A_740 : memref<1x4x4x1024xf32, #tpu.memory_space<vmem>> -> memref<4x4x1024xf32, #tpu.memory_space<vmem>>
    tpu.enqueue_dma source(%dma_start3A_741 : memref<4x4x1024xf32, #tpu.memory_space<vmem>>) target(%dma_start3A_736 : memref<4x4x1024xf32, #tpu.memory_space<hbm>>) target_semaphore(%arg8 : memref<!tpu.dma_semaphore, #tpu.memory_space<semaphore_mem>>)
    %dma_wait3A_742 = arith.constant 0 : i32
    %dma_wait3A_743 = arith.constant 0 : i32
    %dma_wait3A_744 = arith.constant 0 : i32
    %dma_wait3A_745 = arith.constant 0 : i32
    %dma_wait3A_746 = tpu.memref_slice %arg6[%dma_wait3A_742, %dma_wait3A_743, %dma_wait3A_744, %dma_wait3A_745] : memref<7x4x4x1024xf32, #tpu.memory_space<vmem>> -> memref<1x4x4x1024xf32, #tpu.memory_space<vmem>>
    %dma_wait3A_747 = tpu.memref_squeeze %dma_wait3A_746 : memref<1x4x4x1024xf32, #tpu.memory_space<vmem>> -> memref<4x4x1024xf32, #tpu.memory_space<vmem>>
    %dma_wait3A_748 = arith.constant 0 : i32
    %dma_wait3A_749 = arith.constant 0 : i32
    %dma_wait3A_750 = tpu.memref_slice %arg4[%add3A_652, %dma_wait3A_748, %dma_wait3A_749] : memref<4096x4x1024xf32, #tpu.memory_space<hbm>> -> memref<4x4x1024xf32, #tpu.memory_space<hbm>>
    %dma_wait3A_751 = arith.constant 0 : i32
    %dma_wait3A_752 = arith.constant 0 : i32
    %dma_wait3A_753 = tpu.memref_slice %arg4[%add3A_652, %dma_wait3A_751, %dma_wait3A_752] : memref<4096x4x1024xf32, #tpu.memory_space<hbm>> -> memref<4x4x1024xf32, #tpu.memory_space<hbm>>
    %dma_wait3A_754 = arith.constant 0 : i32
    %dma_wait3A_755 = arith.constant 0 : i32
    %dma_wait3A_756 = arith.constant 0 : i32
    %dma_wait3A_757 = tpu.memref_slice %arg6[%dma_wait3A_742, %dma_wait3A_754, %dma_wait3A_755, %dma_wait3A_756] : memref<7x4x4x1024xf32, #tpu.memory_space<vmem>> -> memref<1x4x4x1024xf32, #tpu.memory_space<vmem>>
    %dma_wait3A_758 = tpu.memref_squeeze %dma_wait3A_757 : memref<1x4x4x1024xf32, #tpu.memory_space<vmem>> -> memref<4x4x1024xf32, #tpu.memory_space<vmem>>
    tpu.wait_dma2 semaphore(%arg8 : memref<!tpu.dma_semaphore, #tpu.memory_space<semaphore_mem>>) src(%dma_wait3A_758 : memref<4x4x1024xf32, #tpu.memory_space<vmem>>) dst(%dma_wait3A_753 : memref<4x4x1024xf32, #tpu.memory_space<hbm>>)
    %get3A_759 = arith.constant 224 : index
    %get3A_760 = tpu.vector_load %arg5[%get3A_759] {strides = array<i32>} : memref<512xi32, #tpu.memory_space<vmem>>, vector<16xi32>,
    %add3A_761 = arith.constant 224 : i32
    %add3A_762 = arith.addi %mul3A_4, %add3A_761 : i32
    %broadcast_in_dim3A_763 = vector.broadcast %add3A_762 : i32 to vector<16xi32>
    %add3A_764 = arith.addi %broadcast_in_dim3A_763, %iota3A : vector<16xi32>
    %shift_right_arithmetic3A_765 = arith.constant 2 : i32
    %shift_right_arithmetic3A_766 = vector.broadcast %shift_right_arithmetic3A_765 : i32 to vector<16xi32>
    %shift_right_arithmetic3A_767 = arith.shrsi %add3A_764, %shift_right_arithmetic3A_766 : vector<16xi32>
    %add3A_768 = arith.constant 2 : i32
    %add3A_769 = vector.broadcast %add3A_768 : i32 to vector<16xi32>
    %add3A_770 = arith.addi %shift_right_arithmetic3A_767, %add3A_769 : vector<16xi32>
    %ne3A_771 = arith.constant 1 : i32
    %ne3A_772 = vector.broadcast %ne3A_771 : i32 to vector<16xi32>
    %ne3A_773 = arith.cmpi ne, %get3A_760, %ne3A_772 : vector<16xi32>
    %select_n3A_774 = arith.select %ne3A_773, %add3A_770, %get3A_760 : vector<16xi1>, vector<16xi32>
    %dma_start3A_775 = arith.constant 0 : i32
    %dma_start3A_776 = arith.constant 0 : i32
    %dma_start3A_777 = arith.constant 0 : i32
    %dma_start3A_778 = arith.constant 0 : i32
    %dma_start3A_779 = tpu.memref_slice %arg6[%dma_start3A_775, %dma_start3A_776, %dma_start3A_777, %dma_start3A_778] : memref<7x4x4x1024xf32, #tpu.memory_space<vmem>> -> memref<1x4x4x1024xf32, #tpu.memory_space<vmem>>
    %dma_start3A_780 = tpu.memref_squeeze %dma_start3A_779 : memref<1x4x4x1024xf32, #tpu.memory_space<vmem>> -> memref<4x4x1024xf32, #tpu.memory_space<vmem>>
    %dma_start3A_781 = tpu.memref_reshape %dma_start3A_780 : memref<4x4x1024xf32, #tpu.memory_space<vmem>> -> memref<16x1024xf32, #tpu.memory_space<vmem>>
    %dma_start3A_782 = arith.constant 0 : i32
    %dma_start3A_783 = arith.constant 0 : i32
    %dma_start3A_784 = tpu.memref_slice %arg3[%dma_start3A_782, %dma_start3A_783] : memref<8192x1024xf32, #tpu.memory_space<hbm>> -> memref<8192x1024xf32, #tpu.memory_space<hbm>>
    tpu.enqueue_indirect_dma source(%dma_start3A_784 : memref<8192x1024xf32, #tpu.memory_space<hbm>>) target(%dma_start3A_781 : memref<16x1024xf32, #tpu.memory_space<vmem>>) offsets(%select_n3A_774 : vector<16xi32>) semaphore(%arg7 : memref<!tpu.dma_semaphore, #tpu.memory_space<semaphore_mem>>)
    %dma_wait3A_785 = arith.constant 2 : i32
    %dma_wait3A_786 = arith.constant 0 : i32
    %dma_wait3A_787 = arith.constant 0 : i32
    %dma_wait3A_788 = arith.constant 0 : i32
    %dma_wait3A_789 = tpu.memref_slice %arg6[%dma_wait3A_785, %dma_wait3A_786, %dma_wait3A_787, %dma_wait3A_788] : memref<7x4x4x1024xf32, #tpu.memory_space<vmem>> -> memref<1x4x4x1024xf32, #tpu.memory_space<vmem>>
    %dma_wait3A_790 = tpu.memref_squeeze %dma_wait3A_789 : memref<1x4x4x1024xf32, #tpu.memory_space<vmem>> -> memref<4x4x1024xf32, #tpu.memory_space<vmem>>
    %dma_wait3A_791 = tpu.memref_reshape %dma_wait3A_790 : memref<4x4x1024xf32, #tpu.memory_space<vmem>> -> memref<16x1024xf32, #tpu.memory_space<vmem>>
    %dma_wait3A_792 = arith.constant 0 : i32
    %dma_wait3A_793 = arith.constant 0 : i32
    %dma_wait3A_794 = tpu.memref_slice %arg3[%dma_wait3A_792, %dma_wait3A_793] : memref<8192x1024xf32, #tpu.memory_space<hbm>> -> memref<8192x1024xf32, #tpu.memory_space<hbm>>
    tpu.wait_indirect_dma semaphore(%arg7 : memref<!tpu.dma_semaphore, #tpu.memory_space<semaphore_mem>>) src(%dma_wait3A_794 : memref<8192x1024xf32, #tpu.memory_space<hbm>>) dst(%dma_wait3A_791 : memref<16x1024xf32, #tpu.memory_space<vmem>>)
    %add3A_795 = arith.constant 36 : i32
    %add3A_796 = arith.addi %mul3A_2, %add3A_795 : i32
    %dma_start3A_797 = arith.constant 2 : i32
    %dma_start3A_798 = arith.constant 0 : i32
    %dma_start3A_799 = arith.constant 0 : i32
    %dma_start3A_800 = arith.constant 0 : i32
    %dma_start3A_801 = tpu.memref_slice %arg6[%dma_start3A_797, %dma_start3A_798, %dma_start3A_799, %dma_start3A_800] : memref<7x4x4x1024xf32, #tpu.memory_space<vmem>> -> memref<1x4x4x1024xf32, #tpu.memory_space<vmem>>
    %dma_start3A_802 = tpu.memref_squeeze %dma_start3A_801 : memref<1x4x4x1024xf32, #tpu.memory_space<vmem>> -> memref<4x4x1024xf32, #tpu.memory_space<vmem>>
    %dma_start3A_803 = arith.constant 0 : i32
    %dma_start3A_804 = arith.constant 0 : i32
    %dma_start3A_805 = tpu.memref_slice %arg4[%add3A_796, %dma_start3A_803, %dma_start3A_804] : memref<4096x4x1024xf32, #tpu.memory_space<hbm>> -> memref<4x4x1024xf32, #tpu.memory_space<hbm>>
    %dma_start3A_806 = arith.constant 0 : i32
    %dma_start3A_807 = arith.constant 0 : i32
    %dma_start3A_808 = tpu.memref_slice %arg4[%add3A_796, %dma_start3A_806, %dma_start3A_807] : memref<4096x4x1024xf32, #tpu.memory_space<hbm>> -> memref<4x4x1024xf32, #tpu.memory_space<hbm>>
    %dma_start3A_809 = arith.constant 0 : i32
    %dma_start3A_810 = arith.constant 0 : i32
    %dma_start3A_811 = arith.constant 0 : i32
    %dma_start3A_812 = tpu.memref_slice %arg6[%dma_start3A_797, %dma_start3A_809, %dma_start3A_810, %dma_start3A_811] : memref<7x4x4x1024xf32, #tpu.memory_space<vmem>> -> memref<1x4x4x1024xf32, #tpu.memory_space<vmem>>
    %dma_start3A_813 = tpu.memref_squeeze %dma_start3A_812 : memref<1x4x4x1024xf32, #tpu.memory_space<vmem>> -> memref<4x4x1024xf32, #tpu.memory_space<vmem>>
    tpu.enqueue_dma source(%dma_start3A_813 : memref<4x4x1024xf32, #tpu.memory_space<vmem>>) target(%dma_start3A_808 : memref<4x4x1024xf32, #tpu.memory_space<hbm>>) target_semaphore(%arg8 : memref<!tpu.dma_semaphore, #tpu.memory_space<semaphore_mem>>)
    %dma_wait3A_814 = arith.constant 1 : i32
    %dma_wait3A_815 = arith.constant 0 : i32
    %dma_wait3A_816 = arith.constant 0 : i32
    %dma_wait3A_817 = arith.constant 0 : i32
    %dma_wait3A_818 = tpu.memref_slice %arg6[%dma_wait3A_814, %dma_wait3A_815, %dma_wait3A_816, %dma_wait3A_817] : memref<7x4x4x1024xf32, #tpu.memory_space<vmem>> -> memref<1x4x4x1024xf32, #tpu.memory_space<vmem>>
    %dma_wait3A_819 = tpu.memref_squeeze %dma_wait3A_818 : memref<1x4x4x1024xf32, #tpu.memory_space<vmem>> -> memref<4x4x1024xf32, #tpu.memory_space<vmem>>
    %dma_wait3A_820 = arith.constant 0 : i32
    %dma_wait3A_821 = arith.constant 0 : i32
    %dma_wait3A_822 = tpu.memref_slice %arg4[%add3A_724, %dma_wait3A_820, %dma_wait3A_821] : memref<4096x4x1024xf32, #tpu.memory_space<hbm>> -> memref<4x4x1024xf32, #tpu.memory_space<hbm>>
    %dma_wait3A_823 = arith.constant 0 : i32
    %dma_wait3A_824 = arith.constant 0 : i32
    %dma_wait3A_825 = tpu.memref_slice %arg4[%add3A_724, %dma_wait3A_823, %dma_wait3A_824] : memref<4096x4x1024xf32, #tpu.memory_space<hbm>> -> memref<4x4x1024xf32, #tpu.memory_space<hbm>>
    %dma_wait3A_826 = arith.constant 0 : i32
    %dma_wait3A_827 = arith.constant 0 : i32
    %dma_wait3A_828 = arith.constant 0 : i32
    %dma_wait3A_829 = tpu.memref_slice %arg6[%dma_wait3A_814, %dma_wait3A_826, %dma_wait3A_827, %dma_wait3A_828] : memref<7x4x4x1024xf32, #tpu.memory_space<vmem>> -> memref<1x4x4x1024xf32, #tpu.memory_space<vmem>>
    %dma_wait3A_830 = tpu.memref_squeeze %dma_wait3A_829 : memref<1x4x4x1024xf32, #tpu.memory_space<vmem>> -> memref<4x4x1024xf32, #tpu.memory_space<vmem>>
    tpu.wait_dma2 semaphore(%arg8 : memref<!tpu.dma_semaphore, #tpu.memory_space<semaphore_mem>>) src(%dma_wait3A_830 : memref<4x4x1024xf32, #tpu.memory_space<vmem>>) dst(%dma_wait3A_825 : memref<4x4x1024xf32, #tpu.memory_space<hbm>>)
    %get3A_831 = arith.constant 240 : index
    %get3A_832 = tpu.vector_load %arg5[%get3A_831] {strides = array<i32>} : memref<512xi32, #tpu.memory_space<vmem>>, vector<16xi32>,
    %add3A_833 = arith.constant 240 : i32
    %add3A_834 = arith.addi %mul3A_4, %add3A_833 : i32
    %broadcast_in_dim3A_835 = vector.broadcast %add3A_834 : i32 to vector<16xi32>
    %add3A_836 = arith.addi %broadcast_in_dim3A_835, %iota3A : vector<16xi32>
    %shift_right_arithmetic3A_837 = arith.constant 2 : i32
    %shift_right_arithmetic3A_838 = vector.broadcast %shift_right_arithmetic3A_837 : i32 to vector<16xi32>
    %shift_right_arithmetic3A_839 = arith.shrsi %add3A_836, %shift_right_arithmetic3A_838 : vector<16xi32>
    %add3A_840 = arith.constant 2 : i32
    %add3A_841 = vector.broadcast %add3A_840 : i32 to vector<16xi32>
    %add3A_842 = arith.addi %shift_right_arithmetic3A_839, %add3A_841 : vector<16xi32>
    %ne3A_843 = arith.constant 1 : i32
    %ne3A_844 = vector.broadcast %ne3A_843 : i32 to vector<16xi32>
    %ne3A_845 = arith.cmpi ne, %get3A_832, %ne3A_844 : vector<16xi32>
    %select_n3A_846 = arith.select %ne3A_845, %add3A_842, %get3A_832 : vector<16xi1>, vector<16xi32>
    %dma_start3A_847 = arith.constant 1 : i32
    %dma_start3A_848 = arith.constant 0 : i32
    %dma_start3A_849 = arith.constant 0 : i32
    %dma_start3A_850 = arith.constant 0 : i32
    %dma_start3A_851 = tpu.memref_slice %arg6[%dma_start3A_847, %dma_start3A_848, %dma_start3A_849, %dma_start3A_850] : memref<7x4x4x1024xf32, #tpu.memory_space<vmem>> -> memref<1x4x4x1024xf32, #tpu.memory_space<vmem>>
    %dma_start3A_852 = tpu.memref_squeeze %dma_start3A_851 : memref<1x4x4x1024xf32, #tpu.memory_space<vmem>> -> memref<4x4x1024xf32, #tpu.memory_space<vmem>>
    %dma_start3A_853 = tpu.memref_reshape %dma_start3A_852 : memref<4x4x1024xf32, #tpu.memory_space<vmem>> -> memref<16x1024xf32, #tpu.memory_space<vmem>>
    %dma_start3A_854 = arith.constant 0 : i32
    %dma_start3A_855 = arith.constant 0 : i32
    %dma_start3A_856 = tpu.memref_slice %arg3[%dma_start3A_854, %dma_start3A_855] : memref<8192x1024xf32, #tpu.memory_space<hbm>> -> memref<8192x1024xf32, #tpu.memory_space<hbm>>
    tpu.enqueue_indirect_dma source(%dma_start3A_856 : memref<8192x1024xf32, #tpu.memory_space<hbm>>) target(%dma_start3A_853 : memref<16x1024xf32, #tpu.memory_space<vmem>>) offsets(%select_n3A_846 : vector<16xi32>) semaphore(%arg7 : memref<!tpu.dma_semaphore, #tpu.memory_space<semaphore_mem>>)
    %dma_wait3A_857 = arith.constant 3 : i32
    %dma_wait3A_858 = arith.constant 0 : i32
    %dma_wait3A_859 = arith.constant 0 : i32
    %dma_wait3A_860 = arith.constant 0 : i32
    %dma_wait3A_861 = tpu.memref_slice %arg6[%dma_wait3A_857, %dma_wait3A_858, %dma_wait3A_859, %dma_wait3A_860] : memref<7x4x4x1024xf32, #tpu.memory_space<vmem>> -> memref<1x4x4x1024xf32, #tpu.memory_space<vmem>>
    %dma_wait3A_862 = tpu.memref_squeeze %dma_wait3A_861 : memref<1x4x4x1024xf32, #tpu.memory_space<vmem>> -> memref<4x4x1024xf32, #tpu.memory_space<vmem>>
    %dma_wait3A_863 = tpu.memref_reshape %dma_wait3A_862 : memref<4x4x1024xf32, #tpu.memory_space<vmem>> -> memref<16x1024xf32, #tpu.memory_space<vmem>>
    %dma_wait3A_864 = arith.constant 0 : i32
    %dma_wait3A_865 = arith.constant 0 : i32
    %dma_wait3A_866 = tpu.memref_slice %arg3[%dma_wait3A_864, %dma_wait3A_865] : memref<8192x1024xf32, #tpu.memory_space<hbm>> -> memref<8192x1024xf32, #tpu.memory_space<hbm>>
    tpu.wait_indirect_dma semaphore(%arg7 : memref<!tpu.dma_semaphore, #tpu.memory_space<semaphore_mem>>) src(%dma_wait3A_866 : memref<8192x1024xf32, #tpu.memory_space<hbm>>) dst(%dma_wait3A_863 : memref<16x1024xf32, #tpu.memory_space<vmem>>)
    %add3A_867 = arith.constant 40 : i32
    %add3A_868 = arith.addi %mul3A_2, %add3A_867 : i32
    %dma_start3A_869 = arith.constant 3 : i32
    %dma_start3A_870 = arith.constant 0 : i32
    %dma_start3A_871 = arith.constant 0 : i32
    %dma_start3A_872 = arith.constant 0 : i32
    %dma_start3A_873 = tpu.memref_slice %arg6[%dma_start3A_869, %dma_start3A_870, %dma_start3A_871, %dma_start3A_872] : memref<7x4x4x1024xf32, #tpu.memory_space<vmem>> -> memref<1x4x4x1024xf32, #tpu.memory_space<vmem>>
    %dma_start3A_874 = tpu.memref_squeeze %dma_start3A_873 : memref<1x4x4x1024xf32, #tpu.memory_space<vmem>> -> memref<4x4x1024xf32, #tpu.memory_space<vmem>>
    %dma_start3A_875 = arith.constant 0 : i32
    %dma_start3A_876 = arith.constant 0 : i32
    %dma_start3A_877 = tpu.memref_slice %arg4[%add3A_868, %dma_start3A_875, %dma_start3A_876] : memref<4096x4x1024xf32, #tpu.memory_space<hbm>> -> memref<4x4x1024xf32, #tpu.memory_space<hbm>>
    %dma_start3A_878 = arith.constant 0 : i32
    %dma_start3A_879 = arith.constant 0 : i32
    %dma_start3A_880 = tpu.memref_slice %arg4[%add3A_868, %dma_start3A_878, %dma_start3A_879] : memref<4096x4x1024xf32, #tpu.memory_space<hbm>> -> memref<4x4x1024xf32, #tpu.memory_space<hbm>>
    %dma_start3A_881 = arith.constant 0 : i32
    %dma_start3A_882 = arith.constant 0 : i32
    %dma_start3A_883 = arith.constant 0 : i32
    %dma_start3A_884 = tpu.memref_slice %arg6[%dma_start3A_869, %dma_start3A_881, %dma_start3A_882, %dma_start3A_883] : memref<7x4x4x1024xf32, #tpu.memory_space<vmem>> -> memref<1x4x4x1024xf32, #tpu.memory_space<vmem>>
    %dma_start3A_885 = tpu.memref_squeeze %dma_start3A_884 : memref<1x4x4x1024xf32, #tpu.memory_space<vmem>> -> memref<4x4x1024xf32, #tpu.memory_space<vmem>>
    tpu.enqueue_dma source(%dma_start3A_885 : memref<4x4x1024xf32, #tpu.memory_space<vmem>>) target(%dma_start3A_880 : memref<4x4x1024xf32, #tpu.memory_space<hbm>>) target_semaphore(%arg8 : memref<!tpu.dma_semaphore, #tpu.memory_space<semaphore_mem>>)
    %dma_wait3A_886 = arith.constant 2 : i32
    %dma_wait3A_887 = arith.constant 0 : i32
    %dma_wait3A_888 = arith.constant 0 : i32
    %dma_wait3A_889 = arith.constant 0 : i32
    %dma_wait3A_890 = tpu.memref_slice %arg6[%dma_wait3A_886, %dma_wait3A_887, %dma_wait3A_888, %dma_wait3A_889] : memref<7x4x4x1024xf32, #tpu.memory_space<vmem>> -> memref<1x4x4x1024xf32, #tpu.memory_space<vmem>>
    %dma_wait3A_891 = tpu.memref_squeeze %dma_wait3A_890 : memref<1x4x4x1024xf32, #tpu.memory_space<vmem>> -> memref<4x4x1024xf32, #tpu.memory_space<vmem>>
    %dma_wait3A_892 = arith.constant 0 : i32
    %dma_wait3A_893 = arith.constant 0 : i32
    %dma_wait3A_894 = tpu.memref_slice %arg4[%add3A_796, %dma_wait3A_892, %dma_wait3A_893] : memref<4096x4x1024xf32, #tpu.memory_space<hbm>> -> memref<4x4x1024xf32, #tpu.memory_space<hbm>>
    %dma_wait3A_895 = arith.constant 0 : i32
    %dma_wait3A_896 = arith.constant 0 : i32
    %dma_wait3A_897 = tpu.memref_slice %arg4[%add3A_796, %dma_wait3A_895, %dma_wait3A_896] : memref<4096x4x1024xf32, #tpu.memory_space<hbm>> -> memref<4x4x1024xf32, #tpu.memory_space<hbm>>
    %dma_wait3A_898 = arith.constant 0 : i32
    %dma_wait3A_899 = arith.constant 0 : i32
    %dma_wait3A_900 = arith.constant 0 : i32
    %dma_wait3A_901 = tpu.memref_slice %arg6[%dma_wait3A_886, %dma_wait3A_898, %dma_wait3A_899, %dma_wait3A_900] : memref<7x4x4x1024xf32, #tpu.memory_space<vmem>> -> memref<1x4x4x1024xf32, #tpu.memory_space<vmem>>
    %dma_wait3A_902 = tpu.memref_squeeze %dma_wait3A_901 : memref<1x4x4x1024xf32, #tpu.memory_space<vmem>> -> memref<4x4x1024xf32, #tpu.memory_space<vmem>>
    tpu.wait_dma2 semaphore(%arg8 : memref<!tpu.dma_semaphore, #tpu.memory_space<semaphore_mem>>) src(%dma_wait3A_902 : memref<4x4x1024xf32, #tpu.memory_space<vmem>>) dst(%dma_wait3A_897 : memref<4x4x1024xf32, #tpu.memory_space<hbm>>)
    %get3A_903 = arith.constant 256 : index
    %get3A_904 = tpu.vector_load %arg5[%get3A_903] {strides = array<i32>} : memref<512xi32, #tpu.memory_space<vmem>>, vector<16xi32>,
    %add3A_905 = arith.constant 256 : i32
    %add3A_906 = arith.addi %mul3A_4, %add3A_905 : i32
    %broadcast_in_dim3A_907 = vector.broadcast %add3A_906 : i32 to vector<16xi32>
    %add3A_908 = arith.addi %broadcast_in_dim3A_907, %iota3A : vector<16xi32>
    %shift_right_arithmetic3A_909 = arith.constant 2 : i32
    %shift_right_arithmetic3A_910 = vector.broadcast %shift_right_arithmetic3A_909 : i32 to vector<16xi32>
    %shift_right_arithmetic3A_911 = arith.shrsi %add3A_908, %shift_right_arithmetic3A_910 : vector<16xi32>
    %add3A_912 = arith.constant 2 : i32
    %add3A_913 = vector.broadcast %add3A_912 : i32 to vector<16xi32>
    %add3A_914 = arith.addi %shift_right_arithmetic3A_911, %add3A_913 : vector<16xi32>
    %ne3A_915 = arith.constant 1 : i32
    %ne3A_916 = vector.broadcast %ne3A_915 : i32 to vector<16xi32>
    %ne3A_917 = arith.cmpi ne, %get3A_904, %ne3A_916 : vector<16xi32>
    %select_n3A_918 = arith.select %ne3A_917, %add3A_914, %get3A_904 : vector<16xi1>, vector<16xi32>
    %dma_start3A_919 = arith.constant 2 : i32
    %dma_start3A_920 = arith.constant 0 : i32
    %dma_start3A_921 = arith.constant 0 : i32
    %dma_start3A_922 = arith.constant 0 : i32
    %dma_start3A_923 = tpu.memref_slice %arg6[%dma_start3A_919, %dma_start3A_920, %dma_start3A_921, %dma_start3A_922] : memref<7x4x4x1024xf32, #tpu.memory_space<vmem>> -> memref<1x4x4x1024xf32, #tpu.memory_space<vmem>>
    %dma_start3A_924 = tpu.memref_squeeze %dma_start3A_923 : memref<1x4x4x1024xf32, #tpu.memory_space<vmem>> -> memref<4x4x1024xf32, #tpu.memory_space<vmem>>
    %dma_start3A_925 = tpu.memref_reshape %dma_start3A_924 : memref<4x4x1024xf32, #tpu.memory_space<vmem>> -> memref<16x1024xf32, #tpu.memory_space<vmem>>
    %dma_start3A_926 = arith.constant 0 : i32
    %dma_start3A_927 = arith.constant 0 : i32
    %dma_start3A_928 = tpu.memref_slice %arg3[%dma_start3A_926, %dma_start3A_927] : memref<8192x1024xf32, #tpu.memory_space<hbm>> -> memref<8192x1024xf32, #tpu.memory_space<hbm>>
    tpu.enqueue_indirect_dma source(%dma_start3A_928 : memref<8192x1024xf32, #tpu.memory_space<hbm>>) target(%dma_start3A_925 : memref<16x1024xf32, #tpu.memory_space<vmem>>) offsets(%select_n3A_918 : vector<16xi32>) semaphore(%arg7 : memref<!tpu.dma_semaphore, #tpu.memory_space<semaphore_mem>>)
    %dma_wait3A_929 = arith.constant 4 : i32
    %dma_wait3A_930 = arith.constant 0 : i32
    %dma_wait3A_931 = arith.constant 0 : i32
    %dma_wait3A_932 = arith.constant 0 : i32
    %dma_wait3A_933 = tpu.memref_slice %arg6[%dma_wait3A_929, %dma_wait3A_930, %dma_wait3A_931, %dma_wait3A_932] : memref<7x4x4x1024xf32, #tpu.memory_space<vmem>> -> memref<1x4x4x1024xf32, #tpu.memory_space<vmem>>
    %dma_wait3A_934 = tpu.memref_squeeze %dma_wait3A_933 : memref<1x4x4x1024xf32, #tpu.memory_space<vmem>> -> memref<4x4x1024xf32, #tpu.memory_space<vmem>>
    %dma_wait3A_935 = tpu.memref_reshape %dma_wait3A_934 : memref<4x4x1024xf32, #tpu.memory_space<vmem>> -> memref<16x1024xf32, #tpu.memory_space<vmem>>
    %dma_wait3A_936 = arith.constant 0 : i32
    %dma_wait3A_937 = arith.constant 0 : i32
    %dma_wait3A_938 = tpu.memref_slice %arg3[%dma_wait3A_936, %dma_wait3A_937] : memref<8192x1024xf32, #tpu.memory_space<hbm>> -> memref<8192x1024xf32, #tpu.memory_space<hbm>>
    tpu.wait_indirect_dma semaphore(%arg7 : memref<!tpu.dma_semaphore, #tpu.memory_space<semaphore_mem>>) src(%dma_wait3A_938 : memref<8192x1024xf32, #tpu.memory_space<hbm>>) dst(%dma_wait3A_935 : memref<16x1024xf32, #tpu.memory_space<vmem>>)
    %add3A_939 = arith.constant 44 : i32
    %add3A_940 = arith.addi %mul3A_2, %add3A_939 : i32
    %dma_start3A_941 = arith.constant 4 : i32
    %dma_start3A_942 = arith.constant 0 : i32
    %dma_start3A_943 = arith.constant 0 : i32
    %dma_start3A_944 = arith.constant 0 : i32
    %dma_start3A_945 = tpu.memref_slice %arg6[%dma_start3A_941, %dma_start3A_942, %dma_start3A_943, %dma_start3A_944] : memref<7x4x4x1024xf32, #tpu.memory_space<vmem>> -> memref<1x4x4x1024xf32, #tpu.memory_space<vmem>>
    %dma_start3A_946 = tpu.memref_squeeze %dma_start3A_945 : memref<1x4x4x1024xf32, #tpu.memory_space<vmem>> -> memref<4x4x1024xf32, #tpu.memory_space<vmem>>
    %dma_start3A_947 = arith.constant 0 : i32
    %dma_start3A_948 = arith.constant 0 : i32
    %dma_start3A_949 = tpu.memref_slice %arg4[%add3A_940, %dma_start3A_947, %dma_start3A_948] : memref<4096x4x1024xf32, #tpu.memory_space<hbm>> -> memref<4x4x1024xf32, #tpu.memory_space<hbm>>
    %dma_start3A_950 = arith.constant 0 : i32
    %dma_start3A_951 = arith.constant 0 : i32
    %dma_start3A_952 = tpu.memref_slice %arg4[%add3A_940, %dma_start3A_950, %dma_start3A_951] : memref<4096x4x1024xf32, #tpu.memory_space<hbm>> -> memref<4x4x1024xf32, #tpu.memory_space<hbm>>
    %dma_start3A_953 = arith.constant 0 : i32
    %dma_start3A_954 = arith.constant 0 : i32
    %dma_start3A_955 = arith.constant 0 : i32
    %dma_start3A_956 = tpu.memref_slice %arg6[%dma_start3A_941, %dma_start3A_953, %dma_start3A_954, %dma_start3A_955] : memref<7x4x4x1024xf32, #tpu.memory_space<vmem>> -> memref<1x4x4x1024xf32, #tpu.memory_space<vmem>>
    %dma_start3A_957 = tpu.memref_squeeze %dma_start3A_956 : memref<1x4x4x1024xf32, #tpu.memory_space<vmem>> -> memref<4x4x1024xf32, #tpu.memory_space<vmem>>
    tpu.enqueue_dma source(%dma_start3A_957 : memref<4x4x1024xf32, #tpu.memory_space<vmem>>) target(%dma_start3A_952 : memref<4x4x1024xf32, #tpu.memory_space<hbm>>) target_semaphore(%arg8 : memref<!tpu.dma_semaphore, #tpu.memory_space<semaphore_mem>>)
    %dma_wait3A_958 = arith.constant 3 : i32
    %dma_wait3A_959 = arith.constant 0 : i32
    %dma_wait3A_960 = arith.constant 0 : i32
    %dma_wait3A_961 = arith.constant 0 : i32
    %dma_wait3A_962 = tpu.memref_slice %arg6[%dma_wait3A_958, %dma_wait3A_959, %dma_wait3A_960, %dma_wait3A_961] : memref<7x4x4x1024xf32, #tpu.memory_space<vmem>> -> memref<1x4x4x1024xf32, #tpu.memory_space<vmem>>
    %dma_wait3A_963 = tpu.memref_squeeze %dma_wait3A_962 : memref<1x4x4x1024xf32, #tpu.memory_space<vmem>> -> memref<4x4x1024xf32, #tpu.memory_space<vmem>>
    %dma_wait3A_964 = arith.constant 0 : i32
    %dma_wait3A_965 = arith.constant 0 : i32
    %dma_wait3A_966 = tpu.memref_slice %arg4[%add3A_868, %dma_wait3A_964, %dma_wait3A_965] : memref<4096x4x1024xf32, #tpu.memory_space<hbm>> -> memref<4x4x1024xf32, #tpu.memory_space<hbm>>
    %dma_wait3A_967 = arith.constant 0 : i32
    %dma_wait3A_968 = arith.constant 0 : i32
    %dma_wait3A_969 = tpu.memref_slice %arg4[%add3A_868, %dma_wait3A_967, %dma_wait3A_968] : memref<4096x4x1024xf32, #tpu.memory_space<hbm>> -> memref<4x4x1024xf32, #tpu.memory_space<hbm>>
    %dma_wait3A_970 = arith.constant 0 : i32
    %dma_wait3A_971 = arith.constant 0 : i32
    %dma_wait3A_972 = arith.constant 0 : i32
    %dma_wait3A_973 = tpu.memref_slice %arg6[%dma_wait3A_958, %dma_wait3A_970, %dma_wait3A_971, %dma_wait3A_972] : memref<7x4x4x1024xf32, #tpu.memory_space<vmem>> -> memref<1x4x4x1024xf32, #tpu.memory_space<vmem>>
    %dma_wait3A_974 = tpu.memref_squeeze %dma_wait3A_973 : memref<1x4x4x1024xf32, #tpu.memory_space<vmem>> -> memref<4x4x1024xf32, #tpu.memory_space<vmem>>
    tpu.wait_dma2 semaphore(%arg8 : memref<!tpu.dma_semaphore, #tpu.memory_space<semaphore_mem>>) src(%dma_wait3A_974 : memref<4x4x1024xf32, #tpu.memory_space<vmem>>) dst(%dma_wait3A_969 : memref<4x4x1024xf32, #tpu.memory_space<hbm>>)
    %get3A_975 = arith.constant 272 : index
    %get3A_976 = tpu.vector_load %arg5[%get3A_975] {strides = array<i32>} : memref<512xi32, #tpu.memory_space<vmem>>, vector<16xi32>,
    %add3A_977 = arith.constant 272 : i32
    %add3A_978 = arith.addi %mul3A_4, %add3A_977 : i32
    %broadcast_in_dim3A_979 = vector.broadcast %add3A_978 : i32 to vector<16xi32>
    %add3A_980 = arith.addi %broadcast_in_dim3A_979, %iota3A : vector<16xi32>
    %shift_right_arithmetic3A_981 = arith.constant 2 : i32
    %shift_right_arithmetic3A_982 = vector.broadcast %shift_right_arithmetic3A_981 : i32 to vector<16xi32>
    %shift_right_arithmetic3A_983 = arith.shrsi %add3A_980, %shift_right_arithmetic3A_982 : vector<16xi32>
    %add3A_984 = arith.constant 2 : i32
    %add3A_985 = vector.broadcast %add3A_984 : i32 to vector<16xi32>
    %add3A_986 = arith.addi %shift_right_arithmetic3A_983, %add3A_985 : vector<16xi32>
    %ne3A_987 = arith.constant 1 : i32
    %ne3A_988 = vector.broadcast %ne3A_987 : i32 to vector<16xi32>
    %ne3A_989 = arith.cmpi ne, %get3A_976, %ne3A_988 : vector<16xi32>
    %select_n3A_990 = arith.select %ne3A_989, %add3A_986, %get3A_976 : vector<16xi1>, vector<16xi32>
    %dma_start3A_991 = arith.constant 3 : i32
    %dma_start3A_992 = arith.constant 0 : i32
    %dma_start3A_993 = arith.constant 0 : i32
    %dma_start3A_994 = arith.constant 0 : i32
    %dma_start3A_995 = tpu.memref_slice %arg6[%dma_start3A_991, %dma_start3A_992, %dma_start3A_993, %dma_start3A_994] : memref<7x4x4x1024xf32, #tpu.memory_space<vmem>> -> memref<1x4x4x1024xf32, #tpu.memory_space<vmem>>
    %dma_start3A_996 = tpu.memref_squeeze %dma_start3A_995 : memref<1x4x4x1024xf32, #tpu.memory_space<vmem>> -> memref<4x4x1024xf32, #tpu.memory_space<vmem>>
    %dma_start3A_997 = tpu.memref_reshape %dma_start3A_996 : memref<4x4x1024xf32, #tpu.memory_space<vmem>> -> memref<16x1024xf32, #tpu.memory_space<vmem>>
    %dma_start3A_998 = arith.constant 0 : i32
    %dma_start3A_999 = arith.constant 0 : i32
    %dma_start3A_1000 = tpu.memref_slice %arg3[%dma_start3A_998, %dma_start3A_999] : memref<8192x1024xf32, #tpu.memory_space<hbm>> -> memref<8192x1024xf32, #tpu.memory_space<hbm>>
    tpu.enqueue_indirect_dma source(%dma_start3A_1000 : memref<8192x1024xf32, #tpu.memory_space<hbm>>) target(%dma_start3A_997 : memref<16x1024xf32, #tpu.memory_space<vmem>>) offsets(%select_n3A_990 : vector<16xi32>) semaphore(%arg7 : memref<!tpu.dma_semaphore, #tpu.memory_space<semaphore_mem>>)
    %dma_wait3A_1001 = arith.constant 5 : i32
    %dma_wait3A_1002 = arith.constant 0 : i32
    %dma_wait3A_1003 = arith.constant 0 : i32
    %dma_wait3A_1004 = arith.constant 0 : i32
    %dma_wait3A_1005 = tpu.memref_slice %arg6[%dma_wait3A_1001, %dma_wait3A_1002, %dma_wait3A_1003, %dma_wait3A_1004] : memref<7x4x4x1024xf32, #tpu.memory_space<vmem>> -> memref<1x4x4x1024xf32, #tpu.memory_space<vmem>>
    %dma_wait3A_1006 = tpu.memref_squeeze %dma_wait3A_1005 : memref<1x4x4x1024xf32, #tpu.memory_space<vmem>> -> memref<4x4x1024xf32, #tpu.memory_space<vmem>>
    %dma_wait3A_1007 = tpu.memref_reshape %dma_wait3A_1006 : memref<4x4x1024xf32, #tpu.memory_space<vmem>> -> memref<16x1024xf32, #tpu.memory_space<vmem>>
    %dma_wait3A_1008 = arith.constant 0 : i32
    %dma_wait3A_1009 = arith.constant 0 : i32
    %dma_wait3A_1010 = tpu.memref_slice %arg3[%dma_wait3A_1008, %dma_wait3A_1009] : memref<8192x1024xf32, #tpu.memory_space<hbm>> -> memref<8192x1024xf32, #tpu.memory_space<hbm>>
    tpu.wait_indirect_dma semaphore(%arg7 : memref<!tpu.dma_semaphore, #tpu.memory_space<semaphore_mem>>) src(%dma_wait3A_1010 : memref<8192x1024xf32, #tpu.memory_space<hbm>>) dst(%dma_wait3A_1007 : memref<16x1024xf32, #tpu.memory_space<vmem>>)
    %add3A_1011 = arith.constant 48 : i32
    %add3A_1012 = arith.addi %mul3A_2, %add3A_1011 : i32
    %dma_start3A_1013 = arith.constant 5 : i32
    %dma_start3A_1014 = arith.constant 0 : i32
    %dma_start3A_1015 = arith.constant 0 : i32
    %dma_start3A_1016 = arith.constant 0 : i32
    %dma_start3A_1017 = tpu.memref_slice %arg6[%dma_start3A_1013, %dma_start3A_1014, %dma_start3A_1015, %dma_start3A_1016] : memref<7x4x4x1024xf32, #tpu.memory_space<vmem>> -> memref<1x4x4x1024xf32, #tpu.memory_space<vmem>>
    %dma_start3A_1018 = tpu.memref_squeeze %dma_start3A_1017 : memref<1x4x4x1024xf32, #tpu.memory_space<vmem>> -> memref<4x4x1024xf32, #tpu.memory_space<vmem>>
    %dma_start3A_1019 = arith.constant 0 : i32
    %dma_start3A_1020 = arith.constant 0 : i32
    %dma_start3A_1021 = tpu.memref_slice %arg4[%add3A_1012, %dma_start3A_1019, %dma_start3A_1020] : memref<4096x4x1024xf32, #tpu.memory_space<hbm>> -> memref<4x4x1024xf32, #tpu.memory_space<hbm>>
    %dma_start3A_1022 = arith.constant 0 : i32
    %dma_start3A_1023 = arith.constant 0 : i32
    %dma_start3A_1024 = tpu.memref_slice %arg4[%add3A_1012, %dma_start3A_1022, %dma_start3A_1023] : memref<4096x4x1024xf32, #tpu.memory_space<hbm>> -> memref<4x4x1024xf32, #tpu.memory_space<hbm>>
    %dma_start3A_1025 = arith.constant 0 : i32
    %dma_start3A_1026 = arith.constant 0 : i32
    %dma_start3A_1027 = arith.constant 0 : i32
    %dma_start3A_1028 = tpu.memref_slice %arg6[%dma_start3A_1013, %dma_start3A_1025, %dma_start3A_1026, %dma_start3A_1027] : memref<7x4x4x1024xf32, #tpu.memory_space<vmem>> -> memref<1x4x4x1024xf32, #tpu.memory_space<vmem>>
    %dma_start3A_1029 = tpu.memref_squeeze %dma_start3A_1028 : memref<1x4x4x1024xf32, #tpu.memory_space<vmem>> -> memref<4x4x1024xf32, #tpu.memory_space<vmem>>
    tpu.enqueue_dma source(%dma_start3A_1029 : memref<4x4x1024xf32, #tpu.memory_space<vmem>>) target(%dma_start3A_1024 : memref<4x4x1024xf32, #tpu.memory_space<hbm>>) target_semaphore(%arg8 : memref<!tpu.dma_semaphore, #tpu.memory_space<semaphore_mem>>)
    %dma_wait3A_1030 = arith.constant 4 : i32
    %dma_wait3A_1031 = arith.constant 0 : i32
    %dma_wait3A_1032 = arith.constant 0 : i32
    %dma_wait3A_1033 = arith.constant 0 : i32
    %dma_wait3A_1034 = tpu.memref_slice %arg6[%dma_wait3A_1030, %dma_wait3A_1031, %dma_wait3A_1032, %dma_wait3A_1033] : memref<7x4x4x1024xf32, #tpu.memory_space<vmem>> -> memref<1x4x4x1024xf32, #tpu.memory_space<vmem>>
    %dma_wait3A_1035 = tpu.memref_squeeze %dma_wait3A_1034 : memref<1x4x4x1024xf32, #tpu.memory_space<vmem>> -> memref<4x4x1024xf32, #tpu.memory_space<vmem>>
    %dma_wait3A_1036 = arith.constant 0 : i32
    %dma_wait3A_1037 = arith.constant 0 : i32
    %dma_wait3A_1038 = tpu.memref_slice %arg4[%add3A_940, %dma_wait3A_1036, %dma_wait3A_1037] : memref<4096x4x1024xf32, #tpu.memory_space<hbm>> -> memref<4x4x1024xf32, #tpu.memory_space<hbm>>
    %dma_wait3A_1039 = arith.constant 0 : i32
    %dma_wait3A_1040 = arith.constant 0 : i32
    %dma_wait3A_1041 = tpu.memref_slice %arg4[%add3A_940, %dma_wait3A_1039, %dma_wait3A_1040] : memref<4096x4x1024xf32, #tpu.memory_space<hbm>> -> memref<4x4x1024xf32, #tpu.memory_space<hbm>>
    %dma_wait3A_1042 = arith.constant 0 : i32
    %dma_wait3A_1043 = arith.constant 0 : i32
    %dma_wait3A_1044 = arith.constant 0 : i32
    %dma_wait3A_1045 = tpu.memref_slice %arg6[%dma_wait3A_1030, %dma_wait3A_1042, %dma_wait3A_1043, %dma_wait3A_1044] : memref<7x4x4x1024xf32, #tpu.memory_space<vmem>> -> memref<1x4x4x1024xf32, #tpu.memory_space<vmem>>
    %dma_wait3A_1046 = tpu.memref_squeeze %dma_wait3A_1045 : memref<1x4x4x1024xf32, #tpu.memory_space<vmem>> -> memref<4x4x1024xf32, #tpu.memory_space<vmem>>
    tpu.wait_dma2 semaphore(%arg8 : memref<!tpu.dma_semaphore, #tpu.memory_space<semaphore_mem>>) src(%dma_wait3A_1046 : memref<4x4x1024xf32, #tpu.memory_space<vmem>>) dst(%dma_wait3A_1041 : memref<4x4x1024xf32, #tpu.memory_space<hbm>>)
    %get3A_1047 = arith.constant 288 : index
    %get3A_1048 = tpu.vector_load %arg5[%get3A_1047] {strides = array<i32>} : memref<512xi32, #tpu.memory_space<vmem>>, vector<16xi32>,
    %add3A_1049 = arith.constant 288 : i32
    %add3A_1050 = arith.addi %mul3A_4, %add3A_1049 : i32
    %broadcast_in_dim3A_1051 = vector.broadcast %add3A_1050 : i32 to vector<16xi32>
    %add3A_1052 = arith.addi %broadcast_in_dim3A_1051, %iota3A : vector<16xi32>
    %shift_right_arithmetic3A_1053 = arith.constant 2 : i32
    %shift_right_arithmetic3A_1054 = vector.broadcast %shift_right_arithmetic3A_1053 : i32 to vector<16xi32>
    %shift_right_arithmetic3A_1055 = arith.shrsi %add3A_1052, %shift_right_arithmetic3A_1054 : vector<16xi32>
    %add3A_1056 = arith.constant 2 : i32
    %add3A_1057 = vector.broadcast %add3A_1056 : i32 to vector<16xi32>
    %add3A_1058 = arith.addi %shift_right_arithmetic3A_1055, %add3A_1057 : vector<16xi32>
    %ne3A_1059 = arith.constant 1 : i32
    %ne3A_1060 = vector.broadcast %ne3A_1059 : i32 to vector<16xi32>
    %ne3A_1061 = arith.cmpi ne, %get3A_1048, %ne3A_1060 : vector<16xi32>
    %select_n3A_1062 = arith.select %ne3A_1061, %add3A_1058, %get3A_1048 : vector<16xi1>, vector<16xi32>
    %dma_start3A_1063 = arith.constant 4 : i32
    %dma_start3A_1064 = arith.constant 0 : i32
    %dma_start3A_1065 = arith.constant 0 : i32
    %dma_start3A_1066 = arith.constant 0 : i32
    %dma_start3A_1067 = tpu.memref_slice %arg6[%dma_start3A_1063, %dma_start3A_1064, %dma_start3A_1065, %dma_start3A_1066] : memref<7x4x4x1024xf32, #tpu.memory_space<vmem>> -> memref<1x4x4x1024xf32, #tpu.memory_space<vmem>>
    %dma_start3A_1068 = tpu.memref_squeeze %dma_start3A_1067 : memref<1x4x4x1024xf32, #tpu.memory_space<vmem>> -> memref<4x4x1024xf32, #tpu.memory_space<vmem>>
    %dma_start3A_1069 = tpu.memref_reshape %dma_start3A_1068 : memref<4x4x1024xf32, #tpu.memory_space<vmem>> -> memref<16x1024xf32, #tpu.memory_space<vmem>>
    %dma_start3A_1070 = arith.constant 0 : i32
    %dma_start3A_1071 = arith.constant 0 : i32
    %dma_start3A_1072 = tpu.memref_slice %arg3[%dma_start3A_1070, %dma_start3A_1071] : memref<8192x1024xf32, #tpu.memory_space<hbm>> -> memref<8192x1024xf32, #tpu.memory_space<hbm>>
    tpu.enqueue_indirect_dma source(%dma_start3A_1072 : memref<8192x1024xf32, #tpu.memory_space<hbm>>) target(%dma_start3A_1069 : memref<16x1024xf32, #tpu.memory_space<vmem>>) offsets(%select_n3A_1062 : vector<16xi32>) semaphore(%arg7 : memref<!tpu.dma_semaphore, #tpu.memory_space<semaphore_mem>>)
    %dma_wait3A_1073 = arith.constant 6 : i32
    %dma_wait3A_1074 = arith.constant 0 : i32
    %dma_wait3A_1075 = arith.constant 0 : i32
    %dma_wait3A_1076 = arith.constant 0 : i32
    %dma_wait3A_1077 = tpu.memref_slice %arg6[%dma_wait3A_1073, %dma_wait3A_1074, %dma_wait3A_1075, %dma_wait3A_1076] : memref<7x4x4x1024xf32, #tpu.memory_space<vmem>> -> memref<1x4x4x1024xf32, #tpu.memory_space<vmem>>
    %dma_wait3A_1078 = tpu.memref_squeeze %dma_wait3A_1077 : memref<1x4x4x1024xf32, #tpu.memory_space<vmem>> -> memref<4x4x1024xf32, #tpu.memory_space<vmem>>
    %dma_wait3A_1079 = tpu.memref_reshape %dma_wait3A_1078 : memref<4x4x1024xf32, #tpu.memory_space<vmem>> -> memref<16x1024xf32, #tpu.memory_space<vmem>>
    %dma_wait3A_1080 = arith.constant 0 : i32
    %dma_wait3A_1081 = arith.constant 0 : i32
    %dma_wait3A_1082 = tpu.memref_slice %arg3[%dma_wait3A_1080, %dma_wait3A_1081] : memref<8192x1024xf32, #tpu.memory_space<hbm>> -> memref<8192x1024xf32, #tpu.memory_space<hbm>>
    tpu.wait_indirect_dma semaphore(%arg7 : memref<!tpu.dma_semaphore, #tpu.memory_space<semaphore_mem>>) src(%dma_wait3A_1082 : memref<8192x1024xf32, #tpu.memory_space<hbm>>) dst(%dma_wait3A_1079 : memref<16x1024xf32, #tpu.memory_space<vmem>>)
    %add3A_1083 = arith.constant 52 : i32
    %add3A_1084 = arith.addi %mul3A_2, %add3A_1083 : i32
    %dma_start3A_1085 = arith.constant 6 : i32
    %dma_start3A_1086 = arith.constant 0 : i32
    %dma_start3A_1087 = arith.constant 0 : i32
    %dma_start3A_1088 = arith.constant 0 : i32
    %dma_start3A_1089 = tpu.memref_slice %arg6[%dma_start3A_1085, %dma_start3A_1086, %dma_start3A_1087, %dma_start3A_1088] : memref<7x4x4x1024xf32, #tpu.memory_space<vmem>> -> memref<1x4x4x1024xf32, #tpu.memory_space<vmem>>
    %dma_start3A_1090 = tpu.memref_squeeze %dma_start3A_1089 : memref<1x4x4x1024xf32, #tpu.memory_space<vmem>> -> memref<4x4x1024xf32, #tpu.memory_space<vmem>>
    %dma_start3A_1091 = arith.constant 0 : i32
    %dma_start3A_1092 = arith.constant 0 : i32
    %dma_start3A_1093 = tpu.memref_slice %arg4[%add3A_1084, %dma_start3A_1091, %dma_start3A_1092] : memref<4096x4x1024xf32, #tpu.memory_space<hbm>> -> memref<4x4x1024xf32, #tpu.memory_space<hbm>>
    %dma_start3A_1094 = arith.constant 0 : i32
    %dma_start3A_1095 = arith.constant 0 : i32
    %dma_start3A_1096 = tpu.memref_slice %arg4[%add3A_1084, %dma_start3A_1094, %dma_start3A_1095] : memref<4096x4x1024xf32, #tpu.memory_space<hbm>> -> memref<4x4x1024xf32, #tpu.memory_space<hbm>>
    %dma_start3A_1097 = arith.constant 0 : i32
    %dma_start3A_1098 = arith.constant 0 : i32
    %dma_start3A_1099 = arith.constant 0 : i32
    %dma_start3A_1100 = tpu.memref_slice %arg6[%dma_start3A_1085, %dma_start3A_1097, %dma_start3A_1098, %dma_start3A_1099] : memref<7x4x4x1024xf32, #tpu.memory_space<vmem>> -> memref<1x4x4x1024xf32, #tpu.memory_space<vmem>>
    %dma_start3A_1101 = tpu.memref_squeeze %dma_start3A_1100 : memref<1x4x4x1024xf32, #tpu.memory_space<vmem>> -> memref<4x4x1024xf32, #tpu.memory_space<vmem>>
    tpu.enqueue_dma source(%dma_start3A_1101 : memref<4x4x1024xf32, #tpu.memory_space<vmem>>) target(%dma_start3A_1096 : memref<4x4x1024xf32, #tpu.memory_space<hbm>>) target_semaphore(%arg8 : memref<!tpu.dma_semaphore, #tpu.memory_space<semaphore_mem>>)
    %dma_wait3A_1102 = arith.constant 5 : i32
    %dma_wait3A_1103 = arith.constant 0 : i32
    %dma_wait3A_1104 = arith.constant 0 : i32
    %dma_wait3A_1105 = arith.constant 0 : i32
    %dma_wait3A_1106 = tpu.memref_slice %arg6[%dma_wait3A_1102, %dma_wait3A_1103, %dma_wait3A_1104, %dma_wait3A_1105] : memref<7x4x4x1024xf32, #tpu.memory_space<vmem>> -> memref<1x4x4x1024xf32, #tpu.memory_space<vmem>>
    %dma_wait3A_1107 = tpu.memref_squeeze %dma_wait3A_1106 : memref<1x4x4x1024xf32, #tpu.memory_space<vmem>> -> memref<4x4x1024xf32, #tpu.memory_space<vmem>>
    %dma_wait3A_1108 = arith.constant 0 : i32
    %dma_wait3A_1109 = arith.constant 0 : i32
    %dma_wait3A_1110 = tpu.memref_slice %arg4[%add3A_1012, %dma_wait3A_1108, %dma_wait3A_1109] : memref<4096x4x1024xf32, #tpu.memory_space<hbm>> -> memref<4x4x1024xf32, #tpu.memory_space<hbm>>
    %dma_wait3A_1111 = arith.constant 0 : i32
    %dma_wait3A_1112 = arith.constant 0 : i32
    %dma_wait3A_1113 = tpu.memref_slice %arg4[%add3A_1012, %dma_wait3A_1111, %dma_wait3A_1112] : memref<4096x4x1024xf32, #tpu.memory_space<hbm>> -> memref<4x4x1024xf32, #tpu.memory_space<hbm>>
    %dma_wait3A_1114 = arith.constant 0 : i32
    %dma_wait3A_1115 = arith.constant 0 : i32
    %dma_wait3A_1116 = arith.constant 0 : i32
    %dma_wait3A_1117 = tpu.memref_slice %arg6[%dma_wait3A_1102, %dma_wait3A_1114, %dma_wait3A_1115, %dma_wait3A_1116] : memref<7x4x4x1024xf32, #tpu.memory_space<vmem>> -> memref<1x4x4x1024xf32, #tpu.memory_space<vmem>>
    %dma_wait3A_1118 = tpu.memref_squeeze %dma_wait3A_1117 : memref<1x4x4x1024xf32, #tpu.memory_space<vmem>> -> memref<4x4x1024xf32, #tpu.memory_space<vmem>>
    tpu.wait_dma2 semaphore(%arg8 : memref<!tpu.dma_semaphore, #tpu.memory_space<semaphore_mem>>) src(%dma_wait3A_1118 : memref<4x4x1024xf32, #tpu.memory_space<vmem>>) dst(%dma_wait3A_1113 : memref<4x4x1024xf32, #tpu.memory_space<hbm>>)
    %get3A_1119 = arith.constant 304 : index
    %get3A_1120 = tpu.vector_load %arg5[%get3A_1119] {strides = array<i32>} : memref<512xi32, #tpu.memory_space<vmem>>, vector<16xi32>,
    %add3A_1121 = arith.constant 304 : i32
    %add3A_1122 = arith.addi %mul3A_4, %add3A_1121 : i32
    %broadcast_in_dim3A_1123 = vector.broadcast %add3A_1122 : i32 to vector<16xi32>
    %add3A_1124 = arith.addi %broadcast_in_dim3A_1123, %iota3A : vector<16xi32>
    %shift_right_arithmetic3A_1125 = arith.constant 2 : i32
    %shift_right_arithmetic3A_1126 = vector.broadcast %shift_right_arithmetic3A_1125 : i32 to vector<16xi32>
    %shift_right_arithmetic3A_1127 = arith.shrsi %add3A_1124, %shift_right_arithmetic3A_1126 : vector<16xi32>
    %add3A_1128 = arith.constant 2 : i32
    %add3A_1129 = vector.broadcast %add3A_1128 : i32 to vector<16xi32>
    %add3A_1130 = arith.addi %shift_right_arithmetic3A_1127, %add3A_1129 : vector<16xi32>
    %ne3A_1131 = arith.constant 1 : i32
    %ne3A_1132 = vector.broadcast %ne3A_1131 : i32 to vector<16xi32>
    %ne3A_1133 = arith.cmpi ne, %get3A_1120, %ne3A_1132 : vector<16xi32>
    %select_n3A_1134 = arith.select %ne3A_1133, %add3A_1130, %get3A_1120 : vector<16xi1>, vector<16xi32>
    %dma_start3A_1135 = arith.constant 5 : i32
    %dma_start3A_1136 = arith.constant 0 : i32
    %dma_start3A_1137 = arith.constant 0 : i32
    %dma_start3A_1138 = arith.constant 0 : i32
    %dma_start3A_1139 = tpu.memref_slice %arg6[%dma_start3A_1135, %dma_start3A_1136, %dma_start3A_1137, %dma_start3A_1138] : memref<7x4x4x1024xf32, #tpu.memory_space<vmem>> -> memref<1x4x4x1024xf32, #tpu.memory_space<vmem>>
    %dma_start3A_1140 = tpu.memref_squeeze %dma_start3A_1139 : memref<1x4x4x1024xf32, #tpu.memory_space<vmem>> -> memref<4x4x1024xf32, #tpu.memory_space<vmem>>
    %dma_start3A_1141 = tpu.memref_reshape %dma_start3A_1140 : memref<4x4x1024xf32, #tpu.memory_space<vmem>> -> memref<16x1024xf32, #tpu.memory_space<vmem>>
    %dma_start3A_1142 = arith.constant 0 : i32
    %dma_start3A_1143 = arith.constant 0 : i32
    %dma_start3A_1144 = tpu.memref_slice %arg3[%dma_start3A_1142, %dma_start3A_1143] : memref<8192x1024xf32, #tpu.memory_space<hbm>> -> memref<8192x1024xf32, #tpu.memory_space<hbm>>
    tpu.enqueue_indirect_dma source(%dma_start3A_1144 : memref<8192x1024xf32, #tpu.memory_space<hbm>>) target(%dma_start3A_1141 : memref<16x1024xf32, #tpu.memory_space<vmem>>) offsets(%select_n3A_1134 : vector<16xi32>) semaphore(%arg7 : memref<!tpu.dma_semaphore, #tpu.memory_space<semaphore_mem>>)
    %dma_wait3A_1145 = arith.constant 0 : i32
    %dma_wait3A_1146 = arith.constant 0 : i32
    %dma_wait3A_1147 = arith.constant 0 : i32
    %dma_wait3A_1148 = arith.constant 0 : i32
    %dma_wait3A_1149 = tpu.memref_slice %arg6[%dma_wait3A_1145, %dma_wait3A_1146, %dma_wait3A_1147, %dma_wait3A_1148] : memref<7x4x4x1024xf32, #tpu.memory_space<vmem>> -> memref<1x4x4x1024xf32, #tpu.memory_space<vmem>>
    %dma_wait3A_1150 = tpu.memref_squeeze %dma_wait3A_1149 : memref<1x4x4x1024xf32, #tpu.memory_space<vmem>> -> memref<4x4x1024xf32, #tpu.memory_space<vmem>>
    %dma_wait3A_1151 = tpu.memref_reshape %dma_wait3A_1150 : memref<4x4x1024xf32, #tpu.memory_space<vmem>> -> memref<16x1024xf32, #tpu.memory_space<vmem>>
    %dma_wait3A_1152 = arith.constant 0 : i32
    %dma_wait3A_1153 = arith.constant 0 : i32
    %dma_wait3A_1154 = tpu.memref_slice %arg3[%dma_wait3A_1152, %dma_wait3A_1153] : memref<8192x1024xf32, #tpu.memory_space<hbm>> -> memref<8192x1024xf32, #tpu.memory_space<hbm>>
    tpu.wait_indirect_dma semaphore(%arg7 : memref<!tpu.dma_semaphore, #tpu.memory_space<semaphore_mem>>) src(%dma_wait3A_1154 : memref<8192x1024xf32, #tpu.memory_space<hbm>>) dst(%dma_wait3A_1151 : memref<16x1024xf32, #tpu.memory_space<vmem>>)
    %add3A_1155 = arith.constant 56 : i32
    %add3A_1156 = arith.addi %mul3A_2, %add3A_1155 : i32
    %dma_start3A_1157 = arith.constant 0 : i32
    %dma_start3A_1158 = arith.constant 0 : i32
    %dma_start3A_1159 = arith.constant 0 : i32
    %dma_start3A_1160 = arith.constant 0 : i32
    %dma_start3A_1161 = tpu.memref_slice %arg6[%dma_start3A_1157, %dma_start3A_1158, %dma_start3A_1159, %dma_start3A_1160] : memref<7x4x4x1024xf32, #tpu.memory_space<vmem>> -> memref<1x4x4x1024xf32, #tpu.memory_space<vmem>>
    %dma_start3A_1162 = tpu.memref_squeeze %dma_start3A_1161 : memref<1x4x4x1024xf32, #tpu.memory_space<vmem>> -> memref<4x4x1024xf32, #tpu.memory_space<vmem>>
    %dma_start3A_1163 = arith.constant 0 : i32
    %dma_start3A_1164 = arith.constant 0 : i32
    %dma_start3A_1165 = tpu.memref_slice %arg4[%add3A_1156, %dma_start3A_1163, %dma_start3A_1164] : memref<4096x4x1024xf32, #tpu.memory_space<hbm>> -> memref<4x4x1024xf32, #tpu.memory_space<hbm>>
    %dma_start3A_1166 = arith.constant 0 : i32
    %dma_start3A_1167 = arith.constant 0 : i32
    %dma_start3A_1168 = tpu.memref_slice %arg4[%add3A_1156, %dma_start3A_1166, %dma_start3A_1167] : memref<4096x4x1024xf32, #tpu.memory_space<hbm>> -> memref<4x4x1024xf32, #tpu.memory_space<hbm>>
    %dma_start3A_1169 = arith.constant 0 : i32
    %dma_start3A_1170 = arith.constant 0 : i32
    %dma_start3A_1171 = arith.constant 0 : i32
    %dma_start3A_1172 = tpu.memref_slice %arg6[%dma_start3A_1157, %dma_start3A_1169, %dma_start3A_1170, %dma_start3A_1171] : memref<7x4x4x1024xf32, #tpu.memory_space<vmem>> -> memref<1x4x4x1024xf32, #tpu.memory_space<vmem>>
    %dma_start3A_1173 = tpu.memref_squeeze %dma_start3A_1172 : memref<1x4x4x1024xf32, #tpu.memory_space<vmem>> -> memref<4x4x1024xf32, #tpu.memory_space<vmem>>
    tpu.enqueue_dma source(%dma_start3A_1173 : memref<4x4x1024xf32, #tpu.memory_space<vmem>>) target(%dma_start3A_1168 : memref<4x4x1024xf32, #tpu.memory_space<hbm>>) target_semaphore(%arg8 : memref<!tpu.dma_semaphore, #tpu.memory_space<semaphore_mem>>)
    %dma_wait3A_1174 = arith.constant 6 : i32
    %dma_wait3A_1175 = arith.constant 0 : i32
    %dma_wait3A_1176 = arith.constant 0 : i32
    %dma_wait3A_1177 = arith.constant 0 : i32
    %dma_wait3A_1178 = tpu.memref_slice %arg6[%dma_wait3A_1174, %dma_wait3A_1175, %dma_wait3A_1176, %dma_wait3A_1177] : memref<7x4x4x1024xf32, #tpu.memory_space<vmem>> -> memref<1x4x4x1024xf32, #tpu.memory_space<vmem>>
    %dma_wait3A_1179 = tpu.memref_squeeze %dma_wait3A_1178 : memref<1x4x4x1024xf32, #tpu.memory_space<vmem>> -> memref<4x4x1024xf32, #tpu.memory_space<vmem>>
    %dma_wait3A_1180 = arith.constant 0 : i32
    %dma_wait3A_1181 = arith.constant 0 : i32
    %dma_wait3A_1182 = tpu.memref_slice %arg4[%add3A_1084, %dma_wait3A_1180, %dma_wait3A_1181] : memref<4096x4x1024xf32, #tpu.memory_space<hbm>> -> memref<4x4x1024xf32, #tpu.memory_space<hbm>>
    %dma_wait3A_1183 = arith.constant 0 : i32
    %dma_wait3A_1184 = arith.constant 0 : i32
    %dma_wait3A_1185 = tpu.memref_slice %arg4[%add3A_1084, %dma_wait3A_1183, %dma_wait3A_1184] : memref<4096x4x1024xf32, #tpu.memory_space<hbm>> -> memref<4x4x1024xf32, #tpu.memory_space<hbm>>
    %dma_wait3A_1186 = arith.constant 0 : i32
    %dma_wait3A_1187 = arith.constant 0 : i32
    %dma_wait3A_1188 = arith.constant 0 : i32
    %dma_wait3A_1189 = tpu.memref_slice %arg6[%dma_wait3A_1174, %dma_wait3A_1186, %dma_wait3A_1187, %dma_wait3A_1188] : memref<7x4x4x1024xf32, #tpu.memory_space<vmem>> -> memref<1x4x4x1024xf32, #tpu.memory_space<vmem>>
    %dma_wait3A_1190 = tpu.memref_squeeze %dma_wait3A_1189 : memref<1x4x4x1024xf32, #tpu.memory_space<vmem>> -> memref<4x4x1024xf32, #tpu.memory_space<vmem>>
    tpu.wait_dma2 semaphore(%arg8 : memref<!tpu.dma_semaphore, #tpu.memory_space<semaphore_mem>>) src(%dma_wait3A_1190 : memref<4x4x1024xf32, #tpu.memory_space<vmem>>) dst(%dma_wait3A_1185 : memref<4x4x1024xf32, #tpu.memory_space<hbm>>)
    %get3A_1191 = arith.constant 320 : index
    %get3A_1192 = tpu.vector_load %arg5[%get3A_1191] {strides = array<i32>} : memref<512xi32, #tpu.memory_space<vmem>>, vector<16xi32>,
    %add3A_1193 = arith.constant 320 : i32
    %add3A_1194 = arith.addi %mul3A_4, %add3A_1193 : i32
    %broadcast_in_dim3A_1195 = vector.broadcast %add3A_1194 : i32 to vector<16xi32>
    %add3A_1196 = arith.addi %broadcast_in_dim3A_1195, %iota3A : vector<16xi32>
    %shift_right_arithmetic3A_1197 = arith.constant 2 : i32
    %shift_right_arithmetic3A_1198 = vector.broadcast %shift_right_arithmetic3A_1197 : i32 to vector<16xi32>
    %shift_right_arithmetic3A_1199 = arith.shrsi %add3A_1196, %shift_right_arithmetic3A_1198 : vector<16xi32>
    %add3A_1200 = arith.constant 2 : i32
    %add3A_1201 = vector.broadcast %add3A_1200 : i32 to vector<16xi32>
    %add3A_1202 = arith.addi %shift_right_arithmetic3A_1199, %add3A_1201 : vector<16xi32>
    %ne3A_1203 = arith.constant 1 : i32
    %ne3A_1204 = vector.broadcast %ne3A_1203 : i32 to vector<16xi32>
    %ne3A_1205 = arith.cmpi ne, %get3A_1192, %ne3A_1204 : vector<16xi32>
    %select_n3A_1206 = arith.select %ne3A_1205, %add3A_1202, %get3A_1192 : vector<16xi1>, vector<16xi32>
    %dma_start3A_1207 = arith.constant 6 : i32
    %dma_start3A_1208 = arith.constant 0 : i32
    %dma_start3A_1209 = arith.constant 0 : i32
    %dma_start3A_1210 = arith.constant 0 : i32
    %dma_start3A_1211 = tpu.memref_slice %arg6[%dma_start3A_1207, %dma_start3A_1208, %dma_start3A_1209, %dma_start3A_1210] : memref<7x4x4x1024xf32, #tpu.memory_space<vmem>> -> memref<1x4x4x1024xf32, #tpu.memory_space<vmem>>
    %dma_start3A_1212 = tpu.memref_squeeze %dma_start3A_1211 : memref<1x4x4x1024xf32, #tpu.memory_space<vmem>> -> memref<4x4x1024xf32, #tpu.memory_space<vmem>>
    %dma_start3A_1213 = tpu.memref_reshape %dma_start3A_1212 : memref<4x4x1024xf32, #tpu.memory_space<vmem>> -> memref<16x1024xf32, #tpu.memory_space<vmem>>
    %dma_start3A_1214 = arith.constant 0 : i32
    %dma_start3A_1215 = arith.constant 0 : i32
    %dma_start3A_1216 = tpu.memref_slice %arg3[%dma_start3A_1214, %dma_start3A_1215] : memref<8192x1024xf32, #tpu.memory_space<hbm>> -> memref<8192x1024xf32, #tpu.memory_space<hbm>>
    tpu.enqueue_indirect_dma source(%dma_start3A_1216 : memref<8192x1024xf32, #tpu.memory_space<hbm>>) target(%dma_start3A_1213 : memref<16x1024xf32, #tpu.memory_space<vmem>>) offsets(%select_n3A_1206 : vector<16xi32>) semaphore(%arg7 : memref<!tpu.dma_semaphore, #tpu.memory_space<semaphore_mem>>)
    %dma_wait3A_1217 = arith.constant 1 : i32
    %dma_wait3A_1218 = arith.constant 0 : i32
    %dma_wait3A_1219 = arith.constant 0 : i32
    %dma_wait3A_1220 = arith.constant 0 : i32
    %dma_wait3A_1221 = tpu.memref_slice %arg6[%dma_wait3A_1217, %dma_wait3A_1218, %dma_wait3A_1219, %dma_wait3A_1220] : memref<7x4x4x1024xf32, #tpu.memory_space<vmem>> -> memref<1x4x4x1024xf32, #tpu.memory_space<vmem>>
    %dma_wait3A_1222 = tpu.memref_squeeze %dma_wait3A_1221 : memref<1x4x4x1024xf32, #tpu.memory_space<vmem>> -> memref<4x4x1024xf32, #tpu.memory_space<vmem>>
    %dma_wait3A_1223 = tpu.memref_reshape %dma_wait3A_1222 : memref<4x4x1024xf32, #tpu.memory_space<vmem>> -> memref<16x1024xf32, #tpu.memory_space<vmem>>
    %dma_wait3A_1224 = arith.constant 0 : i32
    %dma_wait3A_1225 = arith.constant 0 : i32
    %dma_wait3A_1226 = tpu.memref_slice %arg3[%dma_wait3A_1224, %dma_wait3A_1225] : memref<8192x1024xf32, #tpu.memory_space<hbm>> -> memref<8192x1024xf32, #tpu.memory_space<hbm>>
    tpu.wait_indirect_dma semaphore(%arg7 : memref<!tpu.dma_semaphore, #tpu.memory_space<semaphore_mem>>) src(%dma_wait3A_1226 : memref<8192x1024xf32, #tpu.memory_space<hbm>>) dst(%dma_wait3A_1223 : memref<16x1024xf32, #tpu.memory_space<vmem>>)
    %add3A_1227 = arith.constant 60 : i32
    %add3A_1228 = arith.addi %mul3A_2, %add3A_1227 : i32
    %dma_start3A_1229 = arith.constant 1 : i32
    %dma_start3A_1230 = arith.constant 0 : i32
    %dma_start3A_1231 = arith.constant 0 : i32
    %dma_start3A_1232 = arith.constant 0 : i32
    %dma_start3A_1233 = tpu.memref_slice %arg6[%dma_start3A_1229, %dma_start3A_1230, %dma_start3A_1231, %dma_start3A_1232] : memref<7x4x4x1024xf32, #tpu.memory_space<vmem>> -> memref<1x4x4x1024xf32, #tpu.memory_space<vmem>>
    %dma_start3A_1234 = tpu.memref_squeeze %dma_start3A_1233 : memref<1x4x4x1024xf32, #tpu.memory_space<vmem>> -> memref<4x4x1024xf32, #tpu.memory_space<vmem>>
    %dma_start3A_1235 = arith.constant 0 : i32
    %dma_start3A_1236 = arith.constant 0 : i32
    %dma_start3A_1237 = tpu.memref_slice %arg4[%add3A_1228, %dma_start3A_1235, %dma_start3A_1236] : memref<4096x4x1024xf32, #tpu.memory_space<hbm>> -> memref<4x4x1024xf32, #tpu.memory_space<hbm>>
    %dma_start3A_1238 = arith.constant 0 : i32
    %dma_start3A_1239 = arith.constant 0 : i32
    %dma_start3A_1240 = tpu.memref_slice %arg4[%add3A_1228, %dma_start3A_1238, %dma_start3A_1239] : memref<4096x4x1024xf32, #tpu.memory_space<hbm>> -> memref<4x4x1024xf32, #tpu.memory_space<hbm>>
    %dma_start3A_1241 = arith.constant 0 : i32
    %dma_start3A_1242 = arith.constant 0 : i32
    %dma_start3A_1243 = arith.constant 0 : i32
    %dma_start3A_1244 = tpu.memref_slice %arg6[%dma_start3A_1229, %dma_start3A_1241, %dma_start3A_1242, %dma_start3A_1243] : memref<7x4x4x1024xf32, #tpu.memory_space<vmem>> -> memref<1x4x4x1024xf32, #tpu.memory_space<vmem>>
    %dma_start3A_1245 = tpu.memref_squeeze %dma_start3A_1244 : memref<1x4x4x1024xf32, #tpu.memory_space<vmem>> -> memref<4x4x1024xf32, #tpu.memory_space<vmem>>
    tpu.enqueue_dma source(%dma_start3A_1245 : memref<4x4x1024xf32, #tpu.memory_space<vmem>>) target(%dma_start3A_1240 : memref<4x4x1024xf32, #tpu.memory_space<hbm>>) target_semaphore(%arg8 : memref<!tpu.dma_semaphore, #tpu.memory_space<semaphore_mem>>)
    %dma_wait3A_1246 = arith.constant 0 : i32
    %dma_wait3A_1247 = arith.constant 0 : i32
    %dma_wait3A_1248 = arith.constant 0 : i32
    %dma_wait3A_1249 = arith.constant 0 : i32
    %dma_wait3A_1250 = tpu.memref_slice %arg6[%dma_wait3A_1246, %dma_wait3A_1247, %dma_wait3A_1248, %dma_wait3A_1249] : memref<7x4x4x1024xf32, #tpu.memory_space<vmem>> -> memref<1x4x4x1024xf32, #tpu.memory_space<vmem>>
    %dma_wait3A_1251 = tpu.memref_squeeze %dma_wait3A_1250 : memref<1x4x4x1024xf32, #tpu.memory_space<vmem>> -> memref<4x4x1024xf32, #tpu.memory_space<vmem>>
    %dma_wait3A_1252 = arith.constant 0 : i32
    %dma_wait3A_1253 = arith.constant 0 : i32
    %dma_wait3A_1254 = tpu.memref_slice %arg4[%add3A_1156, %dma_wait3A_1252, %dma_wait3A_1253] : memref<4096x4x1024xf32, #tpu.memory_space<hbm>> -> memref<4x4x1024xf32, #tpu.memory_space<hbm>>
    %dma_wait3A_1255 = arith.constant 0 : i32
    %dma_wait3A_1256 = arith.constant 0 : i32
    %dma_wait3A_1257 = tpu.memref_slice %arg4[%add3A_1156, %dma_wait3A_1255, %dma_wait3A_1256] : memref<4096x4x1024xf32, #tpu.memory_space<hbm>> -> memref<4x4x1024xf32, #tpu.memory_space<hbm>>
    %dma_wait3A_1258 = arith.constant 0 : i32
    %dma_wait3A_1259 = arith.constant 0 : i32
    %dma_wait3A_1260 = arith.constant 0 : i32
    %dma_wait3A_1261 = tpu.memref_slice %arg6[%dma_wait3A_1246, %dma_wait3A_1258, %dma_wait3A_1259, %dma_wait3A_1260] : memref<7x4x4x1024xf32, #tpu.memory_space<vmem>> -> memref<1x4x4x1024xf32, #tpu.memory_space<vmem>>
    %dma_wait3A_1262 = tpu.memref_squeeze %dma_wait3A_1261 : memref<1x4x4x1024xf32, #tpu.memory_space<vmem>> -> memref<4x4x1024xf32, #tpu.memory_space<vmem>>
    tpu.wait_dma2 semaphore(%arg8 : memref<!tpu.dma_semaphore, #tpu.memory_space<semaphore_mem>>) src(%dma_wait3A_1262 : memref<4x4x1024xf32, #tpu.memory_space<vmem>>) dst(%dma_wait3A_1257 : memref<4x4x1024xf32, #tpu.memory_space<hbm>>)
    %get3A_1263 = arith.constant 336 : index
    %get3A_1264 = tpu.vector_load %arg5[%get3A_1263] {strides = array<i32>} : memref<512xi32, #tpu.memory_space<vmem>>, vector<16xi32>,
    %add3A_1265 = arith.constant 336 : i32
    %add3A_1266 = arith.addi %mul3A_4, %add3A_1265 : i32
    %broadcast_in_dim3A_1267 = vector.broadcast %add3A_1266 : i32 to vector<16xi32>
    %add3A_1268 = arith.addi %broadcast_in_dim3A_1267, %iota3A : vector<16xi32>
    %shift_right_arithmetic3A_1269 = arith.constant 2 : i32
    %shift_right_arithmetic3A_1270 = vector.broadcast %shift_right_arithmetic3A_1269 : i32 to vector<16xi32>
    %shift_right_arithmetic3A_1271 = arith.shrsi %add3A_1268, %shift_right_arithmetic3A_1270 : vector<16xi32>
    %add3A_1272 = arith.constant 2 : i32
    %add3A_1273 = vector.broadcast %add3A_1272 : i32 to vector<16xi32>
    %add3A_1274 = arith.addi %shift_right_arithmetic3A_1271, %add3A_1273 : vector<16xi32>
    %ne3A_1275 = arith.constant 1 : i32
    %ne3A_1276 = vector.broadcast %ne3A_1275 : i32 to vector<16xi32>
    %ne3A_1277 = arith.cmpi ne, %get3A_1264, %ne3A_1276 : vector<16xi32>
    %select_n3A_1278 = arith.select %ne3A_1277, %add3A_1274, %get3A_1264 : vector<16xi1>, vector<16xi32>
    %dma_start3A_1279 = arith.constant 0 : i32
    %dma_start3A_1280 = arith.constant 0 : i32
    %dma_start3A_1281 = arith.constant 0 : i32
    %dma_start3A_1282 = arith.constant 0 : i32
    %dma_start3A_1283 = tpu.memref_slice %arg6[%dma_start3A_1279, %dma_start3A_1280, %dma_start3A_1281, %dma_start3A_1282] : memref<7x4x4x1024xf32, #tpu.memory_space<vmem>> -> memref<1x4x4x1024xf32, #tpu.memory_space<vmem>>
    %dma_start3A_1284 = tpu.memref_squeeze %dma_start3A_1283 : memref<1x4x4x1024xf32, #tpu.memory_space<vmem>> -> memref<4x4x1024xf32, #tpu.memory_space<vmem>>
    %dma_start3A_1285 = tpu.memref_reshape %dma_start3A_1284 : memref<4x4x1024xf32, #tpu.memory_space<vmem>> -> memref<16x1024xf32, #tpu.memory_space<vmem>>
    %dma_start3A_1286 = arith.constant 0 : i32
    %dma_start3A_1287 = arith.constant 0 : i32
    %dma_start3A_1288 = tpu.memref_slice %arg3[%dma_start3A_1286, %dma_start3A_1287] : memref<8192x1024xf32, #tpu.memory_space<hbm>> -> memref<8192x1024xf32, #tpu.memory_space<hbm>>
    tpu.enqueue_indirect_dma source(%dma_start3A_1288 : memref<8192x1024xf32, #tpu.memory_space<hbm>>) target(%dma_start3A_1285 : memref<16x1024xf32, #tpu.memory_space<vmem>>) offsets(%select_n3A_1278 : vector<16xi32>) semaphore(%arg7 : memref<!tpu.dma_semaphore, #tpu.memory_space<semaphore_mem>>)
    %dma_wait3A_1289 = arith.constant 2 : i32
    %dma_wait3A_1290 = arith.constant 0 : i32
    %dma_wait3A_1291 = arith.constant 0 : i32
    %dma_wait3A_1292 = arith.constant 0 : i32
    %dma_wait3A_1293 = tpu.memref_slice %arg6[%dma_wait3A_1289, %dma_wait3A_1290, %dma_wait3A_1291, %dma_wait3A_1292] : memref<7x4x4x1024xf32, #tpu.memory_space<vmem>> -> memref<1x4x4x1024xf32, #tpu.memory_space<vmem>>
    %dma_wait3A_1294 = tpu.memref_squeeze %dma_wait3A_1293 : memref<1x4x4x1024xf32, #tpu.memory_space<vmem>> -> memref<4x4x1024xf32, #tpu.memory_space<vmem>>
    %dma_wait3A_1295 = tpu.memref_reshape %dma_wait3A_1294 : memref<4x4x1024xf32, #tpu.memory_space<vmem>> -> memref<16x1024xf32, #tpu.memory_space<vmem>>
    %dma_wait3A_1296 = arith.constant 0 : i32
    %dma_wait3A_1297 = arith.constant 0 : i32
    %dma_wait3A_1298 = tpu.memref_slice %arg3[%dma_wait3A_1296, %dma_wait3A_1297] : memref<8192x1024xf32, #tpu.memory_space<hbm>> -> memref<8192x1024xf32, #tpu.memory_space<hbm>>
    tpu.wait_indirect_dma semaphore(%arg7 : memref<!tpu.dma_semaphore, #tpu.memory_space<semaphore_mem>>) src(%dma_wait3A_1298 : memref<8192x1024xf32, #tpu.memory_space<hbm>>) dst(%dma_wait3A_1295 : memref<16x1024xf32, #tpu.memory_space<vmem>>)
    %add3A_1299 = arith.constant 64 : i32
    %add3A_1300 = arith.addi %mul3A_2, %add3A_1299 : i32
    %dma_start3A_1301 = arith.constant 2 : i32
    %dma_start3A_1302 = arith.constant 0 : i32
    %dma_start3A_1303 = arith.constant 0 : i32
    %dma_start3A_1304 = arith.constant 0 : i32
    %dma_start3A_1305 = tpu.memref_slice %arg6[%dma_start3A_1301, %dma_start3A_1302, %dma_start3A_1303, %dma_start3A_1304] : memref<7x4x4x1024xf32, #tpu.memory_space<vmem>> -> memref<1x4x4x1024xf32, #tpu.memory_space<vmem>>
    %dma_start3A_1306 = tpu.memref_squeeze %dma_start3A_1305 : memref<1x4x4x1024xf32, #tpu.memory_space<vmem>> -> memref<4x4x1024xf32, #tpu.memory_space<vmem>>
    %dma_start3A_1307 = arith.constant 0 : i32
    %dma_start3A_1308 = arith.constant 0 : i32
    %dma_start3A_1309 = tpu.memref_slice %arg4[%add3A_1300, %dma_start3A_1307, %dma_start3A_1308] : memref<4096x4x1024xf32, #tpu.memory_space<hbm>> -> memref<4x4x1024xf32, #tpu.memory_space<hbm>>
    %dma_start3A_1310 = arith.constant 0 : i32
    %dma_start3A_1311 = arith.constant 0 : i32
    %dma_start3A_1312 = tpu.memref_slice %arg4[%add3A_1300, %dma_start3A_1310, %dma_start3A_1311] : memref<4096x4x1024xf32, #tpu.memory_space<hbm>> -> memref<4x4x1024xf32, #tpu.memory_space<hbm>>
    %dma_start3A_1313 = arith.constant 0 : i32
    %dma_start3A_1314 = arith.constant 0 : i32
    %dma_start3A_1315 = arith.constant 0 : i32
    %dma_start3A_1316 = tpu.memref_slice %arg6[%dma_start3A_1301, %dma_start3A_1313, %dma_start3A_1314, %dma_start3A_1315] : memref<7x4x4x1024xf32, #tpu.memory_space<vmem>> -> memref<1x4x4x1024xf32, #tpu.memory_space<vmem>>
    %dma_start3A_1317 = tpu.memref_squeeze %dma_start3A_1316 : memref<1x4x4x1024xf32, #tpu.memory_space<vmem>> -> memref<4x4x1024xf32, #tpu.memory_space<vmem>>
    tpu.enqueue_dma source(%dma_start3A_1317 : memref<4x4x1024xf32, #tpu.memory_space<vmem>>) target(%dma_start3A_1312 : memref<4x4x1024xf32, #tpu.memory_space<hbm>>) target_semaphore(%arg8 : memref<!tpu.dma_semaphore, #tpu.memory_space<semaphore_mem>>)
    %dma_wait3A_1318 = arith.constant 1 : i32
    %dma_wait3A_1319 = arith.constant 0 : i32
    %dma_wait3A_1320 = arith.constant 0 : i32
    %dma_wait3A_1321 = arith.constant 0 : i32
    %dma_wait3A_1322 = tpu.memref_slice %arg6[%dma_wait3A_1318, %dma_wait3A_1319, %dma_wait3A_1320, %dma_wait3A_1321] : memref<7x4x4x1024xf32, #tpu.memory_space<vmem>> -> memref<1x4x4x1024xf32, #tpu.memory_space<vmem>>
    %dma_wait3A_1323 = tpu.memref_squeeze %dma_wait3A_1322 : memref<1x4x4x1024xf32, #tpu.memory_space<vmem>> -> memref<4x4x1024xf32, #tpu.memory_space<vmem>>
    %dma_wait3A_1324 = arith.constant 0 : i32
    %dma_wait3A_1325 = arith.constant 0 : i32
    %dma_wait3A_1326 = tpu.memref_slice %arg4[%add3A_1228, %dma_wait3A_1324, %dma_wait3A_1325] : memref<4096x4x1024xf32, #tpu.memory_space<hbm>> -> memref<4x4x1024xf32, #tpu.memory_space<hbm>>
    %dma_wait3A_1327 = arith.constant 0 : i32
    %dma_wait3A_1328 = arith.constant 0 : i32
    %dma_wait3A_1329 = tpu.memref_slice %arg4[%add3A_1228, %dma_wait3A_1327, %dma_wait3A_1328] : memref<4096x4x1024xf32, #tpu.memory_space<hbm>> -> memref<4x4x1024xf32, #tpu.memory_space<hbm>>
    %dma_wait3A_1330 = arith.constant 0 : i32
    %dma_wait3A_1331 = arith.constant 0 : i32
    %dma_wait3A_1332 = arith.constant 0 : i32
    %dma_wait3A_1333 = tpu.memref_slice %arg6[%dma_wait3A_1318, %dma_wait3A_1330, %dma_wait3A_1331, %dma_wait3A_1332] : memref<7x4x4x1024xf32, #tpu.memory_space<vmem>> -> memref<1x4x4x1024xf32, #tpu.memory_space<vmem>>
    %dma_wait3A_1334 = tpu.memref_squeeze %dma_wait3A_1333 : memref<1x4x4x1024xf32, #tpu.memory_space<vmem>> -> memref<4x4x1024xf32, #tpu.memory_space<vmem>>
    tpu.wait_dma2 semaphore(%arg8 : memref<!tpu.dma_semaphore, #tpu.memory_space<semaphore_mem>>) src(%dma_wait3A_1334 : memref<4x4x1024xf32, #tpu.memory_space<vmem>>) dst(%dma_wait3A_1329 : memref<4x4x1024xf32, #tpu.memory_space<hbm>>)
    %get3A_1335 = arith.constant 352 : index
    %get3A_1336 = tpu.vector_load %arg5[%get3A_1335] {strides = array<i32>} : memref<512xi32, #tpu.memory_space<vmem>>, vector<16xi32>,
    %add3A_1337 = arith.constant 352 : i32
    %add3A_1338 = arith.addi %mul3A_4, %add3A_1337 : i32
    %broadcast_in_dim3A_1339 = vector.broadcast %add3A_1338 : i32 to vector<16xi32>
    %add3A_1340 = arith.addi %broadcast_in_dim3A_1339, %iota3A : vector<16xi32>
    %shift_right_arithmetic3A_1341 = arith.constant 2 : i32
    %shift_right_arithmetic3A_1342 = vector.broadcast %shift_right_arithmetic3A_1341 : i32 to vector<16xi32>
    %shift_right_arithmetic3A_1343 = arith.shrsi %add3A_1340, %shift_right_arithmetic3A_1342 : vector<16xi32>
    %add3A_1344 = arith.constant 2 : i32
    %add3A_1345 = vector.broadcast %add3A_1344 : i32 to vector<16xi32>
    %add3A_1346 = arith.addi %shift_right_arithmetic3A_1343, %add3A_1345 : vector<16xi32>
    %ne3A_1347 = arith.constant 1 : i32
    %ne3A_1348 = vector.broadcast %ne3A_1347 : i32 to vector<16xi32>
    %ne3A_1349 = arith.cmpi ne, %get3A_1336, %ne3A_1348 : vector<16xi32>
    %select_n3A_1350 = arith.select %ne3A_1349, %add3A_1346, %get3A_1336 : vector<16xi1>, vector<16xi32>
    %dma_start3A_1351 = arith.constant 1 : i32
    %dma_start3A_1352 = arith.constant 0 : i32
    %dma_start3A_1353 = arith.constant 0 : i32
    %dma_start3A_1354 = arith.constant 0 : i32
    %dma_start3A_1355 = tpu.memref_slice %arg6[%dma_start3A_1351, %dma_start3A_1352, %dma_start3A_1353, %dma_start3A_1354] : memref<7x4x4x1024xf32, #tpu.memory_space<vmem>> -> memref<1x4x4x1024xf32, #tpu.memory_space<vmem>>
    %dma_start3A_1356 = tpu.memref_squeeze %dma_start3A_1355 : memref<1x4x4x1024xf32, #tpu.memory_space<vmem>> -> memref<4x4x1024xf32, #tpu.memory_space<vmem>>
    %dma_start3A_1357 = tpu.memref_reshape %dma_start3A_1356 : memref<4x4x1024xf32, #tpu.memory_space<vmem>> -> memref<16x1024xf32, #tpu.memory_space<vmem>>
    %dma_start3A_1358 = arith.constant 0 : i32
    %dma_start3A_1359 = arith.constant 0 : i32
    %dma_start3A_1360 = tpu.memref_slice %arg3[%dma_start3A_1358, %dma_start3A_1359] : memref<8192x1024xf32, #tpu.memory_space<hbm>> -> memref<8192x1024xf32, #tpu.memory_space<hbm>>
    tpu.enqueue_indirect_dma source(%dma_start3A_1360 : memref<8192x1024xf32, #tpu.memory_space<hbm>>) target(%dma_start3A_1357 : memref<16x1024xf32, #tpu.memory_space<vmem>>) offsets(%select_n3A_1350 : vector<16xi32>) semaphore(%arg7 : memref<!tpu.dma_semaphore, #tpu.memory_space<semaphore_mem>>)
    %dma_wait3A_1361 = arith.constant 3 : i32
    %dma_wait3A_1362 = arith.constant 0 : i32
    %dma_wait3A_1363 = arith.constant 0 : i32
    %dma_wait3A_1364 = arith.constant 0 : i32
    %dma_wait3A_1365 = tpu.memref_slice %arg6[%dma_wait3A_1361, %dma_wait3A_1362, %dma_wait3A_1363, %dma_wait3A_1364] : memref<7x4x4x1024xf32, #tpu.memory_space<vmem>> -> memref<1x4x4x1024xf32, #tpu.memory_space<vmem>>
    %dma_wait3A_1366 = tpu.memref_squeeze %dma_wait3A_1365 : memref<1x4x4x1024xf32, #tpu.memory_space<vmem>> -> memref<4x4x1024xf32, #tpu.memory_space<vmem>>
    %dma_wait3A_1367 = tpu.memref_reshape %dma_wait3A_1366 : memref<4x4x1024xf32, #tpu.memory_space<vmem>> -> memref<16x1024xf32, #tpu.memory_space<vmem>>
    %dma_wait3A_1368 = arith.constant 0 : i32
    %dma_wait3A_1369 = arith.constant 0 : i32
    %dma_wait3A_1370 = tpu.memref_slice %arg3[%dma_wait3A_1368, %dma_wait3A_1369] : memref<8192x1024xf32, #tpu.memory_space<hbm>> -> memref<8192x1024xf32, #tpu.memory_space<hbm>>
    tpu.wait_indirect_dma semaphore(%arg7 : memref<!tpu.dma_semaphore, #tpu.memory_space<semaphore_mem>>) src(%dma_wait3A_1370 : memref<8192x1024xf32, #tpu.memory_space<hbm>>) dst(%dma_wait3A_1367 : memref<16x1024xf32, #tpu.memory_space<vmem>>)
    %add3A_1371 = arith.constant 68 : i32
    %add3A_1372 = arith.addi %mul3A_2, %add3A_1371 : i32
    %dma_start3A_1373 = arith.constant 3 : i32
    %dma_start3A_1374 = arith.constant 0 : i32
    %dma_start3A_1375 = arith.constant 0 : i32
    %dma_start3A_1376 = arith.constant 0 : i32
    %dma_start3A_1377 = tpu.memref_slice %arg6[%dma_start3A_1373, %dma_start3A_1374, %dma_start3A_1375, %dma_start3A_1376] : memref<7x4x4x1024xf32, #tpu.memory_space<vmem>> -> memref<1x4x4x1024xf32, #tpu.memory_space<vmem>>
    %dma_start3A_1378 = tpu.memref_squeeze %dma_start3A_1377 : memref<1x4x4x1024xf32, #tpu.memory_space<vmem>> -> memref<4x4x1024xf32, #tpu.memory_space<vmem>>
    %dma_start3A_1379 = arith.constant 0 : i32
    %dma_start3A_1380 = arith.constant 0 : i32
    %dma_start3A_1381 = tpu.memref_slice %arg4[%add3A_1372, %dma_start3A_1379, %dma_start3A_1380] : memref<4096x4x1024xf32, #tpu.memory_space<hbm>> -> memref<4x4x1024xf32, #tpu.memory_space<hbm>>
    %dma_start3A_1382 = arith.constant 0 : i32
    %dma_start3A_1383 = arith.constant 0 : i32
    %dma_start3A_1384 = tpu.memref_slice %arg4[%add3A_1372, %dma_start3A_1382, %dma_start3A_1383] : memref<4096x4x1024xf32, #tpu.memory_space<hbm>> -> memref<4x4x1024xf32, #tpu.memory_space<hbm>>
    %dma_start3A_1385 = arith.constant 0 : i32
    %dma_start3A_1386 = arith.constant 0 : i32
    %dma_start3A_1387 = arith.constant 0 : i32
    %dma_start3A_1388 = tpu.memref_slice %arg6[%dma_start3A_1373, %dma_start3A_1385, %dma_start3A_1386, %dma_start3A_1387] : memref<7x4x4x1024xf32, #tpu.memory_space<vmem>> -> memref<1x4x4x1024xf32, #tpu.memory_space<vmem>>
    %dma_start3A_1389 = tpu.memref_squeeze %dma_start3A_1388 : memref<1x4x4x1024xf32, #tpu.memory_space<vmem>> -> memref<4x4x1024xf32, #tpu.memory_space<vmem>>
    tpu.enqueue_dma source(%dma_start3A_1389 : memref<4x4x1024xf32, #tpu.memory_space<vmem>>) target(%dma_start3A_1384 : memref<4x4x1024xf32, #tpu.memory_space<hbm>>) target_semaphore(%arg8 : memref<!tpu.dma_semaphore, #tpu.memory_space<semaphore_mem>>)
    %dma_wait3A_1390 = arith.constant 2 : i32
    %dma_wait3A_1391 = arith.constant 0 : i32
    %dma_wait3A_1392 = arith.constant 0 : i32
    %dma_wait3A_1393 = arith.constant 0 : i32
    %dma_wait3A_1394 = tpu.memref_slice %arg6[%dma_wait3A_1390, %dma_wait3A_1391, %dma_wait3A_1392, %dma_wait3A_1393] : memref<7x4x4x1024xf32, #tpu.memory_space<vmem>> -> memref<1x4x4x1024xf32, #tpu.memory_space<vmem>>
    %dma_wait3A_1395 = tpu.memref_squeeze %dma_wait3A_1394 : memref<1x4x4x1024xf32, #tpu.memory_space<vmem>> -> memref<4x4x1024xf32, #tpu.memory_space<vmem>>
    %dma_wait3A_1396 = arith.constant 0 : i32
    %dma_wait3A_1397 = arith.constant 0 : i32
    %dma_wait3A_1398 = tpu.memref_slice %arg4[%add3A_1300, %dma_wait3A_1396, %dma_wait3A_1397] : memref<4096x4x1024xf32, #tpu.memory_space<hbm>> -> memref<4x4x1024xf32, #tpu.memory_space<hbm>>
    %dma_wait3A_1399 = arith.constant 0 : i32
    %dma_wait3A_1400 = arith.constant 0 : i32
    %dma_wait3A_1401 = tpu.memref_slice %arg4[%add3A_1300, %dma_wait3A_1399, %dma_wait3A_1400] : memref<4096x4x1024xf32, #tpu.memory_space<hbm>> -> memref<4x4x1024xf32, #tpu.memory_space<hbm>>
    %dma_wait3A_1402 = arith.constant 0 : i32
    %dma_wait3A_1403 = arith.constant 0 : i32
    %dma_wait3A_1404 = arith.constant 0 : i32
    %dma_wait3A_1405 = tpu.memref_slice %arg6[%dma_wait3A_1390, %dma_wait3A_1402, %dma_wait3A_1403, %dma_wait3A_1404] : memref<7x4x4x1024xf32, #tpu.memory_space<vmem>> -> memref<1x4x4x1024xf32, #tpu.memory_space<vmem>>
    %dma_wait3A_1406 = tpu.memref_squeeze %dma_wait3A_1405 : memref<1x4x4x1024xf32, #tpu.memory_space<vmem>> -> memref<4x4x1024xf32, #tpu.memory_space<vmem>>
    tpu.wait_dma2 semaphore(%arg8 : memref<!tpu.dma_semaphore, #tpu.memory_space<semaphore_mem>>) src(%dma_wait3A_1406 : memref<4x4x1024xf32, #tpu.memory_space<vmem>>) dst(%dma_wait3A_1401 : memref<4x4x1024xf32, #tpu.memory_space<hbm>>)
    %get3A_1407 = arith.constant 368 : index
    %get3A_1408 = tpu.vector_load %arg5[%get3A_1407] {strides = array<i32>} : memref<512xi32, #tpu.memory_space<vmem>>, vector<16xi32>,
    %add3A_1409 = arith.constant 368 : i32
    %add3A_1410 = arith.addi %mul3A_4, %add3A_1409 : i32
    %broadcast_in_dim3A_1411 = vector.broadcast %add3A_1410 : i32 to vector<16xi32>
    %add3A_1412 = arith.addi %broadcast_in_dim3A_1411, %iota3A : vector<16xi32>
    %shift_right_arithmetic3A_1413 = arith.constant 2 : i32
    %shift_right_arithmetic3A_1414 = vector.broadcast %shift_right_arithmetic3A_1413 : i32 to vector<16xi32>
    %shift_right_arithmetic3A_1415 = arith.shrsi %add3A_1412, %shift_right_arithmetic3A_1414 : vector<16xi32>
    %add3A_1416 = arith.constant 2 : i32
    %add3A_1417 = vector.broadcast %add3A_1416 : i32 to vector<16xi32>
    %add3A_1418 = arith.addi %shift_right_arithmetic3A_1415, %add3A_1417 : vector<16xi32>
    %ne3A_1419 = arith.constant 1 : i32
    %ne3A_1420 = vector.broadcast %ne3A_1419 : i32 to vector<16xi32>
    %ne3A_1421 = arith.cmpi ne, %get3A_1408, %ne3A_1420 : vector<16xi32>
    %select_n3A_1422 = arith.select %ne3A_1421, %add3A_1418, %get3A_1408 : vector<16xi1>, vector<16xi32>
    %dma_start3A_1423 = arith.constant 2 : i32
    %dma_start3A_1424 = arith.constant 0 : i32
    %dma_start3A_1425 = arith.constant 0 : i32
    %dma_start3A_1426 = arith.constant 0 : i32
    %dma_start3A_1427 = tpu.memref_slice %arg6[%dma_start3A_1423, %dma_start3A_1424, %dma_start3A_1425, %dma_start3A_1426] : memref<7x4x4x1024xf32, #tpu.memory_space<vmem>> -> memref<1x4x4x1024xf32, #tpu.memory_space<vmem>>
    %dma_start3A_1428 = tpu.memref_squeeze %dma_start3A_1427 : memref<1x4x4x1024xf32, #tpu.memory_space<vmem>> -> memref<4x4x1024xf32, #tpu.memory_space<vmem>>
    %dma_start3A_1429 = tpu.memref_reshape %dma_start3A_1428 : memref<4x4x1024xf32, #tpu.memory_space<vmem>> -> memref<16x1024xf32, #tpu.memory_space<vmem>>
    %dma_start3A_1430 = arith.constant 0 : i32
    %dma_start3A_1431 = arith.constant 0 : i32
    %dma_start3A_1432 = tpu.memref_slice %arg3[%dma_start3A_1430, %dma_start3A_1431] : memref<8192x1024xf32, #tpu.memory_space<hbm>> -> memref<8192x1024xf32, #tpu.memory_space<hbm>>
    tpu.enqueue_indirect_dma source(%dma_start3A_1432 : memref<8192x1024xf32, #tpu.memory_space<hbm>>) target(%dma_start3A_1429 : memref<16x1024xf32, #tpu.memory_space<vmem>>) offsets(%select_n3A_1422 : vector<16xi32>) semaphore(%arg7 : memref<!tpu.dma_semaphore, #tpu.memory_space<semaphore_mem>>)
    %dma_wait3A_1433 = arith.constant 4 : i32
    %dma_wait3A_1434 = arith.constant 0 : i32
    %dma_wait3A_1435 = arith.constant 0 : i32
    %dma_wait3A_1436 = arith.constant 0 : i32
    %dma_wait3A_1437 = tpu.memref_slice %arg6[%dma_wait3A_1433, %dma_wait3A_1434, %dma_wait3A_1435, %dma_wait3A_1436] : memref<7x4x4x1024xf32, #tpu.memory_space<vmem>> -> memref<1x4x4x1024xf32, #tpu.memory_space<vmem>>
    %dma_wait3A_1438 = tpu.memref_squeeze %dma_wait3A_1437 : memref<1x4x4x1024xf32, #tpu.memory_space<vmem>> -> memref<4x4x1024xf32, #tpu.memory_space<vmem>>
    %dma_wait3A_1439 = tpu.memref_reshape %dma_wait3A_1438 : memref<4x4x1024xf32, #tpu.memory_space<vmem>> -> memref<16x1024xf32, #tpu.memory_space<vmem>>
    %dma_wait3A_1440 = arith.constant 0 : i32
    %dma_wait3A_1441 = arith.constant 0 : i32
    %dma_wait3A_1442 = tpu.memref_slice %arg3[%dma_wait3A_1440, %dma_wait3A_1441] : memref<8192x1024xf32, #tpu.memory_space<hbm>> -> memref<8192x1024xf32, #tpu.memory_space<hbm>>
    tpu.wait_indirect_dma semaphore(%arg7 : memref<!tpu.dma_semaphore, #tpu.memory_space<semaphore_mem>>) src(%dma_wait3A_1442 : memref<8192x1024xf32, #tpu.memory_space<hbm>>) dst(%dma_wait3A_1439 : memref<16x1024xf32, #tpu.memory_space<vmem>>)
    %add3A_1443 = arith.constant 72 : i32
    %add3A_1444 = arith.addi %mul3A_2, %add3A_1443 : i32
    %dma_start3A_1445 = arith.constant 4 : i32
    %dma_start3A_1446 = arith.constant 0 : i32
    %dma_start3A_1447 = arith.constant 0 : i32
    %dma_start3A_1448 = arith.constant 0 : i32
    %dma_start3A_1449 = tpu.memref_slice %arg6[%dma_start3A_1445, %dma_start3A_1446, %dma_start3A_1447, %dma_start3A_1448] : memref<7x4x4x1024xf32, #tpu.memory_space<vmem>> -> memref<1x4x4x1024xf32, #tpu.memory_space<vmem>>
    %dma_start3A_1450 = tpu.memref_squeeze %dma_start3A_1449 : memref<1x4x4x1024xf32, #tpu.memory_space<vmem>> -> memref<4x4x1024xf32, #tpu.memory_space<vmem>>
    %dma_start3A_1451 = arith.constant 0 : i32
    %dma_start3A_1452 = arith.constant 0 : i32
    %dma_start3A_1453 = tpu.memref_slice %arg4[%add3A_1444, %dma_start3A_1451, %dma_start3A_1452] : memref<4096x4x1024xf32, #tpu.memory_space<hbm>> -> memref<4x4x1024xf32, #tpu.memory_space<hbm>>
    %dma_start3A_1454 = arith.constant 0 : i32
    %dma_start3A_1455 = arith.constant 0 : i32
    %dma_start3A_1456 = tpu.memref_slice %arg4[%add3A_1444, %dma_start3A_1454, %dma_start3A_1455] : memref<4096x4x1024xf32, #tpu.memory_space<hbm>> -> memref<4x4x1024xf32, #tpu.memory_space<hbm>>
    %dma_start3A_1457 = arith.constant 0 : i32
    %dma_start3A_1458 = arith.constant 0 : i32
    %dma_start3A_1459 = arith.constant 0 : i32
    %dma_start3A_1460 = tpu.memref_slice %arg6[%dma_start3A_1445, %dma_start3A_1457, %dma_start3A_1458, %dma_start3A_1459] : memref<7x4x4x1024xf32, #tpu.memory_space<vmem>> -> memref<1x4x4x1024xf32, #tpu.memory_space<vmem>>
    %dma_start3A_1461 = tpu.memref_squeeze %dma_start3A_1460 : memref<1x4x4x1024xf32, #tpu.memory_space<vmem>> -> memref<4x4x1024xf32, #tpu.memory_space<vmem>>
    tpu.enqueue_dma source(%dma_start3A_1461 : memref<4x4x1024xf32, #tpu.memory_space<vmem>>) target(%dma_start3A_1456 : memref<4x4x1024xf32, #tpu.memory_space<hbm>>) target_semaphore(%arg8 : memref<!tpu.dma_semaphore, #tpu.memory_space<semaphore_mem>>)
    %dma_wait3A_1462 = arith.constant 3 : i32
    %dma_wait3A_1463 = arith.constant 0 : i32
    %dma_wait3A_1464 = arith.constant 0 : i32
    %dma_wait3A_1465 = arith.constant 0 : i32
    %dma_wait3A_1466 = tpu.memref_slice %arg6[%dma_wait3A_1462, %dma_wait3A_1463, %dma_wait3A_1464, %dma_wait3A_1465] : memref<7x4x4x1024xf32, #tpu.memory_space<vmem>> -> memref<1x4x4x1024xf32, #tpu.memory_space<vmem>>
    %dma_wait3A_1467 = tpu.memref_squeeze %dma_wait3A_1466 : memref<1x4x4x1024xf32, #tpu.memory_space<vmem>> -> memref<4x4x1024xf32, #tpu.memory_space<vmem>>
    %dma_wait3A_1468 = arith.constant 0 : i32
    %dma_wait3A_1469 = arith.constant 0 : i32
    %dma_wait3A_1470 = tpu.memref_slice %arg4[%add3A_1372, %dma_wait3A_1468, %dma_wait3A_1469] : memref<4096x4x1024xf32, #tpu.memory_space<hbm>> -> memref<4x4x1024xf32, #tpu.memory_space<hbm>>
    %dma_wait3A_1471 = arith.constant 0 : i32
    %dma_wait3A_1472 = arith.constant 0 : i32
    %dma_wait3A_1473 = tpu.memref_slice %arg4[%add3A_1372, %dma_wait3A_1471, %dma_wait3A_1472] : memref<4096x4x1024xf32, #tpu.memory_space<hbm>> -> memref<4x4x1024xf32, #tpu.memory_space<hbm>>
    %dma_wait3A_1474 = arith.constant 0 : i32
    %dma_wait3A_1475 = arith.constant 0 : i32
    %dma_wait3A_1476 = arith.constant 0 : i32
    %dma_wait3A_1477 = tpu.memref_slice %arg6[%dma_wait3A_1462, %dma_wait3A_1474, %dma_wait3A_1475, %dma_wait3A_1476] : memref<7x4x4x1024xf32, #tpu.memory_space<vmem>> -> memref<1x4x4x1024xf32, #tpu.memory_space<vmem>>
    %dma_wait3A_1478 = tpu.memref_squeeze %dma_wait3A_1477 : memref<1x4x4x1024xf32, #tpu.memory_space<vmem>> -> memref<4x4x1024xf32, #tpu.memory_space<vmem>>
    tpu.wait_dma2 semaphore(%arg8 : memref<!tpu.dma_semaphore, #tpu.memory_space<semaphore_mem>>) src(%dma_wait3A_1478 : memref<4x4x1024xf32, #tpu.memory_space<vmem>>) dst(%dma_wait3A_1473 : memref<4x4x1024xf32, #tpu.memory_space<hbm>>)
    %get3A_1479 = arith.constant 384 : index
    %get3A_1480 = tpu.vector_load %arg5[%get3A_1479] {strides = array<i32>} : memref<512xi32, #tpu.memory_space<vmem>>, vector<16xi32>,
    %add3A_1481 = arith.constant 384 : i32
    %add3A_1482 = arith.addi %mul3A_4, %add3A_1481 : i32
    %broadcast_in_dim3A_1483 = vector.broadcast %add3A_1482 : i32 to vector<16xi32>
    %add3A_1484 = arith.addi %broadcast_in_dim3A_1483, %iota3A : vector<16xi32>
    %shift_right_arithmetic3A_1485 = arith.constant 2 : i32
    %shift_right_arithmetic3A_1486 = vector.broadcast %shift_right_arithmetic3A_1485 : i32 to vector<16xi32>
    %shift_right_arithmetic3A_1487 = arith.shrsi %add3A_1484, %shift_right_arithmetic3A_1486 : vector<16xi32>
    %add3A_1488 = arith.constant 2 : i32
    %add3A_1489 = vector.broadcast %add3A_1488 : i32 to vector<16xi32>
    %add3A_1490 = arith.addi %shift_right_arithmetic3A_1487, %add3A_1489 : vector<16xi32>
    %ne3A_1491 = arith.constant 1 : i32
    %ne3A_1492 = vector.broadcast %ne3A_1491 : i32 to vector<16xi32>
    %ne3A_1493 = arith.cmpi ne, %get3A_1480, %ne3A_1492 : vector<16xi32>
    %select_n3A_1494 = arith.select %ne3A_1493, %add3A_1490, %get3A_1480 : vector<16xi1>, vector<16xi32>
    %dma_start3A_1495 = arith.constant 3 : i32
    %dma_start3A_1496 = arith.constant 0 : i32
    %dma_start3A_1497 = arith.constant 0 : i32
    %dma_start3A_1498 = arith.constant 0 : i32
    %dma_start3A_1499 = tpu.memref_slice %arg6[%dma_start3A_1495, %dma_start3A_1496, %dma_start3A_1497, %dma_start3A_1498] : memref<7x4x4x1024xf32, #tpu.memory_space<vmem>> -> memref<1x4x4x1024xf32, #tpu.memory_space<vmem>>
    %dma_start3A_1500 = tpu.memref_squeeze %dma_start3A_1499 : memref<1x4x4x1024xf32, #tpu.memory_space<vmem>> -> memref<4x4x1024xf32, #tpu.memory_space<vmem>>
    %dma_start3A_1501 = tpu.memref_reshape %dma_start3A_1500 : memref<4x4x1024xf32, #tpu.memory_space<vmem>> -> memref<16x1024xf32, #tpu.memory_space<vmem>>
    %dma_start3A_1502 = arith.constant 0 : i32
    %dma_start3A_1503 = arith.constant 0 : i32
    %dma_start3A_1504 = tpu.memref_slice %arg3[%dma_start3A_1502, %dma_start3A_1503] : memref<8192x1024xf32, #tpu.memory_space<hbm>> -> memref<8192x1024xf32, #tpu.memory_space<hbm>>
    tpu.enqueue_indirect_dma source(%dma_start3A_1504 : memref<8192x1024xf32, #tpu.memory_space<hbm>>) target(%dma_start3A_1501 : memref<16x1024xf32, #tpu.memory_space<vmem>>) offsets(%select_n3A_1494 : vector<16xi32>) semaphore(%arg7 : memref<!tpu.dma_semaphore, #tpu.memory_space<semaphore_mem>>)
    %dma_wait3A_1505 = arith.constant 5 : i32
    %dma_wait3A_1506 = arith.constant 0 : i32
    %dma_wait3A_1507 = arith.constant 0 : i32
    %dma_wait3A_1508 = arith.constant 0 : i32
    %dma_wait3A_1509 = tpu.memref_slice %arg6[%dma_wait3A_1505, %dma_wait3A_1506, %dma_wait3A_1507, %dma_wait3A_1508] : memref<7x4x4x1024xf32, #tpu.memory_space<vmem>> -> memref<1x4x4x1024xf32, #tpu.memory_space<vmem>>
    %dma_wait3A_1510 = tpu.memref_squeeze %dma_wait3A_1509 : memref<1x4x4x1024xf32, #tpu.memory_space<vmem>> -> memref<4x4x1024xf32, #tpu.memory_space<vmem>>
    %dma_wait3A_1511 = tpu.memref_reshape %dma_wait3A_1510 : memref<4x4x1024xf32, #tpu.memory_space<vmem>> -> memref<16x1024xf32, #tpu.memory_space<vmem>>
    %dma_wait3A_1512 = arith.constant 0 : i32
    %dma_wait3A_1513 = arith.constant 0 : i32
    %dma_wait3A_1514 = tpu.memref_slice %arg3[%dma_wait3A_1512, %dma_wait3A_1513] : memref<8192x1024xf32, #tpu.memory_space<hbm>> -> memref<8192x1024xf32, #tpu.memory_space<hbm>>
    tpu.wait_indirect_dma semaphore(%arg7 : memref<!tpu.dma_semaphore, #tpu.memory_space<semaphore_mem>>) src(%dma_wait3A_1514 : memref<8192x1024xf32, #tpu.memory_space<hbm>>) dst(%dma_wait3A_1511 : memref<16x1024xf32, #tpu.memory_space<vmem>>)
    %add3A_1515 = arith.constant 76 : i32
    %add3A_1516 = arith.addi %mul3A_2, %add3A_1515 : i32
    %dma_start3A_1517 = arith.constant 5 : i32
    %dma_start3A_1518 = arith.constant 0 : i32
    %dma_start3A_1519 = arith.constant 0 : i32
    %dma_start3A_1520 = arith.constant 0 : i32
    %dma_start3A_1521 = tpu.memref_slice %arg6[%dma_start3A_1517, %dma_start3A_1518, %dma_start3A_1519, %dma_start3A_1520] : memref<7x4x4x1024xf32, #tpu.memory_space<vmem>> -> memref<1x4x4x1024xf32, #tpu.memory_space<vmem>>
    %dma_start3A_1522 = tpu.memref_squeeze %dma_start3A_1521 : memref<1x4x4x1024xf32, #tpu.memory_space<vmem>> -> memref<4x4x1024xf32, #tpu.memory_space<vmem>>
    %dma_start3A_1523 = arith.constant 0 : i32
    %dma_start3A_1524 = arith.constant 0 : i32
    %dma_start3A_1525 = tpu.memref_slice %arg4[%add3A_1516, %dma_start3A_1523, %dma_start3A_1524] : memref<4096x4x1024xf32, #tpu.memory_space<hbm>> -> memref<4x4x1024xf32, #tpu.memory_space<hbm>>
    %dma_start3A_1526 = arith.constant 0 : i32
    %dma_start3A_1527 = arith.constant 0 : i32
    %dma_start3A_1528 = tpu.memref_slice %arg4[%add3A_1516, %dma_start3A_1526, %dma_start3A_1527] : memref<4096x4x1024xf32, #tpu.memory_space<hbm>> -> memref<4x4x1024xf32, #tpu.memory_space<hbm>>
    %dma_start3A_1529 = arith.constant 0 : i32
    %dma_start3A_1530 = arith.constant 0 : i32
    %dma_start3A_1531 = arith.constant 0 : i32
    %dma_start3A_1532 = tpu.memref_slice %arg6[%dma_start3A_1517, %dma_start3A_1529, %dma_start3A_1530, %dma_start3A_1531] : memref<7x4x4x1024xf32, #tpu.memory_space<vmem>> -> memref<1x4x4x1024xf32, #tpu.memory_space<vmem>>
    %dma_start3A_1533 = tpu.memref_squeeze %dma_start3A_1532 : memref<1x4x4x1024xf32, #tpu.memory_space<vmem>> -> memref<4x4x1024xf32, #tpu.memory_space<vmem>>
    tpu.enqueue_dma source(%dma_start3A_1533 : memref<4x4x1024xf32, #tpu.memory_space<vmem>>) target(%dma_start3A_1528 : memref<4x4x1024xf32, #tpu.memory_space<hbm>>) target_semaphore(%arg8 : memref<!tpu.dma_semaphore, #tpu.memory_space<semaphore_mem>>)
    %dma_wait3A_1534 = arith.constant 4 : i32
    %dma_wait3A_1535 = arith.constant 0 : i32
    %dma_wait3A_1536 = arith.constant 0 : i32
    %dma_wait3A_1537 = arith.constant 0 : i32
    %dma_wait3A_1538 = tpu.memref_slice %arg6[%dma_wait3A_1534, %dma_wait3A_1535, %dma_wait3A_1536, %dma_wait3A_1537] : memref<7x4x4x1024xf32, #tpu.memory_space<vmem>> -> memref<1x4x4x1024xf32, #tpu.memory_space<vmem>>
    %dma_wait3A_1539 = tpu.memref_squeeze %dma_wait3A_1538 : memref<1x4x4x1024xf32, #tpu.memory_space<vmem>> -> memref<4x4x1024xf32, #tpu.memory_space<vmem>>
    %dma_wait3A_1540 = arith.constant 0 : i32
    %dma_wait3A_1541 = arith.constant 0 : i32
    %dma_wait3A_1542 = tpu.memref_slice %arg4[%add3A_1444, %dma_wait3A_1540, %dma_wait3A_1541] : memref<4096x4x1024xf32, #tpu.memory_space<hbm>> -> memref<4x4x1024xf32, #tpu.memory_space<hbm>>
    %dma_wait3A_1543 = arith.constant 0 : i32
    %dma_wait3A_1544 = arith.constant 0 : i32
    %dma_wait3A_1545 = tpu.memref_slice %arg4[%add3A_1444, %dma_wait3A_1543, %dma_wait3A_1544] : memref<4096x4x1024xf32, #tpu.memory_space<hbm>> -> memref<4x4x1024xf32, #tpu.memory_space<hbm>>
    %dma_wait3A_1546 = arith.constant 0 : i32
    %dma_wait3A_1547 = arith.constant 0 : i32
    %dma_wait3A_1548 = arith.constant 0 : i32
    %dma_wait3A_1549 = tpu.memref_slice %arg6[%dma_wait3A_1534, %dma_wait3A_1546, %dma_wait3A_1547, %dma_wait3A_1548] : memref<7x4x4x1024xf32, #tpu.memory_space<vmem>> -> memref<1x4x4x1024xf32, #tpu.memory_space<vmem>>
    %dma_wait3A_1550 = tpu.memref_squeeze %dma_wait3A_1549 : memref<1x4x4x1024xf32, #tpu.memory_space<vmem>> -> memref<4x4x1024xf32, #tpu.memory_space<vmem>>
    tpu.wait_dma2 semaphore(%arg8 : memref<!tpu.dma_semaphore, #tpu.memory_space<semaphore_mem>>) src(%dma_wait3A_1550 : memref<4x4x1024xf32, #tpu.memory_space<vmem>>) dst(%dma_wait3A_1545 : memref<4x4x1024xf32, #tpu.memory_space<hbm>>)
    %get3A_1551 = arith.constant 400 : index
    %get3A_1552 = tpu.vector_load %arg5[%get3A_1551] {strides = array<i32>} : memref<512xi32, #tpu.memory_space<vmem>>, vector<16xi32>,
    %add3A_1553 = arith.constant 400 : i32
    %add3A_1554 = arith.addi %mul3A_4, %add3A_1553 : i32
    %broadcast_in_dim3A_1555 = vector.broadcast %add3A_1554 : i32 to vector<16xi32>
    %add3A_1556 = arith.addi %broadcast_in_dim3A_1555, %iota3A : vector<16xi32>
    %shift_right_arithmetic3A_1557 = arith.constant 2 : i32
    %shift_right_arithmetic3A_1558 = vector.broadcast %shift_right_arithmetic3A_1557 : i32 to vector<16xi32>
    %shift_right_arithmetic3A_1559 = arith.shrsi %add3A_1556, %shift_right_arithmetic3A_1558 : vector<16xi32>
    %add3A_1560 = arith.constant 2 : i32
    %add3A_1561 = vector.broadcast %add3A_1560 : i32 to vector<16xi32>
    %add3A_1562 = arith.addi %shift_right_arithmetic3A_1559, %add3A_1561 : vector<16xi32>
    %ne3A_1563 = arith.constant 1 : i32
    %ne3A_1564 = vector.broadcast %ne3A_1563 : i32 to vector<16xi32>
    %ne3A_1565 = arith.cmpi ne, %get3A_1552, %ne3A_1564 : vector<16xi32>
    %select_n3A_1566 = arith.select %ne3A_1565, %add3A_1562, %get3A_1552 : vector<16xi1>, vector<16xi32>
    %dma_start3A_1567 = arith.constant 4 : i32
    %dma_start3A_1568 = arith.constant 0 : i32
    %dma_start3A_1569 = arith.constant 0 : i32
    %dma_start3A_1570 = arith.constant 0 : i32
    %dma_start3A_1571 = tpu.memref_slice %arg6[%dma_start3A_1567, %dma_start3A_1568, %dma_start3A_1569, %dma_start3A_1570] : memref<7x4x4x1024xf32, #tpu.memory_space<vmem>> -> memref<1x4x4x1024xf32, #tpu.memory_space<vmem>>
    %dma_start3A_1572 = tpu.memref_squeeze %dma_start3A_1571 : memref<1x4x4x1024xf32, #tpu.memory_space<vmem>> -> memref<4x4x1024xf32, #tpu.memory_space<vmem>>
    %dma_start3A_1573 = tpu.memref_reshape %dma_start3A_1572 : memref<4x4x1024xf32, #tpu.memory_space<vmem>> -> memref<16x1024xf32, #tpu.memory_space<vmem>>
    %dma_start3A_1574 = arith.constant 0 : i32
    %dma_start3A_1575 = arith.constant 0 : i32
    %dma_start3A_1576 = tpu.memref_slice %arg3[%dma_start3A_1574, %dma_start3A_1575] : memref<8192x1024xf32, #tpu.memory_space<hbm>> -> memref<8192x1024xf32, #tpu.memory_space<hbm>>
    tpu.enqueue_indirect_dma source(%dma_start3A_1576 : memref<8192x1024xf32, #tpu.memory_space<hbm>>) target(%dma_start3A_1573 : memref<16x1024xf32, #tpu.memory_space<vmem>>) offsets(%select_n3A_1566 : vector<16xi32>) semaphore(%arg7 : memref<!tpu.dma_semaphore, #tpu.memory_space<semaphore_mem>>)
    %dma_wait3A_1577 = arith.constant 6 : i32
    %dma_wait3A_1578 = arith.constant 0 : i32
    %dma_wait3A_1579 = arith.constant 0 : i32
    %dma_wait3A_1580 = arith.constant 0 : i32
    %dma_wait3A_1581 = tpu.memref_slice %arg6[%dma_wait3A_1577, %dma_wait3A_1578, %dma_wait3A_1579, %dma_wait3A_1580] : memref<7x4x4x1024xf32, #tpu.memory_space<vmem>> -> memref<1x4x4x1024xf32, #tpu.memory_space<vmem>>
    %dma_wait3A_1582 = tpu.memref_squeeze %dma_wait3A_1581 : memref<1x4x4x1024xf32, #tpu.memory_space<vmem>> -> memref<4x4x1024xf32, #tpu.memory_space<vmem>>
    %dma_wait3A_1583 = tpu.memref_reshape %dma_wait3A_1582 : memref<4x4x1024xf32, #tpu.memory_space<vmem>> -> memref<16x1024xf32, #tpu.memory_space<vmem>>
    %dma_wait3A_1584 = arith.constant 0 : i32
    %dma_wait3A_1585 = arith.constant 0 : i32
    %dma_wait3A_1586 = tpu.memref_slice %arg3[%dma_wait3A_1584, %dma_wait3A_1585] : memref<8192x1024xf32, #tpu.memory_space<hbm>> -> memref<8192x1024xf32, #tpu.memory_space<hbm>>
    tpu.wait_indirect_dma semaphore(%arg7 : memref<!tpu.dma_semaphore, #tpu.memory_space<semaphore_mem>>) src(%dma_wait3A_1586 : memref<8192x1024xf32, #tpu.memory_space<hbm>>) dst(%dma_wait3A_1583 : memref<16x1024xf32, #tpu.memory_space<vmem>>)
    %add3A_1587 = arith.constant 80 : i32
    %add3A_1588 = arith.addi %mul3A_2, %add3A_1587 : i32
    %dma_start3A_1589 = arith.constant 6 : i32
    %dma_start3A_1590 = arith.constant 0 : i32
    %dma_start3A_1591 = arith.constant 0 : i32
    %dma_start3A_1592 = arith.constant 0 : i32
    %dma_start3A_1593 = tpu.memref_slice %arg6[%dma_start3A_1589, %dma_start3A_1590, %dma_start3A_1591, %dma_start3A_1592] : memref<7x4x4x1024xf32, #tpu.memory_space<vmem>> -> memref<1x4x4x1024xf32, #tpu.memory_space<vmem>>
    %dma_start3A_1594 = tpu.memref_squeeze %dma_start3A_1593 : memref<1x4x4x1024xf32, #tpu.memory_space<vmem>> -> memref<4x4x1024xf32, #tpu.memory_space<vmem>>
    %dma_start3A_1595 = arith.constant 0 : i32
    %dma_start3A_1596 = arith.constant 0 : i32
    %dma_start3A_1597 = tpu.memref_slice %arg4[%add3A_1588, %dma_start3A_1595, %dma_start3A_1596] : memref<4096x4x1024xf32, #tpu.memory_space<hbm>> -> memref<4x4x1024xf32, #tpu.memory_space<hbm>>
    %dma_start3A_1598 = arith.constant 0 : i32
    %dma_start3A_1599 = arith.constant 0 : i32
    %dma_start3A_1600 = tpu.memref_slice %arg4[%add3A_1588, %dma_start3A_1598, %dma_start3A_1599] : memref<4096x4x1024xf32, #tpu.memory_space<hbm>> -> memref<4x4x1024xf32, #tpu.memory_space<hbm>>
    %dma_start3A_1601 = arith.constant 0 : i32
    %dma_start3A_1602 = arith.constant 0 : i32
    %dma_start3A_1603 = arith.constant 0 : i32
    %dma_start3A_1604 = tpu.memref_slice %arg6[%dma_start3A_1589, %dma_start3A_1601, %dma_start3A_1602, %dma_start3A_1603] : memref<7x4x4x1024xf32, #tpu.memory_space<vmem>> -> memref<1x4x4x1024xf32, #tpu.memory_space<vmem>>
    %dma_start3A_1605 = tpu.memref_squeeze %dma_start3A_1604 : memref<1x4x4x1024xf32, #tpu.memory_space<vmem>> -> memref<4x4x1024xf32, #tpu.memory_space<vmem>>
    tpu.enqueue_dma source(%dma_start3A_1605 : memref<4x4x1024xf32, #tpu.memory_space<vmem>>) target(%dma_start3A_1600 : memref<4x4x1024xf32, #tpu.memory_space<hbm>>) target_semaphore(%arg8 : memref<!tpu.dma_semaphore, #tpu.memory_space<semaphore_mem>>)
    %dma_wait3A_1606 = arith.constant 5 : i32
    %dma_wait3A_1607 = arith.constant 0 : i32
    %dma_wait3A_1608 = arith.constant 0 : i32
    %dma_wait3A_1609 = arith.constant 0 : i32
    %dma_wait3A_1610 = tpu.memref_slice %arg6[%dma_wait3A_1606, %dma_wait3A_1607, %dma_wait3A_1608, %dma_wait3A_1609] : memref<7x4x4x1024xf32, #tpu.memory_space<vmem>> -> memref<1x4x4x1024xf32, #tpu.memory_space<vmem>>
    %dma_wait3A_1611 = tpu.memref_squeeze %dma_wait3A_1610 : memref<1x4x4x1024xf32, #tpu.memory_space<vmem>> -> memref<4x4x1024xf32, #tpu.memory_space<vmem>>
    %dma_wait3A_1612 = arith.constant 0 : i32
    %dma_wait3A_1613 = arith.constant 0 : i32
    %dma_wait3A_1614 = tpu.memref_slice %arg4[%add3A_1516, %dma_wait3A_1612, %dma_wait3A_1613] : memref<4096x4x1024xf32, #tpu.memory_space<hbm>> -> memref<4x4x1024xf32, #tpu.memory_space<hbm>>
    %dma_wait3A_1615 = arith.constant 0 : i32
    %dma_wait3A_1616 = arith.constant 0 : i32
    %dma_wait3A_1617 = tpu.memref_slice %arg4[%add3A_1516, %dma_wait3A_1615, %dma_wait3A_1616] : memref<4096x4x1024xf32, #tpu.memory_space<hbm>> -> memref<4x4x1024xf32, #tpu.memory_space<hbm>>
    %dma_wait3A_1618 = arith.constant 0 : i32
    %dma_wait3A_1619 = arith.constant 0 : i32
    %dma_wait3A_1620 = arith.constant 0 : i32
    %dma_wait3A_1621 = tpu.memref_slice %arg6[%dma_wait3A_1606, %dma_wait3A_1618, %dma_wait3A_1619, %dma_wait3A_1620] : memref<7x4x4x1024xf32, #tpu.memory_space<vmem>> -> memref<1x4x4x1024xf32, #tpu.memory_space<vmem>>
    %dma_wait3A_1622 = tpu.memref_squeeze %dma_wait3A_1621 : memref<1x4x4x1024xf32, #tpu.memory_space<vmem>> -> memref<4x4x1024xf32, #tpu.memory_space<vmem>>
    tpu.wait_dma2 semaphore(%arg8 : memref<!tpu.dma_semaphore, #tpu.memory_space<semaphore_mem>>) src(%dma_wait3A_1622 : memref<4x4x1024xf32, #tpu.memory_space<vmem>>) dst(%dma_wait3A_1617 : memref<4x4x1024xf32, #tpu.memory_space<hbm>>)
    %get3A_1623 = arith.constant 416 : index
    %get3A_1624 = tpu.vector_load %arg5[%get3A_1623] {strides = array<i32>} : memref<512xi32, #tpu.memory_space<vmem>>, vector<16xi32>,
    %add3A_1625 = arith.constant 416 : i32
    %add3A_1626 = arith.addi %mul3A_4, %add3A_1625 : i32
    %broadcast_in_dim3A_1627 = vector.broadcast %add3A_1626 : i32 to vector<16xi32>
    %add3A_1628 = arith.addi %broadcast_in_dim3A_1627, %iota3A : vector<16xi32>
    %shift_right_arithmetic3A_1629 = arith.constant 2 : i32
    %shift_right_arithmetic3A_1630 = vector.broadcast %shift_right_arithmetic3A_1629 : i32 to vector<16xi32>
    %shift_right_arithmetic3A_1631 = arith.shrsi %add3A_1628, %shift_right_arithmetic3A_1630 : vector<16xi32>
    %add3A_1632 = arith.constant 2 : i32
    %add3A_1633 = vector.broadcast %add3A_1632 : i32 to vector<16xi32>
    %add3A_1634 = arith.addi %shift_right_arithmetic3A_1631, %add3A_1633 : vector<16xi32>
    %ne3A_1635 = arith.constant 1 : i32
    %ne3A_1636 = vector.broadcast %ne3A_1635 : i32 to vector<16xi32>
    %ne3A_1637 = arith.cmpi ne, %get3A_1624, %ne3A_1636 : vector<16xi32>
    %select_n3A_1638 = arith.select %ne3A_1637, %add3A_1634, %get3A_1624 : vector<16xi1>, vector<16xi32>
    %dma_start3A_1639 = arith.constant 5 : i32
    %dma_start3A_1640 = arith.constant 0 : i32
    %dma_start3A_1641 = arith.constant 0 : i32
    %dma_start3A_1642 = arith.constant 0 : i32
    %dma_start3A_1643 = tpu.memref_slice %arg6[%dma_start3A_1639, %dma_start3A_1640, %dma_start3A_1641, %dma_start3A_1642] : memref<7x4x4x1024xf32, #tpu.memory_space<vmem>> -> memref<1x4x4x1024xf32, #tpu.memory_space<vmem>>
    %dma_start3A_1644 = tpu.memref_squeeze %dma_start3A_1643 : memref<1x4x4x1024xf32, #tpu.memory_space<vmem>> -> memref<4x4x1024xf32, #tpu.memory_space<vmem>>
    %dma_start3A_1645 = tpu.memref_reshape %dma_start3A_1644 : memref<4x4x1024xf32, #tpu.memory_space<vmem>> -> memref<16x1024xf32, #tpu.memory_space<vmem>>
    %dma_start3A_1646 = arith.constant 0 : i32
    %dma_start3A_1647 = arith.constant 0 : i32
    %dma_start3A_1648 = tpu.memref_slice %arg3[%dma_start3A_1646, %dma_start3A_1647] : memref<8192x1024xf32, #tpu.memory_space<hbm>> -> memref<8192x1024xf32, #tpu.memory_space<hbm>>
    tpu.enqueue_indirect_dma source(%dma_start3A_1648 : memref<8192x1024xf32, #tpu.memory_space<hbm>>) target(%dma_start3A_1645 : memref<16x1024xf32, #tpu.memory_space<vmem>>) offsets(%select_n3A_1638 : vector<16xi32>) semaphore(%arg7 : memref<!tpu.dma_semaphore, #tpu.memory_space<semaphore_mem>>)
    %dma_wait3A_1649 = arith.constant 0 : i32
    %dma_wait3A_1650 = arith.constant 0 : i32
    %dma_wait3A_1651 = arith.constant 0 : i32
    %dma_wait3A_1652 = arith.constant 0 : i32
    %dma_wait3A_1653 = tpu.memref_slice %arg6[%dma_wait3A_1649, %dma_wait3A_1650, %dma_wait3A_1651, %dma_wait3A_1652] : memref<7x4x4x1024xf32, #tpu.memory_space<vmem>> -> memref<1x4x4x1024xf32, #tpu.memory_space<vmem>>
    %dma_wait3A_1654 = tpu.memref_squeeze %dma_wait3A_1653 : memref<1x4x4x1024xf32, #tpu.memory_space<vmem>> -> memref<4x4x1024xf32, #tpu.memory_space<vmem>>
    %dma_wait3A_1655 = tpu.memref_reshape %dma_wait3A_1654 : memref<4x4x1024xf32, #tpu.memory_space<vmem>> -> memref<16x1024xf32, #tpu.memory_space<vmem>>
    %dma_wait3A_1656 = arith.constant 0 : i32
    %dma_wait3A_1657 = arith.constant 0 : i32
    %dma_wait3A_1658 = tpu.memref_slice %arg3[%dma_wait3A_1656, %dma_wait3A_1657] : memref<8192x1024xf32, #tpu.memory_space<hbm>> -> memref<8192x1024xf32, #tpu.memory_space<hbm>>
    tpu.wait_indirect_dma semaphore(%arg7 : memref<!tpu.dma_semaphore, #tpu.memory_space<semaphore_mem>>) src(%dma_wait3A_1658 : memref<8192x1024xf32, #tpu.memory_space<hbm>>) dst(%dma_wait3A_1655 : memref<16x1024xf32, #tpu.memory_space<vmem>>)
    %add3A_1659 = arith.constant 84 : i32
    %add3A_1660 = arith.addi %mul3A_2, %add3A_1659 : i32
    %dma_start3A_1661 = arith.constant 0 : i32
    %dma_start3A_1662 = arith.constant 0 : i32
    %dma_start3A_1663 = arith.constant 0 : i32
    %dma_start3A_1664 = arith.constant 0 : i32
    %dma_start3A_1665 = tpu.memref_slice %arg6[%dma_start3A_1661, %dma_start3A_1662, %dma_start3A_1663, %dma_start3A_1664] : memref<7x4x4x1024xf32, #tpu.memory_space<vmem>> -> memref<1x4x4x1024xf32, #tpu.memory_space<vmem>>
    %dma_start3A_1666 = tpu.memref_squeeze %dma_start3A_1665 : memref<1x4x4x1024xf32, #tpu.memory_space<vmem>> -> memref<4x4x1024xf32, #tpu.memory_space<vmem>>
    %dma_start3A_1667 = arith.constant 0 : i32
    %dma_start3A_1668 = arith.constant 0 : i32
    %dma_start3A_1669 = tpu.memref_slice %arg4[%add3A_1660, %dma_start3A_1667, %dma_start3A_1668] : memref<4096x4x1024xf32, #tpu.memory_space<hbm>> -> memref<4x4x1024xf32, #tpu.memory_space<hbm>>
    %dma_start3A_1670 = arith.constant 0 : i32
    %dma_start3A_1671 = arith.constant 0 : i32
    %dma_start3A_1672 = tpu.memref_slice %arg4[%add3A_1660, %dma_start3A_1670, %dma_start3A_1671] : memref<4096x4x1024xf32, #tpu.memory_space<hbm>> -> memref<4x4x1024xf32, #tpu.memory_space<hbm>>
    %dma_start3A_1673 = arith.constant 0 : i32
    %dma_start3A_1674 = arith.constant 0 : i32
    %dma_start3A_1675 = arith.constant 0 : i32
    %dma_start3A_1676 = tpu.memref_slice %arg6[%dma_start3A_1661, %dma_start3A_1673, %dma_start3A_1674, %dma_start3A_1675] : memref<7x4x4x1024xf32, #tpu.memory_space<vmem>> -> memref<1x4x4x1024xf32, #tpu.memory_space<vmem>>
    %dma_start3A_1677 = tpu.memref_squeeze %dma_start3A_1676 : memref<1x4x4x1024xf32, #tpu.memory_space<vmem>> -> memref<4x4x1024xf32, #tpu.memory_space<vmem>>
    tpu.enqueue_dma source(%dma_start3A_1677 : memref<4x4x1024xf32, #tpu.memory_space<vmem>>) target(%dma_start3A_1672 : memref<4x4x1024xf32, #tpu.memory_space<hbm>>) target_semaphore(%arg8 : memref<!tpu.dma_semaphore, #tpu.memory_space<semaphore_mem>>)
    %dma_wait3A_1678 = arith.constant 6 : i32
    %dma_wait3A_1679 = arith.constant 0 : i32
    %dma_wait3A_1680 = arith.constant 0 : i32
    %dma_wait3A_1681 = arith.constant 0 : i32
    %dma_wait3A_1682 = tpu.memref_slice %arg6[%dma_wait3A_1678, %dma_wait3A_1679, %dma_wait3A_1680, %dma_wait3A_1681] : memref<7x4x4x1024xf32, #tpu.memory_space<vmem>> -> memref<1x4x4x1024xf32, #tpu.memory_space<vmem>>
    %dma_wait3A_1683 = tpu.memref_squeeze %dma_wait3A_1682 : memref<1x4x4x1024xf32, #tpu.memory_space<vmem>> -> memref<4x4x1024xf32, #tpu.memory_space<vmem>>
    %dma_wait3A_1684 = arith.constant 0 : i32
    %dma_wait3A_1685 = arith.constant 0 : i32
    %dma_wait3A_1686 = tpu.memref_slice %arg4[%add3A_1588, %dma_wait3A_1684, %dma_wait3A_1685] : memref<4096x4x1024xf32, #tpu.memory_space<hbm>> -> memref<4x4x1024xf32, #tpu.memory_space<hbm>>
    %dma_wait3A_1687 = arith.constant 0 : i32
    %dma_wait3A_1688 = arith.constant 0 : i32
    %dma_wait3A_1689 = tpu.memref_slice %arg4[%add3A_1588, %dma_wait3A_1687, %dma_wait3A_1688] : memref<4096x4x1024xf32, #tpu.memory_space<hbm>> -> memref<4x4x1024xf32, #tpu.memory_space<hbm>>
    %dma_wait3A_1690 = arith.constant 0 : i32
    %dma_wait3A_1691 = arith.constant 0 : i32
    %dma_wait3A_1692 = arith.constant 0 : i32
    %dma_wait3A_1693 = tpu.memref_slice %arg6[%dma_wait3A_1678, %dma_wait3A_1690, %dma_wait3A_1691, %dma_wait3A_1692] : memref<7x4x4x1024xf32, #tpu.memory_space<vmem>> -> memref<1x4x4x1024xf32, #tpu.memory_space<vmem>>
    %dma_wait3A_1694 = tpu.memref_squeeze %dma_wait3A_1693 : memref<1x4x4x1024xf32, #tpu.memory_space<vmem>> -> memref<4x4x1024xf32, #tpu.memory_space<vmem>>
    tpu.wait_dma2 semaphore(%arg8 : memref<!tpu.dma_semaphore, #tpu.memory_space<semaphore_mem>>) src(%dma_wait3A_1694 : memref<4x4x1024xf32, #tpu.memory_space<vmem>>) dst(%dma_wait3A_1689 : memref<4x4x1024xf32, #tpu.memory_space<hbm>>)
    %get3A_1695 = arith.constant 432 : index
    %get3A_1696 = tpu.vector_load %arg5[%get3A_1695] {strides = array<i32>} : memref<512xi32, #tpu.memory_space<vmem>>, vector<16xi32>,
    %add3A_1697 = arith.constant 432 : i32
    %add3A_1698 = arith.addi %mul3A_4, %add3A_1697 : i32
    %broadcast_in_dim3A_1699 = vector.broadcast %add3A_1698 : i32 to vector<16xi32>
    %add3A_1700 = arith.addi %broadcast_in_dim3A_1699, %iota3A : vector<16xi32>
    %shift_right_arithmetic3A_1701 = arith.constant 2 : i32
    %shift_right_arithmetic3A_1702 = vector.broadcast %shift_right_arithmetic3A_1701 : i32 to vector<16xi32>
    %shift_right_arithmetic3A_1703 = arith.shrsi %add3A_1700, %shift_right_arithmetic3A_1702 : vector<16xi32>
    %add3A_1704 = arith.constant 2 : i32
    %add3A_1705 = vector.broadcast %add3A_1704 : i32 to vector<16xi32>
    %add3A_1706 = arith.addi %shift_right_arithmetic3A_1703, %add3A_1705 : vector<16xi32>
    %ne3A_1707 = arith.constant 1 : i32
    %ne3A_1708 = vector.broadcast %ne3A_1707 : i32 to vector<16xi32>
    %ne3A_1709 = arith.cmpi ne, %get3A_1696, %ne3A_1708 : vector<16xi32>
    %select_n3A_1710 = arith.select %ne3A_1709, %add3A_1706, %get3A_1696 : vector<16xi1>, vector<16xi32>
    %dma_start3A_1711 = arith.constant 6 : i32
    %dma_start3A_1712 = arith.constant 0 : i32
    %dma_start3A_1713 = arith.constant 0 : i32
    %dma_start3A_1714 = arith.constant 0 : i32
    %dma_start3A_1715 = tpu.memref_slice %arg6[%dma_start3A_1711, %dma_start3A_1712, %dma_start3A_1713, %dma_start3A_1714] : memref<7x4x4x1024xf32, #tpu.memory_space<vmem>> -> memref<1x4x4x1024xf32, #tpu.memory_space<vmem>>
    %dma_start3A_1716 = tpu.memref_squeeze %dma_start3A_1715 : memref<1x4x4x1024xf32, #tpu.memory_space<vmem>> -> memref<4x4x1024xf32, #tpu.memory_space<vmem>>
    %dma_start3A_1717 = tpu.memref_reshape %dma_start3A_1716 : memref<4x4x1024xf32, #tpu.memory_space<vmem>> -> memref<16x1024xf32, #tpu.memory_space<vmem>>
    %dma_start3A_1718 = arith.constant 0 : i32
    %dma_start3A_1719 = arith.constant 0 : i32
    %dma_start3A_1720 = tpu.memref_slice %arg3[%dma_start3A_1718, %dma_start3A_1719] : memref<8192x1024xf32, #tpu.memory_space<hbm>> -> memref<8192x1024xf32, #tpu.memory_space<hbm>>
    tpu.enqueue_indirect_dma source(%dma_start3A_1720 : memref<8192x1024xf32, #tpu.memory_space<hbm>>) target(%dma_start3A_1717 : memref<16x1024xf32, #tpu.memory_space<vmem>>) offsets(%select_n3A_1710 : vector<16xi32>) semaphore(%arg7 : memref<!tpu.dma_semaphore, #tpu.memory_space<semaphore_mem>>)
    %dma_wait3A_1721 = arith.constant 1 : i32
    %dma_wait3A_1722 = arith.constant 0 : i32
    %dma_wait3A_1723 = arith.constant 0 : i32
    %dma_wait3A_1724 = arith.constant 0 : i32
    %dma_wait3A_1725 = tpu.memref_slice %arg6[%dma_wait3A_1721, %dma_wait3A_1722, %dma_wait3A_1723, %dma_wait3A_1724] : memref<7x4x4x1024xf32, #tpu.memory_space<vmem>> -> memref<1x4x4x1024xf32, #tpu.memory_space<vmem>>
    %dma_wait3A_1726 = tpu.memref_squeeze %dma_wait3A_1725 : memref<1x4x4x1024xf32, #tpu.memory_space<vmem>> -> memref<4x4x1024xf32, #tpu.memory_space<vmem>>
    %dma_wait3A_1727 = tpu.memref_reshape %dma_wait3A_1726 : memref<4x4x1024xf32, #tpu.memory_space<vmem>> -> memref<16x1024xf32, #tpu.memory_space<vmem>>
    %dma_wait3A_1728 = arith.constant 0 : i32
    %dma_wait3A_1729 = arith.constant 0 : i32
    %dma_wait3A_1730 = tpu.memref_slice %arg3[%dma_wait3A_1728, %dma_wait3A_1729] : memref<8192x1024xf32, #tpu.memory_space<hbm>> -> memref<8192x1024xf32, #tpu.memory_space<hbm>>
    tpu.wait_indirect_dma semaphore(%arg7 : memref<!tpu.dma_semaphore, #tpu.memory_space<semaphore_mem>>) src(%dma_wait3A_1730 : memref<8192x1024xf32, #tpu.memory_space<hbm>>) dst(%dma_wait3A_1727 : memref<16x1024xf32, #tpu.memory_space<vmem>>)
    %add3A_1731 = arith.constant 88 : i32
    %add3A_1732 = arith.addi %mul3A_2, %add3A_1731 : i32
    %dma_start3A_1733 = arith.constant 1 : i32
    %dma_start3A_1734 = arith.constant 0 : i32
    %dma_start3A_1735 = arith.constant 0 : i32
    %dma_start3A_1736 = arith.constant 0 : i32
    %dma_start3A_1737 = tpu.memref_slice %arg6[%dma_start3A_1733, %dma_start3A_1734, %dma_start3A_1735, %dma_start3A_1736] : memref<7x4x4x1024xf32, #tpu.memory_space<vmem>> -> memref<1x4x4x1024xf32, #tpu.memory_space<vmem>>
    %dma_start3A_1738 = tpu.memref_squeeze %dma_start3A_1737 : memref<1x4x4x1024xf32, #tpu.memory_space<vmem>> -> memref<4x4x1024xf32, #tpu.memory_space<vmem>>
    %dma_start3A_1739 = arith.constant 0 : i32
    %dma_start3A_1740 = arith.constant 0 : i32
    %dma_start3A_1741 = tpu.memref_slice %arg4[%add3A_1732, %dma_start3A_1739, %dma_start3A_1740] : memref<4096x4x1024xf32, #tpu.memory_space<hbm>> -> memref<4x4x1024xf32, #tpu.memory_space<hbm>>
    %dma_start3A_1742 = arith.constant 0 : i32
    %dma_start3A_1743 = arith.constant 0 : i32
    %dma_start3A_1744 = tpu.memref_slice %arg4[%add3A_1732, %dma_start3A_1742, %dma_start3A_1743] : memref<4096x4x1024xf32, #tpu.memory_space<hbm>> -> memref<4x4x1024xf32, #tpu.memory_space<hbm>>
    %dma_start3A_1745 = arith.constant 0 : i32
    %dma_start3A_1746 = arith.constant 0 : i32
    %dma_start3A_1747 = arith.constant 0 : i32
    %dma_start3A_1748 = tpu.memref_slice %arg6[%dma_start3A_1733, %dma_start3A_1745, %dma_start3A_1746, %dma_start3A_1747] : memref<7x4x4x1024xf32, #tpu.memory_space<vmem>> -> memref<1x4x4x1024xf32, #tpu.memory_space<vmem>>
    %dma_start3A_1749 = tpu.memref_squeeze %dma_start3A_1748 : memref<1x4x4x1024xf32, #tpu.memory_space<vmem>> -> memref<4x4x1024xf32, #tpu.memory_space<vmem>>
    tpu.enqueue_dma source(%dma_start3A_1749 : memref<4x4x1024xf32, #tpu.memory_space<vmem>>) target(%dma_start3A_1744 : memref<4x4x1024xf32, #tpu.memory_space<hbm>>) target_semaphore(%arg8 : memref<!tpu.dma_semaphore, #tpu.memory_space<semaphore_mem>>)
    %dma_wait3A_1750 = arith.constant 0 : i32
    %dma_wait3A_1751 = arith.constant 0 : i32
    %dma_wait3A_1752 = arith.constant 0 : i32
    %dma_wait3A_1753 = arith.constant 0 : i32
    %dma_wait3A_1754 = tpu.memref_slice %arg6[%dma_wait3A_1750, %dma_wait3A_1751, %dma_wait3A_1752, %dma_wait3A_1753] : memref<7x4x4x1024xf32, #tpu.memory_space<vmem>> -> memref<1x4x4x1024xf32, #tpu.memory_space<vmem>>
    %dma_wait3A_1755 = tpu.memref_squeeze %dma_wait3A_1754 : memref<1x4x4x1024xf32, #tpu.memory_space<vmem>> -> memref<4x4x1024xf32, #tpu.memory_space<vmem>>
    %dma_wait3A_1756 = arith.constant 0 : i32
    %dma_wait3A_1757 = arith.constant 0 : i32
    %dma_wait3A_1758 = tpu.memref_slice %arg4[%add3A_1660, %dma_wait3A_1756, %dma_wait3A_1757] : memref<4096x4x1024xf32, #tpu.memory_space<hbm>> -> memref<4x4x1024xf32, #tpu.memory_space<hbm>>
    %dma_wait3A_1759 = arith.constant 0 : i32
    %dma_wait3A_1760 = arith.constant 0 : i32
    %dma_wait3A_1761 = tpu.memref_slice %arg4[%add3A_1660, %dma_wait3A_1759, %dma_wait3A_1760] : memref<4096x4x1024xf32, #tpu.memory_space<hbm>> -> memref<4x4x1024xf32, #tpu.memory_space<hbm>>
    %dma_wait3A_1762 = arith.constant 0 : i32
    %dma_wait3A_1763 = arith.constant 0 : i32
    %dma_wait3A_1764 = arith.constant 0 : i32
    %dma_wait3A_1765 = tpu.memref_slice %arg6[%dma_wait3A_1750, %dma_wait3A_1762, %dma_wait3A_1763, %dma_wait3A_1764] : memref<7x4x4x1024xf32, #tpu.memory_space<vmem>> -> memref<1x4x4x1024xf32, #tpu.memory_space<vmem>>
    %dma_wait3A_1766 = tpu.memref_squeeze %dma_wait3A_1765 : memref<1x4x4x1024xf32, #tpu.memory_space<vmem>> -> memref<4x4x1024xf32, #tpu.memory_space<vmem>>
    tpu.wait_dma2 semaphore(%arg8 : memref<!tpu.dma_semaphore, #tpu.memory_space<semaphore_mem>>) src(%dma_wait3A_1766 : memref<4x4x1024xf32, #tpu.memory_space<vmem>>) dst(%dma_wait3A_1761 : memref<4x4x1024xf32, #tpu.memory_space<hbm>>)
    %get3A_1767 = arith.constant 448 : index
    %get3A_1768 = tpu.vector_load %arg5[%get3A_1767] {strides = array<i32>} : memref<512xi32, #tpu.memory_space<vmem>>, vector<16xi32>,
    %add3A_1769 = arith.constant 448 : i32
    %add3A_1770 = arith.addi %mul3A_4, %add3A_1769 : i32
    %broadcast_in_dim3A_1771 = vector.broadcast %add3A_1770 : i32 to vector<16xi32>
    %add3A_1772 = arith.addi %broadcast_in_dim3A_1771, %iota3A : vector<16xi32>
    %shift_right_arithmetic3A_1773 = arith.constant 2 : i32
    %shift_right_arithmetic3A_1774 = vector.broadcast %shift_right_arithmetic3A_1773 : i32 to vector<16xi32>
    %shift_right_arithmetic3A_1775 = arith.shrsi %add3A_1772, %shift_right_arithmetic3A_1774 : vector<16xi32>
    %add3A_1776 = arith.constant 2 : i32
    %add3A_1777 = vector.broadcast %add3A_1776 : i32 to vector<16xi32>
    %add3A_1778 = arith.addi %shift_right_arithmetic3A_1775, %add3A_1777 : vector<16xi32>
    %ne3A_1779 = arith.constant 1 : i32
    %ne3A_1780 = vector.broadcast %ne3A_1779 : i32 to vector<16xi32>
    %ne3A_1781 = arith.cmpi ne, %get3A_1768, %ne3A_1780 : vector<16xi32>
    %select_n3A_1782 = arith.select %ne3A_1781, %add3A_1778, %get3A_1768 : vector<16xi1>, vector<16xi32>
    %dma_start3A_1783 = arith.constant 0 : i32
    %dma_start3A_1784 = arith.constant 0 : i32
    %dma_start3A_1785 = arith.constant 0 : i32
    %dma_start3A_1786 = arith.constant 0 : i32
    %dma_start3A_1787 = tpu.memref_slice %arg6[%dma_start3A_1783, %dma_start3A_1784, %dma_start3A_1785, %dma_start3A_1786] : memref<7x4x4x1024xf32, #tpu.memory_space<vmem>> -> memref<1x4x4x1024xf32, #tpu.memory_space<vmem>>
    %dma_start3A_1788 = tpu.memref_squeeze %dma_start3A_1787 : memref<1x4x4x1024xf32, #tpu.memory_space<vmem>> -> memref<4x4x1024xf32, #tpu.memory_space<vmem>>
    %dma_start3A_1789 = tpu.memref_reshape %dma_start3A_1788 : memref<4x4x1024xf32, #tpu.memory_space<vmem>> -> memref<16x1024xf32, #tpu.memory_space<vmem>>
    %dma_start3A_1790 = arith.constant 0 : i32
    %dma_start3A_1791 = arith.constant 0 : i32
    %dma_start3A_1792 = tpu.memref_slice %arg3[%dma_start3A_1790, %dma_start3A_1791] : memref<8192x1024xf32, #tpu.memory_space<hbm>> -> memref<8192x1024xf32, #tpu.memory_space<hbm>>
    tpu.enqueue_indirect_dma source(%dma_start3A_1792 : memref<8192x1024xf32, #tpu.memory_space<hbm>>) target(%dma_start3A_1789 : memref<16x1024xf32, #tpu.memory_space<vmem>>) offsets(%select_n3A_1782 : vector<16xi32>) semaphore(%arg7 : memref<!tpu.dma_semaphore, #tpu.memory_space<semaphore_mem>>)
    %dma_wait3A_1793 = arith.constant 2 : i32
    %dma_wait3A_1794 = arith.constant 0 : i32
    %dma_wait3A_1795 = arith.constant 0 : i32
    %dma_wait3A_1796 = arith.constant 0 : i32
    %dma_wait3A_1797 = tpu.memref_slice %arg6[%dma_wait3A_1793, %dma_wait3A_1794, %dma_wait3A_1795, %dma_wait3A_1796] : memref<7x4x4x1024xf32, #tpu.memory_space<vmem>> -> memref<1x4x4x1024xf32, #tpu.memory_space<vmem>>
    %dma_wait3A_1798 = tpu.memref_squeeze %dma_wait3A_1797 : memref<1x4x4x1024xf32, #tpu.memory_space<vmem>> -> memref<4x4x1024xf32, #tpu.memory_space<vmem>>
    %dma_wait3A_1799 = tpu.memref_reshape %dma_wait3A_1798 : memref<4x4x1024xf32, #tpu.memory_space<vmem>> -> memref<16x1024xf32, #tpu.memory_space<vmem>>
    %dma_wait3A_1800 = arith.constant 0 : i32
    %dma_wait3A_1801 = arith.constant 0 : i32
    %dma_wait3A_1802 = tpu.memref_slice %arg3[%dma_wait3A_1800, %dma_wait3A_1801] : memref<8192x1024xf32, #tpu.memory_space<hbm>> -> memref<8192x1024xf32, #tpu.memory_space<hbm>>
    tpu.wait_indirect_dma semaphore(%arg7 : memref<!tpu.dma_semaphore, #tpu.memory_space<semaphore_mem>>) src(%dma_wait3A_1802 : memref<8192x1024xf32, #tpu.memory_space<hbm>>) dst(%dma_wait3A_1799 : memref<16x1024xf32, #tpu.memory_space<vmem>>)
    %add3A_1803 = arith.constant 92 : i32
    %add3A_1804 = arith.addi %mul3A_2, %add3A_1803 : i32
    %dma_start3A_1805 = arith.constant 2 : i32
    %dma_start3A_1806 = arith.constant 0 : i32
    %dma_start3A_1807 = arith.constant 0 : i32
    %dma_start3A_1808 = arith.constant 0 : i32
    %dma_start3A_1809 = tpu.memref_slice %arg6[%dma_start3A_1805, %dma_start3A_1806, %dma_start3A_1807, %dma_start3A_1808] : memref<7x4x4x1024xf32, #tpu.memory_space<vmem>> -> memref<1x4x4x1024xf32, #tpu.memory_space<vmem>>
    %dma_start3A_1810 = tpu.memref_squeeze %dma_start3A_1809 : memref<1x4x4x1024xf32, #tpu.memory_space<vmem>> -> memref<4x4x1024xf32, #tpu.memory_space<vmem>>
    %dma_start3A_1811 = arith.constant 0 : i32
    %dma_start3A_1812 = arith.constant 0 : i32
    %dma_start3A_1813 = tpu.memref_slice %arg4[%add3A_1804, %dma_start3A_1811, %dma_start3A_1812] : memref<4096x4x1024xf32, #tpu.memory_space<hbm>> -> memref<4x4x1024xf32, #tpu.memory_space<hbm>>
    %dma_start3A_1814 = arith.constant 0 : i32
    %dma_start3A_1815 = arith.constant 0 : i32
    %dma_start3A_1816 = tpu.memref_slice %arg4[%add3A_1804, %dma_start3A_1814, %dma_start3A_1815] : memref<4096x4x1024xf32, #tpu.memory_space<hbm>> -> memref<4x4x1024xf32, #tpu.memory_space<hbm>>
    %dma_start3A_1817 = arith.constant 0 : i32
    %dma_start3A_1818 = arith.constant 0 : i32
    %dma_start3A_1819 = arith.constant 0 : i32
    %dma_start3A_1820 = tpu.memref_slice %arg6[%dma_start3A_1805, %dma_start3A_1817, %dma_start3A_1818, %dma_start3A_1819] : memref<7x4x4x1024xf32, #tpu.memory_space<vmem>> -> memref<1x4x4x1024xf32, #tpu.memory_space<vmem>>
    %dma_start3A_1821 = tpu.memref_squeeze %dma_start3A_1820 : memref<1x4x4x1024xf32, #tpu.memory_space<vmem>> -> memref<4x4x1024xf32, #tpu.memory_space<vmem>>
    tpu.enqueue_dma source(%dma_start3A_1821 : memref<4x4x1024xf32, #tpu.memory_space<vmem>>) target(%dma_start3A_1816 : memref<4x4x1024xf32, #tpu.memory_space<hbm>>) target_semaphore(%arg8 : memref<!tpu.dma_semaphore, #tpu.memory_space<semaphore_mem>>)
    %dma_wait3A_1822 = arith.constant 1 : i32
    %dma_wait3A_1823 = arith.constant 0 : i32
    %dma_wait3A_1824 = arith.constant 0 : i32
    %dma_wait3A_1825 = arith.constant 0 : i32
    %dma_wait3A_1826 = tpu.memref_slice %arg6[%dma_wait3A_1822, %dma_wait3A_1823, %dma_wait3A_1824, %dma_wait3A_1825] : memref<7x4x4x1024xf32, #tpu.memory_space<vmem>> -> memref<1x4x4x1024xf32, #tpu.memory_space<vmem>>
    %dma_wait3A_1827 = tpu.memref_squeeze %dma_wait3A_1826 : memref<1x4x4x1024xf32, #tpu.memory_space<vmem>> -> memref<4x4x1024xf32, #tpu.memory_space<vmem>>
    %dma_wait3A_1828 = arith.constant 0 : i32
    %dma_wait3A_1829 = arith.constant 0 : i32
    %dma_wait3A_1830 = tpu.memref_slice %arg4[%add3A_1732, %dma_wait3A_1828, %dma_wait3A_1829] : memref<4096x4x1024xf32, #tpu.memory_space<hbm>> -> memref<4x4x1024xf32, #tpu.memory_space<hbm>>
    %dma_wait3A_1831 = arith.constant 0 : i32
    %dma_wait3A_1832 = arith.constant 0 : i32
    %dma_wait3A_1833 = tpu.memref_slice %arg4[%add3A_1732, %dma_wait3A_1831, %dma_wait3A_1832] : memref<4096x4x1024xf32, #tpu.memory_space<hbm>> -> memref<4x4x1024xf32, #tpu.memory_space<hbm>>
    %dma_wait3A_1834 = arith.constant 0 : i32
    %dma_wait3A_1835 = arith.constant 0 : i32
    %dma_wait3A_1836 = arith.constant 0 : i32
    %dma_wait3A_1837 = tpu.memref_slice %arg6[%dma_wait3A_1822, %dma_wait3A_1834, %dma_wait3A_1835, %dma_wait3A_1836] : memref<7x4x4x1024xf32, #tpu.memory_space<vmem>> -> memref<1x4x4x1024xf32, #tpu.memory_space<vmem>>
    %dma_wait3A_1838 = tpu.memref_squeeze %dma_wait3A_1837 : memref<1x4x4x1024xf32, #tpu.memory_space<vmem>> -> memref<4x4x1024xf32, #tpu.memory_space<vmem>>
    tpu.wait_dma2 semaphore(%arg8 : memref<!tpu.dma_semaphore, #tpu.memory_space<semaphore_mem>>) src(%dma_wait3A_1838 : memref<4x4x1024xf32, #tpu.memory_space<vmem>>) dst(%dma_wait3A_1833 : memref<4x4x1024xf32, #tpu.memory_space<hbm>>)
    %get3A_1839 = arith.constant 464 : index
    %get3A_1840 = tpu.vector_load %arg5[%get3A_1839] {strides = array<i32>} : memref<512xi32, #tpu.memory_space<vmem>>, vector<16xi32>,
    %add3A_1841 = arith.constant 464 : i32
    %add3A_1842 = arith.addi %mul3A_4, %add3A_1841 : i32
    %broadcast_in_dim3A_1843 = vector.broadcast %add3A_1842 : i32 to vector<16xi32>
    %add3A_1844 = arith.addi %broadcast_in_dim3A_1843, %iota3A : vector<16xi32>
    %shift_right_arithmetic3A_1845 = arith.constant 2 : i32
    %shift_right_arithmetic3A_1846 = vector.broadcast %shift_right_arithmetic3A_1845 : i32 to vector<16xi32>
    %shift_right_arithmetic3A_1847 = arith.shrsi %add3A_1844, %shift_right_arithmetic3A_1846 : vector<16xi32>
    %add3A_1848 = arith.constant 2 : i32
    %add3A_1849 = vector.broadcast %add3A_1848 : i32 to vector<16xi32>
    %add3A_1850 = arith.addi %shift_right_arithmetic3A_1847, %add3A_1849 : vector<16xi32>
    %ne3A_1851 = arith.constant 1 : i32
    %ne3A_1852 = vector.broadcast %ne3A_1851 : i32 to vector<16xi32>
    %ne3A_1853 = arith.cmpi ne, %get3A_1840, %ne3A_1852 : vector<16xi32>
    %select_n3A_1854 = arith.select %ne3A_1853, %add3A_1850, %get3A_1840 : vector<16xi1>, vector<16xi32>
    %dma_start3A_1855 = arith.constant 1 : i32
    %dma_start3A_1856 = arith.constant 0 : i32
    %dma_start3A_1857 = arith.constant 0 : i32
    %dma_start3A_1858 = arith.constant 0 : i32
    %dma_start3A_1859 = tpu.memref_slice %arg6[%dma_start3A_1855, %dma_start3A_1856, %dma_start3A_1857, %dma_start3A_1858] : memref<7x4x4x1024xf32, #tpu.memory_space<vmem>> -> memref<1x4x4x1024xf32, #tpu.memory_space<vmem>>
    %dma_start3A_1860 = tpu.memref_squeeze %dma_start3A_1859 : memref<1x4x4x1024xf32, #tpu.memory_space<vmem>> -> memref<4x4x1024xf32, #tpu.memory_space<vmem>>
    %dma_start3A_1861 = tpu.memref_reshape %dma_start3A_1860 : memref<4x4x1024xf32, #tpu.memory_space<vmem>> -> memref<16x1024xf32, #tpu.memory_space<vmem>>
    %dma_start3A_1862 = arith.constant 0 : i32
    %dma_start3A_1863 = arith.constant 0 : i32
    %dma_start3A_1864 = tpu.memref_slice %arg3[%dma_start3A_1862, %dma_start3A_1863] : memref<8192x1024xf32, #tpu.memory_space<hbm>> -> memref<8192x1024xf32, #tpu.memory_space<hbm>>
    tpu.enqueue_indirect_dma source(%dma_start3A_1864 : memref<8192x1024xf32, #tpu.memory_space<hbm>>) target(%dma_start3A_1861 : memref<16x1024xf32, #tpu.memory_space<vmem>>) offsets(%select_n3A_1854 : vector<16xi32>) semaphore(%arg7 : memref<!tpu.dma_semaphore, #tpu.memory_space<semaphore_mem>>)
    %dma_wait3A_1865 = arith.constant 3 : i32
    %dma_wait3A_1866 = arith.constant 0 : i32
    %dma_wait3A_1867 = arith.constant 0 : i32
    %dma_wait3A_1868 = arith.constant 0 : i32
    %dma_wait3A_1869 = tpu.memref_slice %arg6[%dma_wait3A_1865, %dma_wait3A_1866, %dma_wait3A_1867, %dma_wait3A_1868] : memref<7x4x4x1024xf32, #tpu.memory_space<vmem>> -> memref<1x4x4x1024xf32, #tpu.memory_space<vmem>>
    %dma_wait3A_1870 = tpu.memref_squeeze %dma_wait3A_1869 : memref<1x4x4x1024xf32, #tpu.memory_space<vmem>> -> memref<4x4x1024xf32, #tpu.memory_space<vmem>>
    %dma_wait3A_1871 = tpu.memref_reshape %dma_wait3A_1870 : memref<4x4x1024xf32, #tpu.memory_space<vmem>> -> memref<16x1024xf32, #tpu.memory_space<vmem>>
    %dma_wait3A_1872 = arith.constant 0 : i32
    %dma_wait3A_1873 = arith.constant 0 : i32
    %dma_wait3A_1874 = tpu.memref_slice %arg3[%dma_wait3A_1872, %dma_wait3A_1873] : memref<8192x1024xf32, #tpu.memory_space<hbm>> -> memref<8192x1024xf32, #tpu.memory_space<hbm>>
    tpu.wait_indirect_dma semaphore(%arg7 : memref<!tpu.dma_semaphore, #tpu.memory_space<semaphore_mem>>) src(%dma_wait3A_1874 : memref<8192x1024xf32, #tpu.memory_space<hbm>>) dst(%dma_wait3A_1871 : memref<16x1024xf32, #tpu.memory_space<vmem>>)
    %add3A_1875 = arith.constant 96 : i32
    %add3A_1876 = arith.addi %mul3A_2, %add3A_1875 : i32
    %dma_start3A_1877 = arith.constant 3 : i32
    %dma_start3A_1878 = arith.constant 0 : i32
    %dma_start3A_1879 = arith.constant 0 : i32
    %dma_start3A_1880 = arith.constant 0 : i32
    %dma_start3A_1881 = tpu.memref_slice %arg6[%dma_start3A_1877, %dma_start3A_1878, %dma_start3A_1879, %dma_start3A_1880] : memref<7x4x4x1024xf32, #tpu.memory_space<vmem>> -> memref<1x4x4x1024xf32, #tpu.memory_space<vmem>>
    %dma_start3A_1882 = tpu.memref_squeeze %dma_start3A_1881 : memref<1x4x4x1024xf32, #tpu.memory_space<vmem>> -> memref<4x4x1024xf32, #tpu.memory_space<vmem>>
    %dma_start3A_1883 = arith.constant 0 : i32
    %dma_start3A_1884 = arith.constant 0 : i32
    %dma_start3A_1885 = tpu.memref_slice %arg4[%add3A_1876, %dma_start3A_1883, %dma_start3A_1884] : memref<4096x4x1024xf32, #tpu.memory_space<hbm>> -> memref<4x4x1024xf32, #tpu.memory_space<hbm>>
    %dma_start3A_1886 = arith.constant 0 : i32
    %dma_start3A_1887 = arith.constant 0 : i32
    %dma_start3A_1888 = tpu.memref_slice %arg4[%add3A_1876, %dma_start3A_1886, %dma_start3A_1887] : memref<4096x4x1024xf32, #tpu.memory_space<hbm>> -> memref<4x4x1024xf32, #tpu.memory_space<hbm>>
    %dma_start3A_1889 = arith.constant 0 : i32
    %dma_start3A_1890 = arith.constant 0 : i32
    %dma_start3A_1891 = arith.constant 0 : i32
    %dma_start3A_1892 = tpu.memref_slice %arg6[%dma_start3A_1877, %dma_start3A_1889, %dma_start3A_1890, %dma_start3A_1891] : memref<7x4x4x1024xf32, #tpu.memory_space<vmem>> -> memref<1x4x4x1024xf32, #tpu.memory_space<vmem>>
    %dma_start3A_1893 = tpu.memref_squeeze %dma_start3A_1892 : memref<1x4x4x1024xf32, #tpu.memory_space<vmem>> -> memref<4x4x1024xf32, #tpu.memory_space<vmem>>
    tpu.enqueue_dma source(%dma_start3A_1893 : memref<4x4x1024xf32, #tpu.memory_space<vmem>>) target(%dma_start3A_1888 : memref<4x4x1024xf32, #tpu.memory_space<hbm>>) target_semaphore(%arg8 : memref<!tpu.dma_semaphore, #tpu.memory_space<semaphore_mem>>)
    %dma_wait3A_1894 = arith.constant 2 : i32
    %dma_wait3A_1895 = arith.constant 0 : i32
    %dma_wait3A_1896 = arith.constant 0 : i32
    %dma_wait3A_1897 = arith.constant 0 : i32
    %dma_wait3A_1898 = tpu.memref_slice %arg6[%dma_wait3A_1894, %dma_wait3A_1895, %dma_wait3A_1896, %dma_wait3A_1897] : memref<7x4x4x1024xf32, #tpu.memory_space<vmem>> -> memref<1x4x4x1024xf32, #tpu.memory_space<vmem>>
    %dma_wait3A_1899 = tpu.memref_squeeze %dma_wait3A_1898 : memref<1x4x4x1024xf32, #tpu.memory_space<vmem>> -> memref<4x4x1024xf32, #tpu.memory_space<vmem>>
    %dma_wait3A_1900 = arith.constant 0 : i32
    %dma_wait3A_1901 = arith.constant 0 : i32
    %dma_wait3A_1902 = tpu.memref_slice %arg4[%add3A_1804, %dma_wait3A_1900, %dma_wait3A_1901] : memref<4096x4x1024xf32, #tpu.memory_space<hbm>> -> memref<4x4x1024xf32, #tpu.memory_space<hbm>>
    %dma_wait3A_1903 = arith.constant 0 : i32
    %dma_wait3A_1904 = arith.constant 0 : i32
    %dma_wait3A_1905 = tpu.memref_slice %arg4[%add3A_1804, %dma_wait3A_1903, %dma_wait3A_1904] : memref<4096x4x1024xf32, #tpu.memory_space<hbm>> -> memref<4x4x1024xf32, #tpu.memory_space<hbm>>
    %dma_wait3A_1906 = arith.constant 0 : i32
    %dma_wait3A_1907 = arith.constant 0 : i32
    %dma_wait3A_1908 = arith.constant 0 : i32
    %dma_wait3A_1909 = tpu.memref_slice %arg6[%dma_wait3A_1894, %dma_wait3A_1906, %dma_wait3A_1907, %dma_wait3A_1908] : memref<7x4x4x1024xf32, #tpu.memory_space<vmem>> -> memref<1x4x4x1024xf32, #tpu.memory_space<vmem>>
    %dma_wait3A_1910 = tpu.memref_squeeze %dma_wait3A_1909 : memref<1x4x4x1024xf32, #tpu.memory_space<vmem>> -> memref<4x4x1024xf32, #tpu.memory_space<vmem>>
    tpu.wait_dma2 semaphore(%arg8 : memref<!tpu.dma_semaphore, #tpu.memory_space<semaphore_mem>>) src(%dma_wait3A_1910 : memref<4x4x1024xf32, #tpu.memory_space<vmem>>) dst(%dma_wait3A_1905 : memref<4x4x1024xf32, #tpu.memory_space<hbm>>)
    %get3A_1911 = arith.constant 480 : index
    %get3A_1912 = tpu.vector_load %arg5[%get3A_1911] {strides = array<i32>} : memref<512xi32, #tpu.memory_space<vmem>>, vector<16xi32>,
    %add3A_1913 = arith.constant 480 : i32
    %add3A_1914 = arith.addi %mul3A_4, %add3A_1913 : i32
    %broadcast_in_dim3A_1915 = vector.broadcast %add3A_1914 : i32 to vector<16xi32>
    %add3A_1916 = arith.addi %broadcast_in_dim3A_1915, %iota3A : vector<16xi32>
    %shift_right_arithmetic3A_1917 = arith.constant 2 : i32
    %shift_right_arithmetic3A_1918 = vector.broadcast %shift_right_arithmetic3A_1917 : i32 to vector<16xi32>
    %shift_right_arithmetic3A_1919 = arith.shrsi %add3A_1916, %shift_right_arithmetic3A_1918 : vector<16xi32>
    %add3A_1920 = arith.constant 2 : i32
    %add3A_1921 = vector.broadcast %add3A_1920 : i32 to vector<16xi32>
    %add3A_1922 = arith.addi %shift_right_arithmetic3A_1919, %add3A_1921 : vector<16xi32>
    %ne3A_1923 = arith.constant 1 : i32
    %ne3A_1924 = vector.broadcast %ne3A_1923 : i32 to vector<16xi32>
    %ne3A_1925 = arith.cmpi ne, %get3A_1912, %ne3A_1924 : vector<16xi32>
    %select_n3A_1926 = arith.select %ne3A_1925, %add3A_1922, %get3A_1912 : vector<16xi1>, vector<16xi32>
    %dma_start3A_1927 = arith.constant 2 : i32
    %dma_start3A_1928 = arith.constant 0 : i32
    %dma_start3A_1929 = arith.constant 0 : i32
    %dma_start3A_1930 = arith.constant 0 : i32
    %dma_start3A_1931 = tpu.memref_slice %arg6[%dma_start3A_1927, %dma_start3A_1928, %dma_start3A_1929, %dma_start3A_1930] : memref<7x4x4x1024xf32, #tpu.memory_space<vmem>> -> memref<1x4x4x1024xf32, #tpu.memory_space<vmem>>
    %dma_start3A_1932 = tpu.memref_squeeze %dma_start3A_1931 : memref<1x4x4x1024xf32, #tpu.memory_space<vmem>> -> memref<4x4x1024xf32, #tpu.memory_space<vmem>>
    %dma_start3A_1933 = tpu.memref_reshape %dma_start3A_1932 : memref<4x4x1024xf32, #tpu.memory_space<vmem>> -> memref<16x1024xf32, #tpu.memory_space<vmem>>
    %dma_start3A_1934 = arith.constant 0 : i32
    %dma_start3A_1935 = arith.constant 0 : i32
    %dma_start3A_1936 = tpu.memref_slice %arg3[%dma_start3A_1934, %dma_start3A_1935] : memref<8192x1024xf32, #tpu.memory_space<hbm>> -> memref<8192x1024xf32, #tpu.memory_space<hbm>>
    tpu.enqueue_indirect_dma source(%dma_start3A_1936 : memref<8192x1024xf32, #tpu.memory_space<hbm>>) target(%dma_start3A_1933 : memref<16x1024xf32, #tpu.memory_space<vmem>>) offsets(%select_n3A_1926 : vector<16xi32>) semaphore(%arg7 : memref<!tpu.dma_semaphore, #tpu.memory_space<semaphore_mem>>)
    %dma_wait3A_1937 = arith.constant 4 : i32
    %dma_wait3A_1938 = arith.constant 0 : i32
    %dma_wait3A_1939 = arith.constant 0 : i32
    %dma_wait3A_1940 = arith.constant 0 : i32
    %dma_wait3A_1941 = tpu.memref_slice %arg6[%dma_wait3A_1937, %dma_wait3A_1938, %dma_wait3A_1939, %dma_wait3A_1940] : memref<7x4x4x1024xf32, #tpu.memory_space<vmem>> -> memref<1x4x4x1024xf32, #tpu.memory_space<vmem>>
    %dma_wait3A_1942 = tpu.memref_squeeze %dma_wait3A_1941 : memref<1x4x4x1024xf32, #tpu.memory_space<vmem>> -> memref<4x4x1024xf32, #tpu.memory_space<vmem>>
    %dma_wait3A_1943 = tpu.memref_reshape %dma_wait3A_1942 : memref<4x4x1024xf32, #tpu.memory_space<vmem>> -> memref<16x1024xf32, #tpu.memory_space<vmem>>
    %dma_wait3A_1944 = arith.constant 0 : i32
    %dma_wait3A_1945 = arith.constant 0 : i32
    %dma_wait3A_1946 = tpu.memref_slice %arg3[%dma_wait3A_1944, %dma_wait3A_1945] : memref<8192x1024xf32, #tpu.memory_space<hbm>> -> memref<8192x1024xf32, #tpu.memory_space<hbm>>
    tpu.wait_indirect_dma semaphore(%arg7 : memref<!tpu.dma_semaphore, #tpu.memory_space<semaphore_mem>>) src(%dma_wait3A_1946 : memref<8192x1024xf32, #tpu.memory_space<hbm>>) dst(%dma_wait3A_1943 : memref<16x1024xf32, #tpu.memory_space<vmem>>)
    %add3A_1947 = arith.constant 100 : i32
    %add3A_1948 = arith.addi %mul3A_2, %add3A_1947 : i32
    %dma_start3A_1949 = arith.constant 4 : i32
    %dma_start3A_1950 = arith.constant 0 : i32
    %dma_start3A_1951 = arith.constant 0 : i32
    %dma_start3A_1952 = arith.constant 0 : i32
    %dma_start3A_1953 = tpu.memref_slice %arg6[%dma_start3A_1949, %dma_start3A_1950, %dma_start3A_1951, %dma_start3A_1952] : memref<7x4x4x1024xf32, #tpu.memory_space<vmem>> -> memref<1x4x4x1024xf32, #tpu.memory_space<vmem>>
    %dma_start3A_1954 = tpu.memref_squeeze %dma_start3A_1953 : memref<1x4x4x1024xf32, #tpu.memory_space<vmem>> -> memref<4x4x1024xf32, #tpu.memory_space<vmem>>
    %dma_start3A_1955 = arith.constant 0 : i32
    %dma_start3A_1956 = arith.constant 0 : i32
    %dma_start3A_1957 = tpu.memref_slice %arg4[%add3A_1948, %dma_start3A_1955, %dma_start3A_1956] : memref<4096x4x1024xf32, #tpu.memory_space<hbm>> -> memref<4x4x1024xf32, #tpu.memory_space<hbm>>
    %dma_start3A_1958 = arith.constant 0 : i32
    %dma_start3A_1959 = arith.constant 0 : i32
    %dma_start3A_1960 = tpu.memref_slice %arg4[%add3A_1948, %dma_start3A_1958, %dma_start3A_1959] : memref<4096x4x1024xf32, #tpu.memory_space<hbm>> -> memref<4x4x1024xf32, #tpu.memory_space<hbm>>
    %dma_start3A_1961 = arith.constant 0 : i32
    %dma_start3A_1962 = arith.constant 0 : i32
    %dma_start3A_1963 = arith.constant 0 : i32
    %dma_start3A_1964 = tpu.memref_slice %arg6[%dma_start3A_1949, %dma_start3A_1961, %dma_start3A_1962, %dma_start3A_1963] : memref<7x4x4x1024xf32, #tpu.memory_space<vmem>> -> memref<1x4x4x1024xf32, #tpu.memory_space<vmem>>
    %dma_start3A_1965 = tpu.memref_squeeze %dma_start3A_1964 : memref<1x4x4x1024xf32, #tpu.memory_space<vmem>> -> memref<4x4x1024xf32, #tpu.memory_space<vmem>>
    tpu.enqueue_dma source(%dma_start3A_1965 : memref<4x4x1024xf32, #tpu.memory_space<vmem>>) target(%dma_start3A_1960 : memref<4x4x1024xf32, #tpu.memory_space<hbm>>) target_semaphore(%arg8 : memref<!tpu.dma_semaphore, #tpu.memory_space<semaphore_mem>>)
    %dma_wait3A_1966 = arith.constant 3 : i32
    %dma_wait3A_1967 = arith.constant 0 : i32
    %dma_wait3A_1968 = arith.constant 0 : i32
    %dma_wait3A_1969 = arith.constant 0 : i32
    %dma_wait3A_1970 = tpu.memref_slice %arg6[%dma_wait3A_1966, %dma_wait3A_1967, %dma_wait3A_1968, %dma_wait3A_1969] : memref<7x4x4x1024xf32, #tpu.memory_space<vmem>> -> memref<1x4x4x1024xf32, #tpu.memory_space<vmem>>
    %dma_wait3A_1971 = tpu.memref_squeeze %dma_wait3A_1970 : memref<1x4x4x1024xf32, #tpu.memory_space<vmem>> -> memref<4x4x1024xf32, #tpu.memory_space<vmem>>
    %dma_wait3A_1972 = arith.constant 0 : i32
    %dma_wait3A_1973 = arith.constant 0 : i32
    %dma_wait3A_1974 = tpu.memref_slice %arg4[%add3A_1876, %dma_wait3A_1972, %dma_wait3A_1973] : memref<4096x4x1024xf32, #tpu.memory_space<hbm>> -> memref<4x4x1024xf32, #tpu.memory_space<hbm>>
    %dma_wait3A_1975 = arith.constant 0 : i32
    %dma_wait3A_1976 = arith.constant 0 : i32
    %dma_wait3A_1977 = tpu.memref_slice %arg4[%add3A_1876, %dma_wait3A_1975, %dma_wait3A_1976] : memref<4096x4x1024xf32, #tpu.memory_space<hbm>> -> memref<4x4x1024xf32, #tpu.memory_space<hbm>>
    %dma_wait3A_1978 = arith.constant 0 : i32
    %dma_wait3A_1979 = arith.constant 0 : i32
    %dma_wait3A_1980 = arith.constant 0 : i32
    %dma_wait3A_1981 = tpu.memref_slice %arg6[%dma_wait3A_1966, %dma_wait3A_1978, %dma_wait3A_1979, %dma_wait3A_1980] : memref<7x4x4x1024xf32, #tpu.memory_space<vmem>> -> memref<1x4x4x1024xf32, #tpu.memory_space<vmem>>
    %dma_wait3A_1982 = tpu.memref_squeeze %dma_wait3A_1981 : memref<1x4x4x1024xf32, #tpu.memory_space<vmem>> -> memref<4x4x1024xf32, #tpu.memory_space<vmem>>
    tpu.wait_dma2 semaphore(%arg8 : memref<!tpu.dma_semaphore, #tpu.memory_space<semaphore_mem>>) src(%dma_wait3A_1982 : memref<4x4x1024xf32, #tpu.memory_space<vmem>>) dst(%dma_wait3A_1977 : memref<4x4x1024xf32, #tpu.memory_space<hbm>>)
    %get3A_1983 = arith.constant 496 : index
    %get3A_1984 = tpu.vector_load %arg5[%get3A_1983] {strides = array<i32>} : memref<512xi32, #tpu.memory_space<vmem>>, vector<16xi32>,
    %add3A_1985 = arith.constant 496 : i32
    %add3A_1986 = arith.addi %mul3A_4, %add3A_1985 : i32
    %broadcast_in_dim3A_1987 = vector.broadcast %add3A_1986 : i32 to vector<16xi32>
    %add3A_1988 = arith.addi %broadcast_in_dim3A_1987, %iota3A : vector<16xi32>
    %shift_right_arithmetic3A_1989 = arith.constant 2 : i32
    %shift_right_arithmetic3A_1990 = vector.broadcast %shift_right_arithmetic3A_1989 : i32 to vector<16xi32>
    %shift_right_arithmetic3A_1991 = arith.shrsi %add3A_1988, %shift_right_arithmetic3A_1990 : vector<16xi32>
    %add3A_1992 = arith.constant 2 : i32
    %add3A_1993 = vector.broadcast %add3A_1992 : i32 to vector<16xi32>
    %add3A_1994 = arith.addi %shift_right_arithmetic3A_1991, %add3A_1993 : vector<16xi32>
    %ne3A_1995 = arith.constant 1 : i32
    %ne3A_1996 = vector.broadcast %ne3A_1995 : i32 to vector<16xi32>
    %ne3A_1997 = arith.cmpi ne, %get3A_1984, %ne3A_1996 : vector<16xi32>
    %select_n3A_1998 = arith.select %ne3A_1997, %add3A_1994, %get3A_1984 : vector<16xi1>, vector<16xi32>
    %dma_start3A_1999 = arith.constant 3 : i32
    %dma_start3A_2000 = arith.constant 0 : i32
    %dma_start3A_2001 = arith.constant 0 : i32
    %dma_start3A_2002 = arith.constant 0 : i32
    %dma_start3A_2003 = tpu.memref_slice %arg6[%dma_start3A_1999, %dma_start3A_2000, %dma_start3A_2001, %dma_start3A_2002] : memref<7x4x4x1024xf32, #tpu.memory_space<vmem>> -> memref<1x4x4x1024xf32, #tpu.memory_space<vmem>>
    %dma_start3A_2004 = tpu.memref_squeeze %dma_start3A_2003 : memref<1x4x4x1024xf32, #tpu.memory_space<vmem>> -> memref<4x4x1024xf32, #tpu.memory_space<vmem>>
    %dma_start3A_2005 = tpu.memref_reshape %dma_start3A_2004 : memref<4x4x1024xf32, #tpu.memory_space<vmem>> -> memref<16x1024xf32, #tpu.memory_space<vmem>>
    %dma_start3A_2006 = arith.constant 0 : i32
    %dma_start3A_2007 = arith.constant 0 : i32
    %dma_start3A_2008 = tpu.memref_slice %arg3[%dma_start3A_2006, %dma_start3A_2007] : memref<8192x1024xf32, #tpu.memory_space<hbm>> -> memref<8192x1024xf32, #tpu.memory_space<hbm>>
    tpu.enqueue_indirect_dma source(%dma_start3A_2008 : memref<8192x1024xf32, #tpu.memory_space<hbm>>) target(%dma_start3A_2005 : memref<16x1024xf32, #tpu.memory_space<vmem>>) offsets(%select_n3A_1998 : vector<16xi32>) semaphore(%arg7 : memref<!tpu.dma_semaphore, #tpu.memory_space<semaphore_mem>>)
    %dma_wait3A_2009 = arith.constant 5 : i32
    %dma_wait3A_2010 = arith.constant 0 : i32
    %dma_wait3A_2011 = arith.constant 0 : i32
    %dma_wait3A_2012 = arith.constant 0 : i32
    %dma_wait3A_2013 = tpu.memref_slice %arg6[%dma_wait3A_2009, %dma_wait3A_2010, %dma_wait3A_2011, %dma_wait3A_2012] : memref<7x4x4x1024xf32, #tpu.memory_space<vmem>> -> memref<1x4x4x1024xf32, #tpu.memory_space<vmem>>
    %dma_wait3A_2014 = tpu.memref_squeeze %dma_wait3A_2013 : memref<1x4x4x1024xf32, #tpu.memory_space<vmem>> -> memref<4x4x1024xf32, #tpu.memory_space<vmem>>
    %dma_wait3A_2015 = tpu.memref_reshape %dma_wait3A_2014 : memref<4x4x1024xf32, #tpu.memory_space<vmem>> -> memref<16x1024xf32, #tpu.memory_space<vmem>>
    %dma_wait3A_2016 = arith.constant 0 : i32
    %dma_wait3A_2017 = arith.constant 0 : i32
    %dma_wait3A_2018 = tpu.memref_slice %arg3[%dma_wait3A_2016, %dma_wait3A_2017] : memref<8192x1024xf32, #tpu.memory_space<hbm>> -> memref<8192x1024xf32, #tpu.memory_space<hbm>>
    tpu.wait_indirect_dma semaphore(%arg7 : memref<!tpu.dma_semaphore, #tpu.memory_space<semaphore_mem>>) src(%dma_wait3A_2018 : memref<8192x1024xf32, #tpu.memory_space<hbm>>) dst(%dma_wait3A_2015 : memref<16x1024xf32, #tpu.memory_space<vmem>>)
    %add3A_2019 = arith.constant 104 : i32
    %add3A_2020 = arith.addi %mul3A_2, %add3A_2019 : i32
    %dma_start3A_2021 = arith.constant 5 : i32
    %dma_start3A_2022 = arith.constant 0 : i32
    %dma_start3A_2023 = arith.constant 0 : i32
    %dma_start3A_2024 = arith.constant 0 : i32
    %dma_start3A_2025 = tpu.memref_slice %arg6[%dma_start3A_2021, %dma_start3A_2022, %dma_start3A_2023, %dma_start3A_2024] : memref<7x4x4x1024xf32, #tpu.memory_space<vmem>> -> memref<1x4x4x1024xf32, #tpu.memory_space<vmem>>
    %dma_start3A_2026 = tpu.memref_squeeze %dma_start3A_2025 : memref<1x4x4x1024xf32, #tpu.memory_space<vmem>> -> memref<4x4x1024xf32, #tpu.memory_space<vmem>>
    %dma_start3A_2027 = arith.constant 0 : i32
    %dma_start3A_2028 = arith.constant 0 : i32
    %dma_start3A_2029 = tpu.memref_slice %arg4[%add3A_2020, %dma_start3A_2027, %dma_start3A_2028] : memref<4096x4x1024xf32, #tpu.memory_space<hbm>> -> memref<4x4x1024xf32, #tpu.memory_space<hbm>>
    %dma_start3A_2030 = arith.constant 0 : i32
    %dma_start3A_2031 = arith.constant 0 : i32
    %dma_start3A_2032 = tpu.memref_slice %arg4[%add3A_2020, %dma_start3A_2030, %dma_start3A_2031] : memref<4096x4x1024xf32, #tpu.memory_space<hbm>> -> memref<4x4x1024xf32, #tpu.memory_space<hbm>>
    %dma_start3A_2033 = arith.constant 0 : i32
    %dma_start3A_2034 = arith.constant 0 : i32
    %dma_start3A_2035 = arith.constant 0 : i32
    %dma_start3A_2036 = tpu.memref_slice %arg6[%dma_start3A_2021, %dma_start3A_2033, %dma_start3A_2034, %dma_start3A_2035] : memref<7x4x4x1024xf32, #tpu.memory_space<vmem>> -> memref<1x4x4x1024xf32, #tpu.memory_space<vmem>>
    %dma_start3A_2037 = tpu.memref_squeeze %dma_start3A_2036 : memref<1x4x4x1024xf32, #tpu.memory_space<vmem>> -> memref<4x4x1024xf32, #tpu.memory_space<vmem>>
    tpu.enqueue_dma source(%dma_start3A_2037 : memref<4x4x1024xf32, #tpu.memory_space<vmem>>) target(%dma_start3A_2032 : memref<4x4x1024xf32, #tpu.memory_space<hbm>>) target_semaphore(%arg8 : memref<!tpu.dma_semaphore, #tpu.memory_space<semaphore_mem>>)
    %dma_wait3A_2038 = arith.constant 6 : i32
    %dma_wait3A_2039 = arith.constant 0 : i32
    %dma_wait3A_2040 = arith.constant 0 : i32
    %dma_wait3A_2041 = arith.constant 0 : i32
    %dma_wait3A_2042 = tpu.memref_slice %arg6[%dma_wait3A_2038, %dma_wait3A_2039, %dma_wait3A_2040, %dma_wait3A_2041] : memref<7x4x4x1024xf32, #tpu.memory_space<vmem>> -> memref<1x4x4x1024xf32, #tpu.memory_space<vmem>>
    %dma_wait3A_2043 = tpu.memref_squeeze %dma_wait3A_2042 : memref<1x4x4x1024xf32, #tpu.memory_space<vmem>> -> memref<4x4x1024xf32, #tpu.memory_space<vmem>>
    %dma_wait3A_2044 = tpu.memref_reshape %dma_wait3A_2043 : memref<4x4x1024xf32, #tpu.memory_space<vmem>> -> memref<16x1024xf32, #tpu.memory_space<vmem>>
    %dma_wait3A_2045 = arith.constant 0 : i32
    %dma_wait3A_2046 = arith.constant 0 : i32
    %dma_wait3A_2047 = tpu.memref_slice %arg3[%dma_wait3A_2045, %dma_wait3A_2046] : memref<8192x1024xf32, #tpu.memory_space<hbm>> -> memref<8192x1024xf32, #tpu.memory_space<hbm>>
    tpu.wait_indirect_dma semaphore(%arg7 : memref<!tpu.dma_semaphore, #tpu.memory_space<semaphore_mem>>) src(%dma_wait3A_2047 : memref<8192x1024xf32, #tpu.memory_space<hbm>>) dst(%dma_wait3A_2044 : memref<16x1024xf32, #tpu.memory_space<vmem>>)
    %add3A_2048 = arith.constant 108 : i32
    %add3A_2049 = arith.addi %mul3A_2, %add3A_2048 : i32
    %dma_start3A_2050 = arith.constant 6 : i32
    %dma_start3A_2051 = arith.constant 0 : i32
    %dma_start3A_2052 = arith.constant 0 : i32
    %dma_start3A_2053 = arith.constant 0 : i32
    %dma_start3A_2054 = tpu.memref_slice %arg6[%dma_start3A_2050, %dma_start3A_2051, %dma_start3A_2052, %dma_start3A_2053] : memref<7x4x4x1024xf32, #tpu.memory_space<vmem>> -> memref<1x4x4x1024xf32, #tpu.memory_space<vmem>>
    %dma_start3A_2055 = tpu.memref_squeeze %dma_start3A_2054 : memref<1x4x4x1024xf32, #tpu.memory_space<vmem>> -> memref<4x4x1024xf32, #tpu.memory_space<vmem>>
    %dma_start3A_2056 = arith.constant 0 : i32
    %dma_start3A_2057 = arith.constant 0 : i32
    %dma_start3A_2058 = tpu.memref_slice %arg4[%add3A_2049, %dma_start3A_2056, %dma_start3A_2057] : memref<4096x4x1024xf32, #tpu.memory_space<hbm>> -> memref<4x4x1024xf32, #tpu.memory_space<hbm>>
    %dma_start3A_2059 = arith.constant 0 : i32
    %dma_start3A_2060 = arith.constant 0 : i32
    %dma_start3A_2061 = tpu.memref_slice %arg4[%add3A_2049, %dma_start3A_2059, %dma_start3A_2060] : memref<4096x4x1024xf32, #tpu.memory_space<hbm>> -> memref<4x4x1024xf32, #tpu.memory_space<hbm>>
    %dma_start3A_2062 = arith.constant 0 : i32
    %dma_start3A_2063 = arith.constant 0 : i32
    %dma_start3A_2064 = arith.constant 0 : i32
    %dma_start3A_2065 = tpu.memref_slice %arg6[%dma_start3A_2050, %dma_start3A_2062, %dma_start3A_2063, %dma_start3A_2064] : memref<7x4x4x1024xf32, #tpu.memory_space<vmem>> -> memref<1x4x4x1024xf32, #tpu.memory_space<vmem>>
    %dma_start3A_2066 = tpu.memref_squeeze %dma_start3A_2065 : memref<1x4x4x1024xf32, #tpu.memory_space<vmem>> -> memref<4x4x1024xf32, #tpu.memory_space<vmem>>
    tpu.enqueue_dma source(%dma_start3A_2066 : memref<4x4x1024xf32, #tpu.memory_space<vmem>>) target(%dma_start3A_2061 : memref<4x4x1024xf32, #tpu.memory_space<hbm>>) target_semaphore(%arg8 : memref<!tpu.dma_semaphore, #tpu.memory_space<semaphore_mem>>)
    %dma_wait3A_2067 = arith.constant 0 : i32
    %dma_wait3A_2068 = arith.constant 0 : i32
    %dma_wait3A_2069 = arith.constant 0 : i32
    %dma_wait3A_2070 = arith.constant 0 : i32
    %dma_wait3A_2071 = tpu.memref_slice %arg6[%dma_wait3A_2067, %dma_wait3A_2068, %dma_wait3A_2069, %dma_wait3A_2070] : memref<7x4x4x1024xf32, #tpu.memory_space<vmem>> -> memref<1x4x4x1024xf32, #tpu.memory_space<vmem>>
    %dma_wait3A_2072 = tpu.memref_squeeze %dma_wait3A_2071 : memref<1x4x4x1024xf32, #tpu.memory_space<vmem>> -> memref<4x4x1024xf32, #tpu.memory_space<vmem>>
    %dma_wait3A_2073 = tpu.memref_reshape %dma_wait3A_2072 : memref<4x4x1024xf32, #tpu.memory_space<vmem>> -> memref<16x1024xf32, #tpu.memory_space<vmem>>
    %dma_wait3A_2074 = arith.constant 0 : i32
    %dma_wait3A_2075 = arith.constant 0 : i32
    %dma_wait3A_2076 = tpu.memref_slice %arg3[%dma_wait3A_2074, %dma_wait3A_2075] : memref<8192x1024xf32, #tpu.memory_space<hbm>> -> memref<8192x1024xf32, #tpu.memory_space<hbm>>
    tpu.wait_indirect_dma semaphore(%arg7 : memref<!tpu.dma_semaphore, #tpu.memory_space<semaphore_mem>>) src(%dma_wait3A_2076 : memref<8192x1024xf32, #tpu.memory_space<hbm>>) dst(%dma_wait3A_2073 : memref<16x1024xf32, #tpu.memory_space<vmem>>)
    %add3A_2077 = arith.constant 112 : i32
    %add3A_2078 = arith.addi %mul3A_2, %add3A_2077 : i32
    %dma_start3A_2079 = arith.constant 0 : i32
    %dma_start3A_2080 = arith.constant 0 : i32
    %dma_start3A_2081 = arith.constant 0 : i32
    %dma_start3A_2082 = arith.constant 0 : i32
    %dma_start3A_2083 = tpu.memref_slice %arg6[%dma_start3A_2079, %dma_start3A_2080, %dma_start3A_2081, %dma_start3A_2082] : memref<7x4x4x1024xf32, #tpu.memory_space<vmem>> -> memref<1x4x4x1024xf32, #tpu.memory_space<vmem>>
    %dma_start3A_2084 = tpu.memref_squeeze %dma_start3A_2083 : memref<1x4x4x1024xf32, #tpu.memory_space<vmem>> -> memref<4x4x1024xf32, #tpu.memory_space<vmem>>
    %dma_start3A_2085 = arith.constant 0 : i32
    %dma_start3A_2086 = arith.constant 0 : i32
    %dma_start3A_2087 = tpu.memref_slice %arg4[%add3A_2078, %dma_start3A_2085, %dma_start3A_2086] : memref<4096x4x1024xf32, #tpu.memory_space<hbm>> -> memref<4x4x1024xf32, #tpu.memory_space<hbm>>
    %dma_start3A_2088 = arith.constant 0 : i32
    %dma_start3A_2089 = arith.constant 0 : i32
    %dma_start3A_2090 = tpu.memref_slice %arg4[%add3A_2078, %dma_start3A_2088, %dma_start3A_2089] : memref<4096x4x1024xf32, #tpu.memory_space<hbm>> -> memref<4x4x1024xf32, #tpu.memory_space<hbm>>
    %dma_start3A_2091 = arith.constant 0 : i32
    %dma_start3A_2092 = arith.constant 0 : i32
    %dma_start3A_2093 = arith.constant 0 : i32
    %dma_start3A_2094 = tpu.memref_slice %arg6[%dma_start3A_2079, %dma_start3A_2091, %dma_start3A_2092, %dma_start3A_2093] : memref<7x4x4x1024xf32, #tpu.memory_space<vmem>> -> memref<1x4x4x1024xf32, #tpu.memory_space<vmem>>
    %dma_start3A_2095 = tpu.memref_squeeze %dma_start3A_2094 : memref<1x4x4x1024xf32, #tpu.memory_space<vmem>> -> memref<4x4x1024xf32, #tpu.memory_space<vmem>>
    tpu.enqueue_dma source(%dma_start3A_2095 : memref<4x4x1024xf32, #tpu.memory_space<vmem>>) target(%dma_start3A_2090 : memref<4x4x1024xf32, #tpu.memory_space<hbm>>) target_semaphore(%arg8 : memref<!tpu.dma_semaphore, #tpu.memory_space<semaphore_mem>>)
    %dma_wait3A_2096 = arith.constant 1 : i32
    %dma_wait3A_2097 = arith.constant 0 : i32
    %dma_wait3A_2098 = arith.constant 0 : i32
    %dma_wait3A_2099 = arith.constant 0 : i32
    %dma_wait3A_2100 = tpu.memref_slice %arg6[%dma_wait3A_2096, %dma_wait3A_2097, %dma_wait3A_2098, %dma_wait3A_2099] : memref<7x4x4x1024xf32, #tpu.memory_space<vmem>> -> memref<1x4x4x1024xf32, #tpu.memory_space<vmem>>
    %dma_wait3A_2101 = tpu.memref_squeeze %dma_wait3A_2100 : memref<1x4x4x1024xf32, #tpu.memory_space<vmem>> -> memref<4x4x1024xf32, #tpu.memory_space<vmem>>
    %dma_wait3A_2102 = tpu.memref_reshape %dma_wait3A_2101 : memref<4x4x1024xf32, #tpu.memory_space<vmem>> -> memref<16x1024xf32, #tpu.memory_space<vmem>>
    %dma_wait3A_2103 = arith.constant 0 : i32
    %dma_wait3A_2104 = arith.constant 0 : i32
    %dma_wait3A_2105 = tpu.memref_slice %arg3[%dma_wait3A_2103, %dma_wait3A_2104] : memref<8192x1024xf32, #tpu.memory_space<hbm>> -> memref<8192x1024xf32, #tpu.memory_space<hbm>>
    tpu.wait_indirect_dma semaphore(%arg7 : memref<!tpu.dma_semaphore, #tpu.memory_space<semaphore_mem>>) src(%dma_wait3A_2105 : memref<8192x1024xf32, #tpu.memory_space<hbm>>) dst(%dma_wait3A_2102 : memref<16x1024xf32, #tpu.memory_space<vmem>>)
    %add3A_2106 = arith.constant 116 : i32
    %add3A_2107 = arith.addi %mul3A_2, %add3A_2106 : i32
    %dma_start3A_2108 = arith.constant 1 : i32
    %dma_start3A_2109 = arith.constant 0 : i32
    %dma_start3A_2110 = arith.constant 0 : i32
    %dma_start3A_2111 = arith.constant 0 : i32
    %dma_start3A_2112 = tpu.memref_slice %arg6[%dma_start3A_2108, %dma_start3A_2109, %dma_start3A_2110, %dma_start3A_2111] : memref<7x4x4x1024xf32, #tpu.memory_space<vmem>> -> memref<1x4x4x1024xf32, #tpu.memory_space<vmem>>
    %dma_start3A_2113 = tpu.memref_squeeze %dma_start3A_2112 : memref<1x4x4x1024xf32, #tpu.memory_space<vmem>> -> memref<4x4x1024xf32, #tpu.memory_space<vmem>>
    %dma_start3A_2114 = arith.constant 0 : i32
    %dma_start3A_2115 = arith.constant 0 : i32
    %dma_start3A_2116 = tpu.memref_slice %arg4[%add3A_2107, %dma_start3A_2114, %dma_start3A_2115] : memref<4096x4x1024xf32, #tpu.memory_space<hbm>> -> memref<4x4x1024xf32, #tpu.memory_space<hbm>>
    %dma_start3A_2117 = arith.constant 0 : i32
    %dma_start3A_2118 = arith.constant 0 : i32
    %dma_start3A_2119 = tpu.memref_slice %arg4[%add3A_2107, %dma_start3A_2117, %dma_start3A_2118] : memref<4096x4x1024xf32, #tpu.memory_space<hbm>> -> memref<4x4x1024xf32, #tpu.memory_space<hbm>>
    %dma_start3A_2120 = arith.constant 0 : i32
    %dma_start3A_2121 = arith.constant 0 : i32
    %dma_start3A_2122 = arith.constant 0 : i32
    %dma_start3A_2123 = tpu.memref_slice %arg6[%dma_start3A_2108, %dma_start3A_2120, %dma_start3A_2121, %dma_start3A_2122] : memref<7x4x4x1024xf32, #tpu.memory_space<vmem>> -> memref<1x4x4x1024xf32, #tpu.memory_space<vmem>>
    %dma_start3A_2124 = tpu.memref_squeeze %dma_start3A_2123 : memref<1x4x4x1024xf32, #tpu.memory_space<vmem>> -> memref<4x4x1024xf32, #tpu.memory_space<vmem>>
    tpu.enqueue_dma source(%dma_start3A_2124 : memref<4x4x1024xf32, #tpu.memory_space<vmem>>) target(%dma_start3A_2119 : memref<4x4x1024xf32, #tpu.memory_space<hbm>>) target_semaphore(%arg8 : memref<!tpu.dma_semaphore, #tpu.memory_space<semaphore_mem>>)
    %dma_wait3A_2125 = arith.constant 2 : i32
    %dma_wait3A_2126 = arith.constant 0 : i32
    %dma_wait3A_2127 = arith.constant 0 : i32
    %dma_wait3A_2128 = arith.constant 0 : i32
    %dma_wait3A_2129 = tpu.memref_slice %arg6[%dma_wait3A_2125, %dma_wait3A_2126, %dma_wait3A_2127, %dma_wait3A_2128] : memref<7x4x4x1024xf32, #tpu.memory_space<vmem>> -> memref<1x4x4x1024xf32, #tpu.memory_space<vmem>>
    %dma_wait3A_2130 = tpu.memref_squeeze %dma_wait3A_2129 : memref<1x4x4x1024xf32, #tpu.memory_space<vmem>> -> memref<4x4x1024xf32, #tpu.memory_space<vmem>>
    %dma_wait3A_2131 = tpu.memref_reshape %dma_wait3A_2130 : memref<4x4x1024xf32, #tpu.memory_space<vmem>> -> memref<16x1024xf32, #tpu.memory_space<vmem>>
    %dma_wait3A_2132 = arith.constant 0 : i32
    %dma_wait3A_2133 = arith.constant 0 : i32
    %dma_wait3A_2134 = tpu.memref_slice %arg3[%dma_wait3A_2132, %dma_wait3A_2133] : memref<8192x1024xf32, #tpu.memory_space<hbm>> -> memref<8192x1024xf32, #tpu.memory_space<hbm>>
    tpu.wait_indirect_dma semaphore(%arg7 : memref<!tpu.dma_semaphore, #tpu.memory_space<semaphore_mem>>) src(%dma_wait3A_2134 : memref<8192x1024xf32, #tpu.memory_space<hbm>>) dst(%dma_wait3A_2131 : memref<16x1024xf32, #tpu.memory_space<vmem>>)
    %add3A_2135 = arith.constant 120 : i32
    %add3A_2136 = arith.addi %mul3A_2, %add3A_2135 : i32
    %dma_start3A_2137 = arith.constant 2 : i32
    %dma_start3A_2138 = arith.constant 0 : i32
    %dma_start3A_2139 = arith.constant 0 : i32
    %dma_start3A_2140 = arith.constant 0 : i32
    %dma_start3A_2141 = tpu.memref_slice %arg6[%dma_start3A_2137, %dma_start3A_2138, %dma_start3A_2139, %dma_start3A_2140] : memref<7x4x4x1024xf32, #tpu.memory_space<vmem>> -> memref<1x4x4x1024xf32, #tpu.memory_space<vmem>>
    %dma_start3A_2142 = tpu.memref_squeeze %dma_start3A_2141 : memref<1x4x4x1024xf32, #tpu.memory_space<vmem>> -> memref<4x4x1024xf32, #tpu.memory_space<vmem>>
    %dma_start3A_2143 = arith.constant 0 : i32
    %dma_start3A_2144 = arith.constant 0 : i32
    %dma_start3A_2145 = tpu.memref_slice %arg4[%add3A_2136, %dma_start3A_2143, %dma_start3A_2144] : memref<4096x4x1024xf32, #tpu.memory_space<hbm>> -> memref<4x4x1024xf32, #tpu.memory_space<hbm>>
    %dma_start3A_2146 = arith.constant 0 : i32
    %dma_start3A_2147 = arith.constant 0 : i32
    %dma_start3A_2148 = tpu.memref_slice %arg4[%add3A_2136, %dma_start3A_2146, %dma_start3A_2147] : memref<4096x4x1024xf32, #tpu.memory_space<hbm>> -> memref<4x4x1024xf32, #tpu.memory_space<hbm>>
    %dma_start3A_2149 = arith.constant 0 : i32
    %dma_start3A_2150 = arith.constant 0 : i32
    %dma_start3A_2151 = arith.constant 0 : i32
    %dma_start3A_2152 = tpu.memref_slice %arg6[%dma_start3A_2137, %dma_start3A_2149, %dma_start3A_2150, %dma_start3A_2151] : memref<7x4x4x1024xf32, #tpu.memory_space<vmem>> -> memref<1x4x4x1024xf32, #tpu.memory_space<vmem>>
    %dma_start3A_2153 = tpu.memref_squeeze %dma_start3A_2152 : memref<1x4x4x1024xf32, #tpu.memory_space<vmem>> -> memref<4x4x1024xf32, #tpu.memory_space<vmem>>
    tpu.enqueue_dma source(%dma_start3A_2153 : memref<4x4x1024xf32, #tpu.memory_space<vmem>>) target(%dma_start3A_2148 : memref<4x4x1024xf32, #tpu.memory_space<hbm>>) target_semaphore(%arg8 : memref<!tpu.dma_semaphore, #tpu.memory_space<semaphore_mem>>)
    %dma_wait3A_2154 = arith.constant 3 : i32
    %dma_wait3A_2155 = arith.constant 0 : i32
    %dma_wait3A_2156 = arith.constant 0 : i32
    %dma_wait3A_2157 = arith.constant 0 : i32
    %dma_wait3A_2158 = tpu.memref_slice %arg6[%dma_wait3A_2154, %dma_wait3A_2155, %dma_wait3A_2156, %dma_wait3A_2157] : memref<7x4x4x1024xf32, #tpu.memory_space<vmem>> -> memref<1x4x4x1024xf32, #tpu.memory_space<vmem>>
    %dma_wait3A_2159 = tpu.memref_squeeze %dma_wait3A_2158 : memref<1x4x4x1024xf32, #tpu.memory_space<vmem>> -> memref<4x4x1024xf32, #tpu.memory_space<vmem>>
    %dma_wait3A_2160 = tpu.memref_reshape %dma_wait3A_2159 : memref<4x4x1024xf32, #tpu.memory_space<vmem>> -> memref<16x1024xf32, #tpu.memory_space<vmem>>
    %dma_wait3A_2161 = arith.constant 0 : i32
    %dma_wait3A_2162 = arith.constant 0 : i32
    %dma_wait3A_2163 = tpu.memref_slice %arg3[%dma_wait3A_2161, %dma_wait3A_2162] : memref<8192x1024xf32, #tpu.memory_space<hbm>> -> memref<8192x1024xf32, #tpu.memory_space<hbm>>
    tpu.wait_indirect_dma semaphore(%arg7 : memref<!tpu.dma_semaphore, #tpu.memory_space<semaphore_mem>>) src(%dma_wait3A_2163 : memref<8192x1024xf32, #tpu.memory_space<hbm>>) dst(%dma_wait3A_2160 : memref<16x1024xf32, #tpu.memory_space<vmem>>)
    %add3A_2164 = arith.constant 124 : i32
    %add3A_2165 = arith.addi %mul3A_2, %add3A_2164 : i32
    %dma_start3A_2166 = arith.constant 3 : i32
    %dma_start3A_2167 = arith.constant 0 : i32
    %dma_start3A_2168 = arith.constant 0 : i32
    %dma_start3A_2169 = arith.constant 0 : i32
    %dma_start3A_2170 = tpu.memref_slice %arg6[%dma_start3A_2166, %dma_start3A_2167, %dma_start3A_2168, %dma_start3A_2169] : memref<7x4x4x1024xf32, #tpu.memory_space<vmem>> -> memref<1x4x4x1024xf32, #tpu.memory_space<vmem>>
    %dma_start3A_2171 = tpu.memref_squeeze %dma_start3A_2170 : memref<1x4x4x1024xf32, #tpu.memory_space<vmem>> -> memref<4x4x1024xf32, #tpu.memory_space<vmem>>
    %dma_start3A_2172 = arith.constant 0 : i32
    %dma_start3A_2173 = arith.constant 0 : i32
    %dma_start3A_2174 = tpu.memref_slice %arg4[%add3A_2165, %dma_start3A_2172, %dma_start3A_2173] : memref<4096x4x1024xf32, #tpu.memory_space<hbm>> -> memref<4x4x1024xf32, #tpu.memory_space<hbm>>
    %dma_start3A_2175 = arith.constant 0 : i32
    %dma_start3A_2176 = arith.constant 0 : i32
    %dma_start3A_2177 = tpu.memref_slice %arg4[%add3A_2165, %dma_start3A_2175, %dma_start3A_2176] : memref<4096x4x1024xf32, #tpu.memory_space<hbm>> -> memref<4x4x1024xf32, #tpu.memory_space<hbm>>
    %dma_start3A_2178 = arith.constant 0 : i32
    %dma_start3A_2179 = arith.constant 0 : i32
    %dma_start3A_2180 = arith.constant 0 : i32
    %dma_start3A_2181 = tpu.memref_slice %arg6[%dma_start3A_2166, %dma_start3A_2178, %dma_start3A_2179, %dma_start3A_2180] : memref<7x4x4x1024xf32, #tpu.memory_space<vmem>> -> memref<1x4x4x1024xf32, #tpu.memory_space<vmem>>
    %dma_start3A_2182 = tpu.memref_squeeze %dma_start3A_2181 : memref<1x4x4x1024xf32, #tpu.memory_space<vmem>> -> memref<4x4x1024xf32, #tpu.memory_space<vmem>>
    tpu.enqueue_dma source(%dma_start3A_2182 : memref<4x4x1024xf32, #tpu.memory_space<vmem>>) target(%dma_start3A_2177 : memref<4x4x1024xf32, #tpu.memory_space<hbm>>) target_semaphore(%arg8 : memref<!tpu.dma_semaphore, #tpu.memory_space<semaphore_mem>>)
    %dma_wait3A_2183 = arith.constant 0 : i32
    %dma_wait3A_2184 = arith.constant 0 : i32
    %dma_wait3A_2185 = arith.constant 0 : i32
    %dma_wait3A_2186 = arith.constant 0 : i32
    %dma_wait3A_2187 = tpu.memref_slice %arg6[%dma_wait3A_2183, %dma_wait3A_2184, %dma_wait3A_2185, %dma_wait3A_2186] : memref<7x4x4x1024xf32, #tpu.memory_space<vmem>> -> memref<1x4x4x1024xf32, #tpu.memory_space<vmem>>
    %dma_wait3A_2188 = tpu.memref_squeeze %dma_wait3A_2187 : memref<1x4x4x1024xf32, #tpu.memory_space<vmem>> -> memref<4x4x1024xf32, #tpu.memory_space<vmem>>
    %dma_wait3A_2189 = arith.constant 0 : i32
    %dma_wait3A_2190 = arith.constant 0 : i32
    %dma_wait3A_2191 = tpu.memref_slice %arg4[%add3A_2078, %dma_wait3A_2189, %dma_wait3A_2190] : memref<4096x4x1024xf32, #tpu.memory_space<hbm>> -> memref<4x4x1024xf32, #tpu.memory_space<hbm>>
    %dma_wait3A_2192 = arith.constant 0 : i32
    %dma_wait3A_2193 = arith.constant 0 : i32
    %dma_wait3A_2194 = tpu.memref_slice %arg4[%add3A_2078, %dma_wait3A_2192, %dma_wait3A_2193] : memref<4096x4x1024xf32, #tpu.memory_space<hbm>> -> memref<4x4x1024xf32, #tpu.memory_space<hbm>>
    %dma_wait3A_2195 = arith.constant 0 : i32
    %dma_wait3A_2196 = arith.constant 0 : i32
    %dma_wait3A_2197 = arith.constant 0 : i32
    %dma_wait3A_2198 = tpu.memref_slice %arg6[%dma_wait3A_2183, %dma_wait3A_2195, %dma_wait3A_2196, %dma_wait3A_2197] : memref<7x4x4x1024xf32, #tpu.memory_space<vmem>> -> memref<1x4x4x1024xf32, #tpu.memory_space<vmem>>
    %dma_wait3A_2199 = tpu.memref_squeeze %dma_wait3A_2198 : memref<1x4x4x1024xf32, #tpu.memory_space<vmem>> -> memref<4x4x1024xf32, #tpu.memory_space<vmem>>
    tpu.wait_dma2 semaphore(%arg8 : memref<!tpu.dma_semaphore, #tpu.memory_space<semaphore_mem>>) src(%dma_wait3A_2199 : memref<4x4x1024xf32, #tpu.memory_space<vmem>>) dst(%dma_wait3A_2194 : memref<4x4x1024xf32, #tpu.memory_space<hbm>>)
    %dma_wait3A_2200 = arith.constant 1 : i32
    %dma_wait3A_2201 = arith.constant 0 : i32
    %dma_wait3A_2202 = arith.constant 0 : i32
    %dma_wait3A_2203 = arith.constant 0 : i32
    %dma_wait3A_2204 = tpu.memref_slice %arg6[%dma_wait3A_2200, %dma_wait3A_2201, %dma_wait3A_2202, %dma_wait3A_2203] : memref<7x4x4x1024xf32, #tpu.memory_space<vmem>> -> memref<1x4x4x1024xf32, #tpu.memory_space<vmem>>
    %dma_wait3A_2205 = tpu.memref_squeeze %dma_wait3A_2204 : memref<1x4x4x1024xf32, #tpu.memory_space<vmem>> -> memref<4x4x1024xf32, #tpu.memory_space<vmem>>
    %dma_wait3A_2206 = arith.constant 0 : i32
    %dma_wait3A_2207 = arith.constant 0 : i32
    %dma_wait3A_2208 = tpu.memref_slice %arg4[%add3A_2107, %dma_wait3A_2206, %dma_wait3A_2207] : memref<4096x4x1024xf32, #tpu.memory_space<hbm>> -> memref<4x4x1024xf32, #tpu.memory_space<hbm>>
    %dma_wait3A_2209 = arith.constant 0 : i32
    %dma_wait3A_2210 = arith.constant 0 : i32
    %dma_wait3A_2211 = tpu.memref_slice %arg4[%add3A_2107, %dma_wait3A_2209, %dma_wait3A_2210] : memref<4096x4x1024xf32, #tpu.memory_space<hbm>> -> memref<4x4x1024xf32, #tpu.memory_space<hbm>>
    %dma_wait3A_2212 = arith.constant 0 : i32
    %dma_wait3A_2213 = arith.constant 0 : i32
    %dma_wait3A_2214 = arith.constant 0 : i32
    %dma_wait3A_2215 = tpu.memref_slice %arg6[%dma_wait3A_2200, %dma_wait3A_2212, %dma_wait3A_2213, %dma_wait3A_2214] : memref<7x4x4x1024xf32, #tpu.memory_space<vmem>> -> memref<1x4x4x1024xf32, #tpu.memory_space<vmem>>
    %dma_wait3A_2216 = tpu.memref_squeeze %dma_wait3A_2215 : memref<1x4x4x1024xf32, #tpu.memory_space<vmem>> -> memref<4x4x1024xf32, #tpu.memory_space<vmem>>
    tpu.wait_dma2 semaphore(%arg8 : memref<!tpu.dma_semaphore, #tpu.memory_space<semaphore_mem>>) src(%dma_wait3A_2216 : memref<4x4x1024xf32, #tpu.memory_space<vmem>>) dst(%dma_wait3A_2211 : memref<4x4x1024xf32, #tpu.memory_space<hbm>>)
    %dma_wait3A_2217 = arith.constant 2 : i32
    %dma_wait3A_2218 = arith.constant 0 : i32
    %dma_wait3A_2219 = arith.constant 0 : i32
    %dma_wait3A_2220 = arith.constant 0 : i32
    %dma_wait3A_2221 = tpu.memref_slice %arg6[%dma_wait3A_2217, %dma_wait3A_2218, %dma_wait3A_2219, %dma_wait3A_2220] : memref<7x4x4x1024xf32, #tpu.memory_space<vmem>> -> memref<1x4x4x1024xf32, #tpu.memory_space<vmem>>
    %dma_wait3A_2222 = tpu.memref_squeeze %dma_wait3A_2221 : memref<1x4x4x1024xf32, #tpu.memory_space<vmem>> -> memref<4x4x1024xf32, #tpu.memory_space<vmem>>
    %dma_wait3A_2223 = arith.constant 0 : i32
    %dma_wait3A_2224 = arith.constant 0 : i32
    %dma_wait3A_2225 = tpu.memref_slice %arg4[%add3A_2136, %dma_wait3A_2223, %dma_wait3A_2224] : memref<4096x4x1024xf32, #tpu.memory_space<hbm>> -> memref<4x4x1024xf32, #tpu.memory_space<hbm>>
    %dma_wait3A_2226 = arith.constant 0 : i32
    %dma_wait3A_2227 = arith.constant 0 : i32
    %dma_wait3A_2228 = tpu.memref_slice %arg4[%add3A_2136, %dma_wait3A_2226, %dma_wait3A_2227] : memref<4096x4x1024xf32, #tpu.memory_space<hbm>> -> memref<4x4x1024xf32, #tpu.memory_space<hbm>>
    %dma_wait3A_2229 = arith.constant 0 : i32
    %dma_wait3A_2230 = arith.constant 0 : i32
    %dma_wait3A_2231 = arith.constant 0 : i32
    %dma_wait3A_2232 = tpu.memref_slice %arg6[%dma_wait3A_2217, %dma_wait3A_2229, %dma_wait3A_2230, %dma_wait3A_2231] : memref<7x4x4x1024xf32, #tpu.memory_space<vmem>> -> memref<1x4x4x1024xf32, #tpu.memory_space<vmem>>
    %dma_wait3A_2233 = tpu.memref_squeeze %dma_wait3A_2232 : memref<1x4x4x1024xf32, #tpu.memory_space<vmem>> -> memref<4x4x1024xf32, #tpu.memory_space<vmem>>
    tpu.wait_dma2 semaphore(%arg8 : memref<!tpu.dma_semaphore, #tpu.memory_space<semaphore_mem>>) src(%dma_wait3A_2233 : memref<4x4x1024xf32, #tpu.memory_space<vmem>>) dst(%dma_wait3A_2228 : memref<4x4x1024xf32, #tpu.memory_space<hbm>>)
    %dma_wait3A_2234 = arith.constant 3 : i32
    %dma_wait3A_2235 = arith.constant 0 : i32
    %dma_wait3A_2236 = arith.constant 0 : i32
    %dma_wait3A_2237 = arith.constant 0 : i32
    %dma_wait3A_2238 = tpu.memref_slice %arg6[%dma_wait3A_2234, %dma_wait3A_2235, %dma_wait3A_2236, %dma_wait3A_2237] : memref<7x4x4x1024xf32, #tpu.memory_space<vmem>> -> memref<1x4x4x1024xf32, #tpu.memory_space<vmem>>
    %dma_wait3A_2239 = tpu.memref_squeeze %dma_wait3A_2238 : memref<1x4x4x1024xf32, #tpu.memory_space<vmem>> -> memref<4x4x1024xf32, #tpu.memory_space<vmem>>
    %dma_wait3A_2240 = arith.constant 0 : i32
    %dma_wait3A_2241 = arith.constant 0 : i32
    %dma_wait3A_2242 = tpu.memref_slice %arg4[%add3A_2165, %dma_wait3A_2240, %dma_wait3A_2241] : memref<4096x4x1024xf32, #tpu.memory_space<hbm>> -> memref<4x4x1024xf32, #tpu.memory_space<hbm>>
    %dma_wait3A_2243 = arith.constant 0 : i32
    %dma_wait3A_2244 = arith.constant 0 : i32
    %dma_wait3A_2245 = tpu.memref_slice %arg4[%add3A_2165, %dma_wait3A_2243, %dma_wait3A_2244] : memref<4096x4x1024xf32, #tpu.memory_space<hbm>> -> memref<4x4x1024xf32, #tpu.memory_space<hbm>>
    %dma_wait3A_2246 = arith.constant 0 : i32
    %dma_wait3A_2247 = arith.constant 0 : i32
    %dma_wait3A_2248 = arith.constant 0 : i32
    %dma_wait3A_2249 = tpu.memref_slice %arg6[%dma_wait3A_2234, %dma_wait3A_2246, %dma_wait3A_2247, %dma_wait3A_2248] : memref<7x4x4x1024xf32, #tpu.memory_space<vmem>> -> memref<1x4x4x1024xf32, #tpu.memory_space<vmem>>
    %dma_wait3A_2250 = tpu.memref_squeeze %dma_wait3A_2249 : memref<1x4x4x1024xf32, #tpu.memory_space<vmem>> -> memref<4x4x1024xf32, #tpu.memory_space<vmem>>
    tpu.wait_dma2 semaphore(%arg8 : memref<!tpu.dma_semaphore, #tpu.memory_space<semaphore_mem>>) src(%dma_wait3A_2250 : memref<4x4x1024xf32, #tpu.memory_space<vmem>>) dst(%dma_wait3A_2245 : memref<4x4x1024xf32, #tpu.memory_space<hbm>>)
    %dma_wait3A_2251 = arith.constant 4 : i32
    %dma_wait3A_2252 = arith.constant 0 : i32
    %dma_wait3A_2253 = arith.constant 0 : i32
    %dma_wait3A_2254 = arith.constant 0 : i32
    %dma_wait3A_2255 = tpu.memref_slice %arg6[%dma_wait3A_2251, %dma_wait3A_2252, %dma_wait3A_2253, %dma_wait3A_2254] : memref<7x4x4x1024xf32, #tpu.memory_space<vmem>> -> memref<1x4x4x1024xf32, #tpu.memory_space<vmem>>
    %dma_wait3A_2256 = tpu.memref_squeeze %dma_wait3A_2255 : memref<1x4x4x1024xf32, #tpu.memory_space<vmem>> -> memref<4x4x1024xf32, #tpu.memory_space<vmem>>
    %dma_wait3A_2257 = arith.constant 0 : i32
    %dma_wait3A_2258 = arith.constant 0 : i32
    %dma_wait3A_2259 = tpu.memref_slice %arg4[%add3A_1948, %dma_wait3A_2257, %dma_wait3A_2258] : memref<4096x4x1024xf32, #tpu.memory_space<hbm>> -> memref<4x4x1024xf32, #tpu.memory_space<hbm>>
    %dma_wait3A_2260 = arith.constant 0 : i32
    %dma_wait3A_2261 = arith.constant 0 : i32
    %dma_wait3A_2262 = tpu.memref_slice %arg4[%add3A_1948, %dma_wait3A_2260, %dma_wait3A_2261] : memref<4096x4x1024xf32, #tpu.memory_space<hbm>> -> memref<4x4x1024xf32, #tpu.memory_space<hbm>>
    %dma_wait3A_2263 = arith.constant 0 : i32
    %dma_wait3A_2264 = arith.constant 0 : i32
    %dma_wait3A_2265 = arith.constant 0 : i32
    %dma_wait3A_2266 = tpu.memref_slice %arg6[%dma_wait3A_2251, %dma_wait3A_2263, %dma_wait3A_2264, %dma_wait3A_2265] : memref<7x4x4x1024xf32, #tpu.memory_space<vmem>> -> memref<1x4x4x1024xf32, #tpu.memory_space<vmem>>
    %dma_wait3A_2267 = tpu.memref_squeeze %dma_wait3A_2266 : memref<1x4x4x1024xf32, #tpu.memory_space<vmem>> -> memref<4x4x1024xf32, #tpu.memory_space<vmem>>
    tpu.wait_dma2 semaphore(%arg8 : memref<!tpu.dma_semaphore, #tpu.memory_space<semaphore_mem>>) src(%dma_wait3A_2267 : memref<4x4x1024xf32, #tpu.memory_space<vmem>>) dst(%dma_wait3A_2262 : memref<4x4x1024xf32, #tpu.memory_space<hbm>>)
    %dma_wait3A_2268 = arith.constant 5 : i32
    %dma_wait3A_2269 = arith.constant 0 : i32
    %dma_wait3A_2270 = arith.constant 0 : i32
    %dma_wait3A_2271 = arith.constant 0 : i32
    %dma_wait3A_2272 = tpu.memref_slice %arg6[%dma_wait3A_2268, %dma_wait3A_2269, %dma_wait3A_2270, %dma_wait3A_2271] : memref<7x4x4x1024xf32, #tpu.memory_space<vmem>> -> memref<1x4x4x1024xf32, #tpu.memory_space<vmem>>
    %dma_wait3A_2273 = tpu.memref_squeeze %dma_wait3A_2272 : memref<1x4x4x1024xf32, #tpu.memory_space<vmem>> -> memref<4x4x1024xf32, #tpu.memory_space<vmem>>
    %dma_wait3A_2274 = arith.constant 0 : i32
    %dma_wait3A_2275 = arith.constant 0 : i32
    %dma_wait3A_2276 = tpu.memref_slice %arg4[%add3A_2020, %dma_wait3A_2274, %dma_wait3A_2275] : memref<4096x4x1024xf32, #tpu.memory_space<hbm>> -> memref<4x4x1024xf32, #tpu.memory_space<hbm>>
    %dma_wait3A_2277 = arith.constant 0 : i32
    %dma_wait3A_2278 = arith.constant 0 : i32
    %dma_wait3A_2279 = tpu.memref_slice %arg4[%add3A_2020, %dma_wait3A_2277, %dma_wait3A_2278] : memref<4096x4x1024xf32, #tpu.memory_space<hbm>> -> memref<4x4x1024xf32, #tpu.memory_space<hbm>>
    %dma_wait3A_2280 = arith.constant 0 : i32
    %dma_wait3A_2281 = arith.constant 0 : i32
    %dma_wait3A_2282 = arith.constant 0 : i32
    %dma_wait3A_2283 = tpu.memref_slice %arg6[%dma_wait3A_2268, %dma_wait3A_2280, %dma_wait3A_2281, %dma_wait3A_2282] : memref<7x4x4x1024xf32, #tpu.memory_space<vmem>> -> memref<1x4x4x1024xf32, #tpu.memory_space<vmem>>
    %dma_wait3A_2284 = tpu.memref_squeeze %dma_wait3A_2283 : memref<1x4x4x1024xf32, #tpu.memory_space<vmem>> -> memref<4x4x1024xf32, #tpu.memory_space<vmem>>
    tpu.wait_dma2 semaphore(%arg8 : memref<!tpu.dma_semaphore, #tpu.memory_space<semaphore_mem>>) src(%dma_wait3A_2284 : memref<4x4x1024xf32, #tpu.memory_space<vmem>>) dst(%dma_wait3A_2279 : memref<4x4x1024xf32, #tpu.memory_space<hbm>>)
    %dma_wait3A_2285 = arith.constant 6 : i32
    %dma_wait3A_2286 = arith.constant 0 : i32
    %dma_wait3A_2287 = arith.constant 0 : i32
    %dma_wait3A_2288 = arith.constant 0 : i32
    %dma_wait3A_2289 = tpu.memref_slice %arg6[%dma_wait3A_2285, %dma_wait3A_2286, %dma_wait3A_2287, %dma_wait3A_2288] : memref<7x4x4x1024xf32, #tpu.memory_space<vmem>> -> memref<1x4x4x1024xf32, #tpu.memory_space<vmem>>
    %dma_wait3A_2290 = tpu.memref_squeeze %dma_wait3A_2289 : memref<1x4x4x1024xf32, #tpu.memory_space<vmem>> -> memref<4x4x1024xf32, #tpu.memory_space<vmem>>
    %dma_wait3A_2291 = arith.constant 0 : i32
    %dma_wait3A_2292 = arith.constant 0 : i32
    %dma_wait3A_2293 = tpu.memref_slice %arg4[%add3A_2049, %dma_wait3A_2291, %dma_wait3A_2292] : memref<4096x4x1024xf32, #tpu.memory_space<hbm>> -> memref<4x4x1024xf32, #tpu.memory_space<hbm>>
    %dma_wait3A_2294 = arith.constant 0 : i32
    %dma_wait3A_2295 = arith.constant 0 : i32
    %dma_wait3A_2296 = tpu.memref_slice %arg4[%add3A_2049, %dma_wait3A_2294, %dma_wait3A_2295] : memref<4096x4x1024xf32, #tpu.memory_space<hbm>> -> memref<4x4x1024xf32, #tpu.memory_space<hbm>>
    %dma_wait3A_2297 = arith.constant 0 : i32
    %dma_wait3A_2298 = arith.constant 0 : i32
    %dma_wait3A_2299 = arith.constant 0 : i32
    %dma_wait3A_2300 = tpu.memref_slice %arg6[%dma_wait3A_2285, %dma_wait3A_2297, %dma_wait3A_2298, %dma_wait3A_2299] : memref<7x4x4x1024xf32, #tpu.memory_space<vmem>> -> memref<1x4x4x1024xf32, #tpu.memory_space<vmem>>
    %dma_wait3A_2301 = tpu.memref_squeeze %dma_wait3A_2300 : memref<1x4x4x1024xf32, #tpu.memory_space<vmem>> -> memref<4x4x1024xf32, #tpu.memory_space<vmem>>
    tpu.wait_dma2 semaphore(%arg8 : memref<!tpu.dma_semaphore, #tpu.memory_space<semaphore_mem>>) src(%dma_wait3A_2301 : memref<4x4x1024xf32, #tpu.memory_space<vmem>>) dst(%dma_wait3A_2296 : memref<4x4x1024xf32, #tpu.memory_space<hbm>>)
    return
  }
}

</mosaic_0001>

<sc_bundles>
// kernel: kernel.3.cloned.1.call-start
scs
__scs_entry_jumppad:
0x0: {  	(pc) =	sbr.rel $0x88, $3  }
0x1: {  	(tag) =	ssettag $0x0;
	lr =	simm.s32 $0x1  }
0x2: {  	[smem:$0x3F9F] =	sst lr;
	_ =	strace $0xD0000000  }
0x3: {  	_ = 	snop  }
0x4: {  	_ = 	snop  }
0x5: {  	_ = 	snop  }
0x6: {  	_ = 	snop  }
0x7: {  	_ = 	snop  }
__scs_overlays_trampoline_lowered:
0x8: {  	[smem:$0x3FAE] =	sst s0  }
0x9: {  	[smem:$0x3FAF] =	sst s1  }
0xa: {  	[smem:$0x3FB0] =	sst s2  }
0xb: {  	[smem:$0x3FB1] =	sst s3  }
0xc: {  	[smem:$0x3FB2] =	sst s4  }
0xd: {  	[smem:$0x3FB3] =	sst s5  }
0xe: {  	[smem:$0x3FB4] =	sst s6  }
0xf: {  	[smem:$0x3FB5] =	sst s7  }
0x10: {  	[smem:$0x3FB6] =	sst s8  }
0x11: {  	[smem:$0x3FB7] =	sst s9;
	s0 =	simm.s32 @!p0 $0x0  }
0x12: {  	s1 =	sld [smem:$0x3F9D];
	s0 =	simm.s32 @p0 $0x1  }
0x13: {  	[smem:$0x3FB8] =	sst s0;
	s0 =	simm.s32 @!p1 $0x0  }
0x14: {  	s2 =	sld [smem:$0x3F9C];
	s0 =	simm.s32 @p1 $0x1  }
0x15: {  	[smem:$0x3FB9] =	sst s0;
	s0 =	simm.s32 @!p2 $0x0  }
0x16: {  	s3 =	sld [smem:$0x3FDB];
	s0 =	simm.s32 @p2 $0x1  }
0x17: {  	s4 =	simm.s32 $0x1BF5;
	[smem:$0x3FBB] =	sst s0  }
0x18: {  	s0 =	sld [smem:$0x3F9E];
	_ =	swait.ge [sflag:s4], $0x0  }
0x19: {  	s7 =	sld [smem:$0x3F9F]  }
0x1a: {  	s8 =	sadd.s32 $0xFFFFE003, lr  }
0x1b: {  	s9 =	sadd.s32 $0xFFFFFEF7, lr;
	s5 =	simm.s32 $0xFFFFFFFF;
	p2 =	slt.u32 s8, $0xFFFFF086  }
0x1c: {  	p1 =	slt.u32 s9, $0xF7A;
	s5 =	simm.s32 @!p2 $0x0  }
0x1d: {  	s5 =	simm.s32 @p1 $0x1;
	p0 =	seq.s32 s7, s2  }
0x1e: {  	s7 =	smul.u32 @!p0 $0xF7A, s2;
	p2 =	seq.s32 @!p0 s5, $0x0  }
0x1f: {  	s9 =	smul.u32 $0xF7A, s1;
	s8 =	simm.s32 @!p0 $0x1BF5;
	p2 =	por !p2, p0  }
0x20: {  	[sflag:s8] =	ssyncset.s32 @!p0 $0xFFFFF086;
	s6 =	sadd.s32 @!p0 s3, s7;
	s7 =	simm.s32 @!p0 $0x108  }
0x21: {  	s3 =	sadd.s32 s3, s9;
	s6 =	sadd.s32 @!p0 $0x88, s6;
	s7 =	simm.s32 @p2 $0x1082  }
0x22: {  	[simem:s7], [sflag:s8] =	dma.local @!p0 [hbm:s6], $0xF7A  }
0x23: {  	s9 =	sor.u32 $0xD0000000, s2;
	s6 =	simm.s32 $0x108;
	_ =	swait.ge @!p0 [sflag:s8], $0x0  }
0x24: {  	s3 =	sadd.s32 $0x88, s3;
	s6 =	simm.s32 @!p1 $0x1082;
	[sflag:s4] =	ssyncset.s32 $0xFFFFF086  }
0x25: {  	[simem:s6], [sflag:s4] =	dma.local [hbm:s3], $0xF7A  }
0x26: {  	[smem:$0x3F9F] =	sst s1;
	(tag) =	ssettag s2;
	_ =	strace s9  }
0x27: {  	s1 =	sld [smem:$0x3FAF]  }
0x28: {  	s2 =	sld [smem:$0x3FB0]  }
0x29: {  	s4 =	sld [smem:$0x3FB2]  }
0x2a: {  	p0 =	seq.s32 s5, $0x0;
	s5 =	sld [smem:$0x3FB3]  }
0x2b: {  	s6 =	sld [smem:$0x3FB4]  }
0x2c: {  	s7 =	sld [smem:$0x3FB5]  }
0x2d: {  	s3 =	simm.s32 $0x108;
	s8 =	sld [smem:$0x3FB6]  }
0x2e: {  	s3 =	simm.s32 @!p0 $0x1082;
	s9 =	sld [smem:$0x3FB7]  }
0x2f: {  	lr =	sadd.s32 s0, s3;
	s0 =	sld [smem:$0x3FAE]  }
0x30: {  	s3 =	sld [smem:$0x3FB1]  }
0x31: {  	[smem:$0x3FBA] =	sst s10  }
0x32: {  	s10 =	sld [smem:$0x3FB8];
	_ =	sdelay $0x3  }
0x33: {  	p0 =	seq.s32 s10, $0x1;
	s10 =	sld [smem:$0x3FBA];
	_ =	sdelay $0x3  }
0x34: {  	[smem:$0x3FBA] =	sst s10  }
0x35: {  	s10 =	sld [smem:$0x3FB9];
	_ =	sdelay $0x3  }
0x36: {  	p1 =	seq.s32 s10, $0x1;
	s10 =	sld [smem:$0x3FBA];
	_ =	sdelay $0x3  }
0x37: {  	[smem:$0x3FBA] =	sst s10  }
0x38: {  	s10 =	sld [smem:$0x3FBB]  }
0x39: {  	_ = 	snop;
	(pc) =	sbr.ind lr, $3  }
0x3a: {  	_ = 	snop  }
0x3b: {  	_ = 	snop  }
0x3c: {  	p2 =	seq.s32 s10, $0x1;
	s10 =	sld [smem:$0x3FBA]  }
0x3d: {  	_ =	shalt  }
0x3e: {  	_ =	shalt  }
0x3f: {  	_ =	shalt  }
0x40: {  	_ =	shalt  }
0x41: {  	_ =	shalt  }
0x42: {  	_ =	shalt  }
0x43: {  	_ =	shalt  }
0x44: {  	_ =	shalt  }
0x45: {  	_ =	shalt  }
0x46: {  	_ =	shalt  }
0x47: {  	_ =	shalt  }
0x48: {  	_ =	shalt  }
0x49: {  	_ =	shalt  }
0x4a: {  	_ =	shalt  }
0x4b: {  	_ =	shalt  }
0x4c: {  	_ =	shalt  }
0x4d: {  	_ =	shalt  }
0x4e: {  	_ =	shalt  }
0x4f: {  	_ =	shalt  }
0x50: {  	_ =	shalt  }
0x51: {  	_ =	shalt  }
0x52: {  	_ =	shalt  }
0x53: {  	_ =	shalt  }
0x54: {  	_ =	shalt  }
0x55: {  	_ =	shalt  }
0x56: {  	_ =	shalt  }
0x57: {  	_ =	shalt  }
0x58: {  	_ =	shalt  }
0x59: {  	_ =	shalt  }
0x5a: {  	_ =	shalt  }
0x5b: {  	_ =	shalt  }
0x5c: {  	_ =	shalt  }
0x5d: {  	_ =	shalt  }
0x5e: {  	_ =	shalt  }
0x5f: {  	_ =	shalt  }
0x60: {  	_ =	shalt  }
0x61: {  	_ =	shalt  }
0x62: {  	_ =	shalt  }
0x63: {  	_ =	shalt  }
0x64: {  	_ =	shalt  }
0x65: {  	_ =	shalt  }
0x66: {  	_ =	shalt  }
0x67: {  	_ =	shalt  }
0x68: {  	_ =	shalt  }
0x69: {  	_ =	shalt  }
0x6a: {  	_ =	shalt  }
0x6b: {  	_ =	shalt  }
0x6c: {  	_ =	shalt  }
0x6d: {  	_ =	shalt  }
0x6e: {  	_ =	shalt  }
0x6f: {  	_ =	shalt  }
0x70: {  	_ =	shalt  }
0x71: {  	_ =	shalt  }
0x72: {  	_ =	shalt  }
0x73: {  	_ =	shalt  }
0x74: {  	_ =	shalt  }
0x75: {  	_ =	shalt  }
0x76: {  	_ =	shalt  }
0x77: {  	_ =	shalt  }
0x78: {  	_ =	shalt  }
0x79: {  	_ =	shalt  }
0x7a: {  	_ =	shalt  }
0x7b: {  	_ =	shalt  }
0x7c: {  	_ =	shalt  }
0x7d: {  	_ =	shalt  }
0x7e: {  	_ =	shalt  }
0x7f: {  	_ =	shalt  }
0x80: {  	_ =	shalt  }
0x81: {  	_ =	shalt  }
0x82: {  	_ =	shalt  }
0x83: {  	_ =	shalt  }
0x84: {  	_ =	shalt  }
0x85: {  	_ =	shalt  }
0x86: {  	_ =	shalt  }
0x87: {  	_ =	shalt  }
.Lfunc_end0:
.L_simem_size_0:
called_computation_lowered:
.L_overlay_start_0:
0x88: {  	s2 =	sld [smem:$0x3FD9]  }
0x89: {  	s3 =	sld [smem:$0x3FFE];
	_ =	sdelay $0x1  }
0x8a: {  	s1 =	srdreg.scid  }
0x8b: {  	s0 =	sand.u32 $0x1, s1  }
0x8c: {  	s17 =	sshll.u32 s0, $0xA;
	s2 =	sadd.s32 s3, s2  }
0x8d: {  	s2 =	sadd.s32 s2, s17  }
0x8e: {  	[smem:$0x3FC6] =	sst s2  }
0x8f: {  	_ = 	snop  }
0x90: {  	s2 =	sld [smem:$0x3FC8]  }
0x91: {  	s18 =	sld [smem:$0x3FD0];
	(tm) =	ssettm $0x1  }
0x92: {  	s4 =	sld [smem:$0x3FFB];
	_ =	sdelay $0x3  }
0x93: {  	_ =	strace s4  }
0x94: {  	s4 =	sld [smem:$0x3FFC];
	_ =	sdelay $0x3  }
0x95: {  	_ =	strace s4  }
0x96: {  	s4 =	sld [smem:$0x3FFD];
	_ =	sdelay $0x3  }
0x97: {  	_ =	strace s4  }
0x98: {  	_ =	strace $0x8FFFFFFF  }
0x99: {  	s19 =	sld [smem:$0x3FDB];
	_ =	sdelay $0x1  }
0x9a: {  	s5 =	simm.s32 $_scs_section_size  }
0x9b: {  	s6 =	simm.s32 $_size__tile_overlayer_lowered;
	s7 =	simm.s32 $_tile_overlayer_lowered  }
0x9c: {  	s22 =	simm.s32 $0x1BFF;
	s21 =	sshll.u32 s7, $0x1;
	s4 =	sadd.s32 s5, s19  }
0x9d: {  	s8 =	simm.s32 $0x0;
	s20 =	sshll.u32 s6, $0x1;
	s6 =	sadd.s32 s21, s4  }
0x9e: {  	[timem:s8], [sflag:s22] =	dma.local [hbm:s6], s20  }
0x9f: {  	_ =	swait.ge [sflag:s22], s20  }
0xa0: {  	s5 =	ssub.s32 $0x0, s20;
	[sflag:s22] =	ssyncset.done $0x0  }
0xa1: {  	[sflag:s22] =	ssyncadd.s32 s5;
	_ =	sdelay $0x1  }
0xa2: {  	s23 =	simm.s32 $0x1B8B  }
0xa3: {  	_ =	swait.ge [sflag:s23], $0x1  }
0xa4: {  	[sflag:s23] =	ssyncset.done $0x0  }
0xa5: {  	s25 =	simm.s32 $0x1B8E;
	s24 =	sld [smem:$0x3FFE];
	[sflag:s23] =	ssyncadd.s32 $0xFFFFFFFF  }
0xa6: {  	s26 =	simm.s32 $execute0_lowered;
	[smem:$0x3FD2] =	sst s25  }
0xa7: {  	s6 =	sshll.u32 s26, $0x1;
	_ =	strace $0x80000046;
	[dreg:$0x1] =	wrdreg $0xFFFFFFFF  }
0xa8: {  	s28 =	simm.s32 $_size_execute0_lowered;
	s4 =	sadd.s32 s4, s6;
	[dreg:$0x0] =	wrdreg $0x0  }
0xa9: {  	s6 =	sshll.u32 s28, $0x1;
	[dreg:$0x2] =	wrdreg s4  }
0xaa: {  	[dreg:$0x3] =	wrdreg s6  }
0xab: {  	[dreg:$0x4] =	wrdreg $0xC0  }
0xac: {  	_ =	task [dreg:s8], $0x5FFFF  }
0xad: {  	[dreg:$0x1] =	wrdreg $0xFFFFFFFF  }
0xae: {  	[dreg:$0x0] =	wrdreg $0x60  }
0xaf: {  	[dreg:$0x2] =	wrdreg s24  }
0xb0: {  	[dreg:$0x3] =	wrdreg s2  }
0xb1: {  	[dreg:$0x4] =	wrdreg s18  }
0xb2: {  	[dreg:$0x5] =	wrdreg $0x9  }
0xb3: {  	_ =	task.clear_ibuf [dreg:s8], $0x6FFFF;
	_ =	strace $0x90000046  }
0xb4: {  	s29 =	simm.s32 $0x9;
	_ =	strace $0x80000048  }
0xb5: {  	_ =	swait.ge [sflag:s29], $0x1  }
0xb6: {  	[sflag:s29] =	ssyncadd.s32 $0xFFFFFFFF  }
0xb7: {  	_ =	strace $0x90000048  }
0xb8: {  	_ =	sfence  }
0xb9: {  	s30 =	sld [smem:$0x0];
	_ =	sdelay $0x2  }
0xba: {  	s31 =	sshll.u32 s1, $0xD;
	s1 =	sshrl.u32 s1, $0x2  }
0xbb: {  	s3 =	sand.u32 $0x4000, s31;
	s1 =	sadd.s32 s1, s30  }
0xbc: {  	s0 =	sor.u32 s3, s0;
	s1 =	sshll.u32 s1, $0x11  }
0xbd: {  	s0 =	sor.u32 s1, s0  }
0xbe: {  	s0 =	sadd.s32 $0x8F2B, s0  }
0xbf: {  	[sflag:s0] =	ssyncadd.remote.s32 $0x1  }
0xc0: {  	_ =	sfence.sel $0xFFFF  }
0xc1: {  	[dreg:$0x0] =	wrdreg $0xFFFFFFFF;
	(pc) =	sbr.abs _section_cstart, $3  }
0xc2: {  	[dreg:$0x1] =	wrdreg $0xFFFFFFFF  }
0xc3: {  	_ =	task.clear_ibuf [dreg:s8], $0x2FFFF;
	_ =	strace $0x9FFFFFFF  }
0xc4: {  	(tm) =	ssettm $0x7FFFFFFF  }
0xc5: {  	_ =	shalt  }
tec
execute0_lowered:
.L_overlay_start_1:
0x0: {  	(tag) =	ssettag $0x1  }
0x1: {  	s0 =	rddreg [dreg:$0x0]  }
0x2: {  	s2 =	rddreg [dreg:$0x1]  }
0x3: {  	s1 =	rddreg [dreg:$0x2]  }
0x4: {  	s4 =	srdreg.scid;
	s5 =	stileid.u32  }
0x5: {  	s3 =	simm.s32 $0x0;
	s4 =	sand.u32 $0x1, s4;
	s5 =	sshll.u32 s5, $0x1  }
0x6: {  	[smem:$0x7FF] =	sst s3;
	s5 =	sor.u32 s4, s5;
	s4 =	ssub.s32 $0x2, s4  }
0x7: {  	_ =	strace $0x80000047;
	s6 =	sshll.u32 s5, $0x6;
	s25 =	sshrl.u32 s4, $0x1  }
0x8: {  	s7 =	sshll.u32 s5, $0x10;
	s6 =	sadd.s32 s6, s0;
	s0 =	ssub.s32 s4, s25  }
0x9: {  	s22 =	sadd.s32 s1, s7;
	s1 =	sshll.u32 s5, $0x9;
	s26 =	sadd.s32 $0x400, s6  }
0xa: {  	s28 =	sadd.s32 $0x800, s22;
	s29 =	sadd.s32 $0x1000, s22;
	[smem:$0x7FC] =	sst s22  }
0xb: {  	s30 =	sor.u32 $0x10, s1;
	s31 =	sadd.s32 $0x1800, s22;
	[dreg:$0x4] =	wrdreg s26  }
0xc: {  	v36 =	vlaneseq.u32;
	s9 =	sor.u32 $0x20, s1;
	s6 =	sadd.s32 $0x2000, s22;
	[dreg:$0x5] =	wrdreg s28  }
0xd: {  	v33 =	vshrl.u32 v36, $0x2;
	s12 =	sor.u32 $0x30, s1;
	s8 =	sadd.s32 $0x2800, s22;
	[dreg:$0x6] =	wrdreg s29  }
0xe: {  	vm0 =	vmmov $0xffff;
	v32 =	vand.u32 $0x3, v36;
	v33 =	vmul.u32 $0x8, v33;
	s14 =	sor.u32 $0x40, s1;
	s10 =	sadd.s32 $0x3000, s22;
	[dreg:$0x7] =	wrdreg s31  }
0xf: {  	v34 =	vor.u32 $0x4, v32;
	v35 =	vor.u32 $0x8, v32;
	s17 =	sor.u32 $0x50, s1;
	s11 =	sadd.s32 $0x3800, s22;
	v0 =	vor.u32 s1, v36;
	[dreg:$0x8] =	wrdreg s6  }
0x10: {  	s18 =	sor.u32 $0x60, s1;
	s13 =	sadd.s32 $0x4000, s22;
	[dreg:$0x9] =	wrdreg s8;
	v0 =	vshrl.u32 v0, $0x2;
	v1 =	vor.u32 s30, v36;
	v2 =	vor.u32 s9, v36  }
0x11: {  	s19 =	sor.u32 $0x70, s1;
	s20 =	sor.u32 $0x80, s1;
	[dreg:$0xa] =	wrdreg s10;
	v3 =	vor.u32 s12, v36;
	v4 =	vor.u32 s14, v36;
	v5 =	vor.u32 s17, v36  }
0x12: {  	s4 =	sor.u32 $0x100, s1;
	s7 =	sor.u32 $0x110, s1;
	[dreg:$0xb] =	wrdreg s11;
	v6 =	vor.u32 s18, v36;
	v7 =	vor.u32 s19, v36;
	v8 =	vor.u32 s20, v36  }
0x13: {  	s15 =	sadd.s32 $0x4800, s22;
	s16 =	sadd.s32 $0x5000, s22;
	[dreg:$0xc] =	wrdreg s13;
	v16 =	vor.u32 s4, v36;
	v17 =	vor.u32 s7, v36;
	v0 =	vadd.s32 $0x2, v0  }
0x14: {  	s21 =	sadd.s32 $0x5800, s22;
	s23 =	sadd.s32 $0x6000, s22;
	[dreg:$0xd] =	wrdreg s15;
	v1 =	vshrl.u32 v1, $0x2;
	v2 =	vshrl.u32 v2, $0x2;
	v3 =	vshrl.u32 v3, $0x2  }
0x15: {  	s15 =	sor.u32 $0x90, s1;
	[dreg:$0xe] =	wrdreg s16;
	s13 =	sor.u32 $0xA0, s1;
	v4 =	vshrl.u32 v4, $0x2;
	v5 =	vshrl.u32 v5, $0x2;
	v6 =	vshrl.u32 v6, $0x2  }
0x16: {  	s16 =	sor.u32 $0xB0, s1;
	[dreg:$0x10] =	wrdreg s23;
	s10 =	sor.u32 $0xC0, s1;
	v7 =	vshrl.u32 v7, $0x2;
	v8 =	vshrl.u32 v8, $0x2;
	v9 =	vor.u32 s15, v36  }
0x17: {  	s8 =	sor.u32 $0xD0, s1;
	s11 =	sor.u32 $0xE0, s1;
	s6 =	sor.u32 $0xF0, s1;
	v10 =	vor.u32 s13, v36;
	v11 =	vor.u32 s16, v36;
	v12 =	vor.u32 s10, v36  }
0x18: {  	s9 =	sor.u32 $0x120, s1;
	s23 =	sor.u32 $0x130, s1;
	s14 =	sor.u32 $0x140, s1;
	v13 =	vor.u32 s8, v36;
	v14 =	vor.u32 s11, v36;
	v15 =	vor.u32 s6, v36  }
0x19: {  	s17 =	sor.u32 $0x150, s1;
	s19 =	sor.u32 $0x170, s1;
	s20 =	sor.u32 $0x180, s1;
	v18 =	vor.u32 s9, v36;
	v19 =	vor.u32 s23, v36;
	v20 =	vor.u32 s14, v36  }
0x1a: {  	s24 =	sadd.s32 $0x6800, s22;
	[dreg:$0xf] =	wrdreg s21;
	s18 =	sor.u32 $0x1B0, s1;
	v21 =	vor.u32 s17, v36;
	v23 =	vor.u32 s19, v36;
	v24 =	vor.u32 s20, v36  }
0x1b: {  	s25 =	sadd.s32 $0x7000, s22;
	[dreg:$0x11] =	wrdreg s24;
	v27 =	vor.u32 s18, v36;
	v16 =	vshrl.u32 v16, $0x2;
	v17 =	vshrl.u32 v17, $0x2  }
0x1c: {  	[dreg:$0x12] =	wrdreg s25;
	s26 =	sadd.s32 $0x7800, s22;
	v1 =	vadd.s32 $0x2, v1;
	v2 =	vadd.s32 $0x2, v2;
	v3 =	vadd.s32 $0x2, v3  }
0x1d: {  	s28 =	sadd.s32 $0x8000, s22;
	[dreg:$0x13] =	wrdreg s26;
	v4 =	vadd.s32 $0x2, v4;
	v5 =	vadd.s32 $0x2, v5;
	v6 =	vadd.s32 $0x2, v6  }
0x1e: {  	s25 =	sadd.s32 $0xB000, s22;
	[dreg:$0x14] =	wrdreg s28;
	v7 =	vadd.s32 $0x2, v7;
	v8 =	vadd.s32 $0x2, v8;
	v9 =	vshrl.u32 v9, $0x2  }
0x1f: {  	s29 =	sadd.s32 $0x9000, s22;
	[dreg:$0x1a] =	wrdreg s25;
	v10 =	vshrl.u32 v10, $0x2;
	v11 =	vshrl.u32 v11, $0x2;
	v12 =	vshrl.u32 v12, $0x2  }
0x20: {  	s25 =	sor.u32 $0x160, s1;
	s15 =	sor.u32 $0x190, s1;
	s13 =	sor.u32 $0x1A0, s1;
	v13 =	vshrl.u32 v13, $0x2;
	v14 =	vshrl.u32 v14, $0x2;
	v15 =	vshrl.u32 v15, $0x2  }
0x21: {  	s31 =	sadd.s32 $0xA000, s22;
	[dreg:$0x16] =	wrdreg s29;
	v22 =	vor.u32 s25, v36;
	v25 =	vor.u32 s15, v36;
	v26 =	vor.u32 s13, v36  }
0x22: {  	[dreg:$0x18] =	wrdreg s31;
	s26 =	sadd.s32 $0xB800, s22;
	v16 =	vadd.s32 $0x2, v16;
	v17 =	vadd.s32 $0x2, v17;
	v18 =	vshrl.u32 v18, $0x2  }
0x23: {  	s29 =	sadd.s32 $0xC800, s22;
	[dreg:$0x1b] =	wrdreg s26;
	v19 =	vshrl.u32 v19, $0x2;
	v20 =	vshrl.u32 v20, $0x2;
	v21 =	vshrl.u32 v21, $0x2  }
0x24: {  	s31 =	sadd.s32 $0xD800, s22;
	[dreg:$0x1d] =	wrdreg s29;
	v23 =	vshrl.u32 v23, $0x2;
	v24 =	vshrl.u32 v24, $0x2;
	v27 =	vshrl.u32 v27, $0x2  }
0x25: {  	s21 =	sadd.s32 $0x8800, s22;
	[dreg:$0x1f] =	wrdreg s31;
	v9 =	vadd.s32 $0x2, v9;
	v10 =	vadd.s32 $0x2, v10;
	v11 =	vadd.s32 $0x2, v11  }
0x26: {  	s26 =	sor.u32 $0x1C0, s1;
	s29 =	sor.u32 $0x1D0, s1;
	s31 =	sor.u32 $0x1E0, s1;
	v12 =	vadd.s32 $0x2, v12;
	v13 =	vadd.s32 $0x2, v13;
	v14 =	vadd.s32 $0x2, v14  }
0x27: {  	s30 =	sadd.s32 $0x9800, s22;
	[dreg:$0x15] =	wrdreg s21;
	s1 =	sor.u32 $0x1F0, s1;
	v28 =	vor.u32 s26, v36;
	v29 =	vor.u32 s29, v36;
	v30 =	vor.u32 s31, v36  }
0x28: {  	s24 =	sadd.s32 $0xA800, s22;
	[dreg:$0x17] =	wrdreg s30;
	v31 =	vor.u32 s1, v36;
	v15 =	vadd.s32 $0x2, v15;
	v18 =	vadd.s32 $0x2, v18  }
0x29: {  	s12 =	sadd.s32 $0xE000, s22;
	[dreg:$0x19] =	wrdreg s24;
	v19 =	vadd.s32 $0x2, v19;
	v20 =	vadd.s32 $0x2, v20;
	v22 =	vshrl.u32 v22, $0x2  }
0x2a: {  	s28 =	sadd.s32 $0xC000, s22;
	[smem:$0x7F9] =	sst s12;
	v21 =	vadd.s32 $0x2, v21;
	v23 =	vadd.s32 $0x2, v23;
	v25 =	vshrl.u32 v25, $0x2  }
0x2b: {  	s30 =	sadd.s32 $0xD000, s22;
	[dreg:$0x1c] =	wrdreg s28;
	v24 =	vadd.s32 $0x2, v24;
	v26 =	vshrl.u32 v26, $0x2;
	v27 =	vadd.s32 $0x2, v27  }
0x2c: {  	s24 =	sadd.s32 $0xE800, s22;
	[dreg:$0x1e] =	wrdreg s30;
	v36 =	vor.u32 $0xC, v36;
	v22 =	vadd.s32 $0x2, v22;
	v25 =	vadd.s32 $0x2, v25  }
0x2d: {  	s5 =	sadd.s32 $0x200, s2;
	[smem:$0x7FA] =	sst s24;
	s28 =	sadd.s32 $0xF000, s22;
	v26 =	vadd.s32 $0x2, v26;
	v28 =	vshrl.u32 v28, $0x2;
	v29 =	vshrl.u32 v29, $0x2  }
0x2e: {  	s0 =	smax.u32 s0, $0x1;
	s30 =	sadd.s32 $0xF800, s22;
	[smem:$0x7FB] =	sst s28;
	v30 =	vshrl.u32 v30, $0x2;
	v31 =	vshrl.u32 v31, $0x2;
	v28 =	vadd.s32 $0x2, v28  }
0x2f: {  	s17 =	simm.s32 $0x1;
	s19 =	simm.s32 $0x2;
	[smem:$0x7FD] =	sst s30;
	v29 =	vadd.s32 $0x2, v29;
	v30 =	vadd.s32 $0x2, v30;
	v31 =	vadd.s32 $0x2, v31  }
.LBB2_1:
0x30: {  	[smem:$0x7F8] =	sst s0  }
0x31: {  	s20 =	rddreg [dreg:$0x4];
	s6 =	simm.s32 $0x3  }
0x32: {  	[tilespmem:s3], [sflag:$0x3] =	stream.linear.gather [hbm4b:s20+s3], $0x200, $0x38;
	[tilespmem:$0x1C200] =	vst v63  }
0x33: {  	_ =	swait.ge [sflag:s6], $0x200  }
0x34: {  	[sflag:s6] =	ssyncset.done $0x0  }
0x35: {  	[sflag:s6] =	ssyncadd.s32 $0xFFFFFE00  }
0x36: {  	v37 =	vld [tilespmem:$0x0];
	_ =	sdelay $0x4  }
0x37: {  	vm1 =	veq.s32 v37, $0x1  }
0x38: {  	v37 =	vsel vm1, $0x1, v0  }
0x39: {  	v38 =	vshll.u32 v37, $0x3  }
0x3a: {  	v37 =	vand.u32 $0x7, v37;
	v38 =	vand.u32 $0xFFFFFFC0, v38  }
0x3b: {  	v37 =	vor.u32 v37, v38  }
0x3c: {  	v38 =	vperm.xlane v37, v32;
	_ =	sdelay $0x1  }
0x3d: {  	v38 =	vadd.s32 v33, v38;
	_ =	sdelay $0x1  }
0x3e: {  	v39 =	vperm.xlane v37, v34;
	_ =	sdelay $0x1  }
0x3f: {  	s7 =	simm.s32 $0x200;
	v39 =	vadd.s32 v33, v39  }
0x40: {  	[tilespmem:s7], [sflag:$0x1] =	stream.indirect_vreg.gather [hbm4b:s2+s3], $0x80, v38, vm0, $0xb8;
	[tilespmem:$0x1C200] =	vst v63  }
0x41: {  	s8 =	simm.s32 $0xA00;
	v40 =	vperm.xlane v37, v35  }
0x42: {  	[tilespmem:s8], [sflag:$0x1] =	stream.indirect_vreg.gather [hbm4b:s5+s3], $0x80, v38, vm0, $0xb8;
	[tilespmem:$0x1C200] =	vst v63  }
0x43: {  	s9 =	simm.s32 $0x1200;
	v56 =	vadd.s32 v33, v40  }
0x44: {  	[tilespmem:s9], [sflag:$0x1] =	stream.indirect_vreg.gather [hbm4b:s2+s3], $0x80, v39, vm0, $0xb8;
	[tilespmem:$0x1C200] =	vst v63  }
0x45: {  	s10 =	simm.s32 $0x1A00;
	v37 =	vperm.xlane v37, v36  }
0x46: {  	[tilespmem:s10], [sflag:$0x1] =	stream.indirect_vreg.gather [hbm4b:s5+s3], $0x80, v39, vm0, $0xb8;
	[tilespmem:$0x1C200] =	vst v63  }
0x47: {  	s11 =	simm.s32 $0x2200;
	v37 =	vadd.s32 v33, v37  }
0x48: {  	[tilespmem:s11], [sflag:$0x1] =	stream.indirect_vreg.gather [hbm4b:s2+s3], $0x80, v56, vm0, $0xb8;
	[tilespmem:$0x1C200] =	vst v63  }
0x49: {  	s13 =	simm.s32 $0x2A00  }
0x4a: {  	[tilespmem:s13], [sflag:$0x1] =	stream.indirect_vreg.gather [hbm4b:s5+s3], $0x80, v56, vm0, $0xb8;
	[tilespmem:$0x1C200] =	vst v63  }
0x4b: {  	s14 =	simm.s32 $0x3200  }
0x4c: {  	[tilespmem:s14], [sflag:$0x1] =	stream.indirect_vreg.gather [hbm4b:s2+s3], $0x80, v37, vm0, $0xb8;
	[tilespmem:$0x1C200] =	vst v63  }
0x4d: {  	s16 =	simm.s32 $0x3A00  }
0x4e: {  	[tilespmem:s16], [sflag:$0x1] =	stream.indirect_vreg.gather [hbm4b:s5+s3], $0x80, v37, vm0, $0xb8;
	[tilespmem:$0x1C200] =	vst v63  }
0x4f: {  	v37 =	vld [tilespmem:$0x10];
	_ =	sdelay $0x4  }
0x50: {  	vm1 =	veq.s32 v37, $0x1  }
0x51: {  	v37 =	vsel vm1, $0x1, v1  }
0x52: {  	v57 =	vshll.u32 v37, $0x3  }
0x53: {  	v37 =	vand.u32 $0x7, v37;
	v38 =	vand.u32 $0xFFFFFFC0, v57  }
0x54: {  	v37 =	vor.u32 v37, v38  }
0x55: {  	v38 =	vperm.xlane v37, v32;
	_ =	sdelay $0x1  }
0x56: {  	v38 =	vadd.s32 v33, v38;
	_ =	sdelay $0x1  }
0x57: {  	v58 =	vperm.xlane v37, v34;
	_ =	sdelay $0x1  }
0x58: {  	s18 =	simm.s32 $0x4200;
	v39 =	vadd.s32 v33, v58  }
0x59: {  	[tilespmem:s18], [sflag:$0x1] =	stream.indirect_vreg.gather [hbm4b:s2+s3], $0x80, v38, vm0, $0xb8;
	[tilespmem:$0x1C200] =	vst v63  }
0x5a: {  	s20 =	simm.s32 $0x4A00;
	v59 =	vperm.xlane v37, v35  }
0x5b: {  	[tilespmem:s20], [sflag:$0x1] =	stream.indirect_vreg.gather [hbm4b:s5+s3], $0x80, v38, vm0, $0xb8;
	[tilespmem:$0x1C200] =	vst v63  }
0x5c: {  	s21 =	simm.s32 $0x5200;
	v60 =	vadd.s32 v33, v59  }
0x5d: {  	[tilespmem:s21], [sflag:$0x1] =	stream.indirect_vreg.gather [hbm4b:s2+s3], $0x80, v39, vm0, $0xb8;
	[tilespmem:$0x1C200] =	vst v63  }
0x5e: {  	s22 =	simm.s32 $0x5A00;
	v37 =	vperm.xlane v37, v36  }
0x5f: {  	[tilespmem:s22], [sflag:$0x1] =	stream.indirect_vreg.gather [hbm4b:s5+s3], $0x80, v39, vm0, $0xb8;
	[tilespmem:$0x1C200] =	vst v63  }
0x60: {  	s23 =	simm.s32 $0x6200;
	v37 =	vadd.s32 v33, v37  }
0x61: {  	[tilespmem:s23], [sflag:$0x1] =	stream.indirect_vreg.gather [hbm4b:s2+s3], $0x80, v60, vm0, $0xb8;
	[tilespmem:$0x1C200] =	vst v63  }
0x62: {  	s24 =	simm.s32 $0x6A00  }
0x63: {  	[tilespmem:s24], [sflag:$0x1] =	stream.indirect_vreg.gather [hbm4b:s5+s3], $0x80, v60, vm0, $0xb8;
	[tilespmem:$0x1C200] =	vst v63  }
0x64: {  	s29 =	simm.s32 $0x7200  }
0x65: {  	[tilespmem:s29], [sflag:$0x1] =	stream.indirect_vreg.gather [hbm4b:s2+s3], $0x80, v37, vm0, $0xb8;
	[tilespmem:$0x1C200] =	vst v63  }
0x66: {  	s30 =	simm.s32 $0x7A00  }
0x67: {  	[tilespmem:s30], [sflag:$0x1] =	stream.indirect_vreg.gather [hbm4b:s5+s3], $0x80, v37, vm0, $0xb8;
	[tilespmem:$0x1C200] =	vst v63  }
0x68: {  	v37 =	vld [tilespmem:$0x20];
	_ =	sdelay $0x4  }
0x69: {  	vm1 =	veq.s32 v37, $0x1  }
0x6a: {  	v37 =	vsel vm1, $0x1, v2  }
0x6b: {  	v61 =	vshll.u32 v37, $0x3  }
0x6c: {  	v37 =	vand.u32 $0x7, v37;
	v38 =	vand.u32 $0xFFFFFFC0, v61  }
0x6d: {  	v37 =	vor.u32 v37, v38  }
0x6e: {  	v38 =	vperm.xlane v37, v32;
	_ =	sdelay $0x1  }
0x6f: {  	v38 =	vadd.s32 v33, v38;
	_ =	sdelay $0x1  }
0x70: {  	v62 =	vperm.xlane v37, v34;
	_ =	sdelay $0x1  }
0x71: {  	s7 =	simm.s32 $0x8200;
	v39 =	vadd.s32 v33, v62  }
0x72: {  	[tilespmem:s7], [sflag:$0x1] =	stream.indirect_vreg.gather [hbm4b:s2+s3], $0x80, v38, vm0, $0xb8;
	[tilespmem:$0x1C200] =	vst v63  }
0x73: {  	s8 =	simm.s32 $0x8A00;
	v63 =	vperm.xlane v37, v35  }
0x74: {  	[tilespmem:s8], [sflag:$0x1] =	stream.indirect_vreg.gather [hbm4b:s5+s3], $0x80, v38, vm0, $0xb8;
	[tilespmem:$0x1C200] =	vst v63  }
0x75: {  	s9 =	simm.s32 $0x9200;
	v42 =	vadd.s32 v33, v63  }
0x76: {  	[tilespmem:s9], [sflag:$0x1] =	stream.indirect_vreg.gather [hbm4b:s2+s3], $0x80, v39, vm0, $0xb8;
	[tilespmem:$0x1C200] =	vst v63  }
0x77: {  	s10 =	simm.s32 $0x9A00;
	v37 =	vperm.xlane v37, v36  }
0x78: {  	[tilespmem:s10], [sflag:$0x1] =	stream.indirect_vreg.gather [hbm4b:s5+s3], $0x80, v39, vm0, $0xb8;
	[tilespmem:$0x1C200] =	vst v63  }
0x79: {  	s11 =	simm.s32 $0xA200;
	v37 =	vadd.s32 v33, v37  }
0x7a: {  	[tilespmem:s11], [sflag:$0x1] =	stream.indirect_vreg.gather [hbm4b:s2+s3], $0x80, v42, vm0, $0xb8;
	[tilespmem:$0x1C200] =	vst v63  }
0x7b: {  	s14 =	simm.s32 $0xAA00  }
0x7c: {  	[tilespmem:s14], [sflag:$0x1] =	stream.indirect_vreg.gather [hbm4b:s5+s3], $0x80, v42, vm0, $0xb8;
	[tilespmem:$0x1C200] =	vst v63  }
0x7d: {  	s16 =	simm.s32 $0xB200  }
0x7e: {  	[tilespmem:s16], [sflag:$0x1] =	stream.indirect_vreg.gather [hbm4b:s2+s3], $0x80, v37, vm0, $0xb8;
	[tilespmem:$0x1C200] =	vst v63  }
0x7f: {  	s18 =	simm.s32 $0xBA00  }
0x80: {  	[tilespmem:s18], [sflag:$0x1] =	stream.indirect_vreg.gather [hbm4b:s5+s3], $0x80, v37, vm0, $0xb8;
	[tilespmem:$0x1C200] =	vst v63  }
0x81: {  	v37 =	vld [tilespmem:$0x30];
	_ =	sdelay $0x4  }
0x82: {  	vm1 =	veq.s32 v37, $0x1  }
0x83: {  	v37 =	vsel vm1, $0x1, v3  }
0x84: {  	v43 =	vshll.u32 v37, $0x3  }
0x85: {  	v37 =	vand.u32 $0x7, v37;
	v38 =	vand.u32 $0xFFFFFFC0, v43  }
0x86: {  	v37 =	vor.u32 v37, v38  }
0x87: {  	v38 =	vperm.xlane v37, v32;
	_ =	sdelay $0x1  }
0x88: {  	v38 =	vadd.s32 v33, v38;
	_ =	sdelay $0x1  }
0x89: {  	v44 =	vperm.xlane v37, v34;
	_ =	sdelay $0x1  }
0x8a: {  	s20 =	simm.s32 $0xC200;
	v39 =	vadd.s32 v33, v44  }
0x8b: {  	[tilespmem:s20], [sflag:$0x1] =	stream.indirect_vreg.gather [hbm4b:s2+s3], $0x80, v38, vm0, $0xb8;
	[tilespmem:$0x1C200] =	vst v63  }
0x8c: {  	s24 =	simm.s32 $0xCA00;
	v45 =	vperm.xlane v37, v35  }
0x8d: {  	[tilespmem:s24], [sflag:$0x1] =	stream.indirect_vreg.gather [hbm4b:s5+s3], $0x80, v38, vm0, $0xb8;
	[tilespmem:$0x1C200] =	vst v63  }
0x8e: {  	s29 =	simm.s32 $0xD200;
	v46 =	vadd.s32 v33, v45  }
0x8f: {  	[tilespmem:s29], [sflag:$0x1] =	stream.indirect_vreg.gather [hbm4b:s2+s3], $0x80, v39, vm0, $0xb8;
	[tilespmem:$0x1C200] =	vst v63  }
0x90: {  	s30 =	simm.s32 $0xDA00;
	v37 =	vperm.xlane v37, v36  }
0x91: {  	[tilespmem:s30], [sflag:$0x1] =	stream.indirect_vreg.gather [hbm4b:s5+s3], $0x80, v39, vm0, $0xb8;
	[tilespmem:$0x1C200] =	vst v63  }
0x92: {  	s7 =	simm.s32 $0xE200;
	v37 =	vadd.s32 v33, v37  }
0x93: {  	[tilespmem:s7], [sflag:$0x1] =	stream.indirect_vreg.gather [hbm4b:s2+s3], $0x80, v46, vm0, $0xb8;
	[tilespmem:$0x1C200] =	vst v63  }
0x94: {  	s8 =	simm.s32 $0xEA00  }
0x95: {  	[tilespmem:s8], [sflag:$0x1] =	stream.indirect_vreg.gather [hbm4b:s5+s3], $0x80, v46, vm0, $0xb8;
	[tilespmem:$0x1C200] =	vst v63  }
0x96: {  	s9 =	simm.s32 $0xF200  }
0x97: {  	[tilespmem:s9], [sflag:$0x1] =	stream.indirect_vreg.gather [hbm4b:s2+s3], $0x80, v37, vm0, $0xb8;
	[tilespmem:$0x1C200] =	vst v63  }
0x98: {  	s10 =	simm.s32 $0xFA00  }
0x99: {  	[tilespmem:s10], [sflag:$0x1] =	stream.indirect_vreg.gather [hbm4b:s5+s3], $0x80, v37, vm0, $0xb8;
	[tilespmem:$0x1C200] =	vst v63  }
0x9a: {  	v37 =	vld [tilespmem:$0x40];
	_ =	sdelay $0x4  }
0x9b: {  	vm1 =	veq.s32 v37, $0x1  }
0x9c: {  	v37 =	vsel vm1, $0x1, v4  }
0x9d: {  	v47 =	vshll.u32 v37, $0x3  }
0x9e: {  	v37 =	vand.u32 $0x7, v37;
	v38 =	vand.u32 $0xFFFFFFC0, v47  }
0x9f: {  	v37 =	vor.u32 v37, v38  }
0xa0: {  	v38 =	vperm.xlane v37, v32;
	_ =	sdelay $0x1  }
0xa1: {  	v38 =	vadd.s32 v33, v38;
	_ =	sdelay $0x1  }
0xa2: {  	v48 =	vperm.xlane v37, v34;
	_ =	sdelay $0x1  }
0xa3: {  	s7 =	simm.s32 $0x10200;
	v39 =	vadd.s32 v33, v48  }
0xa4: {  	[tilespmem:s7], [sflag:$0x1] =	stream.indirect_vreg.gather [hbm4b:s2+s3], $0x80, v38, vm0, $0xb8;
	[tilespmem:$0x1C200] =	vst v63  }
0xa5: {  	s8 =	simm.s32 $0x10A00;
	v49 =	vperm.xlane v37, v35  }
0xa6: {  	[tilespmem:s8], [sflag:$0x1] =	stream.indirect_vreg.gather [hbm4b:s5+s3], $0x80, v38, vm0, $0xb8;
	[tilespmem:$0x1C200] =	vst v63  }
0xa7: {  	s11 =	simm.s32 $0x11200;
	v50 =	vadd.s32 v33, v49  }
0xa8: {  	[tilespmem:s11], [sflag:$0x1] =	stream.indirect_vreg.gather [hbm4b:s2+s3], $0x80, v39, vm0, $0xb8;
	[tilespmem:$0x1C200] =	vst v63  }
0xa9: {  	s16 =	simm.s32 $0x11A00;
	v37 =	vperm.xlane v37, v36  }
0xaa: {  	[tilespmem:s16], [sflag:$0x1] =	stream.indirect_vreg.gather [hbm4b:s5+s3], $0x80, v39, vm0, $0xb8;
	[tilespmem:$0x1C200] =	vst v63  }
0xab: {  	s18 =	simm.s32 $0x12200;
	v37 =	vadd.s32 v33, v37  }
0xac: {  	[tilespmem:s18], [sflag:$0x1] =	stream.indirect_vreg.gather [hbm4b:s2+s3], $0x80, v50, vm0, $0xb8;
	[tilespmem:$0x1C200] =	vst v63  }
0xad: {  	s20 =	simm.s32 $0x12A00  }
0xae: {  	[tilespmem:s20], [sflag:$0x1] =	stream.indirect_vreg.gather [hbm4b:s5+s3], $0x80, v50, vm0, $0xb8;
	[tilespmem:$0x1C200] =	vst v63  }
0xaf: {  	s24 =	simm.s32 $0x13200  }
0xb0: {  	[tilespmem:s24], [sflag:$0x1] =	stream.indirect_vreg.gather [hbm4b:s2+s3], $0x80, v37, vm0, $0xb8;
	[tilespmem:$0x1C200] =	vst v63  }
0xb1: {  	s7 =	simm.s32 $0x13A00  }
0xb2: {  	[tilespmem:s7], [sflag:$0x1] =	stream.indirect_vreg.gather [hbm4b:s5+s3], $0x80, v37, vm0, $0xb8;
	[tilespmem:$0x1C200] =	vst v63  }
0xb3: {  	v37 =	vld [tilespmem:$0x50];
	_ =	sdelay $0x4  }
0xb4: {  	vm1 =	veq.s32 v37, $0x1  }
0xb5: {  	v37 =	vsel vm1, $0x1, v5  }
0xb6: {  	v51 =	vshll.u32 v37, $0x3  }
0xb7: {  	v37 =	vand.u32 $0x7, v37;
	v38 =	vand.u32 $0xFFFFFFC0, v51  }
0xb8: {  	v37 =	vor.u32 v37, v38  }
0xb9: {  	v38 =	vperm.xlane v37, v32;
	_ =	sdelay $0x1  }
0xba: {  	v38 =	vadd.s32 v33, v38;
	_ =	sdelay $0x1  }
0xbb: {  	v52 =	vperm.xlane v37, v34;
	_ =	sdelay $0x1  }
0xbc: {  	s10 =	simm.s32 $0x14200;
	v39 =	vadd.s32 v33, v52  }
0xbd: {  	[tilespmem:s10], [sflag:$0x1] =	stream.indirect_vreg.gather [hbm4b:s2+s3], $0x80, v38, vm0, $0xb8;
	[tilespmem:$0x1C200] =	vst v63  }
0xbe: {  	s20 =	simm.s32 $0x14A00;
	v53 =	vperm.xlane v37, v35  }
0xbf: {  	[tilespmem:s20], [sflag:$0x1] =	stream.indirect_vreg.gather [hbm4b:s5+s3], $0x80, v38, vm0, $0xb8;
	[tilespmem:$0x1C200] =	vst v63  }
0xc0: {  	s24 =	simm.s32 $0x15200;
	v54 =	vadd.s32 v33, v53  }
0xc1: {  	[tilespmem:s24], [sflag:$0x1] =	stream.indirect_vreg.gather [hbm4b:s2+s3], $0x80, v39, vm0, $0xb8;
	[tilespmem:$0x1C200] =	vst v63  }
0xc2: {  	s7 =	simm.s32 $0x15A00;
	v37 =	vperm.xlane v37, v36  }
0xc3: {  	[tilespmem:s7], [sflag:$0x1] =	stream.indirect_vreg.gather [hbm4b:s5+s3], $0x80, v39, vm0, $0xb8;
	[tilespmem:$0x1C200] =	vst v63  }
0xc4: {  	v37 =	vadd.s32 v33, v37;
	s10 =	simm.s32 $0x16200  }
0xc5: {  	[tilespmem:s10], [sflag:$0x1] =	stream.indirect_vreg.gather [hbm4b:s2+s3], $0x80, v54, vm0, $0xb8;
	[tilespmem:$0x1C200] =	vst v63  }
0xc6: {  	s20 =	simm.s32 $0x16A00  }
0xc7: {  	[tilespmem:s20], [sflag:$0x1] =	stream.indirect_vreg.gather [hbm4b:s5+s3], $0x80, v54, vm0, $0xb8;
	[tilespmem:$0x1C200] =	vst v63  }
0xc8: {  	s24 =	simm.s32 $0x17200  }
0xc9: {  	[tilespmem:s24], [sflag:$0x1] =	stream.indirect_vreg.gather [hbm4b:s2+s3], $0x80, v37, vm0, $0xb8;
	[tilespmem:$0x1C200] =	vst v63  }
0xca: {  	s7 =	simm.s32 $0x17A00  }
0xcb: {  	[tilespmem:s7], [sflag:$0x1] =	stream.indirect_vreg.gather [hbm4b:s5+s3], $0x80, v37, vm0, $0xb8;
	[tilespmem:$0x1C200] =	vst v63  }
0xcc: {  	_ =	swait.ge [sflag:s17], $0x4000  }
0xcd: {  	s10 =	sld [smem:$0x7FC]  }
0xce: {  	[sflag:s17] =	ssyncset.done $0x0  }
0xcf: {  	s8 =	simm.s32 $0x200;
	[sflag:s17] =	ssyncadd.s32 $0xFFFFC000  }
0xd0: {  	[hbm4b:s10+s3] =	stream.linear.scatter [tilespmem:s8], [sflag:$0x2], $0x4000, $0x38;
	[tilespmem:$0x1C200] =	vst v63  }
0xd1: {  	v55 =	vld [tilespmem:$0x60];
	_ =	sdelay $0x4  }
0xd2: {  	vm1 =	veq.s32 v55, $0x1  }
0xd3: {  	v37 =	vsel vm1, $0x1, v6  }
0xd4: {  	v56 =	vshll.u32 v37, $0x3  }
0xd5: {  	v37 =	vand.u32 $0x7, v37;
	v38 =	vand.u32 $0xFFFFFFC0, v56  }
0xd6: {  	v37 =	vor.u32 v37, v38  }
0xd7: {  	v38 =	vperm.xlane v37, v32;
	_ =	sdelay $0x1  }
0xd8: {  	v38 =	vadd.s32 v33, v38;
	_ =	sdelay $0x1  }
0xd9: {  	v57 =	vperm.xlane v37, v34;
	_ =	sdelay $0x1  }
0xda: {  	s24 =	simm.s32 $0x18200;
	v39 =	vadd.s32 v33, v57  }
0xdb: {  	[tilespmem:s24], [sflag:$0x1] =	stream.indirect_vreg.gather [hbm4b:s2+s3], $0x80, v38, vm0, $0xb8;
	[tilespmem:$0x1C200] =	vst v63  }
0xdc: {  	s7 =	simm.s32 $0x18A00;
	v58 =	vperm.xlane v37, v35  }
0xdd: {  	[tilespmem:s7], [sflag:$0x1] =	stream.indirect_vreg.gather [hbm4b:s5+s3], $0x80, v38, vm0, $0xb8;
	[tilespmem:$0x1C200] =	vst v63  }
0xde: {  	s10 =	simm.s32 $0x19200;
	v59 =	vadd.s32 v33, v58  }
0xdf: {  	[tilespmem:s10], [sflag:$0x1] =	stream.indirect_vreg.gather [hbm4b:s2+s3], $0x80, v39, vm0, $0xb8;
	[tilespmem:$0x1C200] =	vst v63  }
0xe0: {  	v37 =	vperm.xlane v37, v36;
	s24 =	simm.s32 $0x19A00  }
0xe1: {  	[tilespmem:s24], [sflag:$0x1] =	stream.indirect_vreg.gather [hbm4b:s5+s3], $0x80, v39, vm0, $0xb8;
	[tilespmem:$0x1C200] =	vst v63  }
0xe2: {  	v37 =	vadd.s32 v33, v37;
	s7 =	simm.s32 $0x1A200  }
0xe3: {  	[tilespmem:s7], [sflag:$0x1] =	stream.indirect_vreg.gather [hbm4b:s2+s3], $0x80, v59, vm0, $0xb8;
	[tilespmem:$0x1C200] =	vst v63  }
0xe4: {  	s10 =	simm.s32 $0x1AA00  }
0xe5: {  	[tilespmem:s10], [sflag:$0x1] =	stream.indirect_vreg.gather [hbm4b:s5+s3], $0x80, v59, vm0, $0xb8;
	[tilespmem:$0x1C200] =	vst v63  }
0xe6: {  	s7 =	simm.s32 $0x1B200  }
0xe7: {  	[tilespmem:s7], [sflag:$0x1] =	stream.indirect_vreg.gather [hbm4b:s2+s3], $0x80, v37, vm0, $0xb8;
	[tilespmem:$0x1C200] =	vst v63  }
0xe8: {  	s10 =	simm.s32 $0x1BA00  }
0xe9: {  	[tilespmem:s10], [sflag:$0x1] =	stream.indirect_vreg.gather [hbm4b:s5+s3], $0x80, v37, vm0, $0xb8;
	[tilespmem:$0x1C200] =	vst v63  }
0xea: {  	_ =	swait.ge [sflag:s17], $0x4000  }
0xeb: {  	[sflag:s17] =	ssyncset.done $0x0  }
0xec: {  	s10 =	simm.s32 $0x4200;
	s7 =	rddreg [dreg:$0x5];
	[sflag:s17] =	ssyncadd.s32 $0xFFFFC000  }
0xed: {  	[hbm4b:s7+s3] =	stream.linear.scatter [tilespmem:s10], [sflag:$0x2], $0x4000, $0x38;
	[tilespmem:$0x1C200] =	vst v63  }
0xee: {  	_ =	swait.ge [sflag:s19], $0x4000  }
0xef: {  	[sflag:s19] =	ssyncset.done $0x0  }
0xf0: {  	[sflag:s19] =	ssyncadd.s32 $0xFFFFC000  }
0xf1: {  	v60 =	vld [tilespmem:$0x70];
	_ =	sdelay $0x4  }
0xf2: {  	vm1 =	veq.s32 v60, $0x1  }
0xf3: {  	v37 =	vsel vm1, $0x1, v7  }
0xf4: {  	v61 =	vshll.u32 v37, $0x3  }
0xf5: {  	v37 =	vand.u32 $0x7, v37;
	v38 =	vand.u32 $0xFFFFFFC0, v61  }
0xf6: {  	v37 =	vor.u32 v37, v38  }
0xf7: {  	v38 =	vperm.xlane v37, v32;
	_ =	sdelay $0x1  }
0xf8: {  	v38 =	vadd.s32 v33, v38;
	_ =	sdelay $0x1  }
0xf9: {  	v62 =	vperm.xlane v37, v34;
	_ =	sdelay $0x1  }
0xfa: {  	v39 =	vadd.s32 v33, v62  }
0xfb: {  	[tilespmem:s8], [sflag:$0x1] =	stream.indirect_vreg.gather [hbm4b:s2+s3], $0x80, v38, vm0, $0xb8;
	[tilespmem:$0x1C200] =	vst v63  }
0xfc: {  	s12 =	simm.s32 $0xA00;
	v63 =	vperm.xlane v37, v35  }
0xfd: {  	[tilespmem:s12], [sflag:$0x1] =	stream.indirect_vreg.gather [hbm4b:s5+s3], $0x80, v38, vm0, $0xb8;
	[tilespmem:$0x1C200] =	vst v63  }
0xfe: {  	s1 =	simm.s32 $0x1200;
	v44 =	vadd.s32 v33, v63  }
0xff: {  	[tilespmem:s1], [sflag:$0x1] =	stream.indirect_vreg.gather [hbm4b:s2+s3], $0x80, v39, vm0, $0xb8;
	[tilespmem:$0x1C200] =	vst v63  }
0x100: {  	s4 =	simm.s32 $0x1A00;
	v37 =	vperm.xlane v37, v36  }
0x101: {  	[tilespmem:s4], [sflag:$0x1] =	stream.indirect_vreg.gather [hbm4b:s5+s3], $0x80, v39, vm0, $0xb8;
	[tilespmem:$0x1C200] =	vst v63  }
0x102: {  	s15 =	simm.s32 $0x2200;
	v37 =	vadd.s32 v33, v37  }
0x103: {  	[tilespmem:s15], [sflag:$0x1] =	stream.indirect_vreg.gather [hbm4b:s2+s3], $0x80, v44, vm0, $0xb8;
	[tilespmem:$0x1C200] =	vst v63  }
0x104: {  	s28 =	simm.s32 $0x2A00  }
0x105: {  	[tilespmem:s28], [sflag:$0x1] =	stream.indirect_vreg.gather [hbm4b:s5+s3], $0x80, v44, vm0, $0xb8;
	[tilespmem:$0x1C200] =	vst v63  }
0x106: {  	s31 =	simm.s32 $0x3200  }
0x107: {  	[tilespmem:s31], [sflag:$0x1] =	stream.indirect_vreg.gather [hbm4b:s2+s3], $0x80, v37, vm0, $0xb8;
	[tilespmem:$0x1C200] =	vst v63  }
0x108: {  	s6 =	simm.s32 $0x3A00  }
0x109: {  	[tilespmem:s6], [sflag:$0x1] =	stream.indirect_vreg.gather [hbm4b:s5+s3], $0x80, v37, vm0, $0xb8;
	[tilespmem:$0x1C200] =	vst v63  }
0x10a: {  	_ =	swait.ge [sflag:s17], $0x4000  }
0x10b: {  	[sflag:s17] =	ssyncset.done $0x0  }
0x10c: {  	s6 =	simm.s32 $0x8200;
	s4 =	rddreg [dreg:$0x6];
	[sflag:s17] =	ssyncadd.s32 $0xFFFFC000  }
0x10d: {  	[hbm4b:s4+s3] =	stream.linear.scatter [tilespmem:s6], [sflag:$0x2], $0x4000, $0x38;
	[tilespmem:$0x1C200] =	vst v63  }
0x10e: {  	_ =	swait.ge [sflag:s19], $0x4000  }
0x10f: {  	[sflag:s19] =	ssyncset.done $0x0  }
0x110: {  	[sflag:s19] =	ssyncadd.s32 $0xFFFFC000  }
0x111: {  	v45 =	vld [tilespmem:$0x80];
	_ =	sdelay $0x4  }
0x112: {  	vm1 =	veq.s32 v45, $0x1  }
0x113: {  	v37 =	vsel vm1, $0x1, v8  }
0x114: {  	v46 =	vshll.u32 v37, $0x3  }
0x115: {  	v37 =	vand.u32 $0x7, v37;
	v38 =	vand.u32 $0xFFFFFFC0, v46  }
0x116: {  	v37 =	vor.u32 v37, v38  }
0x117: {  	v38 =	vperm.xlane v37, v32;
	_ =	sdelay $0x1  }
0x118: {  	v38 =	vadd.s32 v33, v38;
	_ =	sdelay $0x1  }
0x119: {  	v47 =	vperm.xlane v37, v34;
	_ =	sdelay $0x1  }
0x11a: {  	v39 =	vadd.s32 v33, v47  }
0x11b: {  	[tilespmem:s10], [sflag:$0x1] =	stream.indirect_vreg.gather [hbm4b:s2+s3], $0x80, v38, vm0, $0xb8;
	[tilespmem:$0x1C200] =	vst v63  }
0x11c: {  	s25 =	simm.s32 $0x4A00;
	v48 =	vperm.xlane v37, v35  }
0x11d: {  	[tilespmem:s25], [sflag:$0x1] =	stream.indirect_vreg.gather [hbm4b:s5+s3], $0x80, v38, vm0, $0xb8;
	[tilespmem:$0x1C200] =	vst v63  }
0x11e: {  	s26 =	simm.s32 $0x5200;
	v49 =	vadd.s32 v33, v48  }
0x11f: {  	[tilespmem:s26], [sflag:$0x1] =	stream.indirect_vreg.gather [hbm4b:s2+s3], $0x80, v39, vm0, $0xb8;
	[tilespmem:$0x1C200] =	vst v63  }
0x120: {  	s28 =	simm.s32 $0x5A00;
	v37 =	vperm.xlane v37, v36  }
0x121: {  	[tilespmem:s28], [sflag:$0x1] =	stream.indirect_vreg.gather [hbm4b:s5+s3], $0x80, v39, vm0, $0xb8;
	[tilespmem:$0x1C200] =	vst v63  }
0x122: {  	s23 =	simm.s32 $0x6200;
	v37 =	vadd.s32 v33, v37  }
0x123: {  	[tilespmem:s23], [sflag:$0x1] =	stream.indirect_vreg.gather [hbm4b:s2+s3], $0x80, v49, vm0, $0xb8;
	[tilespmem:$0x1C200] =	vst v63  }
0x124: {  	s25 =	simm.s32 $0x6A00  }
0x125: {  	[tilespmem:s25], [sflag:$0x1] =	stream.indirect_vreg.gather [hbm4b:s5+s3], $0x80, v49, vm0, $0xb8;
	[tilespmem:$0x1C200] =	vst v63  }
0x126: {  	s26 =	simm.s32 $0x7200  }
0x127: {  	[tilespmem:s26], [sflag:$0x1] =	stream.indirect_vreg.gather [hbm4b:s2+s3], $0x80, v37, vm0, $0xb8;
	[tilespmem:$0x1C200] =	vst v63  }
0x128: {  	s15 =	simm.s32 $0x7A00  }
0x129: {  	[tilespmem:s15], [sflag:$0x1] =	stream.indirect_vreg.gather [hbm4b:s5+s3], $0x80, v37, vm0, $0xb8;
	[tilespmem:$0x1C200] =	vst v63  }
0x12a: {  	_ =	swait.ge [sflag:s17], $0x4000  }
0x12b: {  	[sflag:s17] =	ssyncset.done $0x0  }
0x12c: {  	s10 =	simm.s32 $0xC200;
	s8 =	rddreg [dreg:$0x7];
	[sflag:s17] =	ssyncadd.s32 $0xFFFFC000  }
0x12d: {  	[hbm4b:s8+s3] =	stream.linear.scatter [tilespmem:s10], [sflag:$0x2], $0x4000, $0x38;
	[tilespmem:$0x1C200] =	vst v63  }
0x12e: {  	_ =	swait.ge [sflag:s19], $0x4000  }
0x12f: {  	[sflag:s19] =	ssyncset.done $0x0  }
0x130: {  	[sflag:s19] =	ssyncadd.s32 $0xFFFFC000  }
0x131: {  	v50 =	vld [tilespmem:$0x90];
	_ =	sdelay $0x4  }
0x132: {  	vm1 =	veq.s32 v50, $0x1  }
0x133: {  	v37 =	vsel vm1, $0x1, v9  }
0x134: {  	v51 =	vshll.u32 v37, $0x3  }
0x135: {  	v37 =	vand.u32 $0x7, v37;
	v38 =	vand.u32 $0xFFFFFFC0, v51  }
0x136: {  	v37 =	vor.u32 v37, v38  }
0x137: {  	v38 =	vperm.xlane v37, v32;
	_ =	sdelay $0x1  }
0x138: {  	v38 =	vadd.s32 v33, v38;
	_ =	sdelay $0x1  }
0x139: {  	v52 =	vperm.xlane v37, v34;
	_ =	sdelay $0x1  }
0x13a: {  	v39 =	vadd.s32 v33, v52  }
0x13b: {  	[tilespmem:s6], [sflag:$0x1] =	stream.indirect_vreg.gather [hbm4b:s2+s3], $0x80, v38, vm0, $0xb8;
	[tilespmem:$0x1C200] =	vst v63  }
0x13c: {  	s13 =	simm.s32 $0x8A00;
	v53 =	vperm.xlane v37, v35  }
0x13d: {  	[tilespmem:s13], [sflag:$0x1] =	stream.indirect_vreg.gather [hbm4b:s5+s3], $0x80, v38, vm0, $0xb8;
	[tilespmem:$0x1C200] =	vst v63  }
0x13e: {  	s21 =	simm.s32 $0x9200;
	v54 =	vadd.s32 v33, v53  }
0x13f: {  	[tilespmem:s21], [sflag:$0x1] =	stream.indirect_vreg.gather [hbm4b:s2+s3], $0x80, v39, vm0, $0xb8;
	[tilespmem:$0x1C200] =	vst v63  }
0x140: {  	s22 =	simm.s32 $0x9A00;
	v37 =	vperm.xlane v37, v36  }
0x141: {  	[tilespmem:s22], [sflag:$0x1] =	stream.indirect_vreg.gather [hbm4b:s5+s3], $0x80, v39, vm0, $0xb8;
	[tilespmem:$0x1C200] =	vst v63  }
0x142: {  	v37 =	vadd.s32 v33, v37;
	s13 =	simm.s32 $0xA200  }
0x143: {  	[tilespmem:s13], [sflag:$0x1] =	stream.indirect_vreg.gather [hbm4b:s2+s3], $0x80, v54, vm0, $0xb8;
	[tilespmem:$0x1C200] =	vst v63  }
0x144: {  	s21 =	simm.s32 $0xAA00  }
0x145: {  	[tilespmem:s21], [sflag:$0x1] =	stream.indirect_vreg.gather [hbm4b:s5+s3], $0x80, v54, vm0, $0xb8;
	[tilespmem:$0x1C200] =	vst v63  }
0x146: {  	s22 =	simm.s32 $0xB200  }
0x147: {  	[tilespmem:s22], [sflag:$0x1] =	stream.indirect_vreg.gather [hbm4b:s2+s3], $0x80, v37, vm0, $0xb8;
	[tilespmem:$0x1C200] =	vst v63  }
0x148: {  	s23 =	simm.s32 $0xBA00  }
0x149: {  	[tilespmem:s23], [sflag:$0x1] =	stream.indirect_vreg.gather [hbm4b:s5+s3], $0x80, v37, vm0, $0xb8;
	[tilespmem:$0x1C200] =	vst v63  }
0x14a: {  	_ =	swait.ge [sflag:s17], $0x4000  }
0x14b: {  	[sflag:s17] =	ssyncset.done $0x0  }
0x14c: {  	s31 =	simm.s32 $0x10200;
	s12 =	rddreg [dreg:$0x8];
	[sflag:s17] =	ssyncadd.s32 $0xFFFFC000  }
0x14d: {  	[hbm4b:s12+s3] =	stream.linear.scatter [tilespmem:s31], [sflag:$0x2], $0x4000, $0x38;
	[tilespmem:$0x1C200] =	vst v63  }
0x14e: {  	_ =	swait.ge [sflag:s19], $0x4000  }
0x14f: {  	[sflag:s19] =	ssyncset.done $0x0  }
0x150: {  	[sflag:s19] =	ssyncadd.s32 $0xFFFFC000  }
0x151: {  	v55 =	vld [tilespmem:$0xA0];
	_ =	sdelay $0x4  }
0x152: {  	vm1 =	veq.s32 v55, $0x1  }
0x153: {  	v37 =	vsel vm1, $0x1, v10  }
0x154: {  	v56 =	vshll.u32 v37, $0x3  }
0x155: {  	v37 =	vand.u32 $0x7, v37;
	v38 =	vand.u32 $0xFFFFFFC0, v56  }
0x156: {  	v37 =	vor.u32 v37, v38  }
0x157: {  	v38 =	vperm.xlane v37, v32;
	_ =	sdelay $0x1  }
0x158: {  	v38 =	vadd.s32 v33, v38;
	_ =	sdelay $0x1  }
0x159: {  	v57 =	vperm.xlane v37, v34;
	_ =	sdelay $0x1  }
0x15a: {  	v39 =	vadd.s32 v33, v57  }
0x15b: {  	[tilespmem:s10], [sflag:$0x1] =	stream.indirect_vreg.gather [hbm4b:s2+s3], $0x80, v38, vm0, $0xb8;
	[tilespmem:$0x1C200] =	vst v63  }
0x15c: {  	s14 =	simm.s32 $0xCA00;
	v58 =	vperm.xlane v37, v35  }
0x15d: {  	[tilespmem:s14], [sflag:$0x1] =	stream.indirect_vreg.gather [hbm4b:s5+s3], $0x80, v38, vm0, $0xb8;
	[tilespmem:$0x1C200] =	vst v63  }
0x15e: {  	s29 =	simm.s32 $0xD200;
	v59 =	vadd.s32 v33, v58  }
0x15f: {  	[tilespmem:s29], [sflag:$0x1] =	stream.indirect_vreg.gather [hbm4b:s2+s3], $0x80, v39, vm0, $0xb8;
	[tilespmem:$0x1C200] =	vst v63  }
0x160: {  	s30 =	simm.s32 $0xDA00;
	v37 =	vperm.xlane v37, v36  }
0x161: {  	[tilespmem:s30], [sflag:$0x1] =	stream.indirect_vreg.gather [hbm4b:s5+s3], $0x80, v39, vm0, $0xb8;
	[tilespmem:$0x1C200] =	vst v63  }
0x162: {  	v37 =	vadd.s32 v33, v37;
	s14 =	simm.s32 $0xE200  }
0x163: {  	[tilespmem:s14], [sflag:$0x1] =	stream.indirect_vreg.gather [hbm4b:s2+s3], $0x80, v59, vm0, $0xb8;
	[tilespmem:$0x1C200] =	vst v63  }
0x164: {  	s29 =	simm.s32 $0xEA00  }
0x165: {  	[tilespmem:s29], [sflag:$0x1] =	stream.indirect_vreg.gather [hbm4b:s5+s3], $0x80, v59, vm0, $0xb8;
	[tilespmem:$0x1C200] =	vst v63  }
0x166: {  	s30 =	simm.s32 $0xF200  }
0x167: {  	[tilespmem:s30], [sflag:$0x1] =	stream.indirect_vreg.gather [hbm4b:s2+s3], $0x80, v37, vm0, $0xb8;
	[tilespmem:$0x1C200] =	vst v63  }
0x168: {  	s0 =	simm.s32 $0xFA00  }
0x169: {  	[tilespmem:s0], [sflag:$0x1] =	stream.indirect_vreg.gather [hbm4b:s5+s3], $0x80, v37, vm0, $0xb8;
	[tilespmem:$0x1C200] =	vst v63  }
0x16a: {  	_ =	swait.ge [sflag:s17], $0x4000  }
0x16b: {  	[sflag:s17] =	ssyncset.done $0x0  }
0x16c: {  	s6 =	simm.s32 $0x14200;
	s4 =	rddreg [dreg:$0x9];
	[sflag:s17] =	ssyncadd.s32 $0xFFFFC000  }
0x16d: {  	[hbm4b:s4+s3] =	stream.linear.scatter [tilespmem:s6], [sflag:$0x2], $0x4000, $0x38;
	[tilespmem:$0x1C200] =	vst v63  }
0x16e: {  	_ =	swait.ge [sflag:s19], $0x4000  }
0x16f: {  	[sflag:s19] =	ssyncset.done $0x0  }
0x170: {  	[sflag:s19] =	ssyncadd.s32 $0xFFFFC000  }
0x171: {  	v60 =	vld [tilespmem:$0xB0];
	_ =	sdelay $0x4  }
0x172: {  	vm1 =	veq.s32 v60, $0x1  }
0x173: {  	v37 =	vsel vm1, $0x1, v11  }
0x174: {  	v61 =	vshll.u32 v37, $0x3  }
0x175: {  	v37 =	vand.u32 $0x7, v37;
	v38 =	vand.u32 $0xFFFFFFC0, v61  }
0x176: {  	v37 =	vor.u32 v37, v38  }
0x177: {  	v38 =	vperm.xlane v37, v32;
	_ =	sdelay $0x1  }
0x178: {  	v38 =	vadd.s32 v33, v38;
	_ =	sdelay $0x1  }
0x179: {  	v62 =	vperm.xlane v37, v34;
	_ =	sdelay $0x1  }
0x17a: {  	v39 =	vadd.s32 v33, v62  }
0x17b: {  	[tilespmem:s31], [sflag:$0x1] =	stream.indirect_vreg.gather [hbm4b:s2+s3], $0x80, v38, vm0, $0xb8;
	[tilespmem:$0x1C200] =	vst v63  }
0x17c: {  	s9 =	simm.s32 $0x10A00;
	v63 =	vperm.xlane v37, v35  }
0x17d: {  	[tilespmem:s9], [sflag:$0x1] =	stream.indirect_vreg.gather [hbm4b:s5+s3], $0x80, v38, vm0, $0xb8;
	[tilespmem:$0x1C200] =	vst v63  }
0x17e: {  	s11 =	simm.s32 $0x11200;
	v44 =	vadd.s32 v33, v63  }
0x17f: {  	[tilespmem:s11], [sflag:$0x1] =	stream.indirect_vreg.gather [hbm4b:s2+s3], $0x80, v39, vm0, $0xb8;
	[tilespmem:$0x1C200] =	vst v63  }
0x180: {  	s16 =	simm.s32 $0x11A00;
	v37 =	vperm.xlane v37, v36  }
0x181: {  	[tilespmem:s16], [sflag:$0x1] =	stream.indirect_vreg.gather [hbm4b:s5+s3], $0x80, v39, vm0, $0xb8;
	[tilespmem:$0x1C200] =	vst v63  }
0x182: {  	s7 =	simm.s32 $0x12200;
	v37 =	vadd.s32 v33, v37  }
0x183: {  	[tilespmem:s7], [sflag:$0x1] =	stream.indirect_vreg.gather [hbm4b:s2+s3], $0x80, v44, vm0, $0xb8;
	[tilespmem:$0x1C200] =	vst v63  }
0x184: {  	s8 =	simm.s32 $0x12A00  }
0x185: {  	[tilespmem:s8], [sflag:$0x1] =	stream.indirect_vreg.gather [hbm4b:s5+s3], $0x80, v44, vm0, $0xb8;
	[tilespmem:$0x1C200] =	vst v63  }
0x186: {  	s9 =	simm.s32 $0x13200  }
0x187: {  	[tilespmem:s9], [sflag:$0x1] =	stream.indirect_vreg.gather [hbm4b:s2+s3], $0x80, v37, vm0, $0xb8;
	[tilespmem:$0x1C200] =	vst v63  }
0x188: {  	s18 =	simm.s32 $0x13A00  }
0x189: {  	[tilespmem:s18], [sflag:$0x1] =	stream.indirect_vreg.gather [hbm4b:s5+s3], $0x80, v37, vm0, $0xb8;
	[tilespmem:$0x1C200] =	vst v63  }
0x18a: {  	_ =	swait.ge [sflag:s17], $0x4000  }
0x18b: {  	[sflag:s17] =	ssyncset.done $0x0  }
0x18c: {  	s16 =	simm.s32 $0x18200;
	s12 =	rddreg [dreg:$0xa];
	[sflag:s17] =	ssyncadd.s32 $0xFFFFC000  }
0x18d: {  	[hbm4b:s12+s3] =	stream.linear.scatter [tilespmem:s16], [sflag:$0x2], $0x4000, $0x38;
	[tilespmem:$0x1C200] =	vst v63  }
0x18e: {  	_ =	swait.ge [sflag:s19], $0x4000  }
0x18f: {  	[sflag:s19] =	ssyncset.done $0x0  }
0x190: {  	[sflag:s19] =	ssyncadd.s32 $0xFFFFC000  }
0x191: {  	v45 =	vld [tilespmem:$0xC0];
	_ =	sdelay $0x4  }
0x192: {  	vm1 =	veq.s32 v45, $0x1  }
0x193: {  	v37 =	vsel vm1, $0x1, v12  }
0x194: {  	v46 =	vshll.u32 v37, $0x3  }
0x195: {  	v37 =	vand.u32 $0x7, v37;
	v38 =	vand.u32 $0xFFFFFFC0, v46  }
0x196: {  	v37 =	vor.u32 v37, v38  }
0x197: {  	v38 =	vperm.xlane v37, v32;
	_ =	sdelay $0x1  }
0x198: {  	v38 =	vadd.s32 v33, v38;
	_ =	sdelay $0x1  }
0x199: {  	v47 =	vperm.xlane v37, v34;
	_ =	sdelay $0x1  }
0x19a: {  	v39 =	vadd.s32 v33, v47  }
0x19b: {  	[tilespmem:s6], [sflag:$0x1] =	stream.indirect_vreg.gather [hbm4b:s2+s3], $0x80, v38, vm0, $0xb8;
	[tilespmem:$0x1C200] =	vst v63  }
0x19c: {  	s1 =	simm.s32 $0x14A00;
	v48 =	vperm.xlane v37, v35  }
0x19d: {  	[tilespmem:s1], [sflag:$0x1] =	stream.indirect_vreg.gather [hbm4b:s5+s3], $0x80, v38, vm0, $0xb8;
	[tilespmem:$0x1C200] =	vst v63  }
0x19e: {  	s4 =	simm.s32 $0x15200;
	v49 =	vadd.s32 v33, v48  }
0x19f: {  	[tilespmem:s4], [sflag:$0x1] =	stream.indirect_vreg.gather [hbm4b:s2+s3], $0x80, v39, vm0, $0xb8;
	[tilespmem:$0x1C200] =	vst v63  }
0x1a0: {  	v37 =	vperm.xlane v37, v36;
	s6 =	simm.s32 $0x15A00  }
0x1a1: {  	[tilespmem:s6], [sflag:$0x1] =	stream.indirect_vreg.gather [hbm4b:s5+s3], $0x80, v39, vm0, $0xb8;
	[tilespmem:$0x1C200] =	vst v63  }
0x1a2: {  	s12 =	simm.s32 $0x16200;
	v37 =	vadd.s32 v33, v37  }
0x1a3: {  	[tilespmem:s12], [sflag:$0x1] =	stream.indirect_vreg.gather [hbm4b:s2+s3], $0x80, v49, vm0, $0xb8;
	[tilespmem:$0x1C200] =	vst v63  }
0x1a4: {  	s31 =	simm.s32 $0x16A00  }
0x1a5: {  	[tilespmem:s31], [sflag:$0x1] =	stream.indirect_vreg.gather [hbm4b:s5+s3], $0x80, v49, vm0, $0xb8;
	[tilespmem:$0x1C200] =	vst v63  }
0x1a6: {  	s18 =	simm.s32 $0x17200  }
0x1a7: {  	[tilespmem:s18], [sflag:$0x1] =	stream.indirect_vreg.gather [hbm4b:s2+s3], $0x80, v37, vm0, $0xb8;
	[tilespmem:$0x1C200] =	vst v63  }
0x1a8: {  	s20 =	simm.s32 $0x17A00  }
0x1a9: {  	[tilespmem:s20], [sflag:$0x1] =	stream.indirect_vreg.gather [hbm4b:s5+s3], $0x80, v37, vm0, $0xb8;
	[tilespmem:$0x1C200] =	vst v63  }
0x1aa: {  	_ =	swait.ge [sflag:s17], $0x4000  }
0x1ab: {  	[sflag:s17] =	ssyncset.done $0x0  }
0x1ac: {  	s18 =	simm.s32 $0x200;
	s0 =	rddreg [dreg:$0xb];
	[sflag:s17] =	ssyncadd.s32 $0xFFFFC000  }
0x1ad: {  	[hbm4b:s0+s3] =	stream.linear.scatter [tilespmem:s18], [sflag:$0x2], $0x4000, $0x38;
	[tilespmem:$0x1C200] =	vst v63  }
0x1ae: {  	_ =	swait.ge [sflag:s19], $0x4000  }
0x1af: {  	[sflag:s19] =	ssyncset.done $0x0  }
0x1b0: {  	[sflag:s19] =	ssyncadd.s32 $0xFFFFC000  }
0x1b1: {  	v50 =	vld [tilespmem:$0xD0];
	_ =	sdelay $0x4  }
0x1b2: {  	vm1 =	veq.s32 v50, $0x1  }
0x1b3: {  	v37 =	vsel vm1, $0x1, v13  }
0x1b4: {  	v51 =	vshll.u32 v37, $0x3  }
0x1b5: {  	v37 =	vand.u32 $0x7, v37;
	v38 =	vand.u32 $0xFFFFFFC0, v51  }
0x1b6: {  	v37 =	vor.u32 v37, v38  }
0x1b7: {  	v38 =	vperm.xlane v37, v32;
	_ =	sdelay $0x1  }
0x1b8: {  	v38 =	vadd.s32 v33, v38;
	_ =	sdelay $0x1  }
0x1b9: {  	v52 =	vperm.xlane v37, v34;
	_ =	sdelay $0x1  }
0x1ba: {  	v39 =	vadd.s32 v33, v52  }
0x1bb: {  	[tilespmem:s16], [sflag:$0x1] =	stream.indirect_vreg.gather [hbm4b:s2+s3], $0x80, v38, vm0, $0xb8;
	[tilespmem:$0x1C200] =	vst v63  }
0x1bc: {  	v53 =	vperm.xlane v37, v35;
	s16 =	simm.s32 $0x18A00  }
0x1bd: {  	[tilespmem:s16], [sflag:$0x1] =	stream.indirect_vreg.gather [hbm4b:s5+s3], $0x80, v38, vm0, $0xb8;
	[tilespmem:$0x1C200] =	vst v63  }
0x1be: {  	s20 =	simm.s32 $0x19200;
	v54 =	vadd.s32 v33, v53  }
0x1bf: {  	[tilespmem:s20], [sflag:$0x1] =	stream.indirect_vreg.gather [hbm4b:s2+s3], $0x80, v39, vm0, $0xb8;
	[tilespmem:$0x1C200] =	vst v63  }
0x1c0: {  	s11 =	simm.s32 $0x19A00;
	v37 =	vperm.xlane v37, v36  }
0x1c1: {  	[tilespmem:s11], [sflag:$0x1] =	stream.indirect_vreg.gather [hbm4b:s5+s3], $0x80, v39, vm0, $0xb8;
	[tilespmem:$0x1C200] =	vst v63  }
0x1c2: {  	s24 =	simm.s32 $0x1A200;
	v37 =	vadd.s32 v33, v37  }
0x1c3: {  	[tilespmem:s24], [sflag:$0x1] =	stream.indirect_vreg.gather [hbm4b:s2+s3], $0x80, v54, vm0, $0xb8;
	[tilespmem:$0x1C200] =	vst v63  }
0x1c4: {  	s16 =	simm.s32 $0x1AA00  }
0x1c5: {  	[tilespmem:s16], [sflag:$0x1] =	stream.indirect_vreg.gather [hbm4b:s5+s3], $0x80, v54, vm0, $0xb8;
	[tilespmem:$0x1C200] =	vst v63  }
0x1c6: {  	s20 =	simm.s32 $0x1B200  }
0x1c7: {  	[tilespmem:s20], [sflag:$0x1] =	stream.indirect_vreg.gather [hbm4b:s2+s3], $0x80, v37, vm0, $0xb8;
	[tilespmem:$0x1C200] =	vst v63  }
0x1c8: {  	s24 =	simm.s32 $0x1BA00  }
0x1c9: {  	[tilespmem:s24], [sflag:$0x1] =	stream.indirect_vreg.gather [hbm4b:s5+s3], $0x80, v37, vm0, $0xb8;
	[tilespmem:$0x1C200] =	vst v63  }
0x1ca: {  	_ =	swait.ge [sflag:s17], $0x4000  }
0x1cb: {  	[sflag:s17] =	ssyncset.done $0x0  }
0x1cc: {  	s24 =	simm.s32 $0x4200;
	s11 =	rddreg [dreg:$0xc];
	[sflag:s17] =	ssyncadd.s32 $0xFFFFC000  }
0x1cd: {  	[hbm4b:s11+s3] =	stream.linear.scatter [tilespmem:s24], [sflag:$0x2], $0x4000, $0x38;
	[tilespmem:$0x1C200] =	vst v63  }
0x1ce: {  	_ =	swait.ge [sflag:s19], $0x4000  }
0x1cf: {  	[sflag:s19] =	ssyncset.done $0x0  }
0x1d0: {  	[sflag:s19] =	ssyncadd.s32 $0xFFFFC000  }
0x1d1: {  	v55 =	vld [tilespmem:$0xE0];
	_ =	sdelay $0x4  }
0x1d2: {  	vm1 =	veq.s32 v55, $0x1  }
0x1d3: {  	v37 =	vsel vm1, $0x1, v14  }
0x1d4: {  	v56 =	vshll.u32 v37, $0x3  }
0x1d5: {  	v37 =	vand.u32 $0x7, v37;
	v38 =	vand.u32 $0xFFFFFFC0, v56  }
0x1d6: {  	v37 =	vor.u32 v37, v38  }
0x1d7: {  	v38 =	vperm.xlane v37, v32;
	_ =	sdelay $0x1  }
0x1d8: {  	v38 =	vadd.s32 v33, v38;
	_ =	sdelay $0x1  }
0x1d9: {  	v57 =	vperm.xlane v37, v34;
	_ =	sdelay $0x1  }
0x1da: {  	v39 =	vadd.s32 v33, v57  }
0x1db: {  	[tilespmem:s18], [sflag:$0x1] =	stream.indirect_vreg.gather [hbm4b:s2+s3], $0x80, v38, vm0, $0xb8;
	[tilespmem:$0x1C200] =	vst v63  }
0x1dc: {  	s16 =	simm.s32 $0xA00;
	v58 =	vperm.xlane v37, v35  }
0x1dd: {  	[tilespmem:s16], [sflag:$0x1] =	stream.indirect_vreg.gather [hbm4b:s5+s3], $0x80, v38, vm0, $0xb8;
	[tilespmem:$0x1C200] =	vst v63  }
0x1de: {  	v59 =	vadd.s32 v33, v58;
	s18 =	simm.s32 $0x1200  }
0x1df: {  	[tilespmem:s18], [sflag:$0x1] =	stream.indirect_vreg.gather [hbm4b:s2+s3], $0x80, v39, vm0, $0xb8;
	[tilespmem:$0x1C200] =	vst v63  }
0x1e0: {  	s20 =	simm.s32 $0x1A00;
	v37 =	vperm.xlane v37, v36  }
0x1e1: {  	[tilespmem:s20], [sflag:$0x1] =	stream.indirect_vreg.gather [hbm4b:s5+s3], $0x80, v39, vm0, $0xb8;
	[tilespmem:$0x1C200] =	vst v63  }
0x1e2: {  	v37 =	vadd.s32 v33, v37;
	s16 =	simm.s32 $0x2200  }
0x1e3: {  	[tilespmem:s16], [sflag:$0x1] =	stream.indirect_vreg.gather [hbm4b:s2+s3], $0x80, v59, vm0, $0xb8;
	[tilespmem:$0x1C200] =	vst v63  }
0x1e4: {  	s18 =	simm.s32 $0x2A00  }
0x1e5: {  	[tilespmem:s18], [sflag:$0x1] =	stream.indirect_vreg.gather [hbm4b:s5+s3], $0x80, v59, vm0, $0xb8;
	[tilespmem:$0x1C200] =	vst v63  }
0x1e6: {  	s20 =	simm.s32 $0x3200  }
0x1e7: {  	[tilespmem:s20], [sflag:$0x1] =	stream.indirect_vreg.gather [hbm4b:s2+s3], $0x80, v37, vm0, $0xb8;
	[tilespmem:$0x1C200] =	vst v63  }
0x1e8: {  	s16 =	simm.s32 $0x3A00  }
0x1e9: {  	[tilespmem:s16], [sflag:$0x1] =	stream.indirect_vreg.gather [hbm4b:s5+s3], $0x80, v37, vm0, $0xb8;
	[tilespmem:$0x1C200] =	vst v63  }
0x1ea: {  	_ =	swait.ge [sflag:s17], $0x4000  }
0x1eb: {  	[sflag:s17] =	ssyncset.done $0x0  }
0x1ec: {  	s16 =	simm.s32 $0x8200;
	s18 =	rddreg [dreg:$0xd];
	[sflag:s17] =	ssyncadd.s32 $0xFFFFC000  }
0x1ed: {  	[hbm4b:s18+s3] =	stream.linear.scatter [tilespmem:s16], [sflag:$0x2], $0x4000, $0x38;
	[tilespmem:$0x1C200] =	vst v63  }
0x1ee: {  	_ =	swait.ge [sflag:s19], $0x4000  }
0x1ef: {  	[sflag:s19] =	ssyncset.done $0x0  }
0x1f0: {  	[sflag:s19] =	ssyncadd.s32 $0xFFFFC000  }
0x1f1: {  	v60 =	vld [tilespmem:$0xF0];
	_ =	sdelay $0x4  }
0x1f2: {  	vm1 =	veq.s32 v60, $0x1  }
0x1f3: {  	v37 =	vsel vm1, $0x1, v15  }
0x1f4: {  	v61 =	vshll.u32 v37, $0x3  }
0x1f5: {  	v37 =	vand.u32 $0x7, v37;
	v38 =	vand.u32 $0xFFFFFFC0, v61  }
0x1f6: {  	v37 =	vor.u32 v37, v38  }
0x1f7: {  	v38 =	vperm.xlane v37, v32;
	_ =	sdelay $0x1  }
0x1f8: {  	v38 =	vadd.s32 v33, v38;
	_ =	sdelay $0x1  }
0x1f9: {  	v62 =	vperm.xlane v37, v34;
	_ =	sdelay $0x1  }
0x1fa: {  	v39 =	vadd.s32 v33, v62  }
0x1fb: {  	[tilespmem:s24], [sflag:$0x1] =	stream.indirect_vreg.gather [hbm4b:s2+s3], $0x80, v38, vm0, $0xb8;
	[tilespmem:$0x1C200] =	vst v63  }
0x1fc: {  	v63 =	vperm.xlane v37, v35;
	s24 =	simm.s32 $0x4A00  }
0x1fd: {  	[tilespmem:s24], [sflag:$0x1] =	stream.indirect_vreg.gather [hbm4b:s5+s3], $0x80, v38, vm0, $0xb8;
	[tilespmem:$0x1C200] =	vst v63  }
0x1fe: {  	s18 =	simm.s32 $0x5200;
	v44 =	vadd.s32 v33, v63  }
0x1ff: {  	[tilespmem:s18], [sflag:$0x1] =	stream.indirect_vreg.gather [hbm4b:s2+s3], $0x80, v39, vm0, $0xb8;
	[tilespmem:$0x1C200] =	vst v63  }
0x200: {  	v37 =	vperm.xlane v37, v36  }
0x201: {  	[tilespmem:s28], [sflag:$0x1] =	stream.indirect_vreg.gather [hbm4b:s5+s3], $0x80, v39, vm0, $0xb8;
	[tilespmem:$0x1C200] =	vst v63  }
0x202: {  	s20 =	simm.s32 $0x6200;
	v37 =	vadd.s32 v33, v37  }
0x203: {  	[tilespmem:s20], [sflag:$0x1] =	stream.indirect_vreg.gather [hbm4b:s2+s3], $0x80, v44, vm0, $0xb8;
	[tilespmem:$0x1C200] =	vst v63  }
0x204: {  	_ = 	snop  }
0x205: {  	[tilespmem:s25], [sflag:$0x1] =	stream.indirect_vreg.gather [hbm4b:s5+s3], $0x80, v44, vm0, $0xb8;
	[tilespmem:$0x1C200] =	vst v63  }
0x206: {  	_ = 	snop  }
0x207: {  	[tilespmem:s26], [sflag:$0x1] =	stream.indirect_vreg.gather [hbm4b:s2+s3], $0x80, v37, vm0, $0xb8;
	[tilespmem:$0x1C200] =	vst v63  }
0x208: {  	_ = 	snop  }
0x209: {  	[tilespmem:s15], [sflag:$0x1] =	stream.indirect_vreg.gather [hbm4b:s5+s3], $0x80, v37, vm0, $0xb8;
	[tilespmem:$0x1C200] =	vst v63  }
0x20a: {  	_ =	swait.ge [sflag:s17], $0x4000  }
0x20b: {  	[sflag:s17] =	ssyncset.done $0x0  }
0x20c: {  	s25 =	simm.s32 $0xC200;
	s24 =	rddreg [dreg:$0xe];
	[sflag:s17] =	ssyncadd.s32 $0xFFFFC000  }
0x20d: {  	[hbm4b:s24+s3] =	stream.linear.scatter [tilespmem:s25], [sflag:$0x2], $0x4000, $0x38;
	[tilespmem:$0x1C200] =	vst v63  }
0x20e: {  	_ =	swait.ge [sflag:s19], $0x4000  }
0x20f: {  	[sflag:s19] =	ssyncset.done $0x0  }
0x210: {  	[sflag:s19] =	ssyncadd.s32 $0xFFFFC000  }
0x211: {  	v45 =	vld [tilespmem:$0x100];
	_ =	sdelay $0x4  }
0x212: {  	vm1 =	veq.s32 v45, $0x1  }
0x213: {  	v37 =	vsel vm1, $0x1, v16  }
0x214: {  	v46 =	vshll.u32 v37, $0x3  }
0x215: {  	v37 =	vand.u32 $0x7, v37;
	v38 =	vand.u32 $0xFFFFFFC0, v46  }
0x216: {  	v37 =	vor.u32 v37, v38  }
0x217: {  	v38 =	vperm.xlane v37, v32;
	_ =	sdelay $0x1  }
0x218: {  	v38 =	vadd.s32 v33, v38;
	_ =	sdelay $0x1  }
0x219: {  	v47 =	vperm.xlane v37, v34;
	_ =	sdelay $0x1  }
0x21a: {  	v39 =	vadd.s32 v33, v47  }
0x21b: {  	[tilespmem:s16], [sflag:$0x1] =	stream.indirect_vreg.gather [hbm4b:s2+s3], $0x80, v38, vm0, $0xb8;
	[tilespmem:$0x1C200] =	vst v63  }
0x21c: {  	s26 =	simm.s32 $0x8A00;
	v48 =	vperm.xlane v37, v35  }
0x21d: {  	[tilespmem:s26], [sflag:$0x1] =	stream.indirect_vreg.gather [hbm4b:s5+s3], $0x80, v38, vm0, $0xb8;
	[tilespmem:$0x1C200] =	vst v63  }
0x21e: {  	s28 =	simm.s32 $0x9200;
	v49 =	vadd.s32 v33, v48  }
0x21f: {  	[tilespmem:s28], [sflag:$0x1] =	stream.indirect_vreg.gather [hbm4b:s2+s3], $0x80, v39, vm0, $0xb8;
	[tilespmem:$0x1C200] =	vst v63  }
0x220: {  	v37 =	vperm.xlane v37, v36;
	s16 =	simm.s32 $0x9A00  }
0x221: {  	[tilespmem:s16], [sflag:$0x1] =	stream.indirect_vreg.gather [hbm4b:s5+s3], $0x80, v39, vm0, $0xb8;
	[tilespmem:$0x1C200] =	vst v63  }
0x222: {  	v37 =	vadd.s32 v33, v37  }
0x223: {  	[tilespmem:s13], [sflag:$0x1] =	stream.indirect_vreg.gather [hbm4b:s2+s3], $0x80, v49, vm0, $0xb8;
	[tilespmem:$0x1C200] =	vst v63  }
0x224: {  	_ = 	snop  }
0x225: {  	[tilespmem:s21], [sflag:$0x1] =	stream.indirect_vreg.gather [hbm4b:s5+s3], $0x80, v49, vm0, $0xb8;
	[tilespmem:$0x1C200] =	vst v63  }
0x226: {  	_ = 	snop  }
0x227: {  	[tilespmem:s22], [sflag:$0x1] =	stream.indirect_vreg.gather [hbm4b:s2+s3], $0x80, v37, vm0, $0xb8;
	[tilespmem:$0x1C200] =	vst v63  }
0x228: {  	_ = 	snop  }
0x229: {  	[tilespmem:s23], [sflag:$0x1] =	stream.indirect_vreg.gather [hbm4b:s5+s3], $0x80, v37, vm0, $0xb8;
	[tilespmem:$0x1C200] =	vst v63  }
0x22a: {  	_ =	swait.ge [sflag:s17], $0x4000  }
0x22b: {  	[sflag:s17] =	ssyncset.done $0x0  }
0x22c: {  	s10 =	simm.s32 $0x10200;
	s18 =	rddreg [dreg:$0xf];
	[sflag:s17] =	ssyncadd.s32 $0xFFFFC000  }
0x22d: {  	[hbm4b:s18+s3] =	stream.linear.scatter [tilespmem:s10], [sflag:$0x2], $0x4000, $0x38;
	[tilespmem:$0x1C200] =	vst v63  }
0x22e: {  	_ =	swait.ge [sflag:s19], $0x4000  }
0x22f: {  	[sflag:s19] =	ssyncset.done $0x0  }
0x230: {  	[sflag:s19] =	ssyncadd.s32 $0xFFFFC000  }
0x231: {  	v50 =	vld [tilespmem:$0x110];
	_ =	sdelay $0x4  }
0x232: {  	vm1 =	veq.s32 v50, $0x1  }
0x233: {  	v37 =	vsel vm1, $0x1, v17  }
0x234: {  	v51 =	vshll.u32 v37, $0x3  }
0x235: {  	v37 =	vand.u32 $0x7, v37;
	v38 =	vand.u32 $0xFFFFFFC0, v51  }
0x236: {  	v37 =	vor.u32 v37, v38  }
0x237: {  	v38 =	vperm.xlane v37, v32;
	_ =	sdelay $0x1  }
0x238: {  	v38 =	vadd.s32 v33, v38;
	_ =	sdelay $0x1  }
0x239: {  	v52 =	vperm.xlane v37, v34;
	_ =	sdelay $0x1  }
0x23a: {  	v39 =	vadd.s32 v33, v52  }
0x23b: {  	[tilespmem:s25], [sflag:$0x1] =	stream.indirect_vreg.gather [hbm4b:s2+s3], $0x80, v38, vm0, $0xb8;
	[tilespmem:$0x1C200] =	vst v63  }
0x23c: {  	s20 =	simm.s32 $0xCA00;
	v53 =	vperm.xlane v37, v35  }
0x23d: {  	[tilespmem:s20], [sflag:$0x1] =	stream.indirect_vreg.gather [hbm4b:s5+s3], $0x80, v38, vm0, $0xb8;
	[tilespmem:$0x1C200] =	vst v63  }
0x23e: {  	s21 =	simm.s32 $0xD200;
	v54 =	vadd.s32 v33, v53  }
0x23f: {  	[tilespmem:s21], [sflag:$0x1] =	stream.indirect_vreg.gather [hbm4b:s2+s3], $0x80, v39, vm0, $0xb8;
	[tilespmem:$0x1C200] =	vst v63  }
0x240: {  	s23 =	simm.s32 $0xDA00;
	v37 =	vperm.xlane v37, v36  }
0x241: {  	[tilespmem:s23], [sflag:$0x1] =	stream.indirect_vreg.gather [hbm4b:s5+s3], $0x80, v39, vm0, $0xb8;
	[tilespmem:$0x1C200] =	vst v63  }
0x242: {  	v37 =	vadd.s32 v33, v37  }
0x243: {  	[tilespmem:s14], [sflag:$0x1] =	stream.indirect_vreg.gather [hbm4b:s2+s3], $0x80, v54, vm0, $0xb8;
	[tilespmem:$0x1C200] =	vst v63  }
0x244: {  	_ = 	snop  }
0x245: {  	[tilespmem:s29], [sflag:$0x1] =	stream.indirect_vreg.gather [hbm4b:s5+s3], $0x80, v54, vm0, $0xb8;
	[tilespmem:$0x1C200] =	vst v63  }
0x246: {  	_ = 	snop  }
0x247: {  	[tilespmem:s30], [sflag:$0x1] =	stream.indirect_vreg.gather [hbm4b:s2+s3], $0x80, v37, vm0, $0xb8;
	[tilespmem:$0x1C200] =	vst v63  }
0x248: {  	s25 =	simm.s32 $0xFA00  }
0x249: {  	[tilespmem:s25], [sflag:$0x1] =	stream.indirect_vreg.gather [hbm4b:s5+s3], $0x80, v37, vm0, $0xb8;
	[tilespmem:$0x1C200] =	vst v63  }
0x24a: {  	_ =	swait.ge [sflag:s17], $0x4000  }
0x24b: {  	[sflag:s17] =	ssyncset.done $0x0  }
0x24c: {  	s29 =	simm.s32 $0x14200;
	s26 =	rddreg [dreg:$0x10];
	[sflag:s17] =	ssyncadd.s32 $0xFFFFC000  }
0x24d: {  	[hbm4b:s26+s3] =	stream.linear.scatter [tilespmem:s29], [sflag:$0x2], $0x4000, $0x38;
	[tilespmem:$0x1C200] =	vst v63  }
0x24e: {  	_ =	swait.ge [sflag:s19], $0x4000  }
0x24f: {  	[sflag:s19] =	ssyncset.done $0x0  }
0x250: {  	[sflag:s19] =	ssyncadd.s32 $0xFFFFC000  }
0x251: {  	v55 =	vld [tilespmem:$0x120];
	_ =	sdelay $0x4  }
0x252: {  	vm1 =	veq.s32 v55, $0x1  }
0x253: {  	v37 =	vsel vm1, $0x1, v18  }
0x254: {  	v56 =	vshll.u32 v37, $0x3  }
0x255: {  	v37 =	vand.u32 $0x7, v37;
	v38 =	vand.u32 $0xFFFFFFC0, v56  }
0x256: {  	v37 =	vor.u32 v37, v38  }
0x257: {  	v38 =	vperm.xlane v37, v32;
	_ =	sdelay $0x1  }
0x258: {  	v38 =	vadd.s32 v33, v38;
	_ =	sdelay $0x1  }
0x259: {  	v57 =	vperm.xlane v37, v34;
	_ =	sdelay $0x1  }
0x25a: {  	v39 =	vadd.s32 v33, v57  }
0x25b: {  	[tilespmem:s10], [sflag:$0x1] =	stream.indirect_vreg.gather [hbm4b:s2+s3], $0x80, v38, vm0, $0xb8;
	[tilespmem:$0x1C200] =	vst v63  }
0x25c: {  	s16 =	simm.s32 $0x10A00;
	v58 =	vperm.xlane v37, v35  }
0x25d: {  	[tilespmem:s16], [sflag:$0x1] =	stream.indirect_vreg.gather [hbm4b:s5+s3], $0x80, v38, vm0, $0xb8;
	[tilespmem:$0x1C200] =	vst v63  }
0x25e: {  	s18 =	simm.s32 $0x11200;
	v59 =	vadd.s32 v33, v58  }
0x25f: {  	[tilespmem:s18], [sflag:$0x1] =	stream.indirect_vreg.gather [hbm4b:s2+s3], $0x80, v39, vm0, $0xb8;
	[tilespmem:$0x1C200] =	vst v63  }
0x260: {  	s21 =	simm.s32 $0x11A00;
	v37 =	vperm.xlane v37, v36  }
0x261: {  	[tilespmem:s21], [sflag:$0x1] =	stream.indirect_vreg.gather [hbm4b:s5+s3], $0x80, v39, vm0, $0xb8;
	[tilespmem:$0x1C200] =	vst v63  }
0x262: {  	v37 =	vadd.s32 v33, v37  }
0x263: {  	[tilespmem:s7], [sflag:$0x1] =	stream.indirect_vreg.gather [hbm4b:s2+s3], $0x80, v59, vm0, $0xb8;
	[tilespmem:$0x1C200] =	vst v63  }
0x264: {  	_ = 	snop  }
0x265: {  	[tilespmem:s8], [sflag:$0x1] =	stream.indirect_vreg.gather [hbm4b:s5+s3], $0x80, v59, vm0, $0xb8;
	[tilespmem:$0x1C200] =	vst v63  }
0x266: {  	_ = 	snop  }
0x267: {  	[tilespmem:s9], [sflag:$0x1] =	stream.indirect_vreg.gather [hbm4b:s2+s3], $0x80, v37, vm0, $0xb8;
	[tilespmem:$0x1C200] =	vst v63  }
0x268: {  	s0 =	simm.s32 $0x13A00  }
0x269: {  	[tilespmem:s0], [sflag:$0x1] =	stream.indirect_vreg.gather [hbm4b:s5+s3], $0x80, v37, vm0, $0xb8;
	[tilespmem:$0x1C200] =	vst v63  }
0x26a: {  	_ =	swait.ge [sflag:s17], $0x4000  }
0x26b: {  	[sflag:s17] =	ssyncset.done $0x0  }
0x26c: {  	s9 =	simm.s32 $0x18200;
	s8 =	rddreg [dreg:$0x11];
	[sflag:s17] =	ssyncadd.s32 $0xFFFFC000  }
0x26d: {  	[hbm4b:s8+s3] =	stream.linear.scatter [tilespmem:s9], [sflag:$0x2], $0x4000, $0x38;
	[tilespmem:$0x1C200] =	vst v63  }
0x26e: {  	_ =	swait.ge [sflag:s19], $0x4000  }
0x26f: {  	[sflag:s19] =	ssyncset.done $0x0  }
0x270: {  	[sflag:s19] =	ssyncadd.s32 $0xFFFFC000  }
0x271: {  	v60 =	vld [tilespmem:$0x130];
	_ =	sdelay $0x4  }
0x272: {  	vm1 =	veq.s32 v60, $0x1  }
0x273: {  	v37 =	vsel vm1, $0x1, v19  }
0x274: {  	v61 =	vshll.u32 v37, $0x3  }
0x275: {  	v37 =	vand.u32 $0x7, v37;
	v38 =	vand.u32 $0xFFFFFFC0, v61  }
0x276: {  	v37 =	vor.u32 v37, v38  }
0x277: {  	v38 =	vperm.xlane v37, v32;
	_ =	sdelay $0x1  }
0x278: {  	v38 =	vadd.s32 v33, v38;
	_ =	sdelay $0x1  }
0x279: {  	v62 =	vperm.xlane v37, v34;
	_ =	sdelay $0x1  }
0x27a: {  	v39 =	vadd.s32 v33, v62  }
0x27b: {  	[tilespmem:s29], [sflag:$0x1] =	stream.indirect_vreg.gather [hbm4b:s2+s3], $0x80, v38, vm0, $0xb8;
	[tilespmem:$0x1C200] =	vst v63  }
0x27c: {  	v63 =	vperm.xlane v37, v35  }
0x27d: {  	[tilespmem:s1], [sflag:$0x1] =	stream.indirect_vreg.gather [hbm4b:s5+s3], $0x80, v38, vm0, $0xb8;
	[tilespmem:$0x1C200] =	vst v63  }
0x27e: {  	v44 =	vadd.s32 v33, v63  }
0x27f: {  	[tilespmem:s4], [sflag:$0x1] =	stream.indirect_vreg.gather [hbm4b:s2+s3], $0x80, v39, vm0, $0xb8;
	[tilespmem:$0x1C200] =	vst v63  }
0x280: {  	v37 =	vperm.xlane v37, v36  }
0x281: {  	[tilespmem:s6], [sflag:$0x1] =	stream.indirect_vreg.gather [hbm4b:s5+s3], $0x80, v39, vm0, $0xb8;
	[tilespmem:$0x1C200] =	vst v63  }
0x282: {  	v37 =	vadd.s32 v33, v37  }
0x283: {  	[tilespmem:s12], [sflag:$0x1] =	stream.indirect_vreg.gather [hbm4b:s2+s3], $0x80, v44, vm0, $0xb8;
	[tilespmem:$0x1C200] =	vst v63  }
0x284: {  	_ = 	snop  }
0x285: {  	[tilespmem:s31], [sflag:$0x1] =	stream.indirect_vreg.gather [hbm4b:s5+s3], $0x80, v44, vm0, $0xb8;
	[tilespmem:$0x1C200] =	vst v63  }
0x286: {  	s12 =	simm.s32 $0x17200  }
0x287: {  	[tilespmem:s12], [sflag:$0x1] =	stream.indirect_vreg.gather [hbm4b:s2+s3], $0x80, v37, vm0, $0xb8;
	[tilespmem:$0x1C200] =	vst v63  }
0x288: {  	s4 =	simm.s32 $0x17A00  }
0x289: {  	[tilespmem:s4], [sflag:$0x1] =	stream.indirect_vreg.gather [hbm4b:s5+s3], $0x80, v37, vm0, $0xb8;
	[tilespmem:$0x1C200] =	vst v63  }
0x28a: {  	_ =	swait.ge [sflag:s17], $0x4000  }
0x28b: {  	[sflag:s17] =	ssyncset.done $0x0  }
0x28c: {  	s14 =	simm.s32 $0x200;
	s13 =	rddreg [dreg:$0x12];
	[sflag:s17] =	ssyncadd.s32 $0xFFFFC000  }
0x28d: {  	[hbm4b:s13+s3] =	stream.linear.scatter [tilespmem:s14], [sflag:$0x2], $0x4000, $0x38;
	[tilespmem:$0x1C200] =	vst v63  }
0x28e: {  	_ =	swait.ge [sflag:s19], $0x4000  }
0x28f: {  	[sflag:s19] =	ssyncset.done $0x0  }
0x290: {  	[sflag:s19] =	ssyncadd.s32 $0xFFFFC000  }
0x291: {  	v45 =	vld [tilespmem:$0x140];
	_ =	sdelay $0x4  }
0x292: {  	vm1 =	veq.s32 v45, $0x1  }
0x293: {  	v37 =	vsel vm1, $0x1, v20  }
0x294: {  	v46 =	vshll.u32 v37, $0x3  }
0x295: {  	v37 =	vand.u32 $0x7, v37;
	v38 =	vand.u32 $0xFFFFFFC0, v46  }
0x296: {  	v37 =	vor.u32 v37, v38  }
0x297: {  	v38 =	vperm.xlane v37, v32;
	_ =	sdelay $0x1  }
0x298: {  	v38 =	vadd.s32 v33, v38;
	_ =	sdelay $0x1  }
0x299: {  	v47 =	vperm.xlane v37, v34;
	_ =	sdelay $0x1  }
0x29a: {  	v39 =	vadd.s32 v33, v47  }
0x29b: {  	[tilespmem:s9], [sflag:$0x1] =	stream.indirect_vreg.gather [hbm4b:s2+s3], $0x80, v38, vm0, $0xb8;
	[tilespmem:$0x1C200] =	vst v63  }
0x29c: {  	s20 =	simm.s32 $0x18A00;
	v48 =	vperm.xlane v37, v35  }
0x29d: {  	[tilespmem:s20], [sflag:$0x1] =	stream.indirect_vreg.gather [hbm4b:s5+s3], $0x80, v38, vm0, $0xb8;
	[tilespmem:$0x1C200] =	vst v63  }
0x29e: {  	s23 =	simm.s32 $0x19200;
	v49 =	vadd.s32 v33, v48  }
0x29f: {  	[tilespmem:s23], [sflag:$0x1] =	stream.indirect_vreg.gather [hbm4b:s2+s3], $0x80, v39, vm0, $0xb8;
	[tilespmem:$0x1C200] =	vst v63  }
0x2a0: {  	s25 =	simm.s32 $0x19A00;
	v37 =	vperm.xlane v37, v36  }
0x2a1: {  	[tilespmem:s25], [sflag:$0x1] =	stream.indirect_vreg.gather [hbm4b:s5+s3], $0x80, v39, vm0, $0xb8;
	[tilespmem:$0x1C200] =	vst v63  }
0x2a2: {  	s1 =	simm.s32 $0x1A200;
	v37 =	vadd.s32 v33, v37  }
0x2a3: {  	[tilespmem:s1], [sflag:$0x1] =	stream.indirect_vreg.gather [hbm4b:s2+s3], $0x80, v49, vm0, $0xb8;
	[tilespmem:$0x1C200] =	vst v63  }
0x2a4: {  	s15 =	simm.s32 $0x1AA00  }
0x2a5: {  	[tilespmem:s15], [sflag:$0x1] =	stream.indirect_vreg.gather [hbm4b:s5+s3], $0x80, v49, vm0, $0xb8;
	[tilespmem:$0x1C200] =	vst v63  }
0x2a6: {  	s6 =	simm.s32 $0x1B200  }
0x2a7: {  	[tilespmem:s6], [sflag:$0x1] =	stream.indirect_vreg.gather [hbm4b:s2+s3], $0x80, v37, vm0, $0xb8;
	[tilespmem:$0x1C200] =	vst v63  }
0x2a8: {  	s29 =	simm.s32 $0x1BA00  }
0x2a9: {  	[tilespmem:s29], [sflag:$0x1] =	stream.indirect_vreg.gather [hbm4b:s5+s3], $0x80, v37, vm0, $0xb8;
	[tilespmem:$0x1C200] =	vst v63  }
0x2aa: {  	_ =	swait.ge [sflag:s17], $0x4000  }
0x2ab: {  	[sflag:s17] =	ssyncset.done $0x0  }
0x2ac: {  	s10 =	simm.s32 $0x4200;
	s9 =	rddreg [dreg:$0x13];
	[sflag:s17] =	ssyncadd.s32 $0xFFFFC000  }
0x2ad: {  	[hbm4b:s9+s3] =	stream.linear.scatter [tilespmem:s10], [sflag:$0x2], $0x4000, $0x38;
	[tilespmem:$0x1C200] =	vst v63  }
0x2ae: {  	_ =	swait.ge [sflag:s19], $0x4000  }
0x2af: {  	[sflag:s19] =	ssyncset.done $0x0  }
0x2b0: {  	[sflag:s19] =	ssyncadd.s32 $0xFFFFC000  }
0x2b1: {  	v50 =	vld [tilespmem:$0x150];
	_ =	sdelay $0x4  }
0x2b2: {  	vm1 =	veq.s32 v50, $0x1  }
0x2b3: {  	v37 =	vsel vm1, $0x1, v21  }
0x2b4: {  	v51 =	vshll.u32 v37, $0x3  }
0x2b5: {  	v37 =	vand.u32 $0x7, v37;
	v38 =	vand.u32 $0xFFFFFFC0, v51  }
0x2b6: {  	v37 =	vor.u32 v37, v38  }
0x2b7: {  	v38 =	vperm.xlane v37, v32;
	_ =	sdelay $0x1  }
0x2b8: {  	v38 =	vadd.s32 v33, v38;
	_ =	sdelay $0x1  }
0x2b9: {  	v52 =	vperm.xlane v37, v34;
	_ =	sdelay $0x1  }
0x2ba: {  	v39 =	vadd.s32 v33, v52  }
0x2bb: {  	[tilespmem:s14], [sflag:$0x1] =	stream.indirect_vreg.gather [hbm4b:s2+s3], $0x80, v38, vm0, $0xb8;
	[tilespmem:$0x1C200] =	vst v63  }
0x2bc: {  	s11 =	simm.s32 $0xA00;
	v53 =	vperm.xlane v37, v35  }
0x2bd: {  	[tilespmem:s11], [sflag:$0x1] =	stream.indirect_vreg.gather [hbm4b:s5+s3], $0x80, v38, vm0, $0xb8;
	[tilespmem:$0x1C200] =	vst v63  }
0x2be: {  	s13 =	simm.s32 $0x1200;
	v54 =	vadd.s32 v33, v53  }
0x2bf: {  	[tilespmem:s13], [sflag:$0x1] =	stream.indirect_vreg.gather [hbm4b:s2+s3], $0x80, v39, vm0, $0xb8;
	[tilespmem:$0x1C200] =	vst v63  }
0x2c0: {  	s20 =	simm.s32 $0x1A00;
	v37 =	vperm.xlane v37, v36  }
0x2c1: {  	[tilespmem:s20], [sflag:$0x1] =	stream.indirect_vreg.gather [hbm4b:s5+s3], $0x80, v39, vm0, $0xb8;
	[tilespmem:$0x1C200] =	vst v63  }
0x2c2: {  	s9 =	simm.s32 $0x2200;
	v37 =	vadd.s32 v33, v37  }
0x2c3: {  	[tilespmem:s9], [sflag:$0x1] =	stream.indirect_vreg.gather [hbm4b:s2+s3], $0x80, v54, vm0, $0xb8;
	[tilespmem:$0x1C200] =	vst v63  }
0x2c4: {  	s11 =	simm.s32 $0x2A00  }
0x2c5: {  	[tilespmem:s11], [sflag:$0x1] =	stream.indirect_vreg.gather [hbm4b:s5+s3], $0x80, v54, vm0, $0xb8;
	[tilespmem:$0x1C200] =	vst v63  }
0x2c6: {  	s12 =	simm.s32 $0x3200  }
0x2c7: {  	[tilespmem:s12], [sflag:$0x1] =	stream.indirect_vreg.gather [hbm4b:s2+s3], $0x80, v37, vm0, $0xb8;
	[tilespmem:$0x1C200] =	vst v63  }
0x2c8: {  	s14 =	simm.s32 $0x3A00  }
0x2c9: {  	[tilespmem:s14], [sflag:$0x1] =	stream.indirect_vreg.gather [hbm4b:s5+s3], $0x80, v37, vm0, $0xb8;
	[tilespmem:$0x1C200] =	vst v63  }
0x2ca: {  	_ =	swait.ge [sflag:s17], $0x4000  }
0x2cb: {  	[sflag:s17] =	ssyncset.done $0x0  }
0x2cc: {  	s24 =	simm.s32 $0x8200;
	s23 =	rddreg [dreg:$0x14];
	[sflag:s17] =	ssyncadd.s32 $0xFFFFC000  }
0x2cd: {  	[hbm4b:s23+s3] =	stream.linear.scatter [tilespmem:s24], [sflag:$0x2], $0x4000, $0x38;
	[tilespmem:$0x1C200] =	vst v63  }
0x2ce: {  	_ =	swait.ge [sflag:s19], $0x4000  }
0x2cf: {  	[sflag:s19] =	ssyncset.done $0x0  }
0x2d0: {  	[sflag:s19] =	ssyncadd.s32 $0xFFFFC000  }
0x2d1: {  	v55 =	vld [tilespmem:$0x160];
	_ =	sdelay $0x4  }
0x2d2: {  	vm1 =	veq.s32 v55, $0x1  }
0x2d3: {  	v37 =	vsel vm1, $0x1, v22  }
0x2d4: {  	v56 =	vshll.u32 v37, $0x3  }
0x2d5: {  	v37 =	vand.u32 $0x7, v37;
	v38 =	vand.u32 $0xFFFFFFC0, v56  }
0x2d6: {  	v37 =	vor.u32 v37, v38  }
0x2d7: {  	v38 =	vperm.xlane v37, v32;
	_ =	sdelay $0x1  }
0x2d8: {  	v38 =	vadd.s32 v33, v38;
	_ =	sdelay $0x1  }
0x2d9: {  	v57 =	vperm.xlane v37, v34;
	_ =	sdelay $0x1  }
0x2da: {  	v39 =	vadd.s32 v33, v57  }
0x2db: {  	[tilespmem:s10], [sflag:$0x1] =	stream.indirect_vreg.gather [hbm4b:s2+s3], $0x80, v38, vm0, $0xb8;
	[tilespmem:$0x1C200] =	vst v63  }
0x2dc: {  	s7 =	simm.s32 $0x4A00;
	v58 =	vperm.xlane v37, v35  }
0x2dd: {  	[tilespmem:s7], [sflag:$0x1] =	stream.indirect_vreg.gather [hbm4b:s5+s3], $0x80, v38, vm0, $0xb8;
	[tilespmem:$0x1C200] =	vst v63  }
0x2de: {  	s8 =	simm.s32 $0x5200;
	v59 =	vadd.s32 v33, v58  }
0x2df: {  	[tilespmem:s8], [sflag:$0x1] =	stream.indirect_vreg.gather [hbm4b:s2+s3], $0x80, v39, vm0, $0xb8;
	[tilespmem:$0x1C200] =	vst v63  }
0x2e0: {  	s29 =	simm.s32 $0x5A00;
	v37 =	vperm.xlane v37, v36  }
0x2e1: {  	[tilespmem:s29], [sflag:$0x1] =	stream.indirect_vreg.gather [hbm4b:s5+s3], $0x80, v39, vm0, $0xb8;
	[tilespmem:$0x1C200] =	vst v63  }
0x2e2: {  	s20 =	simm.s32 $0x6200;
	v37 =	vadd.s32 v33, v37  }
0x2e3: {  	[tilespmem:s20], [sflag:$0x1] =	stream.indirect_vreg.gather [hbm4b:s2+s3], $0x80, v59, vm0, $0xb8;
	[tilespmem:$0x1C200] =	vst v63  }
0x2e4: {  	s29 =	simm.s32 $0x6A00  }
0x2e5: {  	[tilespmem:s29], [sflag:$0x1] =	stream.indirect_vreg.gather [hbm4b:s5+s3], $0x80, v59, vm0, $0xb8;
	[tilespmem:$0x1C200] =	vst v63  }
0x2e6: {  	s20 =	simm.s32 $0x7200  }
0x2e7: {  	[tilespmem:s20], [sflag:$0x1] =	stream.indirect_vreg.gather [hbm4b:s2+s3], $0x80, v37, vm0, $0xb8;
	[tilespmem:$0x1C200] =	vst v63  }
0x2e8: {  	s20 =	simm.s32 $0x7A00  }
0x2e9: {  	[tilespmem:s20], [sflag:$0x1] =	stream.indirect_vreg.gather [hbm4b:s5+s3], $0x80, v37, vm0, $0xb8;
	[tilespmem:$0x1C200] =	vst v63  }
0x2ea: {  	_ =	swait.ge [sflag:s17], $0x4000  }
0x2eb: {  	[sflag:s17] =	ssyncset.done $0x0  }
0x2ec: {  	s22 =	simm.s32 $0xC200;
	s10 =	rddreg [dreg:$0x15];
	[sflag:s17] =	ssyncadd.s32 $0xFFFFC000  }
0x2ed: {  	[hbm4b:s10+s3] =	stream.linear.scatter [tilespmem:s22], [sflag:$0x2], $0x4000, $0x38;
	[tilespmem:$0x1C200] =	vst v63  }
0x2ee: {  	_ =	swait.ge [sflag:s19], $0x4000  }
0x2ef: {  	[sflag:s19] =	ssyncset.done $0x0  }
0x2f0: {  	[sflag:s19] =	ssyncadd.s32 $0xFFFFC000  }
0x2f1: {  	v60 =	vld [tilespmem:$0x170];
	_ =	sdelay $0x4  }
0x2f2: {  	vm1 =	veq.s32 v60, $0x1  }
0x2f3: {  	v37 =	vsel vm1, $0x1, v23  }
0x2f4: {  	v61 =	vshll.u32 v37, $0x3  }
0x2f5: {  	v37 =	vand.u32 $0x7, v37;
	v38 =	vand.u32 $0xFFFFFFC0, v61  }
0x2f6: {  	v37 =	vor.u32 v37, v38  }
0x2f7: {  	v38 =	vperm.xlane v37, v32;
	_ =	sdelay $0x1  }
0x2f8: {  	v38 =	vadd.s32 v33, v38;
	_ =	sdelay $0x1  }
0x2f9: {  	v62 =	vperm.xlane v37, v34;
	_ =	sdelay $0x1  }
0x2fa: {  	v39 =	vadd.s32 v33, v62  }
0x2fb: {  	[tilespmem:s24], [sflag:$0x1] =	stream.indirect_vreg.gather [hbm4b:s2+s3], $0x80, v38, vm0, $0xb8;
	[tilespmem:$0x1C200] =	vst v63  }
0x2fc: {  	s20 =	simm.s32 $0x8A00;
	v63 =	vperm.xlane v37, v35  }
0x2fd: {  	[tilespmem:s20], [sflag:$0x1] =	stream.indirect_vreg.gather [hbm4b:s5+s3], $0x80, v38, vm0, $0xb8;
	[tilespmem:$0x1C200] =	vst v63  }
0x2fe: {  	v44 =	vadd.s32 v33, v63;
	s20 =	simm.s32 $0x9200  }
0x2ff: {  	[tilespmem:s20], [sflag:$0x1] =	stream.indirect_vreg.gather [hbm4b:s2+s3], $0x80, v39, vm0, $0xb8;
	[tilespmem:$0x1C200] =	vst v63  }
0x300: {  	v37 =	vperm.xlane v37, v36;
	s20 =	simm.s32 $0x9A00  }
0x301: {  	[tilespmem:s20], [sflag:$0x1] =	stream.indirect_vreg.gather [hbm4b:s5+s3], $0x80, v39, vm0, $0xb8;
	[tilespmem:$0x1C200] =	vst v63  }
0x302: {  	v37 =	vadd.s32 v33, v37;
	s20 =	simm.s32 $0xA200  }
0x303: {  	[tilespmem:s20], [sflag:$0x1] =	stream.indirect_vreg.gather [hbm4b:s2+s3], $0x80, v44, vm0, $0xb8;
	[tilespmem:$0x1C200] =	vst v63  }
0x304: {  	s20 =	simm.s32 $0xAA00  }
0x305: {  	[tilespmem:s20], [sflag:$0x1] =	stream.indirect_vreg.gather [hbm4b:s5+s3], $0x80, v44, vm0, $0xb8;
	[tilespmem:$0x1C200] =	vst v63  }
0x306: {  	s28 =	simm.s32 $0xB200  }
0x307: {  	[tilespmem:s28], [sflag:$0x1] =	stream.indirect_vreg.gather [hbm4b:s2+s3], $0x80, v37, vm0, $0xb8;
	[tilespmem:$0x1C200] =	vst v63  }
0x308: {  	s28 =	simm.s32 $0xBA00  }
0x309: {  	[tilespmem:s28], [sflag:$0x1] =	stream.indirect_vreg.gather [hbm4b:s5+s3], $0x80, v37, vm0, $0xb8;
	[tilespmem:$0x1C200] =	vst v63  }
0x30a: {  	_ =	swait.ge [sflag:s17], $0x4000  }
0x30b: {  	[sflag:s17] =	ssyncset.done $0x0  }
0x30c: {  	s10 =	simm.s32 $0x10200;
	s20 =	rddreg [dreg:$0x16];
	[sflag:s17] =	ssyncadd.s32 $0xFFFFC000  }
0x30d: {  	[hbm4b:s20+s3] =	stream.linear.scatter [tilespmem:s10], [sflag:$0x2], $0x4000, $0x38;
	[tilespmem:$0x1C200] =	vst v63  }
0x30e: {  	_ =	swait.ge [sflag:s19], $0x4000  }
0x30f: {  	[sflag:s19] =	ssyncset.done $0x0  }
0x310: {  	[sflag:s19] =	ssyncadd.s32 $0xFFFFC000  }
0x311: {  	v45 =	vld [tilespmem:$0x180];
	_ =	sdelay $0x4  }
0x312: {  	vm1 =	veq.s32 v45, $0x1  }
0x313: {  	v37 =	vsel vm1, $0x1, v24  }
0x314: {  	v46 =	vshll.u32 v37, $0x3  }
0x315: {  	v37 =	vand.u32 $0x7, v37;
	v38 =	vand.u32 $0xFFFFFFC0, v46  }
0x316: {  	v37 =	vor.u32 v37, v38  }
0x317: {  	v38 =	vperm.xlane v37, v32;
	_ =	sdelay $0x1  }
0x318: {  	v38 =	vadd.s32 v33, v38;
	_ =	sdelay $0x1  }
0x319: {  	v47 =	vperm.xlane v37, v34;
	_ =	sdelay $0x1  }
0x31a: {  	v39 =	vadd.s32 v33, v47  }
0x31b: {  	[tilespmem:s22], [sflag:$0x1] =	stream.indirect_vreg.gather [hbm4b:s2+s3], $0x80, v38, vm0, $0xb8;
	[tilespmem:$0x1C200] =	vst v63  }
0x31c: {  	s20 =	simm.s32 $0xCA00;
	v48 =	vperm.xlane v37, v35  }
0x31d: {  	[tilespmem:s20], [sflag:$0x1] =	stream.indirect_vreg.gather [hbm4b:s5+s3], $0x80, v38, vm0, $0xb8;
	[tilespmem:$0x1C200] =	vst v63  }
0x31e: {  	v49 =	vadd.s32 v33, v48;
	s20 =	simm.s32 $0xD200  }
0x31f: {  	[tilespmem:s20], [sflag:$0x1] =	stream.indirect_vreg.gather [hbm4b:s2+s3], $0x80, v39, vm0, $0xb8;
	[tilespmem:$0x1C200] =	vst v63  }
0x320: {  	v37 =	vperm.xlane v37, v36;
	s20 =	simm.s32 $0xDA00  }
0x321: {  	[tilespmem:s20], [sflag:$0x1] =	stream.indirect_vreg.gather [hbm4b:s5+s3], $0x80, v39, vm0, $0xb8;
	[tilespmem:$0x1C200] =	vst v63  }
0x322: {  	v37 =	vadd.s32 v33, v37;
	s20 =	simm.s32 $0xE200  }
0x323: {  	[tilespmem:s20], [sflag:$0x1] =	stream.indirect_vreg.gather [hbm4b:s2+s3], $0x80, v49, vm0, $0xb8;
	[tilespmem:$0x1C200] =	vst v63  }
0x324: {  	s20 =	simm.s32 $0xEA00  }
0x325: {  	[tilespmem:s20], [sflag:$0x1] =	stream.indirect_vreg.gather [hbm4b:s5+s3], $0x80, v49, vm0, $0xb8;
	[tilespmem:$0x1C200] =	vst v63  }
0x326: {  	s30 =	simm.s32 $0xF200  }
0x327: {  	[tilespmem:s30], [sflag:$0x1] =	stream.indirect_vreg.gather [hbm4b:s2+s3], $0x80, v37, vm0, $0xb8;
	[tilespmem:$0x1C200] =	vst v63  }
0x328: {  	s30 =	simm.s32 $0xFA00  }
0x329: {  	[tilespmem:s30], [sflag:$0x1] =	stream.indirect_vreg.gather [hbm4b:s5+s3], $0x80, v37, vm0, $0xb8;
	[tilespmem:$0x1C200] =	vst v63  }
0x32a: {  	_ =	swait.ge [sflag:s17], $0x4000  }
0x32b: {  	[sflag:s17] =	ssyncset.done $0x0  }
0x32c: {  	s26 =	simm.s32 $0x14200;
	s20 =	rddreg [dreg:$0x17];
	[sflag:s17] =	ssyncadd.s32 $0xFFFFC000  }
0x32d: {  	[hbm4b:s20+s3] =	stream.linear.scatter [tilespmem:s26], [sflag:$0x2], $0x4000, $0x38;
	[tilespmem:$0x1C200] =	vst v63  }
0x32e: {  	_ =	swait.ge [sflag:s19], $0x4000  }
0x32f: {  	[sflag:s19] =	ssyncset.done $0x0  }
0x330: {  	[sflag:s19] =	ssyncadd.s32 $0xFFFFC000  }
0x331: {  	v50 =	vld [tilespmem:$0x190];
	_ =	sdelay $0x4  }
0x332: {  	vm1 =	veq.s32 v50, $0x1  }
0x333: {  	v37 =	vsel vm1, $0x1, v25  }
0x334: {  	v51 =	vshll.u32 v37, $0x3  }
0x335: {  	v37 =	vand.u32 $0x7, v37;
	v38 =	vand.u32 $0xFFFFFFC0, v51  }
0x336: {  	v37 =	vor.u32 v37, v38  }
0x337: {  	v38 =	vperm.xlane v37, v32;
	_ =	sdelay $0x1  }
0x338: {  	v38 =	vadd.s32 v33, v38;
	_ =	sdelay $0x1  }
0x339: {  	v52 =	vperm.xlane v37, v34;
	_ =	sdelay $0x1  }
0x33a: {  	v39 =	vadd.s32 v33, v52  }
0x33b: {  	[tilespmem:s10], [sflag:$0x1] =	stream.indirect_vreg.gather [hbm4b:s2+s3], $0x80, v38, vm0, $0xb8;
	[tilespmem:$0x1C200] =	vst v63  }
0x33c: {  	v53 =	vperm.xlane v37, v35  }
0x33d: {  	[tilespmem:s16], [sflag:$0x1] =	stream.indirect_vreg.gather [hbm4b:s5+s3], $0x80, v38, vm0, $0xb8;
	[tilespmem:$0x1C200] =	vst v63  }
0x33e: {  	v54 =	vadd.s32 v33, v53  }
0x33f: {  	[tilespmem:s18], [sflag:$0x1] =	stream.indirect_vreg.gather [hbm4b:s2+s3], $0x80, v39, vm0, $0xb8;
	[tilespmem:$0x1C200] =	vst v63  }
0x340: {  	v37 =	vperm.xlane v37, v36  }
0x341: {  	[tilespmem:s21], [sflag:$0x1] =	stream.indirect_vreg.gather [hbm4b:s5+s3], $0x80, v39, vm0, $0xb8;
	[tilespmem:$0x1C200] =	vst v63  }
0x342: {  	v37 =	vadd.s32 v33, v37;
	s18 =	simm.s32 $0x12200  }
0x343: {  	[tilespmem:s18], [sflag:$0x1] =	stream.indirect_vreg.gather [hbm4b:s2+s3], $0x80, v54, vm0, $0xb8;
	[tilespmem:$0x1C200] =	vst v63  }
0x344: {  	s20 =	simm.s32 $0x12A00  }
0x345: {  	[tilespmem:s20], [sflag:$0x1] =	stream.indirect_vreg.gather [hbm4b:s5+s3], $0x80, v54, vm0, $0xb8;
	[tilespmem:$0x1C200] =	vst v63  }
0x346: {  	s21 =	simm.s32 $0x13200  }
0x347: {  	[tilespmem:s21], [sflag:$0x1] =	stream.indirect_vreg.gather [hbm4b:s2+s3], $0x80, v37, vm0, $0xb8;
	[tilespmem:$0x1C200] =	vst v63  }
0x348: {  	_ = 	snop  }
0x349: {  	[tilespmem:s0], [sflag:$0x1] =	stream.indirect_vreg.gather [hbm4b:s5+s3], $0x80, v37, vm0, $0xb8;
	[tilespmem:$0x1C200] =	vst v63  }
0x34a: {  	_ =	swait.ge [sflag:s17], $0x4000  }
0x34b: {  	[sflag:s17] =	ssyncset.done $0x0  }
0x34c: {  	s31 =	simm.s32 $0x18200;
	s18 =	rddreg [dreg:$0x18];
	[sflag:s17] =	ssyncadd.s32 $0xFFFFC000  }
0x34d: {  	[hbm4b:s18+s3] =	stream.linear.scatter [tilespmem:s31], [sflag:$0x2], $0x4000, $0x38;
	[tilespmem:$0x1C200] =	vst v63  }
0x34e: {  	_ =	swait.ge [sflag:s19], $0x4000  }
0x34f: {  	[sflag:s19] =	ssyncset.done $0x0  }
0x350: {  	[sflag:s19] =	ssyncadd.s32 $0xFFFFC000  }
0x351: {  	v55 =	vld [tilespmem:$0x1A0];
	_ =	sdelay $0x4  }
0x352: {  	vm1 =	veq.s32 v55, $0x1  }
0x353: {  	v37 =	vsel vm1, $0x1, v26  }
0x354: {  	v56 =	vshll.u32 v37, $0x3  }
0x355: {  	v37 =	vand.u32 $0x7, v37;
	v38 =	vand.u32 $0xFFFFFFC0, v56  }
0x356: {  	v37 =	vor.u32 v37, v38  }
0x357: {  	v38 =	vperm.xlane v37, v32;
	_ =	sdelay $0x1  }
0x358: {  	v38 =	vadd.s32 v33, v38;
	_ =	sdelay $0x1  }
0x359: {  	v57 =	vperm.xlane v37, v34;
	_ =	sdelay $0x1  }
0x35a: {  	v39 =	vadd.s32 v33, v57  }
0x35b: {  	[tilespmem:s26], [sflag:$0x1] =	stream.indirect_vreg.gather [hbm4b:s2+s3], $0x80, v38, vm0, $0xb8;
	[tilespmem:$0x1C200] =	vst v63  }
0x35c: {  	s20 =	simm.s32 $0x14A00;
	v58 =	vperm.xlane v37, v35  }
0x35d: {  	[tilespmem:s20], [sflag:$0x1] =	stream.indirect_vreg.gather [hbm4b:s5+s3], $0x80, v38, vm0, $0xb8;
	[tilespmem:$0x1C200] =	vst v63  }
0x35e: {  	s21 =	simm.s32 $0x15200;
	v59 =	vadd.s32 v33, v58  }
0x35f: {  	[tilespmem:s21], [sflag:$0x1] =	stream.indirect_vreg.gather [hbm4b:s2+s3], $0x80, v39, vm0, $0xb8;
	[tilespmem:$0x1C200] =	vst v63  }
0x360: {  	s16 =	simm.s32 $0x15A00;
	v37 =	vperm.xlane v37, v36  }
0x361: {  	[tilespmem:s16], [sflag:$0x1] =	stream.indirect_vreg.gather [hbm4b:s5+s3], $0x80, v39, vm0, $0xb8;
	[tilespmem:$0x1C200] =	vst v63  }
0x362: {  	s18 =	simm.s32 $0x16200;
	v37 =	vadd.s32 v33, v37  }
0x363: {  	[tilespmem:s18], [sflag:$0x1] =	stream.indirect_vreg.gather [hbm4b:s2+s3], $0x80, v59, vm0, $0xb8;
	[tilespmem:$0x1C200] =	vst v63  }
0x364: {  	s20 =	simm.s32 $0x16A00  }
0x365: {  	[tilespmem:s20], [sflag:$0x1] =	stream.indirect_vreg.gather [hbm4b:s5+s3], $0x80, v59, vm0, $0xb8;
	[tilespmem:$0x1C200] =	vst v63  }
0x366: {  	s21 =	simm.s32 $0x17200  }
0x367: {  	[tilespmem:s21], [sflag:$0x1] =	stream.indirect_vreg.gather [hbm4b:s2+s3], $0x80, v37, vm0, $0xb8;
	[tilespmem:$0x1C200] =	vst v63  }
0x368: {  	_ = 	snop  }
0x369: {  	[tilespmem:s4], [sflag:$0x1] =	stream.indirect_vreg.gather [hbm4b:s5+s3], $0x80, v37, vm0, $0xb8;
	[tilespmem:$0x1C200] =	vst v63  }
0x36a: {  	s0 =	sld [smem:$0x7F8];
	_ =	swait.ge [sflag:s17], $0x4000  }
0x36b: {  	[sflag:s17] =	ssyncset.done $0x0  }
0x36c: {  	s25 =	simm.s32 $0x200;
	s4 =	rddreg [dreg:$0x19];
	[sflag:s17] =	ssyncadd.s32 $0xFFFFC000  }
0x36d: {  	[hbm4b:s4+s3] =	stream.linear.scatter [tilespmem:s25], [sflag:$0x2], $0x4000, $0x38;
	[tilespmem:$0x1C200] =	vst v63  }
0x36e: {  	_ =	swait.ge [sflag:s19], $0x4000  }
0x36f: {  	[sflag:s19] =	ssyncset.done $0x0  }
0x370: {  	[sflag:s19] =	ssyncadd.s32 $0xFFFFC000  }
0x371: {  	v60 =	vld [tilespmem:$0x1B0];
	_ =	sdelay $0x4  }
0x372: {  	vm1 =	veq.s32 v60, $0x1  }
0x373: {  	v37 =	vsel vm1, $0x1, v27  }
0x374: {  	v61 =	vshll.u32 v37, $0x3  }
0x375: {  	v37 =	vand.u32 $0x7, v37;
	v38 =	vand.u32 $0xFFFFFFC0, v61  }
0x376: {  	v37 =	vor.u32 v37, v38  }
0x377: {  	v38 =	vperm.xlane v37, v32;
	_ =	sdelay $0x1  }
0x378: {  	v38 =	vadd.s32 v33, v38;
	_ =	sdelay $0x1  }
0x379: {  	v62 =	vperm.xlane v37, v34;
	_ =	sdelay $0x1  }
0x37a: {  	v39 =	vadd.s32 v33, v62  }
0x37b: {  	[tilespmem:s31], [sflag:$0x1] =	stream.indirect_vreg.gather [hbm4b:s2+s3], $0x80, v38, vm0, $0xb8;
	[tilespmem:$0x1C200] =	vst v63  }
0x37c: {  	s16 =	simm.s32 $0x18A00;
	v63 =	vperm.xlane v37, v35  }
0x37d: {  	[tilespmem:s16], [sflag:$0x1] =	stream.indirect_vreg.gather [hbm4b:s5+s3], $0x80, v38, vm0, $0xb8;
	[tilespmem:$0x1C200] =	vst v63  }
0x37e: {  	s18 =	simm.s32 $0x19200;
	v43 =	vadd.s32 v33, v63  }
0x37f: {  	[tilespmem:s18], [sflag:$0x1] =	stream.indirect_vreg.gather [hbm4b:s2+s3], $0x80, v39, vm0, $0xb8;
	[tilespmem:$0x1C200] =	vst v63  }
0x380: {  	s20 =	simm.s32 $0x19A00;
	v37 =	vperm.xlane v37, v36  }
0x381: {  	[tilespmem:s20], [sflag:$0x1] =	stream.indirect_vreg.gather [hbm4b:s5+s3], $0x80, v39, vm0, $0xb8;
	[tilespmem:$0x1C200] =	vst v63  }
0x382: {  	v37 =	vadd.s32 v33, v37  }
0x383: {  	[tilespmem:s1], [sflag:$0x1] =	stream.indirect_vreg.gather [hbm4b:s2+s3], $0x80, v43, vm0, $0xb8;
	[tilespmem:$0x1C200] =	vst v63  }
0x384: {  	_ = 	snop  }
0x385: {  	[tilespmem:s15], [sflag:$0x1] =	stream.indirect_vreg.gather [hbm4b:s5+s3], $0x80, v43, vm0, $0xb8;
	[tilespmem:$0x1C200] =	vst v63  }
0x386: {  	_ = 	snop  }
0x387: {  	[tilespmem:s6], [sflag:$0x1] =	stream.indirect_vreg.gather [hbm4b:s2+s3], $0x80, v37, vm0, $0xb8;
	[tilespmem:$0x1C200] =	vst v63  }
0x388: {  	s21 =	simm.s32 $0x1BA00  }
0x389: {  	[tilespmem:s21], [sflag:$0x1] =	stream.indirect_vreg.gather [hbm4b:s5+s3], $0x80, v37, vm0, $0xb8;
	[tilespmem:$0x1C200] =	vst v63  }
0x38a: {  	_ =	swait.ge [sflag:s17], $0x4000  }
0x38b: {  	[sflag:s17] =	ssyncset.done $0x0  }
0x38c: {  	s23 =	simm.s32 $0x4200;
	s4 =	rddreg [dreg:$0x1a];
	[sflag:s17] =	ssyncadd.s32 $0xFFFFC000  }
0x38d: {  	[hbm4b:s4+s3] =	stream.linear.scatter [tilespmem:s23], [sflag:$0x2], $0x4000, $0x38;
	[tilespmem:$0x1C200] =	vst v63  }
0x38e: {  	_ =	swait.ge [sflag:s19], $0x4000  }
0x38f: {  	[sflag:s19] =	ssyncset.done $0x0  }
0x390: {  	[sflag:s19] =	ssyncadd.s32 $0xFFFFC000  }
0x391: {  	v44 =	vld [tilespmem:$0x1C0];
	_ =	sdelay $0x4  }
0x392: {  	vm1 =	veq.s32 v44, $0x1  }
0x393: {  	v37 =	vsel vm1, $0x1, v28  }
0x394: {  	v45 =	vshll.u32 v37, $0x3  }
0x395: {  	v37 =	vand.u32 $0x7, v37;
	v38 =	vand.u32 $0xFFFFFFC0, v45  }
0x396: {  	v37 =	vor.u32 v37, v38  }
0x397: {  	v38 =	vperm.xlane v37, v32;
	_ =	sdelay $0x1  }
0x398: {  	v38 =	vadd.s32 v33, v38;
	_ =	sdelay $0x1  }
0x399: {  	v46 =	vperm.xlane v37, v34;
	_ =	sdelay $0x1  }
0x39a: {  	v39 =	vadd.s32 v33, v46  }
0x39b: {  	[tilespmem:s25], [sflag:$0x1] =	stream.indirect_vreg.gather [hbm4b:s2+s3], $0x80, v38, vm0, $0xb8;
	[tilespmem:$0x1C200] =	vst v63  }
0x39c: {  	s6 =	simm.s32 $0xA00;
	v47 =	vperm.xlane v37, v35  }
0x39d: {  	[tilespmem:s6], [sflag:$0x1] =	stream.indirect_vreg.gather [hbm4b:s5+s3], $0x80, v38, vm0, $0xb8;
	[tilespmem:$0x1C200] =	vst v63  }
0x39e: {  	v48 =	vadd.s32 v33, v47  }
0x39f: {  	[tilespmem:s13], [sflag:$0x1] =	stream.indirect_vreg.gather [hbm4b:s2+s3], $0x80, v39, vm0, $0xb8;
	[tilespmem:$0x1C200] =	vst v63  }
0x3a0: {  	s15 =	simm.s32 $0x1A00;
	v37 =	vperm.xlane v37, v36  }
0x3a1: {  	[tilespmem:s15], [sflag:$0x1] =	stream.indirect_vreg.gather [hbm4b:s5+s3], $0x80, v39, vm0, $0xb8;
	[tilespmem:$0x1C200] =	vst v63  }
0x3a2: {  	v37 =	vadd.s32 v33, v37  }
0x3a3: {  	[tilespmem:s9], [sflag:$0x1] =	stream.indirect_vreg.gather [hbm4b:s2+s3], $0x80, v48, vm0, $0xb8;
	[tilespmem:$0x1C200] =	vst v63  }
0x3a4: {  	_ = 	snop  }
0x3a5: {  	[tilespmem:s11], [sflag:$0x1] =	stream.indirect_vreg.gather [hbm4b:s5+s3], $0x80, v48, vm0, $0xb8;
	[tilespmem:$0x1C200] =	vst v63  }
0x3a6: {  	_ = 	snop  }
0x3a7: {  	[tilespmem:s12], [sflag:$0x1] =	stream.indirect_vreg.gather [hbm4b:s2+s3], $0x80, v37, vm0, $0xb8;
	[tilespmem:$0x1C200] =	vst v63  }
0x3a8: {  	_ = 	snop  }
0x3a9: {  	[tilespmem:s14], [sflag:$0x1] =	stream.indirect_vreg.gather [hbm4b:s5+s3], $0x80, v37, vm0, $0xb8;
	[tilespmem:$0x1C200] =	vst v63  }
0x3aa: {  	_ =	swait.ge [sflag:s17], $0x4000  }
0x3ab: {  	[sflag:s17] =	ssyncset.done $0x0  }
0x3ac: {  	s16 =	rddreg [dreg:$0x1b];
	[sflag:s17] =	ssyncadd.s32 $0xFFFFC000  }
0x3ad: {  	[hbm4b:s16+s3] =	stream.linear.scatter [tilespmem:s24], [sflag:$0x2], $0x4000, $0x38;
	[tilespmem:$0x1C200] =	vst v63  }
0x3ae: {  	_ =	swait.ge [sflag:s19], $0x4000  }
0x3af: {  	[sflag:s19] =	ssyncset.done $0x0  }
0x3b0: {  	[sflag:s19] =	ssyncadd.s32 $0xFFFFC000  }
0x3b1: {  	v49 =	vld [tilespmem:$0x1D0];
	_ =	sdelay $0x4  }
0x3b2: {  	vm1 =	veq.s32 v49, $0x1  }
0x3b3: {  	v37 =	vsel vm1, $0x1, v29  }
0x3b4: {  	v50 =	vshll.u32 v37, $0x3  }
0x3b5: {  	v37 =	vand.u32 $0x7, v37;
	v38 =	vand.u32 $0xFFFFFFC0, v50  }
0x3b6: {  	v37 =	vor.u32 v37, v38  }
0x3b7: {  	v38 =	vperm.xlane v37, v32;
	_ =	sdelay $0x1  }
0x3b8: {  	v38 =	vadd.s32 v33, v38;
	_ =	sdelay $0x1  }
0x3b9: {  	v51 =	vperm.xlane v37, v34;
	_ =	sdelay $0x1  }
0x3ba: {  	v39 =	vadd.s32 v33, v51  }
0x3bb: {  	[tilespmem:s23], [sflag:$0x1] =	stream.indirect_vreg.gather [hbm4b:s2+s3], $0x80, v38, vm0, $0xb8;
	[tilespmem:$0x1C200] =	vst v63  }
0x3bc: {  	v52 =	vperm.xlane v37, v35  }
0x3bd: {  	[tilespmem:s7], [sflag:$0x1] =	stream.indirect_vreg.gather [hbm4b:s5+s3], $0x80, v38, vm0, $0xb8;
	[tilespmem:$0x1C200] =	vst v63  }
0x3be: {  	v53 =	vadd.s32 v33, v52  }
0x3bf: {  	[tilespmem:s8], [sflag:$0x1] =	stream.indirect_vreg.gather [hbm4b:s2+s3], $0x80, v39, vm0, $0xb8;
	[tilespmem:$0x1C200] =	vst v63  }
0x3c0: {  	s18 =	simm.s32 $0x5A00;
	v37 =	vperm.xlane v37, v36  }
0x3c1: {  	[tilespmem:s18], [sflag:$0x1] =	stream.indirect_vreg.gather [hbm4b:s5+s3], $0x80, v39, vm0, $0xb8;
	[tilespmem:$0x1C200] =	vst v63  }
0x3c2: {  	s20 =	simm.s32 $0x6200;
	v37 =	vadd.s32 v33, v37  }
0x3c3: {  	[tilespmem:s20], [sflag:$0x1] =	stream.indirect_vreg.gather [hbm4b:s2+s3], $0x80, v53, vm0, $0xb8;
	[tilespmem:$0x1C200] =	vst v63  }
0x3c4: {  	s29 =	simm.s32 $0x6A00  }
0x3c5: {  	[tilespmem:s29], [sflag:$0x1] =	stream.indirect_vreg.gather [hbm4b:s5+s3], $0x80, v53, vm0, $0xb8;
	[tilespmem:$0x1C200] =	vst v63  }
0x3c6: {  	s21 =	simm.s32 $0x7200  }
0x3c7: {  	[tilespmem:s21], [sflag:$0x1] =	stream.indirect_vreg.gather [hbm4b:s2+s3], $0x80, v37, vm0, $0xb8;
	[tilespmem:$0x1C200] =	vst v63  }
0x3c8: {  	s29 =	simm.s32 $0x7A00  }
0x3c9: {  	[tilespmem:s29], [sflag:$0x1] =	stream.indirect_vreg.gather [hbm4b:s5+s3], $0x80, v37, vm0, $0xb8;
	[tilespmem:$0x1C200] =	vst v63  }
0x3ca: {  	_ =	swait.ge [sflag:s17], $0x4000  }
0x3cb: {  	[sflag:s17] =	ssyncset.done $0x0  }
0x3cc: {  	s1 =	rddreg [dreg:$0x1c];
	[sflag:s17] =	ssyncadd.s32 $0xFFFFC000  }
0x3cd: {  	[hbm4b:s1+s3] =	stream.linear.scatter [tilespmem:s22], [sflag:$0x2], $0x4000, $0x38;
	[tilespmem:$0x1C200] =	vst v63  }
0x3ce: {  	_ =	swait.ge [sflag:s19], $0x4000  }
0x3cf: {  	[sflag:s19] =	ssyncset.done $0x0  }
0x3d0: {  	[sflag:s19] =	ssyncadd.s32 $0xFFFFC000  }
0x3d1: {  	v54 =	vld [tilespmem:$0x1E0];
	_ =	sdelay $0x4  }
0x3d2: {  	vm1 =	veq.s32 v54, $0x1  }
0x3d3: {  	v37 =	vsel vm1, $0x1, v30  }
0x3d4: {  	v55 =	vshll.u32 v37, $0x3  }
0x3d5: {  	v37 =	vand.u32 $0x7, v37;
	v38 =	vand.u32 $0xFFFFFFC0, v55  }
0x3d6: {  	v37 =	vor.u32 v37, v38  }
0x3d7: {  	v38 =	vperm.xlane v37, v32;
	_ =	sdelay $0x1  }
0x3d8: {  	v38 =	vadd.s32 v33, v38;
	_ =	sdelay $0x1  }
0x3d9: {  	v56 =	vperm.xlane v37, v34;
	_ =	sdelay $0x1  }
0x3da: {  	v39 =	vadd.s32 v33, v56  }
0x3db: {  	[tilespmem:s24], [sflag:$0x1] =	stream.indirect_vreg.gather [hbm4b:s2+s3], $0x80, v38, vm0, $0xb8;
	[tilespmem:$0x1C200] =	vst v63  }
0x3dc: {  	s4 =	simm.s32 $0x8A00;
	v57 =	vperm.xlane v37, v35  }
0x3dd: {  	[tilespmem:s4], [sflag:$0x1] =	stream.indirect_vreg.gather [hbm4b:s5+s3], $0x80, v38, vm0, $0xb8;
	[tilespmem:$0x1C200] =	vst v63  }
0x3de: {  	s6 =	simm.s32 $0x9200;
	v58 =	vadd.s32 v33, v57  }
0x3df: {  	[tilespmem:s6], [sflag:$0x1] =	stream.indirect_vreg.gather [hbm4b:s2+s3], $0x80, v39, vm0, $0xb8;
	[tilespmem:$0x1C200] =	vst v63  }
0x3e0: {  	s7 =	simm.s32 $0x9A00;
	v37 =	vperm.xlane v37, v36  }
0x3e1: {  	[tilespmem:s7], [sflag:$0x1] =	stream.indirect_vreg.gather [hbm4b:s5+s3], $0x80, v39, vm0, $0xb8;
	[tilespmem:$0x1C200] =	vst v63  }
0x3e2: {  	s8 =	simm.s32 $0xA200;
	v37 =	vadd.s32 v33, v37  }
0x3e3: {  	[tilespmem:s8], [sflag:$0x1] =	stream.indirect_vreg.gather [hbm4b:s2+s3], $0x80, v58, vm0, $0xb8;
	[tilespmem:$0x1C200] =	vst v63  }
0x3e4: {  	s9 =	simm.s32 $0xAA00  }
0x3e5: {  	[tilespmem:s9], [sflag:$0x1] =	stream.indirect_vreg.gather [hbm4b:s5+s3], $0x80, v58, vm0, $0xb8;
	[tilespmem:$0x1C200] =	vst v63  }
0x3e6: {  	s11 =	simm.s32 $0xB200  }
0x3e7: {  	[tilespmem:s11], [sflag:$0x1] =	stream.indirect_vreg.gather [hbm4b:s2+s3], $0x80, v37, vm0, $0xb8;
	[tilespmem:$0x1C200] =	vst v63  }
0x3e8: {  	s28 =	simm.s32 $0xBA00  }
0x3e9: {  	[tilespmem:s28], [sflag:$0x1] =	stream.indirect_vreg.gather [hbm4b:s5+s3], $0x80, v37, vm0, $0xb8;
	[tilespmem:$0x1C200] =	vst v63  }
0x3ea: {  	_ =	swait.ge [sflag:s17], $0x4000  }
0x3eb: {  	[sflag:s17] =	ssyncset.done $0x0  }
0x3ec: {  	s10 =	simm.s32 $0x10200;
	s12 =	rddreg [dreg:$0x1d];
	[sflag:s17] =	ssyncadd.s32 $0xFFFFC000  }
0x3ed: {  	[hbm4b:s12+s3] =	stream.linear.scatter [tilespmem:s10], [sflag:$0x2], $0x4000, $0x38;
	[tilespmem:$0x1C200] =	vst v63  }
0x3ee: {  	_ =	swait.ge [sflag:s19], $0x4000  }
0x3ef: {  	[sflag:s19] =	ssyncset.done $0x0  }
0x3f0: {  	[sflag:s19] =	ssyncadd.s32 $0xFFFFC000  }
0x3f1: {  	v59 =	vld [tilespmem:$0x1F0];
	_ =	sdelay $0x4  }
0x3f2: {  	vm1 =	veq.s32 v59, $0x1  }
0x3f3: {  	v37 =	vsel vm1, $0x1, v31  }
0x3f4: {  	v60 =	vshll.u32 v37, $0x3  }
0x3f5: {  	v37 =	vand.u32 $0x7, v37;
	v38 =	vand.u32 $0xFFFFFFC0, v60  }
0x3f6: {  	v37 =	vor.u32 v37, v38  }
0x3f7: {  	v38 =	vperm.xlane v37, v32;
	_ =	sdelay $0x1  }
0x3f8: {  	v38 =	vadd.s32 v33, v38;
	_ =	sdelay $0x1  }
0x3f9: {  	v61 =	vperm.xlane v37, v34;
	_ =	sdelay $0x1  }
0x3fa: {  	v39 =	vadd.s32 v33, v61  }
0x3fb: {  	[tilespmem:s22], [sflag:$0x1] =	stream.indirect_vreg.gather [hbm4b:s2+s3], $0x80, v38, vm0, $0xb8;
	[tilespmem:$0x1C200] =	vst v63  }
0x3fc: {  	s13 =	simm.s32 $0xCA00;
	v62 =	vperm.xlane v37, v35  }
0x3fd: {  	[tilespmem:s13], [sflag:$0x1] =	stream.indirect_vreg.gather [hbm4b:s5+s3], $0x80, v38, vm0, $0xb8;
	[tilespmem:$0x1C200] =	vst v63  }
0x3fe: {  	s14 =	simm.s32 $0xD200;
	v63 =	vadd.s32 v33, v62  }
0x3ff: {  	[tilespmem:s14], [sflag:$0x1] =	stream.indirect_vreg.gather [hbm4b:s2+s3], $0x80, v39, vm0, $0xb8;
	[tilespmem:$0x1C200] =	vst v63  }
0x400: {  	s15 =	simm.s32 $0xDA00;
	v37 =	vperm.xlane v37, v36  }
0x401: {  	[tilespmem:s15], [sflag:$0x1] =	stream.indirect_vreg.gather [hbm4b:s5+s3], $0x80, v39, vm0, $0xb8;
	[tilespmem:$0x1C200] =	vst v63  }
0x402: {  	s16 =	simm.s32 $0xE200;
	v37 =	vadd.s32 v33, v37  }
0x403: {  	[tilespmem:s16], [sflag:$0x1] =	stream.indirect_vreg.gather [hbm4b:s2+s3], $0x80, v63, vm0, $0xb8;
	[tilespmem:$0x1C200] =	vst v63  }
0x404: {  	s18 =	simm.s32 $0xEA00  }
0x405: {  	[tilespmem:s18], [sflag:$0x1] =	stream.indirect_vreg.gather [hbm4b:s5+s3], $0x80, v63, vm0, $0xb8;
	[tilespmem:$0x1C200] =	vst v63  }
0x406: {  	s20 =	simm.s32 $0xF200  }
0x407: {  	[tilespmem:s20], [sflag:$0x1] =	stream.indirect_vreg.gather [hbm4b:s2+s3], $0x80, v37, vm0, $0xb8;
	[tilespmem:$0x1C200] =	vst v63  }
0x408: {  	s30 =	simm.s32 $0xFA00  }
0x409: {  	[tilespmem:s30], [sflag:$0x1] =	stream.indirect_vreg.gather [hbm4b:s5+s3], $0x80, v37, vm0, $0xb8;
	[tilespmem:$0x1C200] =	vst v63  }
0x40a: {  	_ =	swait.ge [sflag:s17], $0x4000  }
0x40b: {  	[sflag:s17] =	ssyncset.done $0x0  }
0x40c: {  	s21 =	rddreg [dreg:$0x1e];
	[sflag:s17] =	ssyncadd.s32 $0xFFFFC000  }
0x40d: {  	[hbm4b:s21+s3] =	stream.linear.scatter [tilespmem:s26], [sflag:$0x2], $0x4000, $0x38;
	[tilespmem:$0x1C200] =	vst v63  }
0x40e: {  	_ =	swait.ge [sflag:s17], $0x4000  }
0x40f: {  	[sflag:s17] =	ssyncset.done $0x0  }
0x410: {  	s26 =	rddreg [dreg:$0x1f];
	[sflag:s17] =	ssyncadd.s32 $0xFFFFC000  }
0x411: {  	[hbm4b:s26+s3] =	stream.linear.scatter [tilespmem:s31], [sflag:$0x2], $0x4000, $0x38;
	[tilespmem:$0x1C200] =	vst v63  }
0x412: {  	_ =	swait.ge [sflag:s17], $0x4000  }
0x413: {  	s28 =	sld [smem:$0x7F9]  }
0x414: {  	[sflag:s17] =	ssyncset.done $0x0  }
0x415: {  	[sflag:s17] =	ssyncadd.s32 $0xFFFFC000  }
0x416: {  	[hbm4b:s28+s3] =	stream.linear.scatter [tilespmem:s25], [sflag:$0x2], $0x4000, $0x38;
	[tilespmem:$0x1C200] =	vst v63  }
0x417: {  	_ =	swait.ge [sflag:s17], $0x4000  }
0x418: {  	s29 =	sld [smem:$0x7FA]  }
0x419: {  	[sflag:s17] =	ssyncset.done $0x0  }
0x41a: {  	[sflag:s17] =	ssyncadd.s32 $0xFFFFC000  }
0x41b: {  	[hbm4b:s29+s3] =	stream.linear.scatter [tilespmem:s23], [sflag:$0x2], $0x4000, $0x38;
	[tilespmem:$0x1C200] =	vst v63  }
0x41c: {  	_ =	swait.ge [sflag:s17], $0x4000  }
0x41d: {  	s30 =	sld [smem:$0x7FB]  }
0x41e: {  	[sflag:s17] =	ssyncset.done $0x0  }
0x41f: {  	[sflag:s17] =	ssyncadd.s32 $0xFFFFC000  }
0x420: {  	[hbm4b:s30+s3] =	stream.linear.scatter [tilespmem:s24], [sflag:$0x2], $0x4000, $0x38;
	[tilespmem:$0x1C200] =	vst v63  }
0x421: {  	_ =	swait.ge [sflag:s17], $0x4000  }
0x422: {  	s31 =	sld [smem:$0x7FD]  }
0x423: {  	[sflag:s17] =	ssyncset.done $0x0  }
0x424: {  	[sflag:s17] =	ssyncadd.s32 $0xFFFFC000  }
0x425: {  	[hbm4b:s31+s3] =	stream.linear.scatter [tilespmem:s22], [sflag:$0x2], $0x4000, $0x38;
	[tilespmem:$0x1C200] =	vst v63  }
0x426: {  	_ =	swait.ge [sflag:s19], $0x4000  }
0x427: {  	[sflag:s19] =	ssyncset.done $0x0  }
0x428: {  	[sflag:s19] =	ssyncadd.s32 $0xFFFFC000  }
0x429: {  	_ =	swait.ge [sflag:s19], $0x4000  }
0x42a: {  	[sflag:s19] =	ssyncset.done $0x0  }
0x42b: {  	[sflag:s19] =	ssyncadd.s32 $0xFFFFC000  }
0x42c: {  	_ =	swait.ge [sflag:s19], $0x4000  }
0x42d: {  	[sflag:s19] =	ssyncset.done $0x0  }
0x42e: {  	[sflag:s19] =	ssyncadd.s32 $0xFFFFC000  }
0x42f: {  	_ =	swait.ge [sflag:s19], $0x4000  }
0x430: {  	[sflag:s19] =	ssyncset.done $0x0  }
0x431: {  	[sflag:s19] =	ssyncadd.s32 $0xFFFFC000  }
0x432: {  	_ =	swait.ge [sflag:s19], $0x4000  }
0x433: {  	[sflag:s19] =	ssyncset.done $0x0  }
0x434: {  	[sflag:s19] =	ssyncadd.s32 $0xFFFFC000  }
0x435: {  	p0 =	sne.s32 s0, $0x1;
	_ =	swait.ge [sflag:s19], $0x4000  }
.Ltmp0:
0x436: {  	[sflag:s19] =	ssyncset.done $0x0;
	(pc) =	sbr.rel @p0 .LBB2_1-.Ltmp0, $4  }
0x437: {  	[sflag:s19] =	ssyncadd.s32 $0xFFFFC000  }
0x438: {  	_ =	swait.ge [sflag:s19], $0x4000  }
0x439: {  	[sflag:s19] =	ssyncset.done $0x0  }
0x43a: {  	s0 =	sadd.s32 $0xFFFFFFFF, s0;
	[sflag:s19] =	ssyncadd.s32 $0xFFFFC000  }
0x43b: {  	_ =	sfence.sel $0x180000  }
0x43c: {  	[bflag:$0x0] =	sbarrier.arrive $0xFFFF  }
0x43d: {  	_ =	strace $0x90000047  }
0x43e: {  	s0 =	stileid.u32;
	[bflag:$0x2] =	sbarrier.arrive $0xFFFF  }
0x43f: {  	p0 =	sne.s32 s0, $0x0;
	s0 =	rddreg [dreg:$0x3]  }
0x440: {  	s0 =	sadd.s32 @!p0 $0x100000, s0  }
0x441: {  	[sflag:s0] =	ssyncadd.tile.s32 @!p0 $0x1;
	_ =	shalt  }
.Lfunc_end2:
_tile_overlayer_lowered:
.L_overlay_start_2:
0x442: {  	(tag) =	ssettag $0x2  }
0x443: {  	s0 =	rddreg [dreg:$0x0];
	s2 =	stileid.u32  }
0x444: {  	s1 =	rddreg [dreg:$0x1];
	p0 =	sne.s32 s2, $0x0  }
0x445: {  	s3 =	rddreg [dreg:$0x2];
	[bflag:$0x3] =	sbarrier.arrive $0xFFFF;
	s2 =	simm.s32 @!p0 $0x1C03  }
0x446: {  	[timem:s3], [sflag:s2] =	dma.local @!p0 [hbm:s0], s1  }
0x447: {  	s0 =	simm.s32 @!p0 $0x3  }
0x448: {  	_ =	swait.ge @!p0 [sflag:s0], s1  }
0x449: {  	s1 =	ssub.s32 @!p0 $0x0, s1;
	[sflag:s0] =	ssyncset.done @!p0 $0x0  }
0x44a: {  	[sflag:s0] =	ssyncadd.s32 @!p0 s1  }
0x44b: {  	[bflag:$0x3] =	sbarrier.arrive $0xFFFF  }
0x44c: {  	_ =	shalt  }

</sc_bundles>
